<compile_context>
chip_gen: v7x
topology: tpu7x:2x2x1
jax: 0.10.2.dev20260603
libtpu: 0.0.44.dev20260713+nightly
codegen_flags: <defaults>
</compile_context>

<pallas_src>
import functools

import numpy as np
import jax
import jax.numpy as jnp
from jax import lax
from jax.experimental import pallas as pl
from jax.experimental.pallas import tpu as pltpu
from jax.experimental.pallas import tpu_sc as plsc

_D = 128
_CHUNK = 128
_NC = 2
_NS = 16
_NW = _NC * _NS

_f32 = jnp.float32
_i32 = jnp.int32


def _rsqrt_newton(dg):
    dg = jnp.maximum(dg, 1.0)
    bits = lax.bitcast_convert_type(dg, _i32)
    y = lax.bitcast_convert_type(jnp.int32(0x5F3759DF) - (bits >> 1), _f32)
    for _ in range(4):
        y = y * (1.5 - 0.5 * dg * y * y)
    return y


def _bcast16(ref, i):
    return plsc.load_gather(ref, [jnp.full((16,), i, _i32)])


def _make_prep(npad, gch):
    rw = npad // _NW
    rt = npad // _NS
    mesh = plsc.VectorSubcoreMesh(core_axis_name="c", subcore_axis_name="s")

    @functools.partial(
        pl.kernel,
        out_type=(
            jax.ShapeDtypeStruct((npad,), _f32),
            jax.ShapeDtypeStruct((npad, _D), _f32),
        ),
        mesh=mesh,
        compiler_params=pltpu.CompilerParams(needs_layout_passes=False),
        scratch_types=[
            pltpu.VMEM_SHARED((npad,), _f32),
            pltpu.VMEM((2, 2, gch, _CHUNK), _i32),
            pltpu.VMEM((_CHUNK,), _f32),
            pltpu.VMEM((rt,), _f32),
            pltpu.VMEM((rw,), _f32),
            pltpu.VMEM((rw, _D), _f32),
            pltpu.SemaphoreType.DMA,
            pltpu.SemaphoreType.DMA,
        ],
    )
    def prep(col4_hbm, x_hbm, dinv_hbm, y0_hbm,
             deg_sh, cidx, onesv, zb, degb, xb, dsem, xsem):
        c = lax.axis_index("c")
        s = lax.axis_index("s")
        wid = s * _NC + c

        def fill(i, _):
            zb[pl.ds(i * 16, 16)] = jnp.zeros((16,), _f32)
            return 0
        lax.fori_loop(0, rt // 16, fill, 0)

        def fill1(i, _):
            onesv[pl.ds(i * 16, 16)] = jnp.ones((16,), _f32)
            return 0
        lax.fori_loop(0, _CHUNK // 16, fill1, 0)

        pltpu.sync_copy(zb, deg_sh.at[pl.ds(s * rt, rt)])
        pltpu.sync_copy(col4_hbm.at[2 * s], cidx.at[0])
        pltpu.sync_copy(col4_hbm.at[2 * s + 1], cidx.at[1])
        plsc.subcore_barrier()

        r0 = wid * rw
        pltpu.async_copy(x_hbm.at[pl.ds(r0, rw)], xb, xsem)

        for w2 in range(2):
            for g2 in range(2):
                def fdeg(i, _):
                    pltpu.async_copy(onesv, deg_sh.at[cidx.at[w2, g2, i]],
                                     dsem, add=True)
                    return 0
                lax.fori_loop(0, gch, fdeg, 0)
        pltpu.make_async_copy(col4_hbm.at[0], cidx.at[0], dsem).wait()
        pltpu.make_async_copy(col4_hbm.at[0], cidx.at[1], dsem).wait()
        plsc.subcore_barrier()

        pltpu.sync_copy(deg_sh.at[pl.ds(r0, rw)], degb)

        def fnewton(j, _):
            degb[pl.ds(j * 16, 16)] = _rsqrt_newton(degb[pl.ds(j * 16, 16)])
            return 0
        lax.fori_loop(0, rw // 16, fnewton, 0)
        pltpu.sync_copy(degb, dinv_hbm.at[pl.ds(r0, rw)])

        pltpu.make_async_copy(x_hbm.at[pl.ds(r0, rw)], xb, xsem).wait()

        def frow(r, _):
            d16 = _bcast16(degb, r)
            for j in range(_D // 16):
                xb[r, pl.ds(j * 16, 16)] = xb[r, pl.ds(j * 16, 16)] * d16
            return 0
        lax.fori_loop(0, rw, frow, 0)
        pltpu.sync_copy(xb, y0_hbm.at[pl.ds(r0, rw)])

    return prep


def _make_hop(npad, nch):
    rt = npad // _NS
    ngrp = 2
    gch = nch // ngrp
    assert gch % 2 == 1 and gch * ngrp == nch
    npair = (gch - 1) // 2
    mesh = plsc.VectorSubcoreMesh(core_axis_name="c", subcore_axis_name="s")

    @functools.partial(
        pl.kernel,
        out_type=jax.ShapeDtypeStruct((2 * npad, _D), _f32),
        mesh=mesh,
        compiler_params=pltpu.CompilerParams(needs_layout_passes=False),
        scratch_types=[
            pltpu.VMEM_SHARED((npad, _D), _f32),
            pltpu.VMEM((gch, _CHUNK), _i32),
            pltpu.VMEM((gch, _CHUNK), _i32),
            pltpu.VMEM((_CHUNK, _D), _f32),
            pltpu.VMEM((_CHUNK, _D), _f32),
            pltpu.SemaphoreType.DMA,
            pltpu.SemaphoreType.DMA,
        ],
    )
    def hop(row4_hbm, col4_hbm, y_hbm, out_hbm,
            acc_sh, ridx, cidx, rows0, rows1, sem0, sem1):
        c = lax.axis_index("c")
        s = lax.axis_index("s")
        wid = s * _NC + c

        def fz(i, _):
            for j in range(_D // 16):
                rows0[i, pl.ds(j * 16, 16)] = jnp.zeros((16,), _f32)
            return 0
        lax.fori_loop(0, _CHUNK, fz, 0)

        def fza(i, _):
            pltpu.sync_copy(rows0, acc_sh.at[pl.ds(s * rt + i * _CHUNK, _CHUNK)])
            return 0
        lax.fori_loop(0, rt // _CHUNK, fza, 0)
        plsc.subcore_barrier()

        bufs = (rows0, rows1)
        sems = (sem0, sem1)

        def gstart(i, b):
            pltpu.async_copy(y_hbm.at[cidx.at[i]], bufs[b], sems[b])

        def gwait(b):
            pltpu.make_async_copy(y_hbm.at[pl.ds(0, _CHUNK)], bufs[b], sems[b]).wait()

        def scat(i, b):
            pltpu.sync_copy(bufs[b], acc_sh.at[ridx.at[i]], add=True)

        for g in range(ngrp):
            pltpu.sync_copy(row4_hbm.at[wid, g], ridx)
            pltpu.sync_copy(col4_hbm.at[wid, g], cidx)
            gstart(0, 0)

            unroll = 2 if npair % 2 == 0 else 1

            def fpair(q, _):
                for u in range(unroll):
                    p = q * unroll + u
                    gstart(2 * p + 1, 1)
                    gwait(0)
                    scat(2 * p, 0)
                    gstart(2 * p + 2, 0)
                    gwait(1)
                    scat(2 * p + 1, 1)
                return 0
            lax.fori_loop(0, npair // unroll, fpair, 0)
            gwait(0)
            scat(gch - 1, 0)
        plsc.subcore_barrier()

        pltpu.sync_copy(acc_sh.at[pl.ds(s * rt, rt)],
                        out_hbm.at[pl.ds(c * npad + s * rt, rt)])

    return hop


def _make_combine_tc(npad, blk):
    def body(a_ref, b_ref, d_ref, h_ref, y_ref):
        dv = d_ref[...]
        h = (a_ref[0] + b_ref[0]) * dv
        h_ref[...] = h
        y_ref[...] = h * dv

    call = pl.pallas_call(
        body,
        grid=(npad // blk,),
        in_specs=[
            pl.BlockSpec((1, blk, _D), lambda i: (0, i, 0)),
            pl.BlockSpec((1, blk, _D), lambda i: (1, i, 0)),
            pl.BlockSpec((blk, 1), lambda i: (i, 0)),
        ],
        out_specs=[
            pl.BlockSpec((blk, _D), lambda i: (i, 0)),
            pl.BlockSpec((blk, _D), lambda i: (i, 0)),
        ],
        out_shape=[jax.ShapeDtypeStruct((npad, _D), _f32)] * 2,
    )
    return lambda acc3, d2: call(acc3, acc3, d2)


def _make_final_tc(n, blk):
    def body(x_ref, h_ref, a_ref, b_ref, d_ref, w_ref, o_ref):
        wrow = w_ref[...]
        e = jnp.exp(wrow - jnp.max(wrow))
        wv = e / jnp.sum(e)
        sub = lax.broadcasted_iota(_i32, (8, 128), 0)
        lane = lax.broadcasted_iota(_i32, (8, 128), 1)
        zz = jnp.zeros((8, 128), _f32)
        w0 = jnp.sum(jnp.where((sub == 0) & (lane == 0), wv, zz))
        w1 = jnp.sum(jnp.where((sub == 0) & (lane == 1), wv, zz))
        w2 = jnp.sum(jnp.where((sub == 0) & (lane == 2), wv, zz))
        o_ref[...] = (w0 * x_ref[...] + w1 * h_ref[...]
                      + w2 * (a_ref[0] + b_ref[0]) * d_ref[...])

    call = pl.pallas_call(
        body,
        grid=(n // blk,),
        in_specs=[
            pl.BlockSpec((blk, _D), lambda i: (i, 0)),
            pl.BlockSpec((blk, _D), lambda i: (i, 0)),
            pl.BlockSpec((1, blk, _D), lambda i: (0, i, 0)),
            pl.BlockSpec((1, blk, _D), lambda i: (1, i, 0)),
            pl.BlockSpec((blk, 1), lambda i: (i, 0)),
            pl.BlockSpec((8, 128), lambda i: (0, 0)),
        ],
        out_specs=pl.BlockSpec((blk, _D), lambda i: (i, 0)),
        out_shape=jax.ShapeDtypeStruct((n, _D), _f32),
    )
    return lambda x, h, acc3, d2, hw: call(x, h, acc3, acc3, d2, hw)


def kernel(x_complex, edge_index, hop_weights):
    n, d = x_complex.shape
    assert d == _D
    ne = edge_index.shape[1]
    ei = edge_index.astype(_i32)

    etot = ne + n
    grain = _NW * _CHUNK * 2
    epad = -(-etot // grain) * grain
    if (epad // grain) % 2 == 0:
        epad += grain
    npad = -(-(n + 129) // 256) * 256
    spare = npad - (n + 1)
    tail = jnp.asarray(np.concatenate([
        np.arange(n, dtype=np.int32),
        n + 1 + (np.arange(epad - etot, dtype=np.int32) % spare)]))
    row = jnp.concatenate([ei[0], tail])
    col = jnp.concatenate([ei[1], tail])
    nch = epad // _CHUNK // _NW
    row4 = row.reshape(_NW, 2, nch // 2, _CHUNK)
    col4 = col.reshape(_NW, 2, nch // 2, _CHUNK)

    x_pad = jnp.zeros((npad, d), _f32).at[:n].set(x_complex)
    nw = hop_weights.shape[0]
    hwp = jnp.full((8, 128), -1e30, _f32).at[0, :nw].set(hop_weights.astype(_f32))

    prep = _make_prep(npad, nch // 2)
    hop = _make_hop(npad, nch)
    combine = _make_combine_tc(npad, 1280)
    final = _make_final_tc(n, 2000 if n % 2000 == 0 else n)

    dinv, y0 = prep(col4, x_pad)
    acc1 = hop(row4, col4, y0)
    dinv2 = dinv.reshape(npad, 1)
    h1, y1 = combine(acc1.reshape(2, npad, d), dinv2)
    acc2 = hop(row4, col4, y1)
    return final(x_complex, h1, acc2.reshape(2, npad, d), dinv2, hwp)

# --- scband reference (transcript-rebuilt; emitter-appended) ---
"""Pipeline reference for scband-efficient-multi-hop-53807350284457 (READ-ONLY COPY).

The authoritative reference and input builder live on the scoring server;
editing this copy changes nothing except your own understanding.
"""

import jax, jax.numpy as jnp
import numpy as np

MAX_HOPS = 2
N_NODES = 10000
N_EDGES = 320000
D_FEAT = 128


def setup_inputs(seed: int = 0) -> dict:
    key = jax.random.key(seed)
    k1, k2 = jax.random.split(key)
    x_complex = jax.random.normal(k1, (N_NODES, D_FEAT), dtype=jnp.float32)
    edge_index = jax.random.randint(k2, (2, N_EDGES), 0, N_NODES, dtype=jnp.int64)
    hop_weights = jnp.ones((MAX_HOPS + 1,), dtype=jnp.float32)
    return {"x_complex": x_complex, "edge_index": edge_index, "hop_weights": hop_weights}


def reference(x_complex, edge_index, hop_weights):
    num_nodes = x_complex.shape[0]
    # add_self_loops
    loops = jnp.arange(num_nodes, dtype=edge_index.dtype)
    ei = jnp.concatenate([edge_index, jnp.stack([loops, loops], axis=0)], axis=1)
    row = ei[0]
    col = ei[1]
    # degree(col, num_nodes)
    deg = jnp.bincount(col, length=num_nodes).astype(jnp.float32)
    deg_inv_sqrt = jnp.where(deg > 0, 1.0 / jnp.sqrt(jnp.maximum(deg, 1.0)), 0.0)
    norm_weights = deg_inv_sqrt[row] * deg_inv_sqrt[col]
    hop_results = [x_complex]
    current_x = x_complex
    for _ in range(1, MAX_HOPS + 1):
        messages = current_x[col] * norm_weights[:, None]
        next_x = jnp.zeros_like(x_complex).at[row].add(messages)
        current_x = next_x
        hop_results.append(current_x)
    hop_weights_norm = jax.nn.softmax(hop_weights, axis=0)
    result = jnp.zeros_like(x_complex)
    for hop, hop_result in enumerate(hop_results):
        result = result + hop_weights_norm[hop] * hop_result
    return result

if __name__ == "__main__":
    import jax
    _d = setup_inputs()
    print(jax.jit(kernel)(*tuple(_d.values())))

</pallas_src>

<mosaic_0001>
#map = affine_map<(d0, d1) -> (0, 0, 0, 0)>
#map1 = affine_map<(d0, d1) -> (0, 0)>
module attributes {stable_mosaic.version = 14 : i64} {
  func.func @hop(%arg0: i32, %arg1: i32, %arg2: memref<32x2x41x128xi32, #tpu.memory_space<hbm>>, %arg3: memref<32x2x41x128xi32, #tpu.memory_space<hbm>>, %arg4: memref<10240x128xf32, #tpu.memory_space<hbm>>, %arg5: memref<20480x128xf32, #tpu.memory_space<hbm>>, %arg6: memref<10240x128xf32, #tpu.memory_space<vmem_shared>>, %arg7: memref<41x128xi32, #tpu.memory_space<vmem>>, %arg8: memref<41x128xi32, #tpu.memory_space<vmem>>, %arg9: memref<128x128xf32, #tpu.memory_space<vmem>>, %arg10: memref<128x128xf32, #tpu.memory_space<vmem>>, %arg11: memref<!tpu.dma_semaphore, #tpu.memory_space<semaphore_mem>>, %arg12: memref<!tpu.dma_semaphore, #tpu.memory_space<semaphore_mem>>) attributes {dimension_semantics = [#tpu.dimension_semantics<core_parallel>, #tpu.dimension_semantics<subcore_parallel>], iteration_bounds = array<i64: 2, 16>, scalar_prefetch = 0 : i64, scratch_operands = 7 : i64, tpu.core_type = #tpu.core_type<sc_vector_subcore>, window_params = [{transform_indices = #map}, {transform_indices = #map}, {transform_indices = #map1}, {transform_indices = #map1}]} {
    %mul3A = arith.constant 2 : i32
    %mul3A_0 = arith.muli %arg1, %mul3A : i32
    %add3A = arith.addi %mul3A_0, %arg0 : i32
    %scan3A = arith.constant 0 : i32
    %scan3A_1 = arith.constant 0 : i32
    %scan3A_2 = arith.constant 128 : i32
    %scan3A_3 = arith.addi %scan3A_1, %scan3A_2 : i32
    %scan3A_4 = arith.constant 1 : i32
    %scan3A_5 = scf.for %scan3A_65 = %scan3A_1 to %scan3A_3 step %scan3A_4 iter_args(%scan3A_66 = %scan3A) -> (i32)  : i32 {
      %broadcast_in_dim3A = arith.constant 0.000000e+00 : f32
      %broadcast_in_dim3A_67 = vector.broadcast %broadcast_in_dim3A : f32 to vector<16xf32>
      %swap3A = arith.index_cast %scan3A_65 : i32 to index
      %swap3A_68 = arith.constant 0 : index
      %swap3A_69 = tpu.vector_load %arg9[%swap3A, %swap3A_68] {strides = array<i32>} : memref<128x128xf32, #tpu.memory_space<vmem>>, vector<16xf32>,
      tpu.vector_store %arg9[%swap3A, %swap3A_68], %broadcast_in_dim3A_67 {strides = array<i32>} : memref<128x128xf32, #tpu.memory_space<vmem>>, vector<16xf32>,
      %broadcast_in_dim3A_70 = arith.constant 0.000000e+00 : f32
      %broadcast_in_dim3A_71 = vector.broadcast %broadcast_in_dim3A_70 : f32 to vector<16xf32>
      %swap3A_72 = arith.index_cast %scan3A_65 : i32 to index
      %swap3A_73 = arith.constant 16 : index
      %swap3A_74 = tpu.vector_load %arg9[%swap3A_72, %swap3A_73] {strides = array<i32>} : memref<128x128xf32, #tpu.memory_space<vmem>>, vector<16xf32>,
      tpu.vector_store %arg9[%swap3A_72, %swap3A_73], %broadcast_in_dim3A_71 {strides = array<i32>} : memref<128x128xf32, #tpu.memory_space<vmem>>, vector<16xf32>,
      %broadcast_in_dim3A_75 = arith.constant 0.000000e+00 : f32
      %broadcast_in_dim3A_76 = vector.broadcast %broadcast_in_dim3A_75 : f32 to vector<16xf32>
      %swap3A_77 = arith.index_cast %scan3A_65 : i32 to index
      %swap3A_78 = arith.constant 32 : index
      %swap3A_79 = tpu.vector_load %arg9[%swap3A_77, %swap3A_78] {strides = array<i32>} : memref<128x128xf32, #tpu.memory_space<vmem>>, vector<16xf32>,
      tpu.vector_store %arg9[%swap3A_77, %swap3A_78], %broadcast_in_dim3A_76 {strides = array<i32>} : memref<128x128xf32, #tpu.memory_space<vmem>>, vector<16xf32>,
      %broadcast_in_dim3A_80 = arith.constant 0.000000e+00 : f32
      %broadcast_in_dim3A_81 = vector.broadcast %broadcast_in_dim3A_80 : f32 to vector<16xf32>
      %swap3A_82 = arith.index_cast %scan3A_65 : i32 to index
      %swap3A_83 = arith.constant 48 : index
      %swap3A_84 = tpu.vector_load %arg9[%swap3A_82, %swap3A_83] {strides = array<i32>} : memref<128x128xf32, #tpu.memory_space<vmem>>, vector<16xf32>,
      tpu.vector_store %arg9[%swap3A_82, %swap3A_83], %broadcast_in_dim3A_81 {strides = array<i32>} : memref<128x128xf32, #tpu.memory_space<vmem>>, vector<16xf32>,
      %broadcast_in_dim3A_85 = arith.constant 0.000000e+00 : f32
      %broadcast_in_dim3A_86 = vector.broadcast %broadcast_in_dim3A_85 : f32 to vector<16xf32>
      %swap3A_87 = arith.index_cast %scan3A_65 : i32 to index
      %swap3A_88 = arith.constant 64 : index
      %swap3A_89 = tpu.vector_load %arg9[%swap3A_87, %swap3A_88] {strides = array<i32>} : memref<128x128xf32, #tpu.memory_space<vmem>>, vector<16xf32>,
      tpu.vector_store %arg9[%swap3A_87, %swap3A_88], %broadcast_in_dim3A_86 {strides = array<i32>} : memref<128x128xf32, #tpu.memory_space<vmem>>, vector<16xf32>,
      %broadcast_in_dim3A_90 = arith.constant 0.000000e+00 : f32
      %broadcast_in_dim3A_91 = vector.broadcast %broadcast_in_dim3A_90 : f32 to vector<16xf32>
      %swap3A_92 = arith.index_cast %scan3A_65 : i32 to index
      %swap3A_93 = arith.constant 80 : index
      %swap3A_94 = tpu.vector_load %arg9[%swap3A_92, %swap3A_93] {strides = array<i32>} : memref<128x128xf32, #tpu.memory_space<vmem>>, vector<16xf32>,
      tpu.vector_store %arg9[%swap3A_92, %swap3A_93], %broadcast_in_dim3A_91 {strides = array<i32>} : memref<128x128xf32, #tpu.memory_space<vmem>>, vector<16xf32>,
      %broadcast_in_dim3A_95 = arith.constant 0.000000e+00 : f32
      %broadcast_in_dim3A_96 = vector.broadcast %broadcast_in_dim3A_95 : f32 to vector<16xf32>
      %swap3A_97 = arith.index_cast %scan3A_65 : i32 to index
      %swap3A_98 = arith.constant 96 : index
      %swap3A_99 = tpu.vector_load %arg9[%swap3A_97, %swap3A_98] {strides = array<i32>} : memref<128x128xf32, #tpu.memory_space<vmem>>, vector<16xf32>,
      tpu.vector_store %arg9[%swap3A_97, %swap3A_98], %broadcast_in_dim3A_96 {strides = array<i32>} : memref<128x128xf32, #tpu.memory_space<vmem>>, vector<16xf32>,
      %broadcast_in_dim3A_100 = arith.constant 0.000000e+00 : f32
      %broadcast_in_dim3A_101 = vector.broadcast %broadcast_in_dim3A_100 : f32 to vector<16xf32>
      %swap3A_102 = arith.index_cast %scan3A_65 : i32 to index
      %swap3A_103 = arith.constant 112 : index
      %swap3A_104 = tpu.vector_load %arg9[%swap3A_102, %swap3A_103] {strides = array<i32>} : memref<128x128xf32, #tpu.memory_space<vmem>>, vector<16xf32>,
      tpu.vector_store %arg9[%swap3A_102, %swap3A_103], %broadcast_in_dim3A_101 {strides = array<i32>} : memref<128x128xf32, #tpu.memory_space<vmem>>, vector<16xf32>,
      %scan3A_105 = arith.constant 0 : i32
      scf.yield %scan3A_105 : i32
    }
    %scan3A_6 = arith.constant 128 : i32
    %scan3A_7 = arith.constant 0 : i32
    %scan3A_8 = arith.constant 0 : i32
    %scan3A_9 = arith.constant 5 : i32
    %scan3A_10 = arith.addi %scan3A_8, %scan3A_9 : i32
    %scan3A_11 = arith.constant 1 : i32
    %scan3A_12 = scf.for %scan3A_65 = %scan3A_8 to %scan3A_10 step %scan3A_11 iter_args(%scan3A_66 = %scan3A_7) -> (i32)  : i32 {
      %mul3A_67 = arith.constant 640 : i32
      %mul3A_68 = arith.muli %arg1, %mul3A_67 : i32
      %mul3A_69 = arith.constant 128 : i32
      %mul3A_70 = arith.muli %scan3A_65, %mul3A_69 : i32
      %add3A_71 = arith.addi %mul3A_68, %mul3A_70 : i32
      "tpu.region"() ({
        %run_scoped3A_73 = tpu.sem_alloc : memref<!tpu.dma_semaphore, #tpu.memory_space<semaphore_mem>>
        %dma_start3A_74 = arith.constant 0 : i32
        %dma_start3A_75 = tpu.memref_slice %arg6[%add3A_71, %dma_start3A_74] : memref<10240x128xf32, #tpu.memory_space<vmem_shared>> -> memref<128x128xf32, #tpu.memory_space<vmem_shared>>
        %dma_start3A_76 = arith.constant 0 : i32
        %dma_start3A_77 = tpu.memref_slice %arg6[%add3A_71, %dma_start3A_76] : memref<10240x128xf32, #tpu.memory_space<vmem_shared>> -> memref<128x128xf32, #tpu.memory_space<vmem_shared>>
        tpu.enqueue_dma source(%arg9 : memref<128x128xf32, #tpu.memory_space<vmem>>) target(%dma_start3A_77 : memref<128x128xf32, #tpu.memory_space<vmem_shared>>) target_semaphore(%run_scoped3A_73 : memref<!tpu.dma_semaphore, #tpu.memory_space<semaphore_mem>>)
        %dma_wait3A_78 = arith.constant 0 : i32
        %dma_wait3A_79 = tpu.memref_slice %arg6[%add3A_71, %dma_wait3A_78] : memref<10240x128xf32, #tpu.memory_space<vmem_shared>> -> memref<128x128xf32, #tpu.memory_space<vmem_shared>>
        %dma_wait3A_80 = arith.constant 0 : i32
        %dma_wait3A_81 = tpu.memref_slice %arg6[%add3A_71, %dma_wait3A_80] : memref<10240x128xf32, #tpu.memory_space<vmem_shared>> -> memref<128x128xf32, #tpu.memory_space<vmem_shared>>
        tpu.wait_dma2 semaphore(%run_scoped3A_73 : memref<!tpu.dma_semaphore, #tpu.memory_space<semaphore_mem>>) src(%arg9 : memref<128x128xf32, #tpu.memory_space<vmem>>) dst(%dma_wait3A_81 : memref<128x128xf32, #tpu.memory_space<vmem_shared>>)
        tpu.yield
      }) : () -> ()
      %scan3A_72 = arith.constant 0 : i32
      scf.yield %scan3A_72 : i32
    }
    %scan3A_13 = arith.constant 5 : i32
    %barrier3A = arith.constant 0 : index
    tpu.barrier barrier_id(%barrier3A)
    %run_scoped3A = arith.constant 0 : i32
    "tpu.region"() ({
      %run_scoped3A_65 = tpu.sem_alloc : memref<!tpu.dma_semaphore, #tpu.memory_space<semaphore_mem>>
      %dma_start3A_66 = arith.constant 0 : i32
      %dma_start3A_67 = arith.constant 0 : i32
      %dma_start3A_68 = tpu.memref_slice %arg2[%add3A, %run_scoped3A, %dma_start3A_66, %dma_start3A_67] : memref<32x2x41x128xi32, #tpu.memory_space<hbm>> -> memref<1x1x41x128xi32, #tpu.memory_space<hbm>>
      %dma_start3A_69 = tpu.memref_squeeze %dma_start3A_68 : memref<1x1x41x128xi32, #tpu.memory_space<hbm>> -> memref<41x128xi32, #tpu.memory_space<hbm>>
      %dma_start3A_70 = arith.constant 0 : i32
      %dma_start3A_71 = arith.constant 0 : i32
      %dma_start3A_72 = tpu.memref_slice %arg2[%add3A, %run_scoped3A, %dma_start3A_70, %dma_start3A_71] : memref<32x2x41x128xi32, #tpu.memory_space<hbm>> -> memref<1x1x41x128xi32, #tpu.memory_space<hbm>>
      %dma_start3A_73 = tpu.memref_squeeze %dma_start3A_72 : memref<1x1x41x128xi32, #tpu.memory_space<hbm>> -> memref<41x128xi32, #tpu.memory_space<hbm>>
      tpu.enqueue_dma source(%dma_start3A_73 : memref<41x128xi32, #tpu.memory_space<hbm>>) target(%arg7 : memref<41x128xi32, #tpu.memory_space<vmem>>) target_semaphore(%run_scoped3A_65 : memref<!tpu.dma_semaphore, #tpu.memory_space<semaphore_mem>>)
      %dma_wait3A_74 = arith.constant 0 : i32
      %dma_wait3A_75 = arith.constant 0 : i32
      %dma_wait3A_76 = tpu.memref_slice %arg2[%add3A, %run_scoped3A, %dma_wait3A_74, %dma_wait3A_75] : memref<32x2x41x128xi32, #tpu.memory_space<hbm>> -> memref<1x1x41x128xi32, #tpu.memory_space<hbm>>
      %dma_wait3A_77 = tpu.memref_squeeze %dma_wait3A_76 : memref<1x1x41x128xi32, #tpu.memory_space<hbm>> -> memref<41x128xi32, #tpu.memory_space<hbm>>
      %dma_wait3A_78 = arith.constant 0 : i32
      %dma_wait3A_79 = arith.constant 0 : i32
      %dma_wait3A_80 = tpu.memref_slice %arg2[%add3A, %run_scoped3A, %dma_wait3A_78, %dma_wait3A_79] : memref<32x2x41x128xi32, #tpu.memory_space<hbm>> -> memref<1x1x41x128xi32, #tpu.memory_space<hbm>>
      %dma_wait3A_81 = tpu.memref_squeeze %dma_wait3A_80 : memref<1x1x41x128xi32, #tpu.memory_space<hbm>> -> memref<41x128xi32, #tpu.memory_space<hbm>>
      tpu.wait_dma2 semaphore(%run_scoped3A_65 : memref<!tpu.dma_semaphore, #tpu.memory_space<semaphore_mem>>) src(%dma_wait3A_81 : memref<41x128xi32, #tpu.memory_space<hbm>>) dst(%arg7 : memref<41x128xi32, #tpu.memory_space<vmem>>)
      tpu.yield
    }) : () -> ()
    %run_scoped3A_14 = arith.constant 0 : i32
    "tpu.region"() ({
      %run_scoped3A_65 = tpu.sem_alloc : memref<!tpu.dma_semaphore, #tpu.memory_space<semaphore_mem>>
      %dma_start3A_66 = arith.constant 0 : i32
      %dma_start3A_67 = arith.constant 0 : i32
      %dma_start3A_68 = tpu.memref_slice %arg3[%add3A, %run_scoped3A_14, %dma_start3A_66, %dma_start3A_67] : memref<32x2x41x128xi32, #tpu.memory_space<hbm>> -> memref<1x1x41x128xi32, #tpu.memory_space<hbm>>
      %dma_start3A_69 = tpu.memref_squeeze %dma_start3A_68 : memref<1x1x41x128xi32, #tpu.memory_space<hbm>> -> memref<41x128xi32, #tpu.memory_space<hbm>>
      %dma_start3A_70 = arith.constant 0 : i32
      %dma_start3A_71 = arith.constant 0 : i32
      %dma_start3A_72 = tpu.memref_slice %arg3[%add3A, %run_scoped3A_14, %dma_start3A_70, %dma_start3A_71] : memref<32x2x41x128xi32, #tpu.memory_space<hbm>> -> memref<1x1x41x128xi32, #tpu.memory_space<hbm>>
      %dma_start3A_73 = tpu.memref_squeeze %dma_start3A_72 : memref<1x1x41x128xi32, #tpu.memory_space<hbm>> -> memref<41x128xi32, #tpu.memory_space<hbm>>
      tpu.enqueue_dma source(%dma_start3A_73 : memref<41x128xi32, #tpu.memory_space<hbm>>) target(%arg8 : memref<41x128xi32, #tpu.memory_space<vmem>>) target_semaphore(%run_scoped3A_65 : memref<!tpu.dma_semaphore, #tpu.memory_space<semaphore_mem>>)
      %dma_wait3A_74 = arith.constant 0 : i32
      %dma_wait3A_75 = arith.constant 0 : i32
      %dma_wait3A_76 = tpu.memref_slice %arg3[%add3A, %run_scoped3A_14, %dma_wait3A_74, %dma_wait3A_75] : memref<32x2x41x128xi32, #tpu.memory_space<hbm>> -> memref<1x1x41x128xi32, #tpu.memory_space<hbm>>
      %dma_wait3A_77 = tpu.memref_squeeze %dma_wait3A_76 : memref<1x1x41x128xi32, #tpu.memory_space<hbm>> -> memref<41x128xi32, #tpu.memory_space<hbm>>
      %dma_wait3A_78 = arith.constant 0 : i32
      %dma_wait3A_79 = arith.constant 0 : i32
      %dma_wait3A_80 = tpu.memref_slice %arg3[%add3A, %run_scoped3A_14, %dma_wait3A_78, %dma_wait3A_79] : memref<32x2x41x128xi32, #tpu.memory_space<hbm>> -> memref<1x1x41x128xi32, #tpu.memory_space<hbm>>
      %dma_wait3A_81 = tpu.memref_squeeze %dma_wait3A_80 : memref<1x1x41x128xi32, #tpu.memory_space<hbm>> -> memref<41x128xi32, #tpu.memory_space<hbm>>
      tpu.wait_dma2 semaphore(%run_scoped3A_65 : memref<!tpu.dma_semaphore, #tpu.memory_space<semaphore_mem>>) src(%dma_wait3A_81 : memref<41x128xi32, #tpu.memory_space<hbm>>) dst(%arg8 : memref<41x128xi32, #tpu.memory_space<vmem>>)
      tpu.yield
    }) : () -> ()
    %dma_start3A = arith.constant 0 : i32
    %dma_start3A_15 = arith.constant 0 : i32
    %dma_start3A_16 = tpu.memref_slice %arg8[%dma_start3A, %dma_start3A_15] : memref<41x128xi32, #tpu.memory_space<vmem>> -> memref<1x128xi32, #tpu.memory_space<vmem>>
    %dma_start3A_17 = tpu.memref_squeeze %dma_start3A_16 : memref<1x128xi32, #tpu.memory_space<vmem>> -> memref<128xi32, #tpu.memory_space<vmem>>
    %dma_start3A_18 = arith.constant 0 : i32
    %dma_start3A_19 = arith.constant 0 : i32
    %dma_start3A_20 = tpu.memref_slice %arg4[%dma_start3A_18, %dma_start3A_19] : memref<10240x128xf32, #tpu.memory_space<hbm>> -> memref<10240x128xf32, #tpu.memory_space<hbm>>
    tpu.enqueue_indirect_dma source(%dma_start3A_20 : memref<10240x128xf32, #tpu.memory_space<hbm>>) target(%arg9 : memref<128x128xf32, #tpu.memory_space<vmem>>) offsets(%dma_start3A_17 : memref<128xi32, #tpu.memory_space<vmem>>) semaphore(%arg11 : memref<!tpu.dma_semaphore, #tpu.memory_space<semaphore_mem>>)
    %scan3A_21 = arith.constant 0 : i32
    %scan3A_22 = arith.constant 0 : i32
    %scan3A_23 = arith.constant 10 : i32
    %scan3A_24 = arith.addi %scan3A_22, %scan3A_23 : i32
    %scan3A_25 = arith.constant 1 : i32
    %scan3A_26 = scf.for %scan3A_65 = %scan3A_22 to %scan3A_24 step %scan3A_25 iter_args(%scan3A_66 = %scan3A_21) -> (i32)  : i32 {
      %mul3A_67 = arith.constant 2 : i32
      %mul3A_68 = arith.muli %scan3A_65, %mul3A_67 : i32
      %add3A_69 = arith.constant 0 : i32
      %add3A_70 = arith.addi %mul3A_68, %add3A_69 : i32
      %mul3A_71 = arith.constant 2 : i32
      %mul3A_72 = arith.muli %mul3A_71, %add3A_70 : i32
      %add3A_73 = arith.constant 1 : i32
      %add3A_74 = arith.addi %mul3A_72, %add3A_73 : i32
      %dma_start3A_75 = arith.constant 0 : i32
      %dma_start3A_76 = tpu.memref_slice %arg8[%add3A_74, %dma_start3A_75] : memref<41x128xi32, #tpu.memory_space<vmem>> -> memref<1x128xi32, #tpu.memory_space<vmem>>
      %dma_start3A_77 = tpu.memref_squeeze %dma_start3A_76 : memref<1x128xi32, #tpu.memory_space<vmem>> -> memref<128xi32, #tpu.memory_space<vmem>>
      %dma_start3A_78 = arith.constant 0 : i32
      %dma_start3A_79 = arith.constant 0 : i32
      %dma_start3A_80 = tpu.memref_slice %arg4[%dma_start3A_78, %dma_start3A_79] : memref<10240x128xf32, #tpu.memory_space<hbm>> -> memref<10240x128xf32, #tpu.memory_space<hbm>>
      tpu.enqueue_indirect_dma source(%dma_start3A_80 : memref<10240x128xf32, #tpu.memory_space<hbm>>) target(%arg10 : memref<128x128xf32, #tpu.memory_space<vmem>>) offsets(%dma_start3A_77 : memref<128xi32, #tpu.memory_space<vmem>>) semaphore(%arg12 : memref<!tpu.dma_semaphore, #tpu.memory_space<semaphore_mem>>)
      %dma_wait3A_81 = arith.constant 0 : i32
      %dma_wait3A_82 = arith.constant 0 : i32
      %dma_wait3A_83 = tpu.memref_slice %arg4[%dma_wait3A_81, %dma_wait3A_82] : memref<10240x128xf32, #tpu.memory_space<hbm>> -> memref<128x128xf32, #tpu.memory_space<hbm>>
      %dma_wait3A_84 = arith.constant 0 : i32
      %dma_wait3A_85 = arith.constant 0 : i32
      %dma_wait3A_86 = tpu.memref_slice %arg4[%dma_wait3A_84, %dma_wait3A_85] : memref<10240x128xf32, #tpu.memory_space<hbm>> -> memref<128x128xf32, #tpu.memory_space<hbm>>
      tpu.wait_dma2 semaphore(%arg11 : memref<!tpu.dma_semaphore, #tpu.memory_space<semaphore_mem>>) src(%dma_wait3A_86 : memref<128x128xf32, #tpu.memory_space<hbm>>) dst(%arg9 : memref<128x128xf32, #tpu.memory_space<vmem>>)
      %mul3A_87 = arith.constant 2 : i32
      %mul3A_88 = arith.muli %mul3A_87, %add3A_70 : i32
      "tpu.region"() ({
        %run_scoped3A_152 = tpu.sem_alloc : memref<!tpu.dma_semaphore, #tpu.memory_space<semaphore_mem>>
        %dma_start3A_153 = arith.constant 0 : i32
        %dma_start3A_154 = tpu.memref_slice %arg7[%mul3A_88, %dma_start3A_153] : memref<41x128xi32, #tpu.memory_space<vmem>> -> memref<1x128xi32, #tpu.memory_space<vmem>>
        %dma_start3A_155 = tpu.memref_squeeze %dma_start3A_154 : memref<1x128xi32, #tpu.memory_space<vmem>> -> memref<128xi32, #tpu.memory_space<vmem>>
        %dma_start3A_156 = arith.constant 0 : i32
        %dma_start3A_157 = arith.constant 0 : i32
        %dma_start3A_158 = tpu.memref_slice %arg6[%dma_start3A_156, %dma_start3A_157] : memref<10240x128xf32, #tpu.memory_space<vmem_shared>> -> memref<10240x128xf32, #tpu.memory_space<vmem_shared>>
        tpu.enqueue_indirect_dma source(%arg9 : memref<128x128xf32, #tpu.memory_space<vmem>>) target(%dma_start3A_158 : memref<10240x128xf32, #tpu.memory_space<vmem_shared>>) offsets(%dma_start3A_155 : memref<128xi32, #tpu.memory_space<vmem>>) semaphore(%run_scoped3A_152 : memref<!tpu.dma_semaphore, #tpu.memory_space<semaphore_mem>>) {add = true}
        %dma_wait3A_159 = arith.constant 0 : i32
        %dma_wait3A_160 = tpu.memref_slice %arg7[%mul3A_88, %dma_wait3A_159] : memref<41x128xi32, #tpu.memory_space<vmem>> -> memref<1x128xi32, #tpu.memory_space<vmem>>
        %dma_wait3A_161 = tpu.memref_squeeze %dma_wait3A_160 : memref<1x128xi32, #tpu.memory_space<vmem>> -> memref<128xi32, #tpu.memory_space<vmem>>
        %dma_wait3A_162 = arith.constant 0 : i32
        %dma_wait3A_163 = arith.constant 0 : i32
        %dma_wait3A_164 = tpu.memref_slice %arg6[%dma_wait3A_162, %dma_wait3A_163] : memref<10240x128xf32, #tpu.memory_space<vmem_shared>> -> memref<10240x128xf32, #tpu.memory_space<vmem_shared>>
        tpu.wait_indirect_dma semaphore(%run_scoped3A_152 : memref<!tpu.dma_semaphore, #tpu.memory_space<semaphore_mem>>) src(%arg9 : memref<128x128xf32, #tpu.memory_space<vmem>>) dst(%dma_wait3A_164 : memref<10240x128xf32, #tpu.memory_space<vmem_shared>>)
        tpu.yield
      }) : () -> ()
      %mul3A_89 = arith.constant 2 : i32
      %mul3A_90 = arith.muli %mul3A_89, %add3A_70 : i32
      %add3A_91 = arith.constant 2 : i32
      %add3A_92 = arith.addi %mul3A_90, %add3A_91 : i32
      %dma_start3A_93 = arith.constant 0 : i32
      %dma_start3A_94 = tpu.memref_slice %arg8[%add3A_92, %dma_start3A_93] : memref<41x128xi32, #tpu.memory_space<vmem>> -> memref<1x128xi32, #tpu.memory_space<vmem>>
      %dma_start3A_95 = tpu.memref_squeeze %dma_start3A_94 : memref<1x128xi32, #tpu.memory_space<vmem>> -> memref<128xi32, #tpu.memory_space<vmem>>
      %dma_start3A_96 = arith.constant 0 : i32
      %dma_start3A_97 = arith.constant 0 : i32
      %dma_start3A_98 = tpu.memref_slice %arg4[%dma_start3A_96, %dma_start3A_97] : memref<10240x128xf32, #tpu.memory_space<hbm>> -> memref<10240x128xf32, #tpu.memory_space<hbm>>
      tpu.enqueue_indirect_dma source(%dma_start3A_98 : memref<10240x128xf32, #tpu.memory_space<hbm>>) target(%arg9 : memref<128x128xf32, #tpu.memory_space<vmem>>) offsets(%dma_start3A_95 : memref<128xi32, #tpu.memory_space<vmem>>) semaphore(%arg11 : memref<!tpu.dma_semaphore, #tpu.memory_space<semaphore_mem>>)
      %dma_wait3A_99 = arith.constant 0 : i32
      %dma_wait3A_100 = arith.constant 0 : i32
      %dma_wait3A_101 = tpu.memref_slice %arg4[%dma_wait3A_99, %dma_wait3A_100] : memref<10240x128xf32, #tpu.memory_space<hbm>> -> memref<128x128xf32, #tpu.memory_space<hbm>>
      %dma_wait3A_102 = arith.constant 0 : i32
      %dma_wait3A_103 = arith.constant 0 : i32
      %dma_wait3A_104 = tpu.memref_slice %arg4[%dma_wait3A_102, %dma_wait3A_103] : memref<10240x128xf32, #tpu.memory_space<hbm>> -> memref<128x128xf32, #tpu.memory_space<hbm>>
      tpu.wait_dma2 semaphore(%arg12 : memref<!tpu.dma_semaphore, #tpu.memory_space<semaphore_mem>>) src(%dma_wait3A_104 : memref<128x128xf32, #tpu.memory_space<hbm>>) dst(%arg10 : memref<128x128xf32, #tpu.memory_space<vmem>>)
      %mul3A_105 = arith.constant 2 : i32
      %mul3A_106 = arith.muli %mul3A_105, %add3A_70 : i32
      %add3A_107 = arith.constant 1 : i32
      %add3A_108 = arith.addi %mul3A_106, %add3A_107 : i32
      "tpu.region"() ({
        %run_scoped3A_152 = tpu.sem_alloc : memref<!tpu.dma_semaphore, #tpu.memory_space<semaphore_mem>>
        %dma_start3A_153 = arith.constant 0 : i32
        %dma_start3A_154 = tpu.memref_slice %arg7[%add3A_108, %dma_start3A_153] : memref<41x128xi32, #tpu.memory_space<vmem>> -> memref<1x128xi32, #tpu.memory_space<vmem>>
        %dma_start3A_155 = tpu.memref_squeeze %dma_start3A_154 : memref<1x128xi32, #tpu.memory_space<vmem>> -> memref<128xi32, #tpu.memory_space<vmem>>
        %dma_start3A_156 = arith.constant 0 : i32
        %dma_start3A_157 = arith.constant 0 : i32
        %dma_start3A_158 = tpu.memref_slice %arg6[%dma_start3A_156, %dma_start3A_157] : memref<10240x128xf32, #tpu.memory_space<vmem_shared>> -> memref<10240x128xf32, #tpu.memory_space<vmem_shared>>
        tpu.enqueue_indirect_dma source(%arg10 : memref<128x128xf32, #tpu.memory_space<vmem>>) target(%dma_start3A_158 : memref<10240x128xf32, #tpu.memory_space<vmem_shared>>) offsets(%dma_start3A_155 : memref<128xi32, #tpu.memory_space<vmem>>) semaphore(%run_scoped3A_152 : memref<!tpu.dma_semaphore, #tpu.memory_space<semaphore_mem>>) {add = true}
        %dma_wait3A_159 = arith.constant 0 : i32
        %dma_wait3A_160 = tpu.memref_slice %arg7[%add3A_108, %dma_wait3A_159] : memref<41x128xi32, #tpu.memory_space<vmem>> -> memref<1x128xi32, #tpu.memory_space<vmem>>
        %dma_wait3A_161 = tpu.memref_squeeze %dma_wait3A_160 : memref<1x128xi32, #tpu.memory_space<vmem>> -> memref<128xi32, #tpu.memory_space<vmem>>
        %dma_wait3A_162 = arith.constant 0 : i32
        %dma_wait3A_163 = arith.constant 0 : i32
        %dma_wait3A_164 = tpu.memref_slice %arg6[%dma_wait3A_162, %dma_wait3A_163] : memref<10240x128xf32, #tpu.memory_space<vmem_shared>> -> memref<10240x128xf32, #tpu.memory_space<vmem_shared>>
        tpu.wait_indirect_dma semaphore(%run_scoped3A_152 : memref<!tpu.dma_semaphore, #tpu.memory_space<semaphore_mem>>) src(%arg10 : memref<128x128xf32, #tpu.memory_space<vmem>>) dst(%dma_wait3A_164 : memref<10240x128xf32, #tpu.memory_space<vmem_shared>>)
        tpu.yield
      }) : () -> ()
      %mul3A_109 = arith.constant 2 : i32
      %mul3A_110 = arith.muli %scan3A_65, %mul3A_109 : i32
      %add3A_111 = arith.constant 1 : i32
      %add3A_112 = arith.addi %mul3A_110, %add3A_111 : i32
      %mul3A_113 = arith.constant 2 : i32
      %mul3A_114 = arith.muli %mul3A_113, %add3A_112 : i32
      %add3A_115 = arith.constant 1 : i32
      %add3A_116 = arith.addi %mul3A_114, %add3A_115 : i32
      %dma_start3A_117 = arith.constant 0 : i32
      %dma_start3A_118 = tpu.memref_slice %arg8[%add3A_116, %dma_start3A_117] : memref<41x128xi32, #tpu.memory_space<vmem>> -> memref<1x128xi32, #tpu.memory_space<vmem>>
      %dma_start3A_119 = tpu.memref_squeeze %dma_start3A_118 : memref<1x128xi32, #tpu.memory_space<vmem>> -> memref<128xi32, #tpu.memory_space<vmem>>
      %dma_start3A_120 = arith.constant 0 : i32
      %dma_start3A_121 = arith.constant 0 : i32
      %dma_start3A_122 = tpu.memref_slice %arg4[%dma_start3A_120, %dma_start3A_121] : memref<10240x128xf32, #tpu.memory_space<hbm>> -> memref<10240x128xf32, #tpu.memory_space<hbm>>
      tpu.enqueue_indirect_dma source(%dma_start3A_122 : memref<10240x128xf32, #tpu.memory_space<hbm>>) target(%arg10 : memref<128x128xf32, #tpu.memory_space<vmem>>) offsets(%dma_start3A_119 : memref<128xi32, #tpu.memory_space<vmem>>) semaphore(%arg12 : memref<!tpu.dma_semaphore, #tpu.memory_space<semaphore_mem>>)
      %dma_wait3A_123 = arith.constant 0 : i32
      %dma_wait3A_124 = arith.constant 0 : i32
      %dma_wait3A_125 = tpu.memref_slice %arg4[%dma_wait3A_123, %dma_wait3A_124] : memref<10240x128xf32, #tpu.memory_space<hbm>> -> memref<128x128xf32, #tpu.memory_space<hbm>>
      %dma_wait3A_126 = arith.constant 0 : i32
      %dma_wait3A_127 = arith.constant 0 : i32
      %dma_wait3A_128 = tpu.memref_slice %arg4[%dma_wait3A_126, %dma_wait3A_127] : memref<10240x128xf32, #tpu.memory_space<hbm>> -> memref<128x128xf32, #tpu.memory_space<hbm>>
      tpu.wait_dma2 semaphore(%arg11 : memref<!tpu.dma_semaphore, #tpu.memory_space<semaphore_mem>>) src(%dma_wait3A_128 : memref<128x128xf32, #tpu.memory_space<hbm>>) dst(%arg9 : memref<128x128xf32, #tpu.memory_space<vmem>>)
      %mul3A_129 = arith.constant 2 : i32
      %mul3A_130 = arith.muli %mul3A_129, %add3A_112 : i32
      "tpu.region"() ({
        %run_scoped3A_152 = tpu.sem_alloc : memref<!tpu.dma_semaphore, #tpu.memory_space<semaphore_mem>>
        %dma_start3A_153 = arith.constant 0 : i32
        %dma_start3A_154 = tpu.memref_slice %arg7[%mul3A_130, %dma_start3A_153] : memref<41x128xi32, #tpu.memory_space<vmem>> -> memref<1x128xi32, #tpu.memory_space<vmem>>
        %dma_start3A_155 = tpu.memref_squeeze %dma_start3A_154 : memref<1x128xi32, #tpu.memory_space<vmem>> -> memref<128xi32, #tpu.memory_space<vmem>>
        %dma_start3A_156 = arith.constant 0 : i32
        %dma_start3A_157 = arith.constant 0 : i32
        %dma_start3A_158 = tpu.memref_slice %arg6[%dma_start3A_156, %dma_start3A_157] : memref<10240x128xf32, #tpu.memory_space<vmem_shared>> -> memref<10240x128xf32, #tpu.memory_space<vmem_shared>>
        tpu.enqueue_indirect_dma source(%arg9 : memref<128x128xf32, #tpu.memory_space<vmem>>) target(%dma_start3A_158 : memref<10240x128xf32, #tpu.memory_space<vmem_shared>>) offsets(%dma_start3A_155 : memref<128xi32, #tpu.memory_space<vmem>>) semaphore(%run_scoped3A_152 : memref<!tpu.dma_semaphore, #tpu.memory_space<semaphore_mem>>) {add = true}
        %dma_wait3A_159 = arith.constant 0 : i32
        %dma_wait3A_160 = tpu.memref_slice %arg7[%mul3A_130, %dma_wait3A_159] : memref<41x128xi32, #tpu.memory_space<vmem>> -> memref<1x128xi32, #tpu.memory_space<vmem>>
        %dma_wait3A_161 = tpu.memref_squeeze %dma_wait3A_160 : memref<1x128xi32, #tpu.memory_space<vmem>> -> memref<128xi32, #tpu.memory_space<vmem>>
        %dma_wait3A_162 = arith.constant 0 : i32
        %dma_wait3A_163 = arith.constant 0 : i32
        %dma_wait3A_164 = tpu.memref_slice %arg6[%dma_wait3A_162, %dma_wait3A_163] : memref<10240x128xf32, #tpu.memory_space<vmem_shared>> -> memref<10240x128xf32, #tpu.memory_space<vmem_shared>>
        tpu.wait_indirect_dma semaphore(%run_scoped3A_152 : memref<!tpu.dma_semaphore, #tpu.memory_space<semaphore_mem>>) src(%arg9 : memref<128x128xf32, #tpu.memory_space<vmem>>) dst(%dma_wait3A_164 : memref<10240x128xf32, #tpu.memory_space<vmem_shared>>)
        tpu.yield
      }) : () -> ()
      %mul3A_131 = arith.constant 2 : i32
      %mul3A_132 = arith.muli %mul3A_131, %add3A_112 : i32
      %add3A_133 = arith.constant 2 : i32
      %add3A_134 = arith.addi %mul3A_132, %add3A_133 : i32
      %dma_start3A_135 = arith.constant 0 : i32
      %dma_start3A_136 = tpu.memref_slice %arg8[%add3A_134, %dma_start3A_135] : memref<41x128xi32, #tpu.memory_space<vmem>> -> memref<1x128xi32, #tpu.memory_space<vmem>>
      %dma_start3A_137 = tpu.memref_squeeze %dma_start3A_136 : memref<1x128xi32, #tpu.memory_space<vmem>> -> memref<128xi32, #tpu.memory_space<vmem>>
      %dma_start3A_138 = arith.constant 0 : i32
      %dma_start3A_139 = arith.constant 0 : i32
      %dma_start3A_140 = tpu.memref_slice %arg4[%dma_start3A_138, %dma_start3A_139] : memref<10240x128xf32, #tpu.memory_space<hbm>> -> memref<10240x128xf32, #tpu.memory_space<hbm>>
      tpu.enqueue_indirect_dma source(%dma_start3A_140 : memref<10240x128xf32, #tpu.memory_space<hbm>>) target(%arg9 : memref<128x128xf32, #tpu.memory_space<vmem>>) offsets(%dma_start3A_137 : memref<128xi32, #tpu.memory_space<vmem>>) semaphore(%arg11 : memref<!tpu.dma_semaphore, #tpu.memory_space<semaphore_mem>>)
      %dma_wait3A_141 = arith.constant 0 : i32
      %dma_wait3A_142 = arith.constant 0 : i32
      %dma_wait3A_143 = tpu.memref_slice %arg4[%dma_wait3A_141, %dma_wait3A_142] : memref<10240x128xf32, #tpu.memory_space<hbm>> -> memref<128x128xf32, #tpu.memory_space<hbm>>
      %dma_wait3A_144 = arith.constant 0 : i32
      %dma_wait3A_145 = arith.constant 0 : i32
      %dma_wait3A_146 = tpu.memref_slice %arg4[%dma_wait3A_144, %dma_wait3A_145] : memref<10240x128xf32, #tpu.memory_space<hbm>> -> memref<128x128xf32, #tpu.memory_space<hbm>>
      tpu.wait_dma2 semaphore(%arg12 : memref<!tpu.dma_semaphore, #tpu.memory_space<semaphore_mem>>) src(%dma_wait3A_146 : memref<128x128xf32, #tpu.memory_space<hbm>>) dst(%arg10 : memref<128x128xf32, #tpu.memory_space<vmem>>)
      %mul3A_147 = arith.constant 2 : i32
      %mul3A_148 = arith.muli %mul3A_147, %add3A_112 : i32
      %add3A_149 = arith.constant 1 : i32
      %add3A_150 = arith.addi %mul3A_148, %add3A_149 : i32
      "tpu.region"() ({
        %run_scoped3A_152 = tpu.sem_alloc : memref<!tpu.dma_semaphore, #tpu.memory_space<semaphore_mem>>
        %dma_start3A_153 = arith.constant 0 : i32
        %dma_start3A_154 = tpu.memref_slice %arg7[%add3A_150, %dma_start3A_153] : memref<41x128xi32, #tpu.memory_space<vmem>> -> memref<1x128xi32, #tpu.memory_space<vmem>>
        %dma_start3A_155 = tpu.memref_squeeze %dma_start3A_154 : memref<1x128xi32, #tpu.memory_space<vmem>> -> memref<128xi32, #tpu.memory_space<vmem>>
        %dma_start3A_156 = arith.constant 0 : i32
        %dma_start3A_157 = arith.constant 0 : i32
        %dma_start3A_158 = tpu.memref_slice %arg6[%dma_start3A_156, %dma_start3A_157] : memref<10240x128xf32, #tpu.memory_space<vmem_shared>> -> memref<10240x128xf32, #tpu.memory_space<vmem_shared>>
        tpu.enqueue_indirect_dma source(%arg10 : memref<128x128xf32, #tpu.memory_space<vmem>>) target(%dma_start3A_158 : memref<10240x128xf32, #tpu.memory_space<vmem_shared>>) offsets(%dma_start3A_155 : memref<128xi32, #tpu.memory_space<vmem>>) semaphore(%run_scoped3A_152 : memref<!tpu.dma_semaphore, #tpu.memory_space<semaphore_mem>>) {add = true}
        %dma_wait3A_159 = arith.constant 0 : i32
        %dma_wait3A_160 = tpu.memref_slice %arg7[%add3A_150, %dma_wait3A_159] : memref<41x128xi32, #tpu.memory_space<vmem>> -> memref<1x128xi32, #tpu.memory_space<vmem>>
        %dma_wait3A_161 = tpu.memref_squeeze %dma_wait3A_160 : memref<1x128xi32, #tpu.memory_space<vmem>> -> memref<128xi32, #tpu.memory_space<vmem>>
        %dma_wait3A_162 = arith.constant 0 : i32
        %dma_wait3A_163 = arith.constant 0 : i32
        %dma_wait3A_164 = tpu.memref_slice %arg6[%dma_wait3A_162, %dma_wait3A_163] : memref<10240x128xf32, #tpu.memory_space<vmem_shared>> -> memref<10240x128xf32, #tpu.memory_space<vmem_shared>>
        tpu.wait_indirect_dma semaphore(%run_scoped3A_152 : memref<!tpu.dma_semaphore, #tpu.memory_space<semaphore_mem>>) src(%arg10 : memref<128x128xf32, #tpu.memory_space<vmem>>) dst(%dma_wait3A_164 : memref<10240x128xf32, #tpu.memory_space<vmem_shared>>)
        tpu.yield
      }) : () -> ()
      %scan3A_151 = arith.constant 0 : i32
      scf.yield %scan3A_151 : i32
    }
    %scan3A_27 = arith.constant 10 : i32
    %dma_wait3A = arith.constant 0 : i32
    %dma_wait3A_28 = arith.constant 0 : i32
    %dma_wait3A_29 = tpu.memref_slice %arg4[%dma_wait3A, %dma_wait3A_28] : memref<10240x128xf32, #tpu.memory_space<hbm>> -> memref<128x128xf32, #tpu.memory_space<hbm>>
    %dma_wait3A_30 = arith.constant 0 : i32
    %dma_wait3A_31 = arith.constant 0 : i32
    %dma_wait3A_32 = tpu.memref_slice %arg4[%dma_wait3A_30, %dma_wait3A_31] : memref<10240x128xf32, #tpu.memory_space<hbm>> -> memref<128x128xf32, #tpu.memory_space<hbm>>
    tpu.wait_dma2 semaphore(%arg11 : memref<!tpu.dma_semaphore, #tpu.memory_space<semaphore_mem>>) src(%dma_wait3A_32 : memref<128x128xf32, #tpu.memory_space<hbm>>) dst(%arg9 : memref<128x128xf32, #tpu.memory_space<vmem>>)
    %run_scoped3A_33 = arith.constant 40 : i32
    "tpu.region"() ({
      %run_scoped3A_65 = tpu.sem_alloc : memref<!tpu.dma_semaphore, #tpu.memory_space<semaphore_mem>>
      %dma_start3A_66 = arith.constant 0 : i32
      %dma_start3A_67 = tpu.memref_slice %arg7[%run_scoped3A_33, %dma_start3A_66] : memref<41x128xi32, #tpu.memory_space<vmem>> -> memref<1x128xi32, #tpu.memory_space<vmem>>
      %dma_start3A_68 = tpu.memref_squeeze %dma_start3A_67 : memref<1x128xi32, #tpu.memory_space<vmem>> -> memref<128xi32, #tpu.memory_space<vmem>>
      %dma_start3A_69 = arith.constant 0 : i32
      %dma_start3A_70 = arith.constant 0 : i32
      %dma_start3A_71 = tpu.memref_slice %arg6[%dma_start3A_69, %dma_start3A_70] : memref<10240x128xf32, #tpu.memory_space<vmem_shared>> -> memref<10240x128xf32, #tpu.memory_space<vmem_shared>>
      tpu.enqueue_indirect_dma source(%arg9 : memref<128x128xf32, #tpu.memory_space<vmem>>) target(%dma_start3A_71 : memref<10240x128xf32, #tpu.memory_space<vmem_shared>>) offsets(%dma_start3A_68 : memref<128xi32, #tpu.memory_space<vmem>>) semaphore(%run_scoped3A_65 : memref<!tpu.dma_semaphore, #tpu.memory_space<semaphore_mem>>) {add = true}
      %dma_wait3A_72 = arith.constant 0 : i32
      %dma_wait3A_73 = tpu.memref_slice %arg7[%run_scoped3A_33, %dma_wait3A_72] : memref<41x128xi32, #tpu.memory_space<vmem>> -> memref<1x128xi32, #tpu.memory_space<vmem>>
      %dma_wait3A_74 = tpu.memref_squeeze %dma_wait3A_73 : memref<1x128xi32, #tpu.memory_space<vmem>> -> memref<128xi32, #tpu.memory_space<vmem>>
      %dma_wait3A_75 = arith.constant 0 : i32
      %dma_wait3A_76 = arith.constant 0 : i32
      %dma_wait3A_77 = tpu.memref_slice %arg6[%dma_wait3A_75, %dma_wait3A_76] : memref<10240x128xf32, #tpu.memory_space<vmem_shared>> -> memref<10240x128xf32, #tpu.memory_space<vmem_shared>>
      tpu.wait_indirect_dma semaphore(%run_scoped3A_65 : memref<!tpu.dma_semaphore, #tpu.memory_space<semaphore_mem>>) src(%arg9 : memref<128x128xf32, #tpu.memory_space<vmem>>) dst(%dma_wait3A_77 : memref<10240x128xf32, #tpu.memory_space<vmem_shared>>)
      tpu.yield
    }) : () -> ()
    %run_scoped3A_34 = arith.constant 1 : i32
    "tpu.region"() ({
      %run_scoped3A_65 = tpu.sem_alloc : memref<!tpu.dma_semaphore, #tpu.memory_space<semaphore_mem>>
      %dma_start3A_66 = arith.constant 0 : i32
      %dma_start3A_67 = arith.constant 0 : i32
      %dma_start3A_68 = tpu.memref_slice %arg2[%add3A, %run_scoped3A_34, %dma_start3A_66, %dma_start3A_67] : memref<32x2x41x128xi32, #tpu.memory_space<hbm>> -> memref<1x1x41x128xi32, #tpu.memory_space<hbm>>
      %dma_start3A_69 = tpu.memref_squeeze %dma_start3A_68 : memref<1x1x41x128xi32, #tpu.memory_space<hbm>> -> memref<41x128xi32, #tpu.memory_space<hbm>>
      %dma_start3A_70 = arith.constant 0 : i32
      %dma_start3A_71 = arith.constant 0 : i32
      %dma_start3A_72 = tpu.memref_slice %arg2[%add3A, %run_scoped3A_34, %dma_start3A_70, %dma_start3A_71] : memref<32x2x41x128xi32, #tpu.memory_space<hbm>> -> memref<1x1x41x128xi32, #tpu.memory_space<hbm>>
      %dma_start3A_73 = tpu.memref_squeeze %dma_start3A_72 : memref<1x1x41x128xi32, #tpu.memory_space<hbm>> -> memref<41x128xi32, #tpu.memory_space<hbm>>
      tpu.enqueue_dma source(%dma_start3A_73 : memref<41x128xi32, #tpu.memory_space<hbm>>) target(%arg7 : memref<41x128xi32, #tpu.memory_space<vmem>>) target_semaphore(%run_scoped3A_65 : memref<!tpu.dma_semaphore, #tpu.memory_space<semaphore_mem>>)
      %dma_wait3A_74 = arith.constant 0 : i32
      %dma_wait3A_75 = arith.constant 0 : i32
      %dma_wait3A_76 = tpu.memref_slice %arg2[%add3A, %run_scoped3A_34, %dma_wait3A_74, %dma_wait3A_75] : memref<32x2x41x128xi32, #tpu.memory_space<hbm>> -> memref<1x1x41x128xi32, #tpu.memory_space<hbm>>
      %dma_wait3A_77 = tpu.memref_squeeze %dma_wait3A_76 : memref<1x1x41x128xi32, #tpu.memory_space<hbm>> -> memref<41x128xi32, #tpu.memory_space<hbm>>
      %dma_wait3A_78 = arith.constant 0 : i32
      %dma_wait3A_79 = arith.constant 0 : i32
      %dma_wait3A_80 = tpu.memref_slice %arg2[%add3A, %run_scoped3A_34, %dma_wait3A_78, %dma_wait3A_79] : memref<32x2x41x128xi32, #tpu.memory_space<hbm>> -> memref<1x1x41x128xi32, #tpu.memory_space<hbm>>
      %dma_wait3A_81 = tpu.memref_squeeze %dma_wait3A_80 : memref<1x1x41x128xi32, #tpu.memory_space<hbm>> -> memref<41x128xi32, #tpu.memory_space<hbm>>
      tpu.wait_dma2 semaphore(%run_scoped3A_65 : memref<!tpu.dma_semaphore, #tpu.memory_space<semaphore_mem>>) src(%dma_wait3A_81 : memref<41x128xi32, #tpu.memory_space<hbm>>) dst(%arg7 : memref<41x128xi32, #tpu.memory_space<vmem>>)
      tpu.yield
    }) : () -> ()
    %run_scoped3A_35 = arith.constant 1 : i32
    "tpu.region"() ({
      %run_scoped3A_65 = tpu.sem_alloc : memref<!tpu.dma_semaphore, #tpu.memory_space<semaphore_mem>>
      %dma_start3A_66 = arith.constant 0 : i32
      %dma_start3A_67 = arith.constant 0 : i32
      %dma_start3A_68 = tpu.memref_slice %arg3[%add3A, %run_scoped3A_35, %dma_start3A_66, %dma_start3A_67] : memref<32x2x41x128xi32, #tpu.memory_space<hbm>> -> memref<1x1x41x128xi32, #tpu.memory_space<hbm>>
      %dma_start3A_69 = tpu.memref_squeeze %dma_start3A_68 : memref<1x1x41x128xi32, #tpu.memory_space<hbm>> -> memref<41x128xi32, #tpu.memory_space<hbm>>
      %dma_start3A_70 = arith.constant 0 : i32
      %dma_start3A_71 = arith.constant 0 : i32
      %dma_start3A_72 = tpu.memref_slice %arg3[%add3A, %run_scoped3A_35, %dma_start3A_70, %dma_start3A_71] : memref<32x2x41x128xi32, #tpu.memory_space<hbm>> -> memref<1x1x41x128xi32, #tpu.memory_space<hbm>>
      %dma_start3A_73 = tpu.memref_squeeze %dma_start3A_72 : memref<1x1x41x128xi32, #tpu.memory_space<hbm>> -> memref<41x128xi32, #tpu.memory_space<hbm>>
      tpu.enqueue_dma source(%dma_start3A_73 : memref<41x128xi32, #tpu.memory_space<hbm>>) target(%arg8 : memref<41x128xi32, #tpu.memory_space<vmem>>) target_semaphore(%run_scoped3A_65 : memref<!tpu.dma_semaphore, #tpu.memory_space<semaphore_mem>>)
      %dma_wait3A_74 = arith.constant 0 : i32
      %dma_wait3A_75 = arith.constant 0 : i32
      %dma_wait3A_76 = tpu.memref_slice %arg3[%add3A, %run_scoped3A_35, %dma_wait3A_74, %dma_wait3A_75] : memref<32x2x41x128xi32, #tpu.memory_space<hbm>> -> memref<1x1x41x128xi32, #tpu.memory_space<hbm>>
      %dma_wait3A_77 = tpu.memref_squeeze %dma_wait3A_76 : memref<1x1x41x128xi32, #tpu.memory_space<hbm>> -> memref<41x128xi32, #tpu.memory_space<hbm>>
      %dma_wait3A_78 = arith.constant 0 : i32
      %dma_wait3A_79 = arith.constant 0 : i32
      %dma_wait3A_80 = tpu.memref_slice %arg3[%add3A, %run_scoped3A_35, %dma_wait3A_78, %dma_wait3A_79] : memref<32x2x41x128xi32, #tpu.memory_space<hbm>> -> memref<1x1x41x128xi32, #tpu.memory_space<hbm>>
      %dma_wait3A_81 = tpu.memref_squeeze %dma_wait3A_80 : memref<1x1x41x128xi32, #tpu.memory_space<hbm>> -> memref<41x128xi32, #tpu.memory_space<hbm>>
      tpu.wait_dma2 semaphore(%run_scoped3A_65 : memref<!tpu.dma_semaphore, #tpu.memory_space<semaphore_mem>>) src(%dma_wait3A_81 : memref<41x128xi32, #tpu.memory_space<hbm>>) dst(%arg8 : memref<41x128xi32, #tpu.memory_space<vmem>>)
      tpu.yield
    }) : () -> ()
    %dma_start3A_36 = arith.constant 0 : i32
    %dma_start3A_37 = arith.constant 0 : i32
    %dma_start3A_38 = tpu.memref_slice %arg8[%dma_start3A_36, %dma_start3A_37] : memref<41x128xi32, #tpu.memory_space<vmem>> -> memref<1x128xi32, #tpu.memory_space<vmem>>
    %dma_start3A_39 = tpu.memref_squeeze %dma_start3A_38 : memref<1x128xi32, #tpu.memory_space<vmem>> -> memref<128xi32, #tpu.memory_space<vmem>>
    %dma_start3A_40 = arith.constant 0 : i32
    %dma_start3A_41 = arith.constant 0 : i32
    %dma_start3A_42 = tpu.memref_slice %arg4[%dma_start3A_40, %dma_start3A_41] : memref<10240x128xf32, #tpu.memory_space<hbm>> -> memref<10240x128xf32, #tpu.memory_space<hbm>>
    tpu.enqueue_indirect_dma source(%dma_start3A_42 : memref<10240x128xf32, #tpu.memory_space<hbm>>) target(%arg9 : memref<128x128xf32, #tpu.memory_space<vmem>>) offsets(%dma_start3A_39 : memref<128xi32, #tpu.memory_space<vmem>>) semaphore(%arg11 : memref<!tpu.dma_semaphore, #tpu.memory_space<semaphore_mem>>)
    %scan3A_43 = arith.constant 0 : i32
    %scan3A_44 = arith.constant 0 : i32
    %scan3A_45 = arith.constant 10 : i32
    %scan3A_46 = arith.addi %scan3A_44, %scan3A_45 : i32
    %scan3A_47 = arith.constant 1 : i32
    %scan3A_48 = scf.for %scan3A_65 = %scan3A_44 to %scan3A_46 step %scan3A_47 iter_args(%scan3A_66 = %scan3A_43) -> (i32)  : i32 {
      %mul3A_67 = arith.constant 2 : i32
      %mul3A_68 = arith.muli %scan3A_65, %mul3A_67 : i32
      %add3A_69 = arith.constant 0 : i32
      %add3A_70 = arith.addi %mul3A_68, %add3A_69 : i32
      %mul3A_71 = arith.constant 2 : i32
      %mul3A_72 = arith.muli %mul3A_71, %add3A_70 : i32
      %add3A_73 = arith.constant 1 : i32
      %add3A_74 = arith.addi %mul3A_72, %add3A_73 : i32
      %dma_start3A_75 = arith.constant 0 : i32
      %dma_start3A_76 = tpu.memref_slice %arg8[%add3A_74, %dma_start3A_75] : memref<41x128xi32, #tpu.memory_space<vmem>> -> memref<1x128xi32, #tpu.memory_space<vmem>>
      %dma_start3A_77 = tpu.memref_squeeze %dma_start3A_76 : memref<1x128xi32, #tpu.memory_space<vmem>> -> memref<128xi32, #tpu.memory_space<vmem>>
      %dma_start3A_78 = arith.constant 0 : i32
      %dma_start3A_79 = arith.constant 0 : i32
      %dma_start3A_80 = tpu.memref_slice %arg4[%dma_start3A_78, %dma_start3A_79] : memref<10240x128xf32, #tpu.memory_space<hbm>> -> memref<10240x128xf32, #tpu.memory_space<hbm>>
      tpu.enqueue_indirect_dma source(%dma_start3A_80 : memref<10240x128xf32, #tpu.memory_space<hbm>>) target(%arg10 : memref<128x128xf32, #tpu.memory_space<vmem>>) offsets(%dma_start3A_77 : memref<128xi32, #tpu.memory_space<vmem>>) semaphore(%arg12 : memref<!tpu.dma_semaphore, #tpu.memory_space<semaphore_mem>>)
      %dma_wait3A_81 = arith.constant 0 : i32
      %dma_wait3A_82 = arith.constant 0 : i32
      %dma_wait3A_83 = tpu.memref_slice %arg4[%dma_wait3A_81, %dma_wait3A_82] : memref<10240x128xf32, #tpu.memory_space<hbm>> -> memref<128x128xf32, #tpu.memory_space<hbm>>
      %dma_wait3A_84 = arith.constant 0 : i32
      %dma_wait3A_85 = arith.constant 0 : i32
      %dma_wait3A_86 = tpu.memref_slice %arg4[%dma_wait3A_84, %dma_wait3A_85] : memref<10240x128xf32, #tpu.memory_space<hbm>> -> memref<128x128xf32, #tpu.memory_space<hbm>>
      tpu.wait_dma2 semaphore(%arg11 : memref<!tpu.dma_semaphore, #tpu.memory_space<semaphore_mem>>) src(%dma_wait3A_86 : memref<128x128xf32, #tpu.memory_space<hbm>>) dst(%arg9 : memref<128x128xf32, #tpu.memory_space<vmem>>)
      %mul3A_87 = arith.constant 2 : i32
      %mul3A_88 = arith.muli %mul3A_87, %add3A_70 : i32
      "tpu.region"() ({
        %run_scoped3A_152 = tpu.sem_alloc : memref<!tpu.dma_semaphore, #tpu.memory_space<semaphore_mem>>
        %dma_start3A_153 = arith.constant 0 : i32
        %dma_start3A_154 = tpu.memref_slice %arg7[%mul3A_88, %dma_start3A_153] : memref<41x128xi32, #tpu.memory_space<vmem>> -> memref<1x128xi32, #tpu.memory_space<vmem>>
        %dma_start3A_155 = tpu.memref_squeeze %dma_start3A_154 : memref<1x128xi32, #tpu.memory_space<vmem>> -> memref<128xi32, #tpu.memory_space<vmem>>
        %dma_start3A_156 = arith.constant 0 : i32
        %dma_start3A_157 = arith.constant 0 : i32
        %dma_start3A_158 = tpu.memref_slice %arg6[%dma_start3A_156, %dma_start3A_157] : memref<10240x128xf32, #tpu.memory_space<vmem_shared>> -> memref<10240x128xf32, #tpu.memory_space<vmem_shared>>
        tpu.enqueue_indirect_dma source(%arg9 : memref<128x128xf32, #tpu.memory_space<vmem>>) target(%dma_start3A_158 : memref<10240x128xf32, #tpu.memory_space<vmem_shared>>) offsets(%dma_start3A_155 : memref<128xi32, #tpu.memory_space<vmem>>) semaphore(%run_scoped3A_152 : memref<!tpu.dma_semaphore, #tpu.memory_space<semaphore_mem>>) {add = true}
        %dma_wait3A_159 = arith.constant 0 : i32
        %dma_wait3A_160 = tpu.memref_slice %arg7[%mul3A_88, %dma_wait3A_159] : memref<41x128xi32, #tpu.memory_space<vmem>> -> memref<1x128xi32, #tpu.memory_space<vmem>>
        %dma_wait3A_161 = tpu.memref_squeeze %dma_wait3A_160 : memref<1x128xi32, #tpu.memory_space<vmem>> -> memref<128xi32, #tpu.memory_space<vmem>>
        %dma_wait3A_162 = arith.constant 0 : i32
        %dma_wait3A_163 = arith.constant 0 : i32
        %dma_wait3A_164 = tpu.memref_slice %arg6[%dma_wait3A_162, %dma_wait3A_163] : memref<10240x128xf32, #tpu.memory_space<vmem_shared>> -> memref<10240x128xf32, #tpu.memory_space<vmem_shared>>
        tpu.wait_indirect_dma semaphore(%run_scoped3A_152 : memref<!tpu.dma_semaphore, #tpu.memory_space<semaphore_mem>>) src(%arg9 : memref<128x128xf32, #tpu.memory_space<vmem>>) dst(%dma_wait3A_164 : memref<10240x128xf32, #tpu.memory_space<vmem_shared>>)
        tpu.yield
      }) : () -> ()
      %mul3A_89 = arith.constant 2 : i32
      %mul3A_90 = arith.muli %mul3A_89, %add3A_70 : i32
      %add3A_91 = arith.constant 2 : i32
      %add3A_92 = arith.addi %mul3A_90, %add3A_91 : i32
      %dma_start3A_93 = arith.constant 0 : i32
      %dma_start3A_94 = tpu.memref_slice %arg8[%add3A_92, %dma_start3A_93] : memref<41x128xi32, #tpu.memory_space<vmem>> -> memref<1x128xi32, #tpu.memory_space<vmem>>
      %dma_start3A_95 = tpu.memref_squeeze %dma_start3A_94 : memref<1x128xi32, #tpu.memory_space<vmem>> -> memref<128xi32, #tpu.memory_space<vmem>>
      %dma_start3A_96 = arith.constant 0 : i32
      %dma_start3A_97 = arith.constant 0 : i32
      %dma_start3A_98 = tpu.memref_slice %arg4[%dma_start3A_96, %dma_start3A_97] : memref<10240x128xf32, #tpu.memory_space<hbm>> -> memref<10240x128xf32, #tpu.memory_space<hbm>>
      tpu.enqueue_indirect_dma source(%dma_start3A_98 : memref<10240x128xf32, #tpu.memory_space<hbm>>) target(%arg9 : memref<128x128xf32, #tpu.memory_space<vmem>>) offsets(%dma_start3A_95 : memref<128xi32, #tpu.memory_space<vmem>>) semaphore(%arg11 : memref<!tpu.dma_semaphore, #tpu.memory_space<semaphore_mem>>)
      %dma_wait3A_99 = arith.constant 0 : i32
      %dma_wait3A_100 = arith.constant 0 : i32
      %dma_wait3A_101 = tpu.memref_slice %arg4[%dma_wait3A_99, %dma_wait3A_100] : memref<10240x128xf32, #tpu.memory_space<hbm>> -> memref<128x128xf32, #tpu.memory_space<hbm>>
      %dma_wait3A_102 = arith.constant 0 : i32
      %dma_wait3A_103 = arith.constant 0 : i32
      %dma_wait3A_104 = tpu.memref_slice %arg4[%dma_wait3A_102, %dma_wait3A_103] : memref<10240x128xf32, #tpu.memory_space<hbm>> -> memref<128x128xf32, #tpu.memory_space<hbm>>
      tpu.wait_dma2 semaphore(%arg12 : memref<!tpu.dma_semaphore, #tpu.memory_space<semaphore_mem>>) src(%dma_wait3A_104 : memref<128x128xf32, #tpu.memory_space<hbm>>) dst(%arg10 : memref<128x128xf32, #tpu.memory_space<vmem>>)
      %mul3A_105 = arith.constant 2 : i32
      %mul3A_106 = arith.muli %mul3A_105, %add3A_70 : i32
      %add3A_107 = arith.constant 1 : i32
      %add3A_108 = arith.addi %mul3A_106, %add3A_107 : i32
      "tpu.region"() ({
        %run_scoped3A_152 = tpu.sem_alloc : memref<!tpu.dma_semaphore, #tpu.memory_space<semaphore_mem>>
        %dma_start3A_153 = arith.constant 0 : i32
        %dma_start3A_154 = tpu.memref_slice %arg7[%add3A_108, %dma_start3A_153] : memref<41x128xi32, #tpu.memory_space<vmem>> -> memref<1x128xi32, #tpu.memory_space<vmem>>
        %dma_start3A_155 = tpu.memref_squeeze %dma_start3A_154 : memref<1x128xi32, #tpu.memory_space<vmem>> -> memref<128xi32, #tpu.memory_space<vmem>>
        %dma_start3A_156 = arith.constant 0 : i32
        %dma_start3A_157 = arith.constant 0 : i32
        %dma_start3A_158 = tpu.memref_slice %arg6[%dma_start3A_156, %dma_start3A_157] : memref<10240x128xf32, #tpu.memory_space<vmem_shared>> -> memref<10240x128xf32, #tpu.memory_space<vmem_shared>>
        tpu.enqueue_indirect_dma source(%arg10 : memref<128x128xf32, #tpu.memory_space<vmem>>) target(%dma_start3A_158 : memref<10240x128xf32, #tpu.memory_space<vmem_shared>>) offsets(%dma_start3A_155 : memref<128xi32, #tpu.memory_space<vmem>>) semaphore(%run_scoped3A_152 : memref<!tpu.dma_semaphore, #tpu.memory_space<semaphore_mem>>) {add = true}
        %dma_wait3A_159 = arith.constant 0 : i32
        %dma_wait3A_160 = tpu.memref_slice %arg7[%add3A_108, %dma_wait3A_159] : memref<41x128xi32, #tpu.memory_space<vmem>> -> memref<1x128xi32, #tpu.memory_space<vmem>>
        %dma_wait3A_161 = tpu.memref_squeeze %dma_wait3A_160 : memref<1x128xi32, #tpu.memory_space<vmem>> -> memref<128xi32, #tpu.memory_space<vmem>>
        %dma_wait3A_162 = arith.constant 0 : i32
        %dma_wait3A_163 = arith.constant 0 : i32
        %dma_wait3A_164 = tpu.memref_slice %arg6[%dma_wait3A_162, %dma_wait3A_163] : memref<10240x128xf32, #tpu.memory_space<vmem_shared>> -> memref<10240x128xf32, #tpu.memory_space<vmem_shared>>
        tpu.wait_indirect_dma semaphore(%run_scoped3A_152 : memref<!tpu.dma_semaphore, #tpu.memory_space<semaphore_mem>>) src(%arg10 : memref<128x128xf32, #tpu.memory_space<vmem>>) dst(%dma_wait3A_164 : memref<10240x128xf32, #tpu.memory_space<vmem_shared>>)
        tpu.yield
      }) : () -> ()
      %mul3A_109 = arith.constant 2 : i32
      %mul3A_110 = arith.muli %scan3A_65, %mul3A_109 : i32
      %add3A_111 = arith.constant 1 : i32
      %add3A_112 = arith.addi %mul3A_110, %add3A_111 : i32
      %mul3A_113 = arith.constant 2 : i32
      %mul3A_114 = arith.muli %mul3A_113, %add3A_112 : i32
      %add3A_115 = arith.constant 1 : i32
      %add3A_116 = arith.addi %mul3A_114, %add3A_115 : i32
      %dma_start3A_117 = arith.constant 0 : i32
      %dma_start3A_118 = tpu.memref_slice %arg8[%add3A_116, %dma_start3A_117] : memref<41x128xi32, #tpu.memory_space<vmem>> -> memref<1x128xi32, #tpu.memory_space<vmem>>
      %dma_start3A_119 = tpu.memref_squeeze %dma_start3A_118 : memref<1x128xi32, #tpu.memory_space<vmem>> -> memref<128xi32, #tpu.memory_space<vmem>>
      %dma_start3A_120 = arith.constant 0 : i32
      %dma_start3A_121 = arith.constant 0 : i32
      %dma_start3A_122 = tpu.memref_slice %arg4[%dma_start3A_120, %dma_start3A_121] : memref<10240x128xf32, #tpu.memory_space<hbm>> -> memref<10240x128xf32, #tpu.memory_space<hbm>>
      tpu.enqueue_indirect_dma source(%dma_start3A_122 : memref<10240x128xf32, #tpu.memory_space<hbm>>) target(%arg10 : memref<128x128xf32, #tpu.memory_space<vmem>>) offsets(%dma_start3A_119 : memref<128xi32, #tpu.memory_space<vmem>>) semaphore(%arg12 : memref<!tpu.dma_semaphore, #tpu.memory_space<semaphore_mem>>)
      %dma_wait3A_123 = arith.constant 0 : i32
      %dma_wait3A_124 = arith.constant 0 : i32
      %dma_wait3A_125 = tpu.memref_slice %arg4[%dma_wait3A_123, %dma_wait3A_124] : memref<10240x128xf32, #tpu.memory_space<hbm>> -> memref<128x128xf32, #tpu.memory_space<hbm>>
      %dma_wait3A_126 = arith.constant 0 : i32
      %dma_wait3A_127 = arith.constant 0 : i32
      %dma_wait3A_128 = tpu.memref_slice %arg4[%dma_wait3A_126, %dma_wait3A_127] : memref<10240x128xf32, #tpu.memory_space<hbm>> -> memref<128x128xf32, #tpu.memory_space<hbm>>
      tpu.wait_dma2 semaphore(%arg11 : memref<!tpu.dma_semaphore, #tpu.memory_space<semaphore_mem>>) src(%dma_wait3A_128 : memref<128x128xf32, #tpu.memory_space<hbm>>) dst(%arg9 : memref<128x128xf32, #tpu.memory_space<vmem>>)
      %mul3A_129 = arith.constant 2 : i32
      %mul3A_130 = arith.muli %mul3A_129, %add3A_112 : i32
      "tpu.region"() ({
        %run_scoped3A_152 = tpu.sem_alloc : memref<!tpu.dma_semaphore, #tpu.memory_space<semaphore_mem>>
        %dma_start3A_153 = arith.constant 0 : i32
        %dma_start3A_154 = tpu.memref_slice %arg7[%mul3A_130, %dma_start3A_153] : memref<41x128xi32, #tpu.memory_space<vmem>> -> memref<1x128xi32, #tpu.memory_space<vmem>>
        %dma_start3A_155 = tpu.memref_squeeze %dma_start3A_154 : memref<1x128xi32, #tpu.memory_space<vmem>> -> memref<128xi32, #tpu.memory_space<vmem>>
        %dma_start3A_156 = arith.constant 0 : i32
        %dma_start3A_157 = arith.constant 0 : i32
        %dma_start3A_158 = tpu.memref_slice %arg6[%dma_start3A_156, %dma_start3A_157] : memref<10240x128xf32, #tpu.memory_space<vmem_shared>> -> memref<10240x128xf32, #tpu.memory_space<vmem_shared>>
        tpu.enqueue_indirect_dma source(%arg9 : memref<128x128xf32, #tpu.memory_space<vmem>>) target(%dma_start3A_158 : memref<10240x128xf32, #tpu.memory_space<vmem_shared>>) offsets(%dma_start3A_155 : memref<128xi32, #tpu.memory_space<vmem>>) semaphore(%run_scoped3A_152 : memref<!tpu.dma_semaphore, #tpu.memory_space<semaphore_mem>>) {add = true}
        %dma_wait3A_159 = arith.constant 0 : i32
        %dma_wait3A_160 = tpu.memref_slice %arg7[%mul3A_130, %dma_wait3A_159] : memref<41x128xi32, #tpu.memory_space<vmem>> -> memref<1x128xi32, #tpu.memory_space<vmem>>
        %dma_wait3A_161 = tpu.memref_squeeze %dma_wait3A_160 : memref<1x128xi32, #tpu.memory_space<vmem>> -> memref<128xi32, #tpu.memory_space<vmem>>
        %dma_wait3A_162 = arith.constant 0 : i32
        %dma_wait3A_163 = arith.constant 0 : i32
        %dma_wait3A_164 = tpu.memref_slice %arg6[%dma_wait3A_162, %dma_wait3A_163] : memref<10240x128xf32, #tpu.memory_space<vmem_shared>> -> memref<10240x128xf32, #tpu.memory_space<vmem_shared>>
        tpu.wait_indirect_dma semaphore(%run_scoped3A_152 : memref<!tpu.dma_semaphore, #tpu.memory_space<semaphore_mem>>) src(%arg9 : memref<128x128xf32, #tpu.memory_space<vmem>>) dst(%dma_wait3A_164 : memref<10240x128xf32, #tpu.memory_space<vmem_shared>>)
        tpu.yield
      }) : () -> ()
      %mul3A_131 = arith.constant 2 : i32
      %mul3A_132 = arith.muli %mul3A_131, %add3A_112 : i32
      %add3A_133 = arith.constant 2 : i32
      %add3A_134 = arith.addi %mul3A_132, %add3A_133 : i32
      %dma_start3A_135 = arith.constant 0 : i32
      %dma_start3A_136 = tpu.memref_slice %arg8[%add3A_134, %dma_start3A_135] : memref<41x128xi32, #tpu.memory_space<vmem>> -> memref<1x128xi32, #tpu.memory_space<vmem>>
      %dma_start3A_137 = tpu.memref_squeeze %dma_start3A_136 : memref<1x128xi32, #tpu.memory_space<vmem>> -> memref<128xi32, #tpu.memory_space<vmem>>
      %dma_start3A_138 = arith.constant 0 : i32
      %dma_start3A_139 = arith.constant 0 : i32
      %dma_start3A_140 = tpu.memref_slice %arg4[%dma_start3A_138, %dma_start3A_139] : memref<10240x128xf32, #tpu.memory_space<hbm>> -> memref<10240x128xf32, #tpu.memory_space<hbm>>
      tpu.enqueue_indirect_dma source(%dma_start3A_140 : memref<10240x128xf32, #tpu.memory_space<hbm>>) target(%arg9 : memref<128x128xf32, #tpu.memory_space<vmem>>) offsets(%dma_start3A_137 : memref<128xi32, #tpu.memory_space<vmem>>) semaphore(%arg11 : memref<!tpu.dma_semaphore, #tpu.memory_space<semaphore_mem>>)
      %dma_wait3A_141 = arith.constant 0 : i32
      %dma_wait3A_142 = arith.constant 0 : i32
      %dma_wait3A_143 = tpu.memref_slice %arg4[%dma_wait3A_141, %dma_wait3A_142] : memref<10240x128xf32, #tpu.memory_space<hbm>> -> memref<128x128xf32, #tpu.memory_space<hbm>>
      %dma_wait3A_144 = arith.constant 0 : i32
      %dma_wait3A_145 = arith.constant 0 : i32
      %dma_wait3A_146 = tpu.memref_slice %arg4[%dma_wait3A_144, %dma_wait3A_145] : memref<10240x128xf32, #tpu.memory_space<hbm>> -> memref<128x128xf32, #tpu.memory_space<hbm>>
      tpu.wait_dma2 semaphore(%arg12 : memref<!tpu.dma_semaphore, #tpu.memory_space<semaphore_mem>>) src(%dma_wait3A_146 : memref<128x128xf32, #tpu.memory_space<hbm>>) dst(%arg10 : memref<128x128xf32, #tpu.memory_space<vmem>>)
      %mul3A_147 = arith.constant 2 : i32
      %mul3A_148 = arith.muli %mul3A_147, %add3A_112 : i32
      %add3A_149 = arith.constant 1 : i32
      %add3A_150 = arith.addi %mul3A_148, %add3A_149 : i32
      "tpu.region"() ({
        %run_scoped3A_152 = tpu.sem_alloc : memref<!tpu.dma_semaphore, #tpu.memory_space<semaphore_mem>>
        %dma_start3A_153 = arith.constant 0 : i32
        %dma_start3A_154 = tpu.memref_slice %arg7[%add3A_150, %dma_start3A_153] : memref<41x128xi32, #tpu.memory_space<vmem>> -> memref<1x128xi32, #tpu.memory_space<vmem>>
        %dma_start3A_155 = tpu.memref_squeeze %dma_start3A_154 : memref<1x128xi32, #tpu.memory_space<vmem>> -> memref<128xi32, #tpu.memory_space<vmem>>
        %dma_start3A_156 = arith.constant 0 : i32
        %dma_start3A_157 = arith.constant 0 : i32
        %dma_start3A_158 = tpu.memref_slice %arg6[%dma_start3A_156, %dma_start3A_157] : memref<10240x128xf32, #tpu.memory_space<vmem_shared>> -> memref<10240x128xf32, #tpu.memory_space<vmem_shared>>
        tpu.enqueue_indirect_dma source(%arg10 : memref<128x128xf32, #tpu.memory_space<vmem>>) target(%dma_start3A_158 : memref<10240x128xf32, #tpu.memory_space<vmem_shared>>) offsets(%dma_start3A_155 : memref<128xi32, #tpu.memory_space<vmem>>) semaphore(%run_scoped3A_152 : memref<!tpu.dma_semaphore, #tpu.memory_space<semaphore_mem>>) {add = true}
        %dma_wait3A_159 = arith.constant 0 : i32
        %dma_wait3A_160 = tpu.memref_slice %arg7[%add3A_150, %dma_wait3A_159] : memref<41x128xi32, #tpu.memory_space<vmem>> -> memref<1x128xi32, #tpu.memory_space<vmem>>
        %dma_wait3A_161 = tpu.memref_squeeze %dma_wait3A_160 : memref<1x128xi32, #tpu.memory_space<vmem>> -> memref<128xi32, #tpu.memory_space<vmem>>
        %dma_wait3A_162 = arith.constant 0 : i32
        %dma_wait3A_163 = arith.constant 0 : i32
        %dma_wait3A_164 = tpu.memref_slice %arg6[%dma_wait3A_162, %dma_wait3A_163] : memref<10240x128xf32, #tpu.memory_space<vmem_shared>> -> memref<10240x128xf32, #tpu.memory_space<vmem_shared>>
        tpu.wait_indirect_dma semaphore(%run_scoped3A_152 : memref<!tpu.dma_semaphore, #tpu.memory_space<semaphore_mem>>) src(%arg10 : memref<128x128xf32, #tpu.memory_space<vmem>>) dst(%dma_wait3A_164 : memref<10240x128xf32, #tpu.memory_space<vmem_shared>>)
        tpu.yield
      }) : () -> ()
      %scan3A_151 = arith.constant 0 : i32
      scf.yield %scan3A_151 : i32
    }
    %scan3A_49 = arith.constant 10 : i32
    %dma_wait3A_50 = arith.constant 0 : i32
    %dma_wait3A_51 = arith.constant 0 : i32
    %dma_wait3A_52 = tpu.memref_slice %arg4[%dma_wait3A_50, %dma_wait3A_51] : memref<10240x128xf32, #tpu.memory_space<hbm>> -> memref<128x128xf32, #tpu.memory_space<hbm>>
    %dma_wait3A_53 = arith.constant 0 : i32
    %dma_wait3A_54 = arith.constant 0 : i32
    %dma_wait3A_55 = tpu.memref_slice %arg4[%dma_wait3A_53, %dma_wait3A_54] : memref<10240x128xf32, #tpu.memory_space<hbm>> -> memref<128x128xf32, #tpu.memory_space<hbm>>
    tpu.wait_dma2 semaphore(%arg11 : memref<!tpu.dma_semaphore, #tpu.memory_space<semaphore_mem>>) src(%dma_wait3A_55 : memref<128x128xf32, #tpu.memory_space<hbm>>) dst(%arg9 : memref<128x128xf32, #tpu.memory_space<vmem>>)
    %run_scoped3A_56 = arith.constant 40 : i32
    "tpu.region"() ({
      %run_scoped3A_65 = tpu.sem_alloc : memref<!tpu.dma_semaphore, #tpu.memory_space<semaphore_mem>>
      %dma_start3A_66 = arith.constant 0 : i32
      %dma_start3A_67 = tpu.memref_slice %arg7[%run_scoped3A_56, %dma_start3A_66] : memref<41x128xi32, #tpu.memory_space<vmem>> -> memref<1x128xi32, #tpu.memory_space<vmem>>
      %dma_start3A_68 = tpu.memref_squeeze %dma_start3A_67 : memref<1x128xi32, #tpu.memory_space<vmem>> -> memref<128xi32, #tpu.memory_space<vmem>>
      %dma_start3A_69 = arith.constant 0 : i32
      %dma_start3A_70 = arith.constant 0 : i32
      %dma_start3A_71 = tpu.memref_slice %arg6[%dma_start3A_69, %dma_start3A_70] : memref<10240x128xf32, #tpu.memory_space<vmem_shared>> -> memref<10240x128xf32, #tpu.memory_space<vmem_shared>>
      tpu.enqueue_indirect_dma source(%arg9 : memref<128x128xf32, #tpu.memory_space<vmem>>) target(%dma_start3A_71 : memref<10240x128xf32, #tpu.memory_space<vmem_shared>>) offsets(%dma_start3A_68 : memref<128xi32, #tpu.memory_space<vmem>>) semaphore(%run_scoped3A_65 : memref<!tpu.dma_semaphore, #tpu.memory_space<semaphore_mem>>) {add = true}
      %dma_wait3A_72 = arith.constant 0 : i32
      %dma_wait3A_73 = tpu.memref_slice %arg7[%run_scoped3A_56, %dma_wait3A_72] : memref<41x128xi32, #tpu.memory_space<vmem>> -> memref<1x128xi32, #tpu.memory_space<vmem>>
      %dma_wait3A_74 = tpu.memref_squeeze %dma_wait3A_73 : memref<1x128xi32, #tpu.memory_space<vmem>> -> memref<128xi32, #tpu.memory_space<vmem>>
      %dma_wait3A_75 = arith.constant 0 : i32
      %dma_wait3A_76 = arith.constant 0 : i32
      %dma_wait3A_77 = tpu.memref_slice %arg6[%dma_wait3A_75, %dma_wait3A_76] : memref<10240x128xf32, #tpu.memory_space<vmem_shared>> -> memref<10240x128xf32, #tpu.memory_space<vmem_shared>>
      tpu.wait_indirect_dma semaphore(%run_scoped3A_65 : memref<!tpu.dma_semaphore, #tpu.memory_space<semaphore_mem>>) src(%arg9 : memref<128x128xf32, #tpu.memory_space<vmem>>) dst(%dma_wait3A_77 : memref<10240x128xf32, #tpu.memory_space<vmem_shared>>)
      tpu.yield
    }) : () -> ()
    %barrier3A_57 = arith.constant 0 : index
    tpu.barrier barrier_id(%barrier3A_57)
    %mul3A_58 = arith.constant 640 : i32
    %mul3A_59 = arith.muli %arg1, %mul3A_58 : i32
    %mul3A_60 = arith.constant 10240 : i32
    %mul3A_61 = arith.muli %arg0, %mul3A_60 : i32
    %mul3A_62 = arith.constant 640 : i32
    %mul3A_63 = arith.muli %arg1, %mul3A_62 : i32
    %add3A_64 = arith.addi %mul3A_61, %mul3A_63 : i32
    "tpu.region"() ({
      %run_scoped3A_65 = tpu.sem_alloc : memref<!tpu.dma_semaphore, #tpu.memory_space<semaphore_mem>>
      %dma_start3A_66 = arith.constant 0 : i32
      %dma_start3A_67 = tpu.memref_slice %arg5[%add3A_64, %dma_start3A_66] : memref<20480x128xf32, #tpu.memory_space<hbm>> -> memref<640x128xf32, #tpu.memory_space<hbm>>
      %dma_start3A_68 = arith.constant 0 : i32
      %dma_start3A_69 = tpu.memref_slice %arg6[%mul3A_59, %dma_start3A_68] : memref<10240x128xf32, #tpu.memory_space<vmem_shared>> -> memref<640x128xf32, #tpu.memory_space<vmem_shared>>
      tpu.enqueue_dma source(%dma_start3A_69 : memref<640x128xf32, #tpu.memory_space<vmem_shared>>) target(%dma_start3A_67 : memref<640x128xf32, #tpu.memory_space<hbm>>) target_semaphore(%run_scoped3A_65 : memref<!tpu.dma_semaphore, #tpu.memory_space<semaphore_mem>>)
      %dma_wait3A_70 = arith.constant 0 : i32
      %dma_wait3A_71 = tpu.memref_slice %arg5[%add3A_64, %dma_wait3A_70] : memref<20480x128xf32, #tpu.memory_space<hbm>> -> memref<640x128xf32, #tpu.memory_space<hbm>>
      %dma_wait3A_72 = arith.constant 0 : i32
      %dma_wait3A_73 = tpu.memref_slice %arg6[%mul3A_59, %dma_wait3A_72] : memref<10240x128xf32, #tpu.memory_space<vmem_shared>> -> memref<640x128xf32, #tpu.memory_space<vmem_shared>>
      tpu.wait_dma2 semaphore(%run_scoped3A_65 : memref<!tpu.dma_semaphore, #tpu.memory_space<semaphore_mem>>) src(%dma_wait3A_73 : memref<640x128xf32, #tpu.memory_space<vmem_shared>>) dst(%dma_wait3A_71 : memref<640x128xf32, #tpu.memory_space<hbm>>)
      tpu.yield
    }) : () -> ()
    return
  }
}

#map = affine_map<(d0, d1) -> (0, 0, 0, 0)>
#map1 = affine_map<(d0, d1) -> (0, 0)>
#map2 = affine_map<(d0, d1) -> (0)>
module attributes {stable_mosaic.version = 14 : i64} {
  func.func @prep(%arg0: i32, %arg1: i32, %arg2: memref<32x2x41x128xi32, #tpu.memory_space<hbm>>, %arg3: memref<10240x128xf32, #tpu.memory_space<hbm>>, %arg4: memref<10240xf32, #tpu.memory_space<hbm>>, %arg5: memref<10240x128xf32, #tpu.memory_space<hbm>>, %arg6: memref<10240xf32, #tpu.memory_space<vmem_shared>>, %arg7: memref<2x2x41x128xi32, #tpu.memory_space<vmem>>, %arg8: memref<128xf32, #tpu.memory_space<vmem>>, %arg9: memref<640xf32, #tpu.memory_space<vmem>>, %arg10: memref<320xf32, #tpu.memory_space<vmem>>, %arg11: memref<320x128xf32, #tpu.memory_space<vmem>>, %arg12: memref<!tpu.dma_semaphore, #tpu.memory_space<semaphore_mem>>, %arg13: memref<!tpu.dma_semaphore, #tpu.memory_space<semaphore_mem>>) attributes {dimension_semantics = [#tpu.dimension_semantics<core_parallel>, #tpu.dimension_semantics<subcore_parallel>], iteration_bounds = array<i64: 2, 16>, scalar_prefetch = 0 : i64, scratch_operands = 8 : i64, tpu.core_type = #tpu.core_type<sc_vector_subcore>, window_params = [{transform_indices = #map}, {transform_indices = #map1}, {transform_indices = #map2}, {transform_indices = #map1}]} {
    %mul3A = arith.constant 2 : i32
    %mul3A_0 = arith.muli %arg1, %mul3A : i32
    %add3A = arith.addi %mul3A_0, %arg0 : i32
    %scan3A = arith.constant 0 : i32
    %scan3A_1 = arith.constant 0 : i32
    %scan3A_2 = arith.constant 40 : i32
    %scan3A_3 = arith.addi %scan3A_1, %scan3A_2 : i32
    %scan3A_4 = arith.constant 1 : i32
    %scan3A_5 = scf.for %scan3A_118 = %scan3A_1 to %scan3A_3 step %scan3A_4 iter_args(%scan3A_119 = %scan3A) -> (i32)  : i32 {
      %broadcast_in_dim3A = arith.constant 0.000000e+00 : f32
      %broadcast_in_dim3A_120 = vector.broadcast %broadcast_in_dim3A : f32 to vector<16xf32>
      %mul3A_121 = arith.constant 16 : i32
      %mul3A_122 = arith.muli %scan3A_118, %mul3A_121 : i32
      %swap3A = arith.index_cast %mul3A_122 : i32 to index
      %swap3A_123 = tpu.vector_load %arg9[%swap3A] {strides = array<i32>} : memref<640xf32, #tpu.memory_space<vmem>>, vector<16xf32>,
      tpu.vector_store %arg9[%swap3A], %broadcast_in_dim3A_120 {strides = array<i32>} : memref<640xf32, #tpu.memory_space<vmem>>, vector<16xf32>,
      %scan3A_124 = arith.constant 0 : i32
      scf.yield %scan3A_124 : i32
    }
    %scan3A_6 = arith.constant 40 : i32
    %scan3A_7 = arith.constant 0 : i32
    %scan3A_8 = arith.constant 0 : i32
    %scan3A_9 = arith.constant 8 : i32
    %scan3A_10 = arith.addi %scan3A_8, %scan3A_9 : i32
    %scan3A_11 = arith.constant 1 : i32
    %scan3A_12 = scf.for %scan3A_118 = %scan3A_8 to %scan3A_10 step %scan3A_11 iter_args(%scan3A_119 = %scan3A_7) -> (i32)  : i32 {
      %broadcast_in_dim3A = arith.constant 1.000000e+00 : f32
      %broadcast_in_dim3A_120 = vector.broadcast %broadcast_in_dim3A : f32 to vector<16xf32>
      %mul3A_121 = arith.constant 16 : i32
      %mul3A_122 = arith.muli %scan3A_118, %mul3A_121 : i32
      %swap3A = arith.index_cast %mul3A_122 : i32 to index
      %swap3A_123 = tpu.vector_load %arg8[%swap3A] {strides = array<i32>} : memref<128xf32, #tpu.memory_space<vmem>>, vector<16xf32>,
      tpu.vector_store %arg8[%swap3A], %broadcast_in_dim3A_120 {strides = array<i32>} : memref<128xf32, #tpu.memory_space<vmem>>, vector<16xf32>,
      %scan3A_124 = arith.constant 0 : i32
      scf.yield %scan3A_124 : i32
    }
    %scan3A_13 = arith.constant 8 : i32
    %mul3A_14 = arith.constant 640 : i32
    %mul3A_15 = arith.muli %arg1, %mul3A_14 : i32
    "tpu.region"() ({
      %run_scoped3A_118 = tpu.sem_alloc : memref<!tpu.dma_semaphore, #tpu.memory_space<semaphore_mem>>
      %dma_start3A_119 = tpu.memref_slice %arg6[%mul3A_15] : memref<10240xf32, #tpu.memory_space<vmem_shared>> -> memref<640xf32, #tpu.memory_space<vmem_shared>>
      %dma_start3A_120 = tpu.memref_slice %arg6[%mul3A_15] : memref<10240xf32, #tpu.memory_space<vmem_shared>> -> memref<640xf32, #tpu.memory_space<vmem_shared>>
      tpu.enqueue_dma source(%arg9 : memref<640xf32, #tpu.memory_space<vmem>>) target(%dma_start3A_120 : memref<640xf32, #tpu.memory_space<vmem_shared>>) target_semaphore(%run_scoped3A_118 : memref<!tpu.dma_semaphore, #tpu.memory_space<semaphore_mem>>)
      %dma_wait3A_121 = tpu.memref_slice %arg6[%mul3A_15] : memref<10240xf32, #tpu.memory_space<vmem_shared>> -> memref<640xf32, #tpu.memory_space<vmem_shared>>
      %dma_wait3A_122 = tpu.memref_slice %arg6[%mul3A_15] : memref<10240xf32, #tpu.memory_space<vmem_shared>> -> memref<640xf32, #tpu.memory_space<vmem_shared>>
      tpu.wait_dma2 semaphore(%run_scoped3A_118 : memref<!tpu.dma_semaphore, #tpu.memory_space<semaphore_mem>>) src(%arg9 : memref<640xf32, #tpu.memory_space<vmem>>) dst(%dma_wait3A_122 : memref<640xf32, #tpu.memory_space<vmem_shared>>)
      tpu.yield
    }) : () -> ()
    %mul3A_16 = arith.constant 2 : i32
    %mul3A_17 = arith.muli %mul3A_16, %arg1 : i32
    %run_scoped3A = arith.constant 0 : i32
    "tpu.region"() ({
      %run_scoped3A_118 = tpu.sem_alloc : memref<!tpu.dma_semaphore, #tpu.memory_space<semaphore_mem>>
      %dma_start3A_119 = arith.constant 0 : i32
      %dma_start3A_120 = arith.constant 0 : i32
      %dma_start3A_121 = arith.constant 0 : i32
      %dma_start3A_122 = tpu.memref_slice %arg7[%run_scoped3A, %dma_start3A_119, %dma_start3A_120, %dma_start3A_121] : memref<2x2x41x128xi32, #tpu.memory_space<vmem>> -> memref<1x2x41x128xi32, #tpu.memory_space<vmem>>
      %dma_start3A_123 = tpu.memref_squeeze %dma_start3A_122 : memref<1x2x41x128xi32, #tpu.memory_space<vmem>> -> memref<2x41x128xi32, #tpu.memory_space<vmem>>
      %dma_start3A_124 = arith.constant 0 : i32
      %dma_start3A_125 = arith.constant 0 : i32
      %dma_start3A_126 = arith.constant 0 : i32
      %dma_start3A_127 = tpu.memref_slice %arg2[%mul3A_17, %dma_start3A_124, %dma_start3A_125, %dma_start3A_126] : memref<32x2x41x128xi32, #tpu.memory_space<hbm>> -> memref<1x2x41x128xi32, #tpu.memory_space<hbm>>
      %dma_start3A_128 = tpu.memref_squeeze %dma_start3A_127 : memref<1x2x41x128xi32, #tpu.memory_space<hbm>> -> memref<2x41x128xi32, #tpu.memory_space<hbm>>
      %dma_start3A_129 = arith.constant 0 : i32
      %dma_start3A_130 = arith.constant 0 : i32
      %dma_start3A_131 = arith.constant 0 : i32
      %dma_start3A_132 = tpu.memref_slice %arg7[%run_scoped3A, %dma_start3A_129, %dma_start3A_130, %dma_start3A_131] : memref<2x2x41x128xi32, #tpu.memory_space<vmem>> -> memref<1x2x41x128xi32, #tpu.memory_space<vmem>>
      %dma_start3A_133 = tpu.memref_squeeze %dma_start3A_132 : memref<1x2x41x128xi32, #tpu.memory_space<vmem>> -> memref<2x41x128xi32, #tpu.memory_space<vmem>>
      %dma_start3A_134 = arith.constant 0 : i32
      %dma_start3A_135 = arith.constant 0 : i32
      %dma_start3A_136 = arith.constant 0 : i32
      %dma_start3A_137 = tpu.memref_slice %arg2[%mul3A_17, %dma_start3A_134, %dma_start3A_135, %dma_start3A_136] : memref<32x2x41x128xi32, #tpu.memory_space<hbm>> -> memref<1x2x41x128xi32, #tpu.memory_space<hbm>>
      %dma_start3A_138 = tpu.memref_squeeze %dma_start3A_137 : memref<1x2x41x128xi32, #tpu.memory_space<hbm>> -> memref<2x41x128xi32, #tpu.memory_space<hbm>>
      tpu.enqueue_dma source(%dma_start3A_138 : memref<2x41x128xi32, #tpu.memory_space<hbm>>) target(%dma_start3A_133 : memref<2x41x128xi32, #tpu.memory_space<vmem>>) target_semaphore(%run_scoped3A_118 : memref<!tpu.dma_semaphore, #tpu.memory_space<semaphore_mem>>)
      %dma_wait3A_139 = arith.constant 0 : i32
      %dma_wait3A_140 = arith.constant 0 : i32
      %dma_wait3A_141 = arith.constant 0 : i32
      %dma_wait3A_142 = tpu.memref_slice %arg7[%run_scoped3A, %dma_wait3A_139, %dma_wait3A_140, %dma_wait3A_141] : memref<2x2x41x128xi32, #tpu.memory_space<vmem>> -> memref<1x2x41x128xi32, #tpu.memory_space<vmem>>
      %dma_wait3A_143 = tpu.memref_squeeze %dma_wait3A_142 : memref<1x2x41x128xi32, #tpu.memory_space<vmem>> -> memref<2x41x128xi32, #tpu.memory_space<vmem>>
      %dma_wait3A_144 = arith.constant 0 : i32
      %dma_wait3A_145 = arith.constant 0 : i32
      %dma_wait3A_146 = arith.constant 0 : i32
      %dma_wait3A_147 = tpu.memref_slice %arg2[%mul3A_17, %dma_wait3A_144, %dma_wait3A_145, %dma_wait3A_146] : memref<32x2x41x128xi32, #tpu.memory_space<hbm>> -> memref<1x2x41x128xi32, #tpu.memory_space<hbm>>
      %dma_wait3A_148 = tpu.memref_squeeze %dma_wait3A_147 : memref<1x2x41x128xi32, #tpu.memory_space<hbm>> -> memref<2x41x128xi32, #tpu.memory_space<hbm>>
      %dma_wait3A_149 = arith.constant 0 : i32
      %dma_wait3A_150 = arith.constant 0 : i32
      %dma_wait3A_151 = arith.constant 0 : i32
      %dma_wait3A_152 = tpu.memref_slice %arg7[%run_scoped3A, %dma_wait3A_149, %dma_wait3A_150, %dma_wait3A_151] : memref<2x2x41x128xi32, #tpu.memory_space<vmem>> -> memref<1x2x41x128xi32, #tpu.memory_space<vmem>>
      %dma_wait3A_153 = tpu.memref_squeeze %dma_wait3A_152 : memref<1x2x41x128xi32, #tpu.memory_space<vmem>> -> memref<2x41x128xi32, #tpu.memory_space<vmem>>
      %dma_wait3A_154 = arith.constant 0 : i32
      %dma_wait3A_155 = arith.constant 0 : i32
      %dma_wait3A_156 = arith.constant 0 : i32
      %dma_wait3A_157 = tpu.memref_slice %arg2[%mul3A_17, %dma_wait3A_154, %dma_wait3A_155, %dma_wait3A_156] : memref<32x2x41x128xi32, #tpu.memory_space<hbm>> -> memref<1x2x41x128xi32, #tpu.memory_space<hbm>>
      %dma_wait3A_158 = tpu.memref_squeeze %dma_wait3A_157 : memref<1x2x41x128xi32, #tpu.memory_space<hbm>> -> memref<2x41x128xi32, #tpu.memory_space<hbm>>
      tpu.wait_dma2 semaphore(%run_scoped3A_118 : memref<!tpu.dma_semaphore, #tpu.memory_space<semaphore_mem>>) src(%dma_wait3A_158 : memref<2x41x128xi32, #tpu.memory_space<hbm>>) dst(%dma_wait3A_153 : memref<2x41x128xi32, #tpu.memory_space<vmem>>)
      tpu.yield
    }) : () -> ()
    %mul3A_18 = arith.constant 2 : i32
    %mul3A_19 = arith.muli %mul3A_18, %arg1 : i32
    %add3A_20 = arith.constant 1 : i32
    %add3A_21 = arith.addi %mul3A_19, %add3A_20 : i32
    %run_scoped3A_22 = arith.constant 1 : i32
    "tpu.region"() ({
      %run_scoped3A_118 = tpu.sem_alloc : memref<!tpu.dma_semaphore, #tpu.memory_space<semaphore_mem>>
      %dma_start3A_119 = arith.constant 0 : i32
      %dma_start3A_120 = arith.constant 0 : i32
      %dma_start3A_121 = arith.constant 0 : i32
      %dma_start3A_122 = tpu.memref_slice %arg7[%run_scoped3A_22, %dma_start3A_119, %dma_start3A_120, %dma_start3A_121] : memref<2x2x41x128xi32, #tpu.memory_space<vmem>> -> memref<1x2x41x128xi32, #tpu.memory_space<vmem>>
      %dma_start3A_123 = tpu.memref_squeeze %dma_start3A_122 : memref<1x2x41x128xi32, #tpu.memory_space<vmem>> -> memref<2x41x128xi32, #tpu.memory_space<vmem>>
      %dma_start3A_124 = arith.constant 0 : i32
      %dma_start3A_125 = arith.constant 0 : i32
      %dma_start3A_126 = arith.constant 0 : i32
      %dma_start3A_127 = tpu.memref_slice %arg2[%add3A_21, %dma_start3A_124, %dma_start3A_125, %dma_start3A_126] : memref<32x2x41x128xi32, #tpu.memory_space<hbm>> -> memref<1x2x41x128xi32, #tpu.memory_space<hbm>>
      %dma_start3A_128 = tpu.memref_squeeze %dma_start3A_127 : memref<1x2x41x128xi32, #tpu.memory_space<hbm>> -> memref<2x41x128xi32, #tpu.memory_space<hbm>>
      %dma_start3A_129 = arith.constant 0 : i32
      %dma_start3A_130 = arith.constant 0 : i32
      %dma_start3A_131 = arith.constant 0 : i32
      %dma_start3A_132 = tpu.memref_slice %arg7[%run_scoped3A_22, %dma_start3A_129, %dma_start3A_130, %dma_start3A_131] : memref<2x2x41x128xi32, #tpu.memory_space<vmem>> -> memref<1x2x41x128xi32, #tpu.memory_space<vmem>>
      %dma_start3A_133 = tpu.memref_squeeze %dma_start3A_132 : memref<1x2x41x128xi32, #tpu.memory_space<vmem>> -> memref<2x41x128xi32, #tpu.memory_space<vmem>>
      %dma_start3A_134 = arith.constant 0 : i32
      %dma_start3A_135 = arith.constant 0 : i32
      %dma_start3A_136 = arith.constant 0 : i32
      %dma_start3A_137 = tpu.memref_slice %arg2[%add3A_21, %dma_start3A_134, %dma_start3A_135, %dma_start3A_136] : memref<32x2x41x128xi32, #tpu.memory_space<hbm>> -> memref<1x2x41x128xi32, #tpu.memory_space<hbm>>
      %dma_start3A_138 = tpu.memref_squeeze %dma_start3A_137 : memref<1x2x41x128xi32, #tpu.memory_space<hbm>> -> memref<2x41x128xi32, #tpu.memory_space<hbm>>
      tpu.enqueue_dma source(%dma_start3A_138 : memref<2x41x128xi32, #tpu.memory_space<hbm>>) target(%dma_start3A_133 : memref<2x41x128xi32, #tpu.memory_space<vmem>>) target_semaphore(%run_scoped3A_118 : memref<!tpu.dma_semaphore, #tpu.memory_space<semaphore_mem>>)
      %dma_wait3A_139 = arith.constant 0 : i32
      %dma_wait3A_140 = arith.constant 0 : i32
      %dma_wait3A_141 = arith.constant 0 : i32
      %dma_wait3A_142 = tpu.memref_slice %arg7[%run_scoped3A_22, %dma_wait3A_139, %dma_wait3A_140, %dma_wait3A_141] : memref<2x2x41x128xi32, #tpu.memory_space<vmem>> -> memref<1x2x41x128xi32, #tpu.memory_space<vmem>>
      %dma_wait3A_143 = tpu.memref_squeeze %dma_wait3A_142 : memref<1x2x41x128xi32, #tpu.memory_space<vmem>> -> memref<2x41x128xi32, #tpu.memory_space<vmem>>
      %dma_wait3A_144 = arith.constant 0 : i32
      %dma_wait3A_145 = arith.constant 0 : i32
      %dma_wait3A_146 = arith.constant 0 : i32
      %dma_wait3A_147 = tpu.memref_slice %arg2[%add3A_21, %dma_wait3A_144, %dma_wait3A_145, %dma_wait3A_146] : memref<32x2x41x128xi32, #tpu.memory_space<hbm>> -> memref<1x2x41x128xi32, #tpu.memory_space<hbm>>
      %dma_wait3A_148 = tpu.memref_squeeze %dma_wait3A_147 : memref<1x2x41x128xi32, #tpu.memory_space<hbm>> -> memref<2x41x128xi32, #tpu.memory_space<hbm>>
      %dma_wait3A_149 = arith.constant 0 : i32
      %dma_wait3A_150 = arith.constant 0 : i32
      %dma_wait3A_151 = arith.constant 0 : i32
      %dma_wait3A_152 = tpu.memref_slice %arg7[%run_scoped3A_22, %dma_wait3A_149, %dma_wait3A_150, %dma_wait3A_151] : memref<2x2x41x128xi32, #tpu.memory_space<vmem>> -> memref<1x2x41x128xi32, #tpu.memory_space<vmem>>
      %dma_wait3A_153 = tpu.memref_squeeze %dma_wait3A_152 : memref<1x2x41x128xi32, #tpu.memory_space<vmem>> -> memref<2x41x128xi32, #tpu.memory_space<vmem>>
      %dma_wait3A_154 = arith.constant 0 : i32
      %dma_wait3A_155 = arith.constant 0 : i32
      %dma_wait3A_156 = arith.constant 0 : i32
      %dma_wait3A_157 = tpu.memref_slice %arg2[%add3A_21, %dma_wait3A_154, %dma_wait3A_155, %dma_wait3A_156] : memref<32x2x41x128xi32, #tpu.memory_space<hbm>> -> memref<1x2x41x128xi32, #tpu.memory_space<hbm>>
      %dma_wait3A_158 = tpu.memref_squeeze %dma_wait3A_157 : memref<1x2x41x128xi32, #tpu.memory_space<hbm>> -> memref<2x41x128xi32, #tpu.memory_space<hbm>>
      tpu.wait_dma2 semaphore(%run_scoped3A_118 : memref<!tpu.dma_semaphore, #tpu.memory_space<semaphore_mem>>) src(%dma_wait3A_158 : memref<2x41x128xi32, #tpu.memory_space<hbm>>) dst(%dma_wait3A_153 : memref<2x41x128xi32, #tpu.memory_space<vmem>>)
      tpu.yield
    }) : () -> ()
    %barrier3A = arith.constant 0 : index
    tpu.barrier barrier_id(%barrier3A)
    %mul3A_23 = arith.constant 320 : i32
    %mul3A_24 = arith.muli %add3A, %mul3A_23 : i32
    %dma_start3A = arith.constant 0 : i32
    %dma_start3A_25 = tpu.memref_slice %arg3[%mul3A_24, %dma_start3A] : memref<10240x128xf32, #tpu.memory_space<hbm>> -> memref<320x128xf32, #tpu.memory_space<hbm>>
    %dma_start3A_26 = arith.constant 0 : i32
    %dma_start3A_27 = tpu.memref_slice %arg3[%mul3A_24, %dma_start3A_26] : memref<10240x128xf32, #tpu.memory_space<hbm>> -> memref<320x128xf32, #tpu.memory_space<hbm>>
    tpu.enqueue_dma source(%dma_start3A_27 : memref<320x128xf32, #tpu.memory_space<hbm>>) target(%arg11 : memref<320x128xf32, #tpu.memory_space<vmem>>) target_semaphore(%arg13 : memref<!tpu.dma_semaphore, #tpu.memory_space<semaphore_mem>>)
    %scan3A_28 = arith.constant 0 : i32
    %scan3A_29 = arith.constant 0 : i32
    %scan3A_30 = arith.constant 41 : i32
    %scan3A_31 = arith.addi %scan3A_29, %scan3A_30 : i32
    %scan3A_32 = arith.constant 1 : i32
    %scan3A_33 = scf.for %scan3A_118 = %scan3A_29 to %scan3A_31 step %scan3A_32 iter_args(%scan3A_119 = %scan3A_28) -> (i32)  : i32 {
      %dma_start3A_120 = arith.constant 0 : i32
      %dma_start3A_121 = arith.constant 0 : i32
      %dma_start3A_122 = arith.constant 0 : i32
      %dma_start3A_123 = tpu.memref_slice %arg7[%dma_start3A_120, %dma_start3A_121, %scan3A_118, %dma_start3A_122] : memref<2x2x41x128xi32, #tpu.memory_space<vmem>> -> memref<1x1x1x128xi32, #tpu.memory_space<vmem>>
      %dma_start3A_124 = tpu.memref_squeeze %dma_start3A_123 : memref<1x1x1x128xi32, #tpu.memory_space<vmem>> -> memref<128xi32, #tpu.memory_space<vmem>>
      %dma_start3A_125 = arith.constant 0 : i32
      %dma_start3A_126 = tpu.memref_slice %arg6[%dma_start3A_125] : memref<10240xf32, #tpu.memory_space<vmem_shared>> -> memref<10240xf32, #tpu.memory_space<vmem_shared>>
      tpu.enqueue_indirect_dma source(%arg8 : memref<128xf32, #tpu.memory_space<vmem>>) target(%dma_start3A_126 : memref<10240xf32, #tpu.memory_space<vmem_shared>>) offsets(%dma_start3A_124 : memref<128xi32, #tpu.memory_space<vmem>>) semaphore(%arg12 : memref<!tpu.dma_semaphore, #tpu.memory_space<semaphore_mem>>) {add = true}
      %scan3A_127 = arith.constant 0 : i32
      scf.yield %scan3A_127 : i32
    }
    %scan3A_34 = arith.constant 41 : i32
    %scan3A_35 = arith.constant 0 : i32
    %scan3A_36 = arith.constant 0 : i32
    %scan3A_37 = arith.constant 41 : i32
    %scan3A_38 = arith.addi %scan3A_36, %scan3A_37 : i32
    %scan3A_39 = arith.constant 1 : i32
    %scan3A_40 = scf.for %scan3A_118 = %scan3A_36 to %scan3A_38 step %scan3A_39 iter_args(%scan3A_119 = %scan3A_35) -> (i32)  : i32 {
      %dma_start3A_120 = arith.constant 0 : i32
      %dma_start3A_121 = arith.constant 1 : i32
      %dma_start3A_122 = arith.constant 0 : i32
      %dma_start3A_123 = tpu.memref_slice %arg7[%dma_start3A_120, %dma_start3A_121, %scan3A_118, %dma_start3A_122] : memref<2x2x41x128xi32, #tpu.memory_space<vmem>> -> memref<1x1x1x128xi32, #tpu.memory_space<vmem>>
      %dma_start3A_124 = tpu.memref_squeeze %dma_start3A_123 : memref<1x1x1x128xi32, #tpu.memory_space<vmem>> -> memref<128xi32, #tpu.memory_space<vmem>>
      %dma_start3A_125 = arith.constant 0 : i32
      %dma_start3A_126 = tpu.memref_slice %arg6[%dma_start3A_125] : memref<10240xf32, #tpu.memory_space<vmem_shared>> -> memref<10240xf32, #tpu.memory_space<vmem_shared>>
      tpu.enqueue_indirect_dma source(%arg8 : memref<128xf32, #tpu.memory_space<vmem>>) target(%dma_start3A_126 : memref<10240xf32, #tpu.memory_space<vmem_shared>>) offsets(%dma_start3A_124 : memref<128xi32, #tpu.memory_space<vmem>>) semaphore(%arg12 : memref<!tpu.dma_semaphore, #tpu.memory_space<semaphore_mem>>) {add = true}
      %scan3A_127 = arith.constant 0 : i32
      scf.yield %scan3A_127 : i32
    }
    %scan3A_41 = arith.constant 41 : i32
    %scan3A_42 = arith.constant 0 : i32
    %scan3A_43 = arith.constant 0 : i32
    %scan3A_44 = arith.constant 41 : i32
    %scan3A_45 = arith.addi %scan3A_43, %scan3A_44 : i32
    %scan3A_46 = arith.constant 1 : i32
    %scan3A_47 = scf.for %scan3A_118 = %scan3A_43 to %scan3A_45 step %scan3A_46 iter_args(%scan3A_119 = %scan3A_42) -> (i32)  : i32 {
      %dma_start3A_120 = arith.constant 1 : i32
      %dma_start3A_121 = arith.constant 0 : i32
      %dma_start3A_122 = arith.constant 0 : i32
      %dma_start3A_123 = tpu.memref_slice %arg7[%dma_start3A_120, %dma_start3A_121, %scan3A_118, %dma_start3A_122] : memref<2x2x41x128xi32, #tpu.memory_space<vmem>> -> memref<1x1x1x128xi32, #tpu.memory_space<vmem>>
      %dma_start3A_124 = tpu.memref_squeeze %dma_start3A_123 : memref<1x1x1x128xi32, #tpu.memory_space<vmem>> -> memref<128xi32, #tpu.memory_space<vmem>>
      %dma_start3A_125 = arith.constant 0 : i32
      %dma_start3A_126 = tpu.memref_slice %arg6[%dma_start3A_125] : memref<10240xf32, #tpu.memory_space<vmem_shared>> -> memref<10240xf32, #tpu.memory_space<vmem_shared>>
      tpu.enqueue_indirect_dma source(%arg8 : memref<128xf32, #tpu.memory_space<vmem>>) target(%dma_start3A_126 : memref<10240xf32, #tpu.memory_space<vmem_shared>>) offsets(%dma_start3A_124 : memref<128xi32, #tpu.memory_space<vmem>>) semaphore(%arg12 : memref<!tpu.dma_semaphore, #tpu.memory_space<semaphore_mem>>) {add = true}
      %scan3A_127 = arith.constant 0 : i32
      scf.yield %scan3A_127 : i32
    }
    %scan3A_48 = arith.constant 41 : i32
    %scan3A_49 = arith.constant 0 : i32
    %scan3A_50 = arith.constant 0 : i32
    %scan3A_51 = arith.constant 41 : i32
    %scan3A_52 = arith.addi %scan3A_50, %scan3A_51 : i32
    %scan3A_53 = arith.constant 1 : i32
    %scan3A_54 = scf.for %scan3A_118 = %scan3A_50 to %scan3A_52 step %scan3A_53 iter_args(%scan3A_119 = %scan3A_49) -> (i32)  : i32 {
      %dma_start3A_120 = arith.constant 1 : i32
      %dma_start3A_121 = arith.constant 1 : i32
      %dma_start3A_122 = arith.constant 0 : i32
      %dma_start3A_123 = tpu.memref_slice %arg7[%dma_start3A_120, %dma_start3A_121, %scan3A_118, %dma_start3A_122] : memref<2x2x41x128xi32, #tpu.memory_space<vmem>> -> memref<1x1x1x128xi32, #tpu.memory_space<vmem>>
      %dma_start3A_124 = tpu.memref_squeeze %dma_start3A_123 : memref<1x1x1x128xi32, #tpu.memory_space<vmem>> -> memref<128xi32, #tpu.memory_space<vmem>>
      %dma_start3A_125 = arith.constant 0 : i32
      %dma_start3A_126 = tpu.memref_slice %arg6[%dma_start3A_125] : memref<10240xf32, #tpu.memory_space<vmem_shared>> -> memref<10240xf32, #tpu.memory_space<vmem_shared>>
      tpu.enqueue_indirect_dma source(%arg8 : memref<128xf32, #tpu.memory_space<vmem>>) target(%dma_start3A_126 : memref<10240xf32, #tpu.memory_space<vmem_shared>>) offsets(%dma_start3A_124 : memref<128xi32, #tpu.memory_space<vmem>>) semaphore(%arg12 : memref<!tpu.dma_semaphore, #tpu.memory_space<semaphore_mem>>) {add = true}
      %scan3A_127 = arith.constant 0 : i32
      scf.yield %scan3A_127 : i32
    }
    %scan3A_55 = arith.constant 41 : i32
    %dma_wait3A = arith.constant 0 : i32
    %dma_wait3A_56 = arith.constant 0 : i32
    %dma_wait3A_57 = arith.constant 0 : i32
    %dma_wait3A_58 = arith.constant 0 : i32
    %dma_wait3A_59 = arith.constant 0 : i32
    %dma_wait3A_60 = tpu.memref_slice %arg7[%dma_wait3A_56, %dma_wait3A_57, %dma_wait3A_58, %dma_wait3A_59] : memref<2x2x41x128xi32, #tpu.memory_space<vmem>> -> memref<1x2x41x128xi32, #tpu.memory_space<vmem>>
    %dma_wait3A_61 = tpu.memref_squeeze %dma_wait3A_60 : memref<1x2x41x128xi32, #tpu.memory_space<vmem>> -> memref<2x41x128xi32, #tpu.memory_space<vmem>>
    %dma_wait3A_62 = arith.constant 0 : i32
    %dma_wait3A_63 = arith.constant 0 : i32
    %dma_wait3A_64 = arith.constant 0 : i32
    %dma_wait3A_65 = tpu.memref_slice %arg2[%dma_wait3A, %dma_wait3A_62, %dma_wait3A_63, %dma_wait3A_64] : memref<32x2x41x128xi32, #tpu.memory_space<hbm>> -> memref<1x2x41x128xi32, #tpu.memory_space<hbm>>
    %dma_wait3A_66 = tpu.memref_squeeze %dma_wait3A_65 : memref<1x2x41x128xi32, #tpu.memory_space<hbm>> -> memref<2x41x128xi32, #tpu.memory_space<hbm>>
    %dma_wait3A_67 = arith.constant 0 : i32
    %dma_wait3A_68 = arith.constant 0 : i32
    %dma_wait3A_69 = arith.constant 0 : i32
    %dma_wait3A_70 = tpu.memref_slice %arg7[%dma_wait3A_56, %dma_wait3A_67, %dma_wait3A_68, %dma_wait3A_69] : memref<2x2x41x128xi32, #tpu.memory_space<vmem>> -> memref<1x2x41x128xi32, #tpu.memory_space<vmem>>
    %dma_wait3A_71 = tpu.memref_squeeze %dma_wait3A_70 : memref<1x2x41x128xi32, #tpu.memory_space<vmem>> -> memref<2x41x128xi32, #tpu.memory_space<vmem>>
    %dma_wait3A_72 = arith.constant 0 : i32
    %dma_wait3A_73 = arith.constant 0 : i32
    %dma_wait3A_74 = arith.constant 0 : i32
    %dma_wait3A_75 = tpu.memref_slice %arg2[%dma_wait3A, %dma_wait3A_72, %dma_wait3A_73, %dma_wait3A_74] : memref<32x2x41x128xi32, #tpu.memory_space<hbm>> -> memref<1x2x41x128xi32, #tpu.memory_space<hbm>>
    %dma_wait3A_76 = tpu.memref_squeeze %dma_wait3A_75 : memref<1x2x41x128xi32, #tpu.memory_space<hbm>> -> memref<2x41x128xi32, #tpu.memory_space<hbm>>
    tpu.wait_dma2 semaphore(%arg12 : memref<!tpu.dma_semaphore, #tpu.memory_space<semaphore_mem>>) src(%dma_wait3A_76 : memref<2x41x128xi32, #tpu.memory_space<hbm>>) dst(%dma_wait3A_71 : memref<2x41x128xi32, #tpu.memory_space<vmem>>)
    %dma_wait3A_77 = arith.constant 0 : i32
    %dma_wait3A_78 = arith.constant 1 : i32
    %dma_wait3A_79 = arith.constant 0 : i32
    %dma_wait3A_80 = arith.constant 0 : i32
    %dma_wait3A_81 = arith.constant 0 : i32
    %dma_wait3A_82 = tpu.memref_slice %arg7[%dma_wait3A_78, %dma_wait3A_79, %dma_wait3A_80, %dma_wait3A_81] : memref<2x2x41x128xi32, #tpu.memory_space<vmem>> -> memref<1x2x41x128xi32, #tpu.memory_space<vmem>>
    %dma_wait3A_83 = tpu.memref_squeeze %dma_wait3A_82 : memref<1x2x41x128xi32, #tpu.memory_space<vmem>> -> memref<2x41x128xi32, #tpu.memory_space<vmem>>
    %dma_wait3A_84 = arith.constant 0 : i32
    %dma_wait3A_85 = arith.constant 0 : i32
    %dma_wait3A_86 = arith.constant 0 : i32
    %dma_wait3A_87 = tpu.memref_slice %arg2[%dma_wait3A_77, %dma_wait3A_84, %dma_wait3A_85, %dma_wait3A_86] : memref<32x2x41x128xi32, #tpu.memory_space<hbm>> -> memref<1x2x41x128xi32, #tpu.memory_space<hbm>>
    %dma_wait3A_88 = tpu.memref_squeeze %dma_wait3A_87 : memref<1x2x41x128xi32, #tpu.memory_space<hbm>> -> memref<2x41x128xi32, #tpu.memory_space<hbm>>
    %dma_wait3A_89 = arith.constant 0 : i32
    %dma_wait3A_90 = arith.constant 0 : i32
    %dma_wait3A_91 = arith.constant 0 : i32
    %dma_wait3A_92 = tpu.memref_slice %arg7[%dma_wait3A_78, %dma_wait3A_89, %dma_wait3A_90, %dma_wait3A_91] : memref<2x2x41x128xi32, #tpu.memory_space<vmem>> -> memref<1x2x41x128xi32, #tpu.memory_space<vmem>>
    %dma_wait3A_93 = tpu.memref_squeeze %dma_wait3A_92 : memref<1x2x41x128xi32, #tpu.memory_space<vmem>> -> memref<2x41x128xi32, #tpu.memory_space<vmem>>
    %dma_wait3A_94 = arith.constant 0 : i32
    %dma_wait3A_95 = arith.constant 0 : i32
    %dma_wait3A_96 = arith.constant 0 : i32
    %dma_wait3A_97 = tpu.memref_slice %arg2[%dma_wait3A_77, %dma_wait3A_94, %dma_wait3A_95, %dma_wait3A_96] : memref<32x2x41x128xi32, #tpu.memory_space<hbm>> -> memref<1x2x41x128xi32, #tpu.memory_space<hbm>>
    %dma_wait3A_98 = tpu.memref_squeeze %dma_wait3A_97 : memref<1x2x41x128xi32, #tpu.memory_space<hbm>> -> memref<2x41x128xi32, #tpu.memory_space<hbm>>
    tpu.wait_dma2 semaphore(%arg12 : memref<!tpu.dma_semaphore, #tpu.memory_space<semaphore_mem>>) src(%dma_wait3A_98 : memref<2x41x128xi32, #tpu.memory_space<hbm>>) dst(%dma_wait3A_93 : memref<2x41x128xi32, #tpu.memory_space<vmem>>)
    %barrier3A_99 = arith.constant 0 : index
    tpu.barrier barrier_id(%barrier3A_99)
    "tpu.region"() ({
      %run_scoped3A_118 = tpu.sem_alloc : memref<!tpu.dma_semaphore, #tpu.memory_space<semaphore_mem>>
      %dma_start3A_119 = tpu.memref_slice %arg6[%mul3A_24] : memref<10240xf32, #tpu.memory_space<vmem_shared>> -> memref<320xf32, #tpu.memory_space<vmem_shared>>
      %dma_start3A_120 = tpu.memref_slice %arg6[%mul3A_24] : memref<10240xf32, #tpu.memory_space<vmem_shared>> -> memref<320xf32, #tpu.memory_space<vmem_shared>>
      tpu.enqueue_dma source(%dma_start3A_120 : memref<320xf32, #tpu.memory_space<vmem_shared>>) target(%arg10 : memref<320xf32, #tpu.memory_space<vmem>>) target_semaphore(%run_scoped3A_118 : memref<!tpu.dma_semaphore, #tpu.memory_space<semaphore_mem>>)
      %dma_wait3A_121 = tpu.memref_slice %arg6[%mul3A_24] : memref<10240xf32, #tpu.memory_space<vmem_shared>> -> memref<320xf32, #tpu.memory_space<vmem_shared>>
      %dma_wait3A_122 = tpu.memref_slice %arg6[%mul3A_24] : memref<10240xf32, #tpu.memory_space<vmem_shared>> -> memref<320xf32, #tpu.memory_space<vmem_shared>>
      tpu.wait_dma2 semaphore(%run_scoped3A_118 : memref<!tpu.dma_semaphore, #tpu.memory_space<semaphore_mem>>) src(%dma_wait3A_122 : memref<320xf32, #tpu.memory_space<vmem_shared>>) dst(%arg10 : memref<320xf32, #tpu.memory_space<vmem>>)
      tpu.yield
    }) : () -> ()
    %scan3A_100 = arith.constant 0 : i32
    %scan3A_101 = arith.constant 0 : i32
    %scan3A_102 = arith.constant 20 : i32
    %scan3A_103 = arith.addi %scan3A_101, %scan3A_102 : i32
    %scan3A_104 = arith.constant 1 : i32
    %scan3A_105 = scf.for %scan3A_118 = %scan3A_101 to %scan3A_103 step %scan3A_104 iter_args(%scan3A_119 = %scan3A_100) -> (i32)  : i32 {
      %mul3A_120 = arith.constant 16 : i32
      %mul3A_121 = arith.muli %scan3A_118, %mul3A_120 : i32
      %get3A = arith.index_cast %mul3A_121 : i32 to index
      %get3A_122 = tpu.vector_load %arg10[%get3A] {strides = array<i32>} : memref<320xf32, #tpu.memory_space<vmem>>, vector<16xf32>,
      %max3A = arith.constant 1.000000e+00 : f32
      %max3A_123 = vector.broadcast %max3A : f32 to vector<16xf32>
      %max3A_124 = arith.maximumf %get3A_122, %max3A_123 : vector<16xf32>
      %bitcast_convert_type3A = tpu.bitcast %max3A_124 : vector<16xf32> -> vector<16xi32>
      %shift_right_arithmetic3A = arith.constant 1 : i32
      %shift_right_arithmetic3A_125 = vector.broadcast %shift_right_arithmetic3A : i32 to vector<16xi32>
      %shift_right_arithmetic3A_126 = arith.shrsi %bitcast_convert_type3A, %shift_right_arithmetic3A_125 : vector<16xi32>
      %sub3A = arith.constant 1597463007 : i32
      %sub3A_127 = vector.broadcast %sub3A : i32 to vector<16xi32>
      %sub3A_128 = arith.subi %sub3A_127, %shift_right_arithmetic3A_126 : vector<16xi32>
      %bitcast_convert_type3A_129 = tpu.bitcast %sub3A_128 : vector<16xi32> -> vector<16xf32>
      %mul3A_130 = arith.constant 5.000000e-01 : f32
      %mul3A_131 = vector.broadcast %mul3A_130 : f32 to vector<16xf32>
      %mul3A_132 = arith.mulf %mul3A_131, %max3A_124 : vector<16xf32>
      %mul3A_133 = arith.mulf %mul3A_132, %bitcast_convert_type3A_129 : vector<16xf32>
      %mul3A_134 = arith.mulf %mul3A_133, %bitcast_convert_type3A_129 : vector<16xf32>
      %sub3A_135 = arith.constant 1.500000e+00 : f32
      %sub3A_136 = vector.broadcast %sub3A_135 : f32 to vector<16xf32>
      %sub3A_137 = arith.subf %sub3A_136, %mul3A_134 : vector<16xf32>
      %mul3A_138 = arith.mulf %bitcast_convert_type3A_129, %sub3A_137 : vector<16xf32>
      %mul3A_139 = arith.constant 5.000000e-01 : f32
      %mul3A_140 = vector.broadcast %mul3A_139 : f32 to vector<16xf32>
      %mul3A_141 = arith.mulf %mul3A_140, %max3A_124 : vector<16xf32>
      %mul3A_142 = arith.mulf %mul3A_141, %mul3A_138 : vector<16xf32>
      %mul3A_143 = arith.mulf %mul3A_142, %mul3A_138 : vector<16xf32>
      %sub3A_144 = arith.constant 1.500000e+00 : f32
      %sub3A_145 = vector.broadcast %sub3A_144 : f32 to vector<16xf32>
      %sub3A_146 = arith.subf %sub3A_145, %mul3A_143 : vector<16xf32>
      %mul3A_147 = arith.mulf %mul3A_138, %sub3A_146 : vector<16xf32>
      %mul3A_148 = arith.constant 5.000000e-01 : f32
      %mul3A_149 = vector.broadcast %mul3A_148 : f32 to vector<16xf32>
      %mul3A_150 = arith.mulf %mul3A_149, %max3A_124 : vector<16xf32>
      %mul3A_151 = arith.mulf %mul3A_150, %mul3A_147 : vector<16xf32>
      %mul3A_152 = arith.mulf %mul3A_151, %mul3A_147 : vector<16xf32>
      %sub3A_153 = arith.constant 1.500000e+00 : f32
      %sub3A_154 = vector.broadcast %sub3A_153 : f32 to vector<16xf32>
      %sub3A_155 = arith.subf %sub3A_154, %mul3A_152 : vector<16xf32>
      %mul3A_156 = arith.mulf %mul3A_147, %sub3A_155 : vector<16xf32>
      %mul3A_157 = arith.constant 5.000000e-01 : f32
      %mul3A_158 = vector.broadcast %mul3A_157 : f32 to vector<16xf32>
      %mul3A_159 = arith.mulf %mul3A_158, %max3A_124 : vector<16xf32>
      %mul3A_160 = arith.mulf %mul3A_159, %mul3A_156 : vector<16xf32>
      %mul3A_161 = arith.mulf %mul3A_160, %mul3A_156 : vector<16xf32>
      %sub3A_162 = arith.constant 1.500000e+00 : f32
      %sub3A_163 = vector.broadcast %sub3A_162 : f32 to vector<16xf32>
      %sub3A_164 = arith.subf %sub3A_163, %mul3A_161 : vector<16xf32>
      %mul3A_165 = arith.mulf %mul3A_156, %sub3A_164 : vector<16xf32>
      %mul3A_166 = arith.constant 16 : i32
      %mul3A_167 = arith.muli %scan3A_118, %mul3A_166 : i32
      %swap3A = arith.index_cast %mul3A_167 : i32 to index
      %swap3A_168 = tpu.vector_load %arg10[%swap3A] {strides = array<i32>} : memref<320xf32, #tpu.memory_space<vmem>>, vector<16xf32>,
      tpu.vector_store %arg10[%swap3A], %mul3A_165 {strides = array<i32>} : memref<320xf32, #tpu.memory_space<vmem>>, vector<16xf32>,
      %scan3A_169 = arith.constant 0 : i32
      scf.yield %scan3A_169 : i32
    }
    %scan3A_106 = arith.constant 20 : i32
    "tpu.region"() ({
      %run_scoped3A_118 = tpu.sem_alloc : memref<!tpu.dma_semaphore, #tpu.memory_space<semaphore_mem>>
      %dma_start3A_119 = tpu.memref_slice %arg4[%mul3A_24] : memref<10240xf32, #tpu.memory_space<hbm>> -> memref<320xf32, #tpu.memory_space<hbm>>
      %dma_start3A_120 = tpu.memref_slice %arg4[%mul3A_24] : memref<10240xf32, #tpu.memory_space<hbm>> -> memref<320xf32, #tpu.memory_space<hbm>>
      tpu.enqueue_dma source(%arg10 : memref<320xf32, #tpu.memory_space<vmem>>) target(%dma_start3A_120 : memref<320xf32, #tpu.memory_space<hbm>>) target_semaphore(%run_scoped3A_118 : memref<!tpu.dma_semaphore, #tpu.memory_space<semaphore_mem>>)
      %dma_wait3A_121 = tpu.memref_slice %arg4[%mul3A_24] : memref<10240xf32, #tpu.memory_space<hbm>> -> memref<320xf32, #tpu.memory_space<hbm>>
      %dma_wait3A_122 = tpu.memref_slice %arg4[%mul3A_24] : memref<10240xf32, #tpu.memory_space<hbm>> -> memref<320xf32, #tpu.memory_space<hbm>>
      tpu.wait_dma2 semaphore(%run_scoped3A_118 : memref<!tpu.dma_semaphore, #tpu.memory_space<semaphore_mem>>) src(%arg10 : memref<320xf32, #tpu.memory_space<vmem>>) dst(%dma_wait3A_122 : memref<320xf32, #tpu.memory_space<hbm>>)
      tpu.yield
    }) : () -> ()
    %dma_wait3A_107 = arith.constant 0 : i32
    %dma_wait3A_108 = tpu.memref_slice %arg3[%mul3A_24, %dma_wait3A_107] : memref<10240x128xf32, #tpu.memory_space<hbm>> -> memref<320x128xf32, #tpu.memory_space<hbm>>
    %dma_wait3A_109 = arith.constant 0 : i32
    %dma_wait3A_110 = tpu.memref_slice %arg3[%mul3A_24, %dma_wait3A_109] : memref<10240x128xf32, #tpu.memory_space<hbm>> -> memref<320x128xf32, #tpu.memory_space<hbm>>
    tpu.wait_dma2 semaphore(%arg13 : memref<!tpu.dma_semaphore, #tpu.memory_space<semaphore_mem>>) src(%dma_wait3A_110 : memref<320x128xf32, #tpu.memory_space<hbm>>) dst(%arg11 : memref<320x128xf32, #tpu.memory_space<vmem>>)
    %scan3A_111 = arith.constant 0 : i32
    %scan3A_112 = arith.constant 0 : i32
    %scan3A_113 = arith.constant 320 : i32
    %scan3A_114 = arith.addi %scan3A_112, %scan3A_113 : i32
    %scan3A_115 = arith.constant 1 : i32
    %scan3A_116 = scf.for %scan3A_118 = %scan3A_112 to %scan3A_114 step %scan3A_115 iter_args(%scan3A_119 = %scan3A_111) -> (i32)  : i32 {
      %broadcast_in_dim3A = vector.broadcast %scan3A_118 : i32 to vector<16xi32>
      %gather3A = tpu.vector_load_idx %arg10[%broadcast_in_dim3A] : memref<320xf32, #tpu.memory_space<vmem>>[vector<16xi32>], vector<16xf32>,
      %get3A = arith.index_cast %scan3A_118 : i32 to index
      %get3A_120 = arith.constant 0 : index
      %get3A_121 = tpu.vector_load %arg11[%get3A, %get3A_120] {strides = array<i32>} : memref<320x128xf32, #tpu.memory_space<vmem>>, vector<16xf32>,
      %mul3A_122 = arith.mulf %get3A_121, %gather3A : vector<16xf32>
      %swap3A = arith.index_cast %scan3A_118 : i32 to index
      %swap3A_123 = arith.constant 0 : index
      %swap3A_124 = tpu.vector_load %arg11[%swap3A, %swap3A_123] {strides = array<i32>} : memref<320x128xf32, #tpu.memory_space<vmem>>, vector<16xf32>,
      tpu.vector_store %arg11[%swap3A, %swap3A_123], %mul3A_122 {strides = array<i32>} : memref<320x128xf32, #tpu.memory_space<vmem>>, vector<16xf32>,
      %get3A_125 = arith.index_cast %scan3A_118 : i32 to index
      %get3A_126 = arith.constant 16 : index
      %get3A_127 = tpu.vector_load %arg11[%get3A_125, %get3A_126] {strides = array<i32>} : memref<320x128xf32, #tpu.memory_space<vmem>>, vector<16xf32>,
      %mul3A_128 = arith.mulf %get3A_127, %gather3A : vector<16xf32>
      %swap3A_129 = arith.index_cast %scan3A_118 : i32 to index
      %swap3A_130 = arith.constant 16 : index
      %swap3A_131 = tpu.vector_load %arg11[%swap3A_129, %swap3A_130] {strides = array<i32>} : memref<320x128xf32, #tpu.memory_space<vmem>>, vector<16xf32>,
      tpu.vector_store %arg11[%swap3A_129, %swap3A_130], %mul3A_128 {strides = array<i32>} : memref<320x128xf32, #tpu.memory_space<vmem>>, vector<16xf32>,
      %get3A_132 = arith.index_cast %scan3A_118 : i32 to index
      %get3A_133 = arith.constant 32 : index
      %get3A_134 = tpu.vector_load %arg11[%get3A_132, %get3A_133] {strides = array<i32>} : memref<320x128xf32, #tpu.memory_space<vmem>>, vector<16xf32>,
      %mul3A_135 = arith.mulf %get3A_134, %gather3A : vector<16xf32>
      %swap3A_136 = arith.index_cast %scan3A_118 : i32 to index
      %swap3A_137 = arith.constant 32 : index
      %swap3A_138 = tpu.vector_load %arg11[%swap3A_136, %swap3A_137] {strides = array<i32>} : memref<320x128xf32, #tpu.memory_space<vmem>>, vector<16xf32>,
      tpu.vector_store %arg11[%swap3A_136, %swap3A_137], %mul3A_135 {strides = array<i32>} : memref<320x128xf32, #tpu.memory_space<vmem>>, vector<16xf32>,
      %get3A_139 = arith.index_cast %scan3A_118 : i32 to index
      %get3A_140 = arith.constant 48 : index
      %get3A_141 = tpu.vector_load %arg11[%get3A_139, %get3A_140] {strides = array<i32>} : memref<320x128xf32, #tpu.memory_space<vmem>>, vector<16xf32>,
      %mul3A_142 = arith.mulf %get3A_141, %gather3A : vector<16xf32>
      %swap3A_143 = arith.index_cast %scan3A_118 : i32 to index
      %swap3A_144 = arith.constant 48 : index
      %swap3A_145 = tpu.vector_load %arg11[%swap3A_143, %swap3A_144] {strides = array<i32>} : memref<320x128xf32, #tpu.memory_space<vmem>>, vector<16xf32>,
      tpu.vector_store %arg11[%swap3A_143, %swap3A_144], %mul3A_142 {strides = array<i32>} : memref<320x128xf32, #tpu.memory_space<vmem>>, vector<16xf32>,
      %get3A_146 = arith.index_cast %scan3A_118 : i32 to index
      %get3A_147 = arith.constant 64 : index
      %get3A_148 = tpu.vector_load %arg11[%get3A_146, %get3A_147] {strides = array<i32>} : memref<320x128xf32, #tpu.memory_space<vmem>>, vector<16xf32>,
      %mul3A_149 = arith.mulf %get3A_148, %gather3A : vector<16xf32>
      %swap3A_150 = arith.index_cast %scan3A_118 : i32 to index
      %swap3A_151 = arith.constant 64 : index
      %swap3A_152 = tpu.vector_load %arg11[%swap3A_150, %swap3A_151] {strides = array<i32>} : memref<320x128xf32, #tpu.memory_space<vmem>>, vector<16xf32>,
      tpu.vector_store %arg11[%swap3A_150, %swap3A_151], %mul3A_149 {strides = array<i32>} : memref<320x128xf32, #tpu.memory_space<vmem>>, vector<16xf32>,
      %get3A_153 = arith.index_cast %scan3A_118 : i32 to index
      %get3A_154 = arith.constant 80 : index
      %get3A_155 = tpu.vector_load %arg11[%get3A_153, %get3A_154] {strides = array<i32>} : memref<320x128xf32, #tpu.memory_space<vmem>>, vector<16xf32>,
      %mul3A_156 = arith.mulf %get3A_155, %gather3A : vector<16xf32>
      %swap3A_157 = arith.index_cast %scan3A_118 : i32 to index
      %swap3A_158 = arith.constant 80 : index
      %swap3A_159 = tpu.vector_load %arg11[%swap3A_157, %swap3A_158] {strides = array<i32>} : memref<320x128xf32, #tpu.memory_space<vmem>>, vector<16xf32>,
      tpu.vector_store %arg11[%swap3A_157, %swap3A_158], %mul3A_156 {strides = array<i32>} : memref<320x128xf32, #tpu.memory_space<vmem>>, vector<16xf32>,
      %get3A_160 = arith.index_cast %scan3A_118 : i32 to index
      %get3A_161 = arith.constant 96 : index
      %get3A_162 = tpu.vector_load %arg11[%get3A_160, %get3A_161] {strides = array<i32>} : memref<320x128xf32, #tpu.memory_space<vmem>>, vector<16xf32>,
      %mul3A_163 = arith.mulf %get3A_162, %gather3A : vector<16xf32>
      %swap3A_164 = arith.index_cast %scan3A_118 : i32 to index
      %swap3A_165 = arith.constant 96 : index
      %swap3A_166 = tpu.vector_load %arg11[%swap3A_164, %swap3A_165] {strides = array<i32>} : memref<320x128xf32, #tpu.memory_space<vmem>>, vector<16xf32>,
      tpu.vector_store %arg11[%swap3A_164, %swap3A_165], %mul3A_163 {strides = array<i32>} : memref<320x128xf32, #tpu.memory_space<vmem>>, vector<16xf32>,
      %get3A_167 = arith.index_cast %scan3A_118 : i32 to index
      %get3A_168 = arith.constant 112 : index
      %get3A_169 = tpu.vector_load %arg11[%get3A_167, %get3A_168] {strides = array<i32>} : memref<320x128xf32, #tpu.memory_space<vmem>>, vector<16xf32>,
      %mul3A_170 = arith.mulf %get3A_169, %gather3A : vector<16xf32>
      %swap3A_171 = arith.index_cast %scan3A_118 : i32 to index
      %swap3A_172 = arith.constant 112 : index
      %swap3A_173 = tpu.vector_load %arg11[%swap3A_171, %swap3A_172] {strides = array<i32>} : memref<320x128xf32, #tpu.memory_space<vmem>>, vector<16xf32>,
      tpu.vector_store %arg11[%swap3A_171, %swap3A_172], %mul3A_170 {strides = array<i32>} : memref<320x128xf32, #tpu.memory_space<vmem>>, vector<16xf32>,
      %scan3A_174 = arith.constant 0 : i32
      scf.yield %scan3A_174 : i32
    }
    %scan3A_117 = arith.constant 320 : i32
    "tpu.region"() ({
      %run_scoped3A_118 = tpu.sem_alloc : memref<!tpu.dma_semaphore, #tpu.memory_space<semaphore_mem>>
      %dma_start3A_119 = arith.constant 0 : i32
      %dma_start3A_120 = tpu.memref_slice %arg5[%mul3A_24, %dma_start3A_119] : memref<10240x128xf32, #tpu.memory_space<hbm>> -> memref<320x128xf32, #tpu.memory_space<hbm>>
      %dma_start3A_121 = arith.constant 0 : i32
      %dma_start3A_122 = tpu.memref_slice %arg5[%mul3A_24, %dma_start3A_121] : memref<10240x128xf32, #tpu.memory_space<hbm>> -> memref<320x128xf32, #tpu.memory_space<hbm>>
      tpu.enqueue_dma source(%arg11 : memref<320x128xf32, #tpu.memory_space<vmem>>) target(%dma_start3A_122 : memref<320x128xf32, #tpu.memory_space<hbm>>) target_semaphore(%run_scoped3A_118 : memref<!tpu.dma_semaphore, #tpu.memory_space<semaphore_mem>>)
      %dma_wait3A_123 = arith.constant 0 : i32
      %dma_wait3A_124 = tpu.memref_slice %arg5[%mul3A_24, %dma_wait3A_123] : memref<10240x128xf32, #tpu.memory_space<hbm>> -> memref<320x128xf32, #tpu.memory_space<hbm>>
      %dma_wait3A_125 = arith.constant 0 : i32
      %dma_wait3A_126 = tpu.memref_slice %arg5[%mul3A_24, %dma_wait3A_125] : memref<10240x128xf32, #tpu.memory_space<hbm>> -> memref<320x128xf32, #tpu.memory_space<hbm>>
      tpu.wait_dma2 semaphore(%run_scoped3A_118 : memref<!tpu.dma_semaphore, #tpu.memory_space<semaphore_mem>>) src(%arg11 : memref<320x128xf32, #tpu.memory_space<vmem>>) dst(%dma_wait3A_126 : memref<320x128xf32, #tpu.memory_space<hbm>>)
      tpu.yield
    }) : () -> ()
    return
  }
}

#map = affine_map<(d0, d1) -> (0, 0, 0, 0)>
#map1 = affine_map<(d0, d1) -> (0, 0)>
module attributes {stable_mosaic.version = 14 : i64} {
  func.func @hop(%arg0: i32, %arg1: i32, %arg2: memref<32x2x41x128xi32, #tpu.memory_space<hbm>>, %arg3: memref<32x2x41x128xi32, #tpu.memory_space<hbm>>, %arg4: memref<10240x128xf32, #tpu.memory_space<hbm>>, %arg5: memref<20480x128xf32, #tpu.memory_space<hbm>>, %arg6: memref<10240x128xf32, #tpu.memory_space<vmem_shared>>, %arg7: memref<41x128xi32, #tpu.memory_space<vmem>>, %arg8: memref<41x128xi32, #tpu.memory_space<vmem>>, %arg9: memref<128x128xf32, #tpu.memory_space<vmem>>, %arg10: memref<128x128xf32, #tpu.memory_space<vmem>>, %arg11: memref<!tpu.dma_semaphore, #tpu.memory_space<semaphore_mem>>, %arg12: memref<!tpu.dma_semaphore, #tpu.memory_space<semaphore_mem>>) attributes {dimension_semantics = [#tpu.dimension_semantics<core_parallel>, #tpu.dimension_semantics<subcore_parallel>], iteration_bounds = array<i64: 2, 16>, scalar_prefetch = 0 : i64, scratch_operands = 7 : i64, tpu.core_type = #tpu.core_type<sc_vector_subcore>, window_params = [{transform_indices = #map}, {transform_indices = #map}, {transform_indices = #map1}, {transform_indices = #map1}]} {
    %mul3A = arith.constant 2 : i32
    %mul3A_0 = arith.muli %arg1, %mul3A : i32
    %add3A = arith.addi %mul3A_0, %arg0 : i32
    %scan3A = arith.constant 0 : i32
    %scan3A_1 = arith.constant 0 : i32
    %scan3A_2 = arith.constant 128 : i32
    %scan3A_3 = arith.addi %scan3A_1, %scan3A_2 : i32
    %scan3A_4 = arith.constant 1 : i32
    %scan3A_5 = scf.for %scan3A_65 = %scan3A_1 to %scan3A_3 step %scan3A_4 iter_args(%scan3A_66 = %scan3A) -> (i32)  : i32 {
      %broadcast_in_dim3A = arith.constant 0.000000e+00 : f32
      %broadcast_in_dim3A_67 = vector.broadcast %broadcast_in_dim3A : f32 to vector<16xf32>
      %swap3A = arith.index_cast %scan3A_65 : i32 to index
      %swap3A_68 = arith.constant 0 : index
      %swap3A_69 = tpu.vector_load %arg9[%swap3A, %swap3A_68] {strides = array<i32>} : memref<128x128xf32, #tpu.memory_space<vmem>>, vector<16xf32>,
      tpu.vector_store %arg9[%swap3A, %swap3A_68], %broadcast_in_dim3A_67 {strides = array<i32>} : memref<128x128xf32, #tpu.memory_space<vmem>>, vector<16xf32>,
      %broadcast_in_dim3A_70 = arith.constant 0.000000e+00 : f32
      %broadcast_in_dim3A_71 = vector.broadcast %broadcast_in_dim3A_70 : f32 to vector<16xf32>
      %swap3A_72 = arith.index_cast %scan3A_65 : i32 to index
      %swap3A_73 = arith.constant 16 : index
      %swap3A_74 = tpu.vector_load %arg9[%swap3A_72, %swap3A_73] {strides = array<i32>} : memref<128x128xf32, #tpu.memory_space<vmem>>, vector<16xf32>,
      tpu.vector_store %arg9[%swap3A_72, %swap3A_73], %broadcast_in_dim3A_71 {strides = array<i32>} : memref<128x128xf32, #tpu.memory_space<vmem>>, vector<16xf32>,
      %broadcast_in_dim3A_75 = arith.constant 0.000000e+00 : f32
      %broadcast_in_dim3A_76 = vector.broadcast %broadcast_in_dim3A_75 : f32 to vector<16xf32>
      %swap3A_77 = arith.index_cast %scan3A_65 : i32 to index
      %swap3A_78 = arith.constant 32 : index
      %swap3A_79 = tpu.vector_load %arg9[%swap3A_77, %swap3A_78] {strides = array<i32>} : memref<128x128xf32, #tpu.memory_space<vmem>>, vector<16xf32>,
      tpu.vector_store %arg9[%swap3A_77, %swap3A_78], %broadcast_in_dim3A_76 {strides = array<i32>} : memref<128x128xf32, #tpu.memory_space<vmem>>, vector<16xf32>,
      %broadcast_in_dim3A_80 = arith.constant 0.000000e+00 : f32
      %broadcast_in_dim3A_81 = vector.broadcast %broadcast_in_dim3A_80 : f32 to vector<16xf32>
      %swap3A_82 = arith.index_cast %scan3A_65 : i32 to index
      %swap3A_83 = arith.constant 48 : index
      %swap3A_84 = tpu.vector_load %arg9[%swap3A_82, %swap3A_83] {strides = array<i32>} : memref<128x128xf32, #tpu.memory_space<vmem>>, vector<16xf32>,
      tpu.vector_store %arg9[%swap3A_82, %swap3A_83], %broadcast_in_dim3A_81 {strides = array<i32>} : memref<128x128xf32, #tpu.memory_space<vmem>>, vector<16xf32>,
      %broadcast_in_dim3A_85 = arith.constant 0.000000e+00 : f32
      %broadcast_in_dim3A_86 = vector.broadcast %broadcast_in_dim3A_85 : f32 to vector<16xf32>
      %swap3A_87 = arith.index_cast %scan3A_65 : i32 to index
      %swap3A_88 = arith.constant 64 : index
      %swap3A_89 = tpu.vector_load %arg9[%swap3A_87, %swap3A_88] {strides = array<i32>} : memref<128x128xf32, #tpu.memory_space<vmem>>, vector<16xf32>,
      tpu.vector_store %arg9[%swap3A_87, %swap3A_88], %broadcast_in_dim3A_86 {strides = array<i32>} : memref<128x128xf32, #tpu.memory_space<vmem>>, vector<16xf32>,
      %broadcast_in_dim3A_90 = arith.constant 0.000000e+00 : f32
      %broadcast_in_dim3A_91 = vector.broadcast %broadcast_in_dim3A_90 : f32 to vector<16xf32>
      %swap3A_92 = arith.index_cast %scan3A_65 : i32 to index
      %swap3A_93 = arith.constant 80 : index
      %swap3A_94 = tpu.vector_load %arg9[%swap3A_92, %swap3A_93] {strides = array<i32>} : memref<128x128xf32, #tpu.memory_space<vmem>>, vector<16xf32>,
      tpu.vector_store %arg9[%swap3A_92, %swap3A_93], %broadcast_in_dim3A_91 {strides = array<i32>} : memref<128x128xf32, #tpu.memory_space<vmem>>, vector<16xf32>,
      %broadcast_in_dim3A_95 = arith.constant 0.000000e+00 : f32
      %broadcast_in_dim3A_96 = vector.broadcast %broadcast_in_dim3A_95 : f32 to vector<16xf32>
      %swap3A_97 = arith.index_cast %scan3A_65 : i32 to index
      %swap3A_98 = arith.constant 96 : index
      %swap3A_99 = tpu.vector_load %arg9[%swap3A_97, %swap3A_98] {strides = array<i32>} : memref<128x128xf32, #tpu.memory_space<vmem>>, vector<16xf32>,
      tpu.vector_store %arg9[%swap3A_97, %swap3A_98], %broadcast_in_dim3A_96 {strides = array<i32>} : memref<128x128xf32, #tpu.memory_space<vmem>>, vector<16xf32>,
      %broadcast_in_dim3A_100 = arith.constant 0.000000e+00 : f32
      %broadcast_in_dim3A_101 = vector.broadcast %broadcast_in_dim3A_100 : f32 to vector<16xf32>
      %swap3A_102 = arith.index_cast %scan3A_65 : i32 to index
      %swap3A_103 = arith.constant 112 : index
      %swap3A_104 = tpu.vector_load %arg9[%swap3A_102, %swap3A_103] {strides = array<i32>} : memref<128x128xf32, #tpu.memory_space<vmem>>, vector<16xf32>,
      tpu.vector_store %arg9[%swap3A_102, %swap3A_103], %broadcast_in_dim3A_101 {strides = array<i32>} : memref<128x128xf32, #tpu.memory_space<vmem>>, vector<16xf32>,
      %scan3A_105 = arith.constant 0 : i32
      scf.yield %scan3A_105 : i32
    }
    %scan3A_6 = arith.constant 128 : i32
    %scan3A_7 = arith.constant 0 : i32
    %scan3A_8 = arith.constant 0 : i32
    %scan3A_9 = arith.constant 5 : i32
    %scan3A_10 = arith.addi %scan3A_8, %scan3A_9 : i32
    %scan3A_11 = arith.constant 1 : i32
    %scan3A_12 = scf.for %scan3A_65 = %scan3A_8 to %scan3A_10 step %scan3A_11 iter_args(%scan3A_66 = %scan3A_7) -> (i32)  : i32 {
      %mul3A_67 = arith.constant 640 : i32
      %mul3A_68 = arith.muli %arg1, %mul3A_67 : i32
      %mul3A_69 = arith.constant 128 : i32
      %mul3A_70 = arith.muli %scan3A_65, %mul3A_69 : i32
      %add3A_71 = arith.addi %mul3A_68, %mul3A_70 : i32
      "tpu.region"() ({
        %run_scoped3A_73 = tpu.sem_alloc : memref<!tpu.dma_semaphore, #tpu.memory_space<semaphore_mem>>
        %dma_start3A_74 = arith.constant 0 : i32
        %dma_start3A_75 = tpu.memref_slice %arg6[%add3A_71, %dma_start3A_74] : memref<10240x128xf32, #tpu.memory_space<vmem_shared>> -> memref<128x128xf32, #tpu.memory_space<vmem_shared>>
        %dma_start3A_76 = arith.constant 0 : i32
        %dma_start3A_77 = tpu.memref_slice %arg6[%add3A_71, %dma_start3A_76] : memref<10240x128xf32, #tpu.memory_space<vmem_shared>> -> memref<128x128xf32, #tpu.memory_space<vmem_shared>>
        tpu.enqueue_dma source(%arg9 : memref<128x128xf32, #tpu.memory_space<vmem>>) target(%dma_start3A_77 : memref<128x128xf32, #tpu.memory_space<vmem_shared>>) target_semaphore(%run_scoped3A_73 : memref<!tpu.dma_semaphore, #tpu.memory_space<semaphore_mem>>)
        %dma_wait3A_78 = arith.constant 0 : i32
        %dma_wait3A_79 = tpu.memref_slice %arg6[%add3A_71, %dma_wait3A_78] : memref<10240x128xf32, #tpu.memory_space<vmem_shared>> -> memref<128x128xf32, #tpu.memory_space<vmem_shared>>
        %dma_wait3A_80 = arith.constant 0 : i32
        %dma_wait3A_81 = tpu.memref_slice %arg6[%add3A_71, %dma_wait3A_80] : memref<10240x128xf32, #tpu.memory_space<vmem_shared>> -> memref<128x128xf32, #tpu.memory_space<vmem_shared>>
        tpu.wait_dma2 semaphore(%run_scoped3A_73 : memref<!tpu.dma_semaphore, #tpu.memory_space<semaphore_mem>>) src(%arg9 : memref<128x128xf32, #tpu.memory_space<vmem>>) dst(%dma_wait3A_81 : memref<128x128xf32, #tpu.memory_space<vmem_shared>>)
        tpu.yield
      }) : () -> ()
      %scan3A_72 = arith.constant 0 : i32
      scf.yield %scan3A_72 : i32
    }
    %scan3A_13 = arith.constant 5 : i32
    %barrier3A = arith.constant 0 : index
    tpu.barrier barrier_id(%barrier3A)
    %run_scoped3A = arith.constant 0 : i32
    "tpu.region"() ({
      %run_scoped3A_65 = tpu.sem_alloc : memref<!tpu.dma_semaphore, #tpu.memory_space<semaphore_mem>>
      %dma_start3A_66 = arith.constant 0 : i32
      %dma_start3A_67 = arith.constant 0 : i32
      %dma_start3A_68 = tpu.memref_slice %arg2[%add3A, %run_scoped3A, %dma_start3A_66, %dma_start3A_67] : memref<32x2x41x128xi32, #tpu.memory_space<hbm>> -> memref<1x1x41x128xi32, #tpu.memory_space<hbm>>
      %dma_start3A_69 = tpu.memref_squeeze %dma_start3A_68 : memref<1x1x41x128xi32, #tpu.memory_space<hbm>> -> memref<41x128xi32, #tpu.memory_space<hbm>>
      %dma_start3A_70 = arith.constant 0 : i32
      %dma_start3A_71 = arith.constant 0 : i32
      %dma_start3A_72 = tpu.memref_slice %arg2[%add3A, %run_scoped3A, %dma_start3A_70, %dma_start3A_71] : memref<32x2x41x128xi32, #tpu.memory_space<hbm>> -> memref<1x1x41x128xi32, #tpu.memory_space<hbm>>
      %dma_start3A_73 = tpu.memref_squeeze %dma_start3A_72 : memref<1x1x41x128xi32, #tpu.memory_space<hbm>> -> memref<41x128xi32, #tpu.memory_space<hbm>>
      tpu.enqueue_dma source(%dma_start3A_73 : memref<41x128xi32, #tpu.memory_space<hbm>>) target(%arg7 : memref<41x128xi32, #tpu.memory_space<vmem>>) target_semaphore(%run_scoped3A_65 : memref<!tpu.dma_semaphore, #tpu.memory_space<semaphore_mem>>)
      %dma_wait3A_74 = arith.constant 0 : i32
      %dma_wait3A_75 = arith.constant 0 : i32
      %dma_wait3A_76 = tpu.memref_slice %arg2[%add3A, %run_scoped3A, %dma_wait3A_74, %dma_wait3A_75] : memref<32x2x41x128xi32, #tpu.memory_space<hbm>> -> memref<1x1x41x128xi32, #tpu.memory_space<hbm>>
      %dma_wait3A_77 = tpu.memref_squeeze %dma_wait3A_76 : memref<1x1x41x128xi32, #tpu.memory_space<hbm>> -> memref<41x128xi32, #tpu.memory_space<hbm>>
      %dma_wait3A_78 = arith.constant 0 : i32
      %dma_wait3A_79 = arith.constant 0 : i32
      %dma_wait3A_80 = tpu.memref_slice %arg2[%add3A, %run_scoped3A, %dma_wait3A_78, %dma_wait3A_79] : memref<32x2x41x128xi32, #tpu.memory_space<hbm>> -> memref<1x1x41x128xi32, #tpu.memory_space<hbm>>
      %dma_wait3A_81 = tpu.memref_squeeze %dma_wait3A_80 : memref<1x1x41x128xi32, #tpu.memory_space<hbm>> -> memref<41x128xi32, #tpu.memory_space<hbm>>
      tpu.wait_dma2 semaphore(%run_scoped3A_65 : memref<!tpu.dma_semaphore, #tpu.memory_space<semaphore_mem>>) src(%dma_wait3A_81 : memref<41x128xi32, #tpu.memory_space<hbm>>) dst(%arg7 : memref<41x128xi32, #tpu.memory_space<vmem>>)
      tpu.yield
    }) : () -> ()
    %run_scoped3A_14 = arith.constant 0 : i32
    "tpu.region"() ({
      %run_scoped3A_65 = tpu.sem_alloc : memref<!tpu.dma_semaphore, #tpu.memory_space<semaphore_mem>>
      %dma_start3A_66 = arith.constant 0 : i32
      %dma_start3A_67 = arith.constant 0 : i32
      %dma_start3A_68 = tpu.memref_slice %arg3[%add3A, %run_scoped3A_14, %dma_start3A_66, %dma_start3A_67] : memref<32x2x41x128xi32, #tpu.memory_space<hbm>> -> memref<1x1x41x128xi32, #tpu.memory_space<hbm>>
      %dma_start3A_69 = tpu.memref_squeeze %dma_start3A_68 : memref<1x1x41x128xi32, #tpu.memory_space<hbm>> -> memref<41x128xi32, #tpu.memory_space<hbm>>
      %dma_start3A_70 = arith.constant 0 : i32
      %dma_start3A_71 = arith.constant 0 : i32
      %dma_start3A_72 = tpu.memref_slice %arg3[%add3A, %run_scoped3A_14, %dma_start3A_70, %dma_start3A_71] : memref<32x2x41x128xi32, #tpu.memory_space<hbm>> -> memref<1x1x41x128xi32, #tpu.memory_space<hbm>>
      %dma_start3A_73 = tpu.memref_squeeze %dma_start3A_72 : memref<1x1x41x128xi32, #tpu.memory_space<hbm>> -> memref<41x128xi32, #tpu.memory_space<hbm>>
      tpu.enqueue_dma source(%dma_start3A_73 : memref<41x128xi32, #tpu.memory_space<hbm>>) target(%arg8 : memref<41x128xi32, #tpu.memory_space<vmem>>) target_semaphore(%run_scoped3A_65 : memref<!tpu.dma_semaphore, #tpu.memory_space<semaphore_mem>>)
      %dma_wait3A_74 = arith.constant 0 : i32
      %dma_wait3A_75 = arith.constant 0 : i32
      %dma_wait3A_76 = tpu.memref_slice %arg3[%add3A, %run_scoped3A_14, %dma_wait3A_74, %dma_wait3A_75] : memref<32x2x41x128xi32, #tpu.memory_space<hbm>> -> memref<1x1x41x128xi32, #tpu.memory_space<hbm>>
      %dma_wait3A_77 = tpu.memref_squeeze %dma_wait3A_76 : memref<1x1x41x128xi32, #tpu.memory_space<hbm>> -> memref<41x128xi32, #tpu.memory_space<hbm>>
      %dma_wait3A_78 = arith.constant 0 : i32
      %dma_wait3A_79 = arith.constant 0 : i32
      %dma_wait3A_80 = tpu.memref_slice %arg3[%add3A, %run_scoped3A_14, %dma_wait3A_78, %dma_wait3A_79] : memref<32x2x41x128xi32, #tpu.memory_space<hbm>> -> memref<1x1x41x128xi32, #tpu.memory_space<hbm>>
      %dma_wait3A_81 = tpu.memref_squeeze %dma_wait3A_80 : memref<1x1x41x128xi32, #tpu.memory_space<hbm>> -> memref<41x128xi32, #tpu.memory_space<hbm>>
      tpu.wait_dma2 semaphore(%run_scoped3A_65 : memref<!tpu.dma_semaphore, #tpu.memory_space<semaphore_mem>>) src(%dma_wait3A_81 : memref<41x128xi32, #tpu.memory_space<hbm>>) dst(%arg8 : memref<41x128xi32, #tpu.memory_space<vmem>>)
      tpu.yield
    }) : () -> ()
    %dma_start3A = arith.constant 0 : i32
    %dma_start3A_15 = arith.constant 0 : i32
    %dma_start3A_16 = tpu.memref_slice %arg8[%dma_start3A, %dma_start3A_15] : memref<41x128xi32, #tpu.memory_space<vmem>> -> memref<1x128xi32, #tpu.memory_space<vmem>>
    %dma_start3A_17 = tpu.memref_squeeze %dma_start3A_16 : memref<1x128xi32, #tpu.memory_space<vmem>> -> memref<128xi32, #tpu.memory_space<vmem>>
    %dma_start3A_18 = arith.constant 0 : i32
    %dma_start3A_19 = arith.constant 0 : i32
    %dma_start3A_20 = tpu.memref_slice %arg4[%dma_start3A_18, %dma_start3A_19] : memref<10240x128xf32, #tpu.memory_space<hbm>> -> memref<10240x128xf32, #tpu.memory_space<hbm>>
    tpu.enqueue_indirect_dma source(%dma_start3A_20 : memref<10240x128xf32, #tpu.memory_space<hbm>>) target(%arg9 : memref<128x128xf32, #tpu.memory_space<vmem>>) offsets(%dma_start3A_17 : memref<128xi32, #tpu.memory_space<vmem>>) semaphore(%arg11 : memref<!tpu.dma_semaphore, #tpu.memory_space<semaphore_mem>>)
    %scan3A_21 = arith.constant 0 : i32
    %scan3A_22 = arith.constant 0 : i32
    %scan3A_23 = arith.constant 10 : i32
    %scan3A_24 = arith.addi %scan3A_22, %scan3A_23 : i32
    %scan3A_25 = arith.constant 1 : i32
    %scan3A_26 = scf.for %scan3A_65 = %scan3A_22 to %scan3A_24 step %scan3A_25 iter_args(%scan3A_66 = %scan3A_21) -> (i32)  : i32 {
      %mul3A_67 = arith.constant 2 : i32
      %mul3A_68 = arith.muli %scan3A_65, %mul3A_67 : i32
      %add3A_69 = arith.constant 0 : i32
      %add3A_70 = arith.addi %mul3A_68, %add3A_69 : i32
      %mul3A_71 = arith.constant 2 : i32
      %mul3A_72 = arith.muli %mul3A_71, %add3A_70 : i32
      %add3A_73 = arith.constant 1 : i32
      %add3A_74 = arith.addi %mul3A_72, %add3A_73 : i32
      %dma_start3A_75 = arith.constant 0 : i32
      %dma_start3A_76 = tpu.memref_slice %arg8[%add3A_74, %dma_start3A_75] : memref<41x128xi32, #tpu.memory_space<vmem>> -> memref<1x128xi32, #tpu.memory_space<vmem>>
      %dma_start3A_77 = tpu.memref_squeeze %dma_start3A_76 : memref<1x128xi32, #tpu.memory_space<vmem>> -> memref<128xi32, #tpu.memory_space<vmem>>
      %dma_start3A_78 = arith.constant 0 : i32
      %dma_start3A_79 = arith.constant 0 : i32
      %dma_start3A_80 = tpu.memref_slice %arg4[%dma_start3A_78, %dma_start3A_79] : memref<10240x128xf32, #tpu.memory_space<hbm>> -> memref<10240x128xf32, #tpu.memory_space<hbm>>
      tpu.enqueue_indirect_dma source(%dma_start3A_80 : memref<10240x128xf32, #tpu.memory_space<hbm>>) target(%arg10 : memref<128x128xf32, #tpu.memory_space<vmem>>) offsets(%dma_start3A_77 : memref<128xi32, #tpu.memory_space<vmem>>) semaphore(%arg12 : memref<!tpu.dma_semaphore, #tpu.memory_space<semaphore_mem>>)
      %dma_wait3A_81 = arith.constant 0 : i32
      %dma_wait3A_82 = arith.constant 0 : i32
      %dma_wait3A_83 = tpu.memref_slice %arg4[%dma_wait3A_81, %dma_wait3A_82] : memref<10240x128xf32, #tpu.memory_space<hbm>> -> memref<128x128xf32, #tpu.memory_space<hbm>>
      %dma_wait3A_84 = arith.constant 0 : i32
      %dma_wait3A_85 = arith.constant 0 : i32
      %dma_wait3A_86 = tpu.memref_slice %arg4[%dma_wait3A_84, %dma_wait3A_85] : memref<10240x128xf32, #tpu.memory_space<hbm>> -> memref<128x128xf32, #tpu.memory_space<hbm>>
      tpu.wait_dma2 semaphore(%arg11 : memref<!tpu.dma_semaphore, #tpu.memory_space<semaphore_mem>>) src(%dma_wait3A_86 : memref<128x128xf32, #tpu.memory_space<hbm>>) dst(%arg9 : memref<128x128xf32, #tpu.memory_space<vmem>>)
      %mul3A_87 = arith.constant 2 : i32
      %mul3A_88 = arith.muli %mul3A_87, %add3A_70 : i32
      "tpu.region"() ({
        %run_scoped3A_152 = tpu.sem_alloc : memref<!tpu.dma_semaphore, #tpu.memory_space<semaphore_mem>>
        %dma_start3A_153 = arith.constant 0 : i32
        %dma_start3A_154 = tpu.memref_slice %arg7[%mul3A_88, %dma_start3A_153] : memref<41x128xi32, #tpu.memory_space<vmem>> -> memref<1x128xi32, #tpu.memory_space<vmem>>
        %dma_start3A_155 = tpu.memref_squeeze %dma_start3A_154 : memref<1x128xi32, #tpu.memory_space<vmem>> -> memref<128xi32, #tpu.memory_space<vmem>>
        %dma_start3A_156 = arith.constant 0 : i32
        %dma_start3A_157 = arith.constant 0 : i32
        %dma_start3A_158 = tpu.memref_slice %arg6[%dma_start3A_156, %dma_start3A_157] : memref<10240x128xf32, #tpu.memory_space<vmem_shared>> -> memref<10240x128xf32, #tpu.memory_space<vmem_shared>>
        tpu.enqueue_indirect_dma source(%arg9 : memref<128x128xf32, #tpu.memory_space<vmem>>) target(%dma_start3A_158 : memref<10240x128xf32, #tpu.memory_space<vmem_shared>>) offsets(%dma_start3A_155 : memref<128xi32, #tpu.memory_space<vmem>>) semaphore(%run_scoped3A_152 : memref<!tpu.dma_semaphore, #tpu.memory_space<semaphore_mem>>) {add = true}
        %dma_wait3A_159 = arith.constant 0 : i32
        %dma_wait3A_160 = tpu.memref_slice %arg7[%mul3A_88, %dma_wait3A_159] : memref<41x128xi32, #tpu.memory_space<vmem>> -> memref<1x128xi32, #tpu.memory_space<vmem>>
        %dma_wait3A_161 = tpu.memref_squeeze %dma_wait3A_160 : memref<1x128xi32, #tpu.memory_space<vmem>> -> memref<128xi32, #tpu.memory_space<vmem>>
        %dma_wait3A_162 = arith.constant 0 : i32
        %dma_wait3A_163 = arith.constant 0 : i32
        %dma_wait3A_164 = tpu.memref_slice %arg6[%dma_wait3A_162, %dma_wait3A_163] : memref<10240x128xf32, #tpu.memory_space<vmem_shared>> -> memref<10240x128xf32, #tpu.memory_space<vmem_shared>>
        tpu.wait_indirect_dma semaphore(%run_scoped3A_152 : memref<!tpu.dma_semaphore, #tpu.memory_space<semaphore_mem>>) src(%arg9 : memref<128x128xf32, #tpu.memory_space<vmem>>) dst(%dma_wait3A_164 : memref<10240x128xf32, #tpu.memory_space<vmem_shared>>)
        tpu.yield
      }) : () -> ()
      %mul3A_89 = arith.constant 2 : i32
      %mul3A_90 = arith.muli %mul3A_89, %add3A_70 : i32
      %add3A_91 = arith.constant 2 : i32
      %add3A_92 = arith.addi %mul3A_90, %add3A_91 : i32
      %dma_start3A_93 = arith.constant 0 : i32
      %dma_start3A_94 = tpu.memref_slice %arg8[%add3A_92, %dma_start3A_93] : memref<41x128xi32, #tpu.memory_space<vmem>> -> memref<1x128xi32, #tpu.memory_space<vmem>>
      %dma_start3A_95 = tpu.memref_squeeze %dma_start3A_94 : memref<1x128xi32, #tpu.memory_space<vmem>> -> memref<128xi32, #tpu.memory_space<vmem>>
      %dma_start3A_96 = arith.constant 0 : i32
      %dma_start3A_97 = arith.constant 0 : i32
      %dma_start3A_98 = tpu.memref_slice %arg4[%dma_start3A_96, %dma_start3A_97] : memref<10240x128xf32, #tpu.memory_space<hbm>> -> memref<10240x128xf32, #tpu.memory_space<hbm>>
      tpu.enqueue_indirect_dma source(%dma_start3A_98 : memref<10240x128xf32, #tpu.memory_space<hbm>>) target(%arg9 : memref<128x128xf32, #tpu.memory_space<vmem>>) offsets(%dma_start3A_95 : memref<128xi32, #tpu.memory_space<vmem>>) semaphore(%arg11 : memref<!tpu.dma_semaphore, #tpu.memory_space<semaphore_mem>>)
      %dma_wait3A_99 = arith.constant 0 : i32
      %dma_wait3A_100 = arith.constant 0 : i32
      %dma_wait3A_101 = tpu.memref_slice %arg4[%dma_wait3A_99, %dma_wait3A_100] : memref<10240x128xf32, #tpu.memory_space<hbm>> -> memref<128x128xf32, #tpu.memory_space<hbm>>
      %dma_wait3A_102 = arith.constant 0 : i32
      %dma_wait3A_103 = arith.constant 0 : i32
      %dma_wait3A_104 = tpu.memref_slice %arg4[%dma_wait3A_102, %dma_wait3A_103] : memref<10240x128xf32, #tpu.memory_space<hbm>> -> memref<128x128xf32, #tpu.memory_space<hbm>>
      tpu.wait_dma2 semaphore(%arg12 : memref<!tpu.dma_semaphore, #tpu.memory_space<semaphore_mem>>) src(%dma_wait3A_104 : memref<128x128xf32, #tpu.memory_space<hbm>>) dst(%arg10 : memref<128x128xf32, #tpu.memory_space<vmem>>)
      %mul3A_105 = arith.constant 2 : i32
      %mul3A_106 = arith.muli %mul3A_105, %add3A_70 : i32
      %add3A_107 = arith.constant 1 : i32
      %add3A_108 = arith.addi %mul3A_106, %add3A_107 : i32
      "tpu.region"() ({
        %run_scoped3A_152 = tpu.sem_alloc : memref<!tpu.dma_semaphore, #tpu.memory_space<semaphore_mem>>
        %dma_start3A_153 = arith.constant 0 : i32
        %dma_start3A_154 = tpu.memref_slice %arg7[%add3A_108, %dma_start3A_153] : memref<41x128xi32, #tpu.memory_space<vmem>> -> memref<1x128xi32, #tpu.memory_space<vmem>>
        %dma_start3A_155 = tpu.memref_squeeze %dma_start3A_154 : memref<1x128xi32, #tpu.memory_space<vmem>> -> memref<128xi32, #tpu.memory_space<vmem>>
        %dma_start3A_156 = arith.constant 0 : i32
        %dma_start3A_157 = arith.constant 0 : i32
        %dma_start3A_158 = tpu.memref_slice %arg6[%dma_start3A_156, %dma_start3A_157] : memref<10240x128xf32, #tpu.memory_space<vmem_shared>> -> memref<10240x128xf32, #tpu.memory_space<vmem_shared>>
        tpu.enqueue_indirect_dma source(%arg10 : memref<128x128xf32, #tpu.memory_space<vmem>>) target(%dma_start3A_158 : memref<10240x128xf32, #tpu.memory_space<vmem_shared>>) offsets(%dma_start3A_155 : memref<128xi32, #tpu.memory_space<vmem>>) semaphore(%run_scoped3A_152 : memref<!tpu.dma_semaphore, #tpu.memory_space<semaphore_mem>>) {add = true}
        %dma_wait3A_159 = arith.constant 0 : i32
        %dma_wait3A_160 = tpu.memref_slice %arg7[%add3A_108, %dma_wait3A_159] : memref<41x128xi32, #tpu.memory_space<vmem>> -> memref<1x128xi32, #tpu.memory_space<vmem>>
        %dma_wait3A_161 = tpu.memref_squeeze %dma_wait3A_160 : memref<1x128xi32, #tpu.memory_space<vmem>> -> memref<128xi32, #tpu.memory_space<vmem>>
        %dma_wait3A_162 = arith.constant 0 : i32
        %dma_wait3A_163 = arith.constant 0 : i32
        %dma_wait3A_164 = tpu.memref_slice %arg6[%dma_wait3A_162, %dma_wait3A_163] : memref<10240x128xf32, #tpu.memory_space<vmem_shared>> -> memref<10240x128xf32, #tpu.memory_space<vmem_shared>>
        tpu.wait_indirect_dma semaphore(%run_scoped3A_152 : memref<!tpu.dma_semaphore, #tpu.memory_space<semaphore_mem>>) src(%arg10 : memref<128x128xf32, #tpu.memory_space<vmem>>) dst(%dma_wait3A_164 : memref<10240x128xf32, #tpu.memory_space<vmem_shared>>)
        tpu.yield
      }) : () -> ()
      %mul3A_109 = arith.constant 2 : i32
      %mul3A_110 = arith.muli %scan3A_65, %mul3A_109 : i32
      %add3A_111 = arith.constant 1 : i32
      %add3A_112 = arith.addi %mul3A_110, %add3A_111 : i32
      %mul3A_113 = arith.constant 2 : i32
      %mul3A_114 = arith.muli %mul3A_113, %add3A_112 : i32
      %add3A_115 = arith.constant 1 : i32
      %add3A_116 = arith.addi %mul3A_114, %add3A_115 : i32
      %dma_start3A_117 = arith.constant 0 : i32
      %dma_start3A_118 = tpu.memref_slice %arg8[%add3A_116, %dma_start3A_117] : memref<41x128xi32, #tpu.memory_space<vmem>> -> memref<1x128xi32, #tpu.memory_space<vmem>>
      %dma_start3A_119 = tpu.memref_squeeze %dma_start3A_118 : memref<1x128xi32, #tpu.memory_space<vmem>> -> memref<128xi32, #tpu.memory_space<vmem>>
      %dma_start3A_120 = arith.constant 0 : i32
      %dma_start3A_121 = arith.constant 0 : i32
      %dma_start3A_122 = tpu.memref_slice %arg4[%dma_start3A_120, %dma_start3A_121] : memref<10240x128xf32, #tpu.memory_space<hbm>> -> memref<10240x128xf32, #tpu.memory_space<hbm>>
      tpu.enqueue_indirect_dma source(%dma_start3A_122 : memref<10240x128xf32, #tpu.memory_space<hbm>>) target(%arg10 : memref<128x128xf32, #tpu.memory_space<vmem>>) offsets(%dma_start3A_119 : memref<128xi32, #tpu.memory_space<vmem>>) semaphore(%arg12 : memref<!tpu.dma_semaphore, #tpu.memory_space<semaphore_mem>>)
      %dma_wait3A_123 = arith.constant 0 : i32
      %dma_wait3A_124 = arith.constant 0 : i32
      %dma_wait3A_125 = tpu.memref_slice %arg4[%dma_wait3A_123, %dma_wait3A_124] : memref<10240x128xf32, #tpu.memory_space<hbm>> -> memref<128x128xf32, #tpu.memory_space<hbm>>
      %dma_wait3A_126 = arith.constant 0 : i32
      %dma_wait3A_127 = arith.constant 0 : i32
      %dma_wait3A_128 = tpu.memref_slice %arg4[%dma_wait3A_126, %dma_wait3A_127] : memref<10240x128xf32, #tpu.memory_space<hbm>> -> memref<128x128xf32, #tpu.memory_space<hbm>>
      tpu.wait_dma2 semaphore(%arg11 : memref<!tpu.dma_semaphore, #tpu.memory_space<semaphore_mem>>) src(%dma_wait3A_128 : memref<128x128xf32, #tpu.memory_space<hbm>>) dst(%arg9 : memref<128x128xf32, #tpu.memory_space<vmem>>)
      %mul3A_129 = arith.constant 2 : i32
      %mul3A_130 = arith.muli %mul3A_129, %add3A_112 : i32
      "tpu.region"() ({
        %run_scoped3A_152 = tpu.sem_alloc : memref<!tpu.dma_semaphore, #tpu.memory_space<semaphore_mem>>
        %dma_start3A_153 = arith.constant 0 : i32
        %dma_start3A_154 = tpu.memref_slice %arg7[%mul3A_130, %dma_start3A_153] : memref<41x128xi32, #tpu.memory_space<vmem>> -> memref<1x128xi32, #tpu.memory_space<vmem>>
        %dma_start3A_155 = tpu.memref_squeeze %dma_start3A_154 : memref<1x128xi32, #tpu.memory_space<vmem>> -> memref<128xi32, #tpu.memory_space<vmem>>
        %dma_start3A_156 = arith.constant 0 : i32
        %dma_start3A_157 = arith.constant 0 : i32
        %dma_start3A_158 = tpu.memref_slice %arg6[%dma_start3A_156, %dma_start3A_157] : memref<10240x128xf32, #tpu.memory_space<vmem_shared>> -> memref<10240x128xf32, #tpu.memory_space<vmem_shared>>
        tpu.enqueue_indirect_dma source(%arg9 : memref<128x128xf32, #tpu.memory_space<vmem>>) target(%dma_start3A_158 : memref<10240x128xf32, #tpu.memory_space<vmem_shared>>) offsets(%dma_start3A_155 : memref<128xi32, #tpu.memory_space<vmem>>) semaphore(%run_scoped3A_152 : memref<!tpu.dma_semaphore, #tpu.memory_space<semaphore_mem>>) {add = true}
        %dma_wait3A_159 = arith.constant 0 : i32
        %dma_wait3A_160 = tpu.memref_slice %arg7[%mul3A_130, %dma_wait3A_159] : memref<41x128xi32, #tpu.memory_space<vmem>> -> memref<1x128xi32, #tpu.memory_space<vmem>>
        %dma_wait3A_161 = tpu.memref_squeeze %dma_wait3A_160 : memref<1x128xi32, #tpu.memory_space<vmem>> -> memref<128xi32, #tpu.memory_space<vmem>>
        %dma_wait3A_162 = arith.constant 0 : i32
        %dma_wait3A_163 = arith.constant 0 : i32
        %dma_wait3A_164 = tpu.memref_slice %arg6[%dma_wait3A_162, %dma_wait3A_163] : memref<10240x128xf32, #tpu.memory_space<vmem_shared>> -> memref<10240x128xf32, #tpu.memory_space<vmem_shared>>
        tpu.wait_indirect_dma semaphore(%run_scoped3A_152 : memref<!tpu.dma_semaphore, #tpu.memory_space<semaphore_mem>>) src(%arg9 : memref<128x128xf32, #tpu.memory_space<vmem>>) dst(%dma_wait3A_164 : memref<10240x128xf32, #tpu.memory_space<vmem_shared>>)
        tpu.yield
      }) : () -> ()
      %mul3A_131 = arith.constant 2 : i32
      %mul3A_132 = arith.muli %mul3A_131, %add3A_112 : i32
      %add3A_133 = arith.constant 2 : i32
      %add3A_134 = arith.addi %mul3A_132, %add3A_133 : i32
      %dma_start3A_135 = arith.constant 0 : i32
      %dma_start3A_136 = tpu.memref_slice %arg8[%add3A_134, %dma_start3A_135] : memref<41x128xi32, #tpu.memory_space<vmem>> -> memref<1x128xi32, #tpu.memory_space<vmem>>
      %dma_start3A_137 = tpu.memref_squeeze %dma_start3A_136 : memref<1x128xi32, #tpu.memory_space<vmem>> -> memref<128xi32, #tpu.memory_space<vmem>>
      %dma_start3A_138 = arith.constant 0 : i32
      %dma_start3A_139 = arith.constant 0 : i32
      %dma_start3A_140 = tpu.memref_slice %arg4[%dma_start3A_138, %dma_start3A_139] : memref<10240x128xf32, #tpu.memory_space<hbm>> -> memref<10240x128xf32, #tpu.memory_space<hbm>>
      tpu.enqueue_indirect_dma source(%dma_start3A_140 : memref<10240x128xf32, #tpu.memory_space<hbm>>) target(%arg9 : memref<128x128xf32, #tpu.memory_space<vmem>>) offsets(%dma_start3A_137 : memref<128xi32, #tpu.memory_space<vmem>>) semaphore(%arg11 : memref<!tpu.dma_semaphore, #tpu.memory_space<semaphore_mem>>)
      %dma_wait3A_141 = arith.constant 0 : i32
      %dma_wait3A_142 = arith.constant 0 : i32
      %dma_wait3A_143 = tpu.memref_slice %arg4[%dma_wait3A_141, %dma_wait3A_142] : memref<10240x128xf32, #tpu.memory_space<hbm>> -> memref<128x128xf32, #tpu.memory_space<hbm>>
      %dma_wait3A_144 = arith.constant 0 : i32
      %dma_wait3A_145 = arith.constant 0 : i32
      %dma_wait3A_146 = tpu.memref_slice %arg4[%dma_wait3A_144, %dma_wait3A_145] : memref<10240x128xf32, #tpu.memory_space<hbm>> -> memref<128x128xf32, #tpu.memory_space<hbm>>
      tpu.wait_dma2 semaphore(%arg12 : memref<!tpu.dma_semaphore, #tpu.memory_space<semaphore_mem>>) src(%dma_wait3A_146 : memref<128x128xf32, #tpu.memory_space<hbm>>) dst(%arg10 : memref<128x128xf32, #tpu.memory_space<vmem>>)
      %mul3A_147 = arith.constant 2 : i32
      %mul3A_148 = arith.muli %mul3A_147, %add3A_112 : i32
      %add3A_149 = arith.constant 1 : i32
      %add3A_150 = arith.addi %mul3A_148, %add3A_149 : i32
      "tpu.region"() ({
        %run_scoped3A_152 = tpu.sem_alloc : memref<!tpu.dma_semaphore, #tpu.memory_space<semaphore_mem>>
        %dma_start3A_153 = arith.constant 0 : i32
        %dma_start3A_154 = tpu.memref_slice %arg7[%add3A_150, %dma_start3A_153] : memref<41x128xi32, #tpu.memory_space<vmem>> -> memref<1x128xi32, #tpu.memory_space<vmem>>
        %dma_start3A_155 = tpu.memref_squeeze %dma_start3A_154 : memref<1x128xi32, #tpu.memory_space<vmem>> -> memref<128xi32, #tpu.memory_space<vmem>>
        %dma_start3A_156 = arith.constant 0 : i32
        %dma_start3A_157 = arith.constant 0 : i32
        %dma_start3A_158 = tpu.memref_slice %arg6[%dma_start3A_156, %dma_start3A_157] : memref<10240x128xf32, #tpu.memory_space<vmem_shared>> -> memref<10240x128xf32, #tpu.memory_space<vmem_shared>>
        tpu.enqueue_indirect_dma source(%arg10 : memref<128x128xf32, #tpu.memory_space<vmem>>) target(%dma_start3A_158 : memref<10240x128xf32, #tpu.memory_space<vmem_shared>>) offsets(%dma_start3A_155 : memref<128xi32, #tpu.memory_space<vmem>>) semaphore(%run_scoped3A_152 : memref<!tpu.dma_semaphore, #tpu.memory_space<semaphore_mem>>) {add = true}
        %dma_wait3A_159 = arith.constant 0 : i32
        %dma_wait3A_160 = tpu.memref_slice %arg7[%add3A_150, %dma_wait3A_159] : memref<41x128xi32, #tpu.memory_space<vmem>> -> memref<1x128xi32, #tpu.memory_space<vmem>>
        %dma_wait3A_161 = tpu.memref_squeeze %dma_wait3A_160 : memref<1x128xi32, #tpu.memory_space<vmem>> -> memref<128xi32, #tpu.memory_space<vmem>>
        %dma_wait3A_162 = arith.constant 0 : i32
        %dma_wait3A_163 = arith.constant 0 : i32
        %dma_wait3A_164 = tpu.memref_slice %arg6[%dma_wait3A_162, %dma_wait3A_163] : memref<10240x128xf32, #tpu.memory_space<vmem_shared>> -> memref<10240x128xf32, #tpu.memory_space<vmem_shared>>
        tpu.wait_indirect_dma semaphore(%run_scoped3A_152 : memref<!tpu.dma_semaphore, #tpu.memory_space<semaphore_mem>>) src(%arg10 : memref<128x128xf32, #tpu.memory_space<vmem>>) dst(%dma_wait3A_164 : memref<10240x128xf32, #tpu.memory_space<vmem_shared>>)
        tpu.yield
      }) : () -> ()
      %scan3A_151 = arith.constant 0 : i32
      scf.yield %scan3A_151 : i32
    }
    %scan3A_27 = arith.constant 10 : i32
    %dma_wait3A = arith.constant 0 : i32
    %dma_wait3A_28 = arith.constant 0 : i32
    %dma_wait3A_29 = tpu.memref_slice %arg4[%dma_wait3A, %dma_wait3A_28] : memref<10240x128xf32, #tpu.memory_space<hbm>> -> memref<128x128xf32, #tpu.memory_space<hbm>>
    %dma_wait3A_30 = arith.constant 0 : i32
    %dma_wait3A_31 = arith.constant 0 : i32
    %dma_wait3A_32 = tpu.memref_slice %arg4[%dma_wait3A_30, %dma_wait3A_31] : memref<10240x128xf32, #tpu.memory_space<hbm>> -> memref<128x128xf32, #tpu.memory_space<hbm>>
    tpu.wait_dma2 semaphore(%arg11 : memref<!tpu.dma_semaphore, #tpu.memory_space<semaphore_mem>>) src(%dma_wait3A_32 : memref<128x128xf32, #tpu.memory_space<hbm>>) dst(%arg9 : memref<128x128xf32, #tpu.memory_space<vmem>>)
    %run_scoped3A_33 = arith.constant 40 : i32
    "tpu.region"() ({
      %run_scoped3A_65 = tpu.sem_alloc : memref<!tpu.dma_semaphore, #tpu.memory_space<semaphore_mem>>
      %dma_start3A_66 = arith.constant 0 : i32
      %dma_start3A_67 = tpu.memref_slice %arg7[%run_scoped3A_33, %dma_start3A_66] : memref<41x128xi32, #tpu.memory_space<vmem>> -> memref<1x128xi32, #tpu.memory_space<vmem>>
      %dma_start3A_68 = tpu.memref_squeeze %dma_start3A_67 : memref<1x128xi32, #tpu.memory_space<vmem>> -> memref<128xi32, #tpu.memory_space<vmem>>
      %dma_start3A_69 = arith.constant 0 : i32
      %dma_start3A_70 = arith.constant 0 : i32
      %dma_start3A_71 = tpu.memref_slice %arg6[%dma_start3A_69, %dma_start3A_70] : memref<10240x128xf32, #tpu.memory_space<vmem_shared>> -> memref<10240x128xf32, #tpu.memory_space<vmem_shared>>
      tpu.enqueue_indirect_dma source(%arg9 : memref<128x128xf32, #tpu.memory_space<vmem>>) target(%dma_start3A_71 : memref<10240x128xf32, #tpu.memory_space<vmem_shared>>) offsets(%dma_start3A_68 : memref<128xi32, #tpu.memory_space<vmem>>) semaphore(%run_scoped3A_65 : memref<!tpu.dma_semaphore, #tpu.memory_space<semaphore_mem>>) {add = true}
      %dma_wait3A_72 = arith.constant 0 : i32
      %dma_wait3A_73 = tpu.memref_slice %arg7[%run_scoped3A_33, %dma_wait3A_72] : memref<41x128xi32, #tpu.memory_space<vmem>> -> memref<1x128xi32, #tpu.memory_space<vmem>>
      %dma_wait3A_74 = tpu.memref_squeeze %dma_wait3A_73 : memref<1x128xi32, #tpu.memory_space<vmem>> -> memref<128xi32, #tpu.memory_space<vmem>>
      %dma_wait3A_75 = arith.constant 0 : i32
      %dma_wait3A_76 = arith.constant 0 : i32
      %dma_wait3A_77 = tpu.memref_slice %arg6[%dma_wait3A_75, %dma_wait3A_76] : memref<10240x128xf32, #tpu.memory_space<vmem_shared>> -> memref<10240x128xf32, #tpu.memory_space<vmem_shared>>
      tpu.wait_indirect_dma semaphore(%run_scoped3A_65 : memref<!tpu.dma_semaphore, #tpu.memory_space<semaphore_mem>>) src(%arg9 : memref<128x128xf32, #tpu.memory_space<vmem>>) dst(%dma_wait3A_77 : memref<10240x128xf32, #tpu.memory_space<vmem_shared>>)
      tpu.yield
    }) : () -> ()
    %run_scoped3A_34 = arith.constant 1 : i32
    "tpu.region"() ({
      %run_scoped3A_65 = tpu.sem_alloc : memref<!tpu.dma_semaphore, #tpu.memory_space<semaphore_mem>>
      %dma_start3A_66 = arith.constant 0 : i32
      %dma_start3A_67 = arith.constant 0 : i32
      %dma_start3A_68 = tpu.memref_slice %arg2[%add3A, %run_scoped3A_34, %dma_start3A_66, %dma_start3A_67] : memref<32x2x41x128xi32, #tpu.memory_space<hbm>> -> memref<1x1x41x128xi32, #tpu.memory_space<hbm>>
      %dma_start3A_69 = tpu.memref_squeeze %dma_start3A_68 : memref<1x1x41x128xi32, #tpu.memory_space<hbm>> -> memref<41x128xi32, #tpu.memory_space<hbm>>
      %dma_start3A_70 = arith.constant 0 : i32
      %dma_start3A_71 = arith.constant 0 : i32
      %dma_start3A_72 = tpu.memref_slice %arg2[%add3A, %run_scoped3A_34, %dma_start3A_70, %dma_start3A_71] : memref<32x2x41x128xi32, #tpu.memory_space<hbm>> -> memref<1x1x41x128xi32, #tpu.memory_space<hbm>>
      %dma_start3A_73 = tpu.memref_squeeze %dma_start3A_72 : memref<1x1x41x128xi32, #tpu.memory_space<hbm>> -> memref<41x128xi32, #tpu.memory_space<hbm>>
      tpu.enqueue_dma source(%dma_start3A_73 : memref<41x128xi32, #tpu.memory_space<hbm>>) target(%arg7 : memref<41x128xi32, #tpu.memory_space<vmem>>) target_semaphore(%run_scoped3A_65 : memref<!tpu.dma_semaphore, #tpu.memory_space<semaphore_mem>>)
      %dma_wait3A_74 = arith.constant 0 : i32
      %dma_wait3A_75 = arith.constant 0 : i32
      %dma_wait3A_76 = tpu.memref_slice %arg2[%add3A, %run_scoped3A_34, %dma_wait3A_74, %dma_wait3A_75] : memref<32x2x41x128xi32, #tpu.memory_space<hbm>> -> memref<1x1x41x128xi32, #tpu.memory_space<hbm>>
      %dma_wait3A_77 = tpu.memref_squeeze %dma_wait3A_76 : memref<1x1x41x128xi32, #tpu.memory_space<hbm>> -> memref<41x128xi32, #tpu.memory_space<hbm>>
      %dma_wait3A_78 = arith.constant 0 : i32
      %dma_wait3A_79 = arith.constant 0 : i32
      %dma_wait3A_80 = tpu.memref_slice %arg2[%add3A, %run_scoped3A_34, %dma_wait3A_78, %dma_wait3A_79] : memref<32x2x41x128xi32, #tpu.memory_space<hbm>> -> memref<1x1x41x128xi32, #tpu.memory_space<hbm>>
      %dma_wait3A_81 = tpu.memref_squeeze %dma_wait3A_80 : memref<1x1x41x128xi32, #tpu.memory_space<hbm>> -> memref<41x128xi32, #tpu.memory_space<hbm>>
      tpu.wait_dma2 semaphore(%run_scoped3A_65 : memref<!tpu.dma_semaphore, #tpu.memory_space<semaphore_mem>>) src(%dma_wait3A_81 : memref<41x128xi32, #tpu.memory_space<hbm>>) dst(%arg7 : memref<41x128xi32, #tpu.memory_space<vmem>>)
      tpu.yield
    }) : () -> ()
    %run_scoped3A_35 = arith.constant 1 : i32
    "tpu.region"() ({
      %run_scoped3A_65 = tpu.sem_alloc : memref<!tpu.dma_semaphore, #tpu.memory_space<semaphore_mem>>
      %dma_start3A_66 = arith.constant 0 : i32
      %dma_start3A_67 = arith.constant 0 : i32
      %dma_start3A_68 = tpu.memref_slice %arg3[%add3A, %run_scoped3A_35, %dma_start3A_66, %dma_start3A_67] : memref<32x2x41x128xi32, #tpu.memory_space<hbm>> -> memref<1x1x41x128xi32, #tpu.memory_space<hbm>>
      %dma_start3A_69 = tpu.memref_squeeze %dma_start3A_68 : memref<1x1x41x128xi32, #tpu.memory_space<hbm>> -> memref<41x128xi32, #tpu.memory_space<hbm>>
      %dma_start3A_70 = arith.constant 0 : i32
      %dma_start3A_71 = arith.constant 0 : i32
      %dma_start3A_72 = tpu.memref_slice %arg3[%add3A, %run_scoped3A_35, %dma_start3A_70, %dma_start3A_71] : memref<32x2x41x128xi32, #tpu.memory_space<hbm>> -> memref<1x1x41x128xi32, #tpu.memory_space<hbm>>
      %dma_start3A_73 = tpu.memref_squeeze %dma_start3A_72 : memref<1x1x41x128xi32, #tpu.memory_space<hbm>> -> memref<41x128xi32, #tpu.memory_space<hbm>>
      tpu.enqueue_dma source(%dma_start3A_73 : memref<41x128xi32, #tpu.memory_space<hbm>>) target(%arg8 : memref<41x128xi32, #tpu.memory_space<vmem>>) target_semaphore(%run_scoped3A_65 : memref<!tpu.dma_semaphore, #tpu.memory_space<semaphore_mem>>)
      %dma_wait3A_74 = arith.constant 0 : i32
      %dma_wait3A_75 = arith.constant 0 : i32
      %dma_wait3A_76 = tpu.memref_slice %arg3[%add3A, %run_scoped3A_35, %dma_wait3A_74, %dma_wait3A_75] : memref<32x2x41x128xi32, #tpu.memory_space<hbm>> -> memref<1x1x41x128xi32, #tpu.memory_space<hbm>>
      %dma_wait3A_77 = tpu.memref_squeeze %dma_wait3A_76 : memref<1x1x41x128xi32, #tpu.memory_space<hbm>> -> memref<41x128xi32, #tpu.memory_space<hbm>>
      %dma_wait3A_78 = arith.constant 0 : i32
      %dma_wait3A_79 = arith.constant 0 : i32
      %dma_wait3A_80 = tpu.memref_slice %arg3[%add3A, %run_scoped3A_35, %dma_wait3A_78, %dma_wait3A_79] : memref<32x2x41x128xi32, #tpu.memory_space<hbm>> -> memref<1x1x41x128xi32, #tpu.memory_space<hbm>>
      %dma_wait3A_81 = tpu.memref_squeeze %dma_wait3A_80 : memref<1x1x41x128xi32, #tpu.memory_space<hbm>> -> memref<41x128xi32, #tpu.memory_space<hbm>>
      tpu.wait_dma2 semaphore(%run_scoped3A_65 : memref<!tpu.dma_semaphore, #tpu.memory_space<semaphore_mem>>) src(%dma_wait3A_81 : memref<41x128xi32, #tpu.memory_space<hbm>>) dst(%arg8 : memref<41x128xi32, #tpu.memory_space<vmem>>)
      tpu.yield
    }) : () -> ()
    %dma_start3A_36 = arith.constant 0 : i32
    %dma_start3A_37 = arith.constant 0 : i32
    %dma_start3A_38 = tpu.memref_slice %arg8[%dma_start3A_36, %dma_start3A_37] : memref<41x128xi32, #tpu.memory_space<vmem>> -> memref<1x128xi32, #tpu.memory_space<vmem>>
    %dma_start3A_39 = tpu.memref_squeeze %dma_start3A_38 : memref<1x128xi32, #tpu.memory_space<vmem>> -> memref<128xi32, #tpu.memory_space<vmem>>
    %dma_start3A_40 = arith.constant 0 : i32
    %dma_start3A_41 = arith.constant 0 : i32
    %dma_start3A_42 = tpu.memref_slice %arg4[%dma_start3A_40, %dma_start3A_41] : memref<10240x128xf32, #tpu.memory_space<hbm>> -> memref<10240x128xf32, #tpu.memory_space<hbm>>
    tpu.enqueue_indirect_dma source(%dma_start3A_42 : memref<10240x128xf32, #tpu.memory_space<hbm>>) target(%arg9 : memref<128x128xf32, #tpu.memory_space<vmem>>) offsets(%dma_start3A_39 : memref<128xi32, #tpu.memory_space<vmem>>) semaphore(%arg11 : memref<!tpu.dma_semaphore, #tpu.memory_space<semaphore_mem>>)
    %scan3A_43 = arith.constant 0 : i32
    %scan3A_44 = arith.constant 0 : i32
    %scan3A_45 = arith.constant 10 : i32
    %scan3A_46 = arith.addi %scan3A_44, %scan3A_45 : i32
    %scan3A_47 = arith.constant 1 : i32
    %scan3A_48 = scf.for %scan3A_65 = %scan3A_44 to %scan3A_46 step %scan3A_47 iter_args(%scan3A_66 = %scan3A_43) -> (i32)  : i32 {
      %mul3A_67 = arith.constant 2 : i32
      %mul3A_68 = arith.muli %scan3A_65, %mul3A_67 : i32
      %add3A_69 = arith.constant 0 : i32
      %add3A_70 = arith.addi %mul3A_68, %add3A_69 : i32
      %mul3A_71 = arith.constant 2 : i32
      %mul3A_72 = arith.muli %mul3A_71, %add3A_70 : i32
      %add3A_73 = arith.constant 1 : i32
      %add3A_74 = arith.addi %mul3A_72, %add3A_73 : i32
      %dma_start3A_75 = arith.constant 0 : i32
      %dma_start3A_76 = tpu.memref_slice %arg8[%add3A_74, %dma_start3A_75] : memref<41x128xi32, #tpu.memory_space<vmem>> -> memref<1x128xi32, #tpu.memory_space<vmem>>
      %dma_start3A_77 = tpu.memref_squeeze %dma_start3A_76 : memref<1x128xi32, #tpu.memory_space<vmem>> -> memref<128xi32, #tpu.memory_space<vmem>>
      %dma_start3A_78 = arith.constant 0 : i32
      %dma_start3A_79 = arith.constant 0 : i32
      %dma_start3A_80 = tpu.memref_slice %arg4[%dma_start3A_78, %dma_start3A_79] : memref<10240x128xf32, #tpu.memory_space<hbm>> -> memref<10240x128xf32, #tpu.memory_space<hbm>>
      tpu.enqueue_indirect_dma source(%dma_start3A_80 : memref<10240x128xf32, #tpu.memory_space<hbm>>) target(%arg10 : memref<128x128xf32, #tpu.memory_space<vmem>>) offsets(%dma_start3A_77 : memref<128xi32, #tpu.memory_space<vmem>>) semaphore(%arg12 : memref<!tpu.dma_semaphore, #tpu.memory_space<semaphore_mem>>)
      %dma_wait3A_81 = arith.constant 0 : i32
      %dma_wait3A_82 = arith.constant 0 : i32
      %dma_wait3A_83 = tpu.memref_slice %arg4[%dma_wait3A_81, %dma_wait3A_82] : memref<10240x128xf32, #tpu.memory_space<hbm>> -> memref<128x128xf32, #tpu.memory_space<hbm>>
      %dma_wait3A_84 = arith.constant 0 : i32
      %dma_wait3A_85 = arith.constant 0 : i32
      %dma_wait3A_86 = tpu.memref_slice %arg4[%dma_wait3A_84, %dma_wait3A_85] : memref<10240x128xf32, #tpu.memory_space<hbm>> -> memref<128x128xf32, #tpu.memory_space<hbm>>
      tpu.wait_dma2 semaphore(%arg11 : memref<!tpu.dma_semaphore, #tpu.memory_space<semaphore_mem>>) src(%dma_wait3A_86 : memref<128x128xf32, #tpu.memory_space<hbm>>) dst(%arg9 : memref<128x128xf32, #tpu.memory_space<vmem>>)
      %mul3A_87 = arith.constant 2 : i32
      %mul3A_88 = arith.muli %mul3A_87, %add3A_70 : i32
      "tpu.region"() ({
        %run_scoped3A_152 = tpu.sem_alloc : memref<!tpu.dma_semaphore, #tpu.memory_space<semaphore_mem>>
        %dma_start3A_153 = arith.constant 0 : i32
        %dma_start3A_154 = tpu.memref_slice %arg7[%mul3A_88, %dma_start3A_153] : memref<41x128xi32, #tpu.memory_space<vmem>> -> memref<1x128xi32, #tpu.memory_space<vmem>>
        %dma_start3A_155 = tpu.memref_squeeze %dma_start3A_154 : memref<1x128xi32, #tpu.memory_space<vmem>> -> memref<128xi32, #tpu.memory_space<vmem>>
        %dma_start3A_156 = arith.constant 0 : i32
        %dma_start3A_157 = arith.constant 0 : i32
        %dma_start3A_158 = tpu.memref_slice %arg6[%dma_start3A_156, %dma_start3A_157] : memref<10240x128xf32, #tpu.memory_space<vmem_shared>> -> memref<10240x128xf32, #tpu.memory_space<vmem_shared>>
        tpu.enqueue_indirect_dma source(%arg9 : memref<128x128xf32, #tpu.memory_space<vmem>>) target(%dma_start3A_158 : memref<10240x128xf32, #tpu.memory_space<vmem_shared>>) offsets(%dma_start3A_155 : memref<128xi32, #tpu.memory_space<vmem>>) semaphore(%run_scoped3A_152 : memref<!tpu.dma_semaphore, #tpu.memory_space<semaphore_mem>>) {add = true}
        %dma_wait3A_159 = arith.constant 0 : i32
        %dma_wait3A_160 = tpu.memref_slice %arg7[%mul3A_88, %dma_wait3A_159] : memref<41x128xi32, #tpu.memory_space<vmem>> -> memref<1x128xi32, #tpu.memory_space<vmem>>
        %dma_wait3A_161 = tpu.memref_squeeze %dma_wait3A_160 : memref<1x128xi32, #tpu.memory_space<vmem>> -> memref<128xi32, #tpu.memory_space<vmem>>
        %dma_wait3A_162 = arith.constant 0 : i32
        %dma_wait3A_163 = arith.constant 0 : i32
        %dma_wait3A_164 = tpu.memref_slice %arg6[%dma_wait3A_162, %dma_wait3A_163] : memref<10240x128xf32, #tpu.memory_space<vmem_shared>> -> memref<10240x128xf32, #tpu.memory_space<vmem_shared>>
        tpu.wait_indirect_dma semaphore(%run_scoped3A_152 : memref<!tpu.dma_semaphore, #tpu.memory_space<semaphore_mem>>) src(%arg9 : memref<128x128xf32, #tpu.memory_space<vmem>>) dst(%dma_wait3A_164 : memref<10240x128xf32, #tpu.memory_space<vmem_shared>>)
        tpu.yield
      }) : () -> ()
      %mul3A_89 = arith.constant 2 : i32
      %mul3A_90 = arith.muli %mul3A_89, %add3A_70 : i32
      %add3A_91 = arith.constant 2 : i32
      %add3A_92 = arith.addi %mul3A_90, %add3A_91 : i32
      %dma_start3A_93 = arith.constant 0 : i32
      %dma_start3A_94 = tpu.memref_slice %arg8[%add3A_92, %dma_start3A_93] : memref<41x128xi32, #tpu.memory_space<vmem>> -> memref<1x128xi32, #tpu.memory_space<vmem>>
      %dma_start3A_95 = tpu.memref_squeeze %dma_start3A_94 : memref<1x128xi32, #tpu.memory_space<vmem>> -> memref<128xi32, #tpu.memory_space<vmem>>
      %dma_start3A_96 = arith.constant 0 : i32
      %dma_start3A_97 = arith.constant 0 : i32
      %dma_start3A_98 = tpu.memref_slice %arg4[%dma_start3A_96, %dma_start3A_97] : memref<10240x128xf32, #tpu.memory_space<hbm>> -> memref<10240x128xf32, #tpu.memory_space<hbm>>
      tpu.enqueue_indirect_dma source(%dma_start3A_98 : memref<10240x128xf32, #tpu.memory_space<hbm>>) target(%arg9 : memref<128x128xf32, #tpu.memory_space<vmem>>) offsets(%dma_start3A_95 : memref<128xi32, #tpu.memory_space<vmem>>) semaphore(%arg11 : memref<!tpu.dma_semaphore, #tpu.memory_space<semaphore_mem>>)
      %dma_wait3A_99 = arith.constant 0 : i32
      %dma_wait3A_100 = arith.constant 0 : i32
      %dma_wait3A_101 = tpu.memref_slice %arg4[%dma_wait3A_99, %dma_wait3A_100] : memref<10240x128xf32, #tpu.memory_space<hbm>> -> memref<128x128xf32, #tpu.memory_space<hbm>>
      %dma_wait3A_102 = arith.constant 0 : i32
      %dma_wait3A_103 = arith.constant 0 : i32
      %dma_wait3A_104 = tpu.memref_slice %arg4[%dma_wait3A_102, %dma_wait3A_103] : memref<10240x128xf32, #tpu.memory_space<hbm>> -> memref<128x128xf32, #tpu.memory_space<hbm>>
      tpu.wait_dma2 semaphore(%arg12 : memref<!tpu.dma_semaphore, #tpu.memory_space<semaphore_mem>>) src(%dma_wait3A_104 : memref<128x128xf32, #tpu.memory_space<hbm>>) dst(%arg10 : memref<128x128xf32, #tpu.memory_space<vmem>>)
      %mul3A_105 = arith.constant 2 : i32
      %mul3A_106 = arith.muli %mul3A_105, %add3A_70 : i32
      %add3A_107 = arith.constant 1 : i32
      %add3A_108 = arith.addi %mul3A_106, %add3A_107 : i32
      "tpu.region"() ({
        %run_scoped3A_152 = tpu.sem_alloc : memref<!tpu.dma_semaphore, #tpu.memory_space<semaphore_mem>>
        %dma_start3A_153 = arith.constant 0 : i32
        %dma_start3A_154 = tpu.memref_slice %arg7[%add3A_108, %dma_start3A_153] : memref<41x128xi32, #tpu.memory_space<vmem>> -> memref<1x128xi32, #tpu.memory_space<vmem>>
        %dma_start3A_155 = tpu.memref_squeeze %dma_start3A_154 : memref<1x128xi32, #tpu.memory_space<vmem>> -> memref<128xi32, #tpu.memory_space<vmem>>
        %dma_start3A_156 = arith.constant 0 : i32
        %dma_start3A_157 = arith.constant 0 : i32
        %dma_start3A_158 = tpu.memref_slice %arg6[%dma_start3A_156, %dma_start3A_157] : memref<10240x128xf32, #tpu.memory_space<vmem_shared>> -> memref<10240x128xf32, #tpu.memory_space<vmem_shared>>
        tpu.enqueue_indirect_dma source(%arg10 : memref<128x128xf32, #tpu.memory_space<vmem>>) target(%dma_start3A_158 : memref<10240x128xf32, #tpu.memory_space<vmem_shared>>) offsets(%dma_start3A_155 : memref<128xi32, #tpu.memory_space<vmem>>) semaphore(%run_scoped3A_152 : memref<!tpu.dma_semaphore, #tpu.memory_space<semaphore_mem>>) {add = true}
        %dma_wait3A_159 = arith.constant 0 : i32
        %dma_wait3A_160 = tpu.memref_slice %arg7[%add3A_108, %dma_wait3A_159] : memref<41x128xi32, #tpu.memory_space<vmem>> -> memref<1x128xi32, #tpu.memory_space<vmem>>
        %dma_wait3A_161 = tpu.memref_squeeze %dma_wait3A_160 : memref<1x128xi32, #tpu.memory_space<vmem>> -> memref<128xi32, #tpu.memory_space<vmem>>
        %dma_wait3A_162 = arith.constant 0 : i32
        %dma_wait3A_163 = arith.constant 0 : i32
        %dma_wait3A_164 = tpu.memref_slice %arg6[%dma_wait3A_162, %dma_wait3A_163] : memref<10240x128xf32, #tpu.memory_space<vmem_shared>> -> memref<10240x128xf32, #tpu.memory_space<vmem_shared>>
        tpu.wait_indirect_dma semaphore(%run_scoped3A_152 : memref<!tpu.dma_semaphore, #tpu.memory_space<semaphore_mem>>) src(%arg10 : memref<128x128xf32, #tpu.memory_space<vmem>>) dst(%dma_wait3A_164 : memref<10240x128xf32, #tpu.memory_space<vmem_shared>>)
        tpu.yield
      }) : () -> ()
      %mul3A_109 = arith.constant 2 : i32
      %mul3A_110 = arith.muli %scan3A_65, %mul3A_109 : i32
      %add3A_111 = arith.constant 1 : i32
      %add3A_112 = arith.addi %mul3A_110, %add3A_111 : i32
      %mul3A_113 = arith.constant 2 : i32
      %mul3A_114 = arith.muli %mul3A_113, %add3A_112 : i32
      %add3A_115 = arith.constant 1 : i32
      %add3A_116 = arith.addi %mul3A_114, %add3A_115 : i32
      %dma_start3A_117 = arith.constant 0 : i32
      %dma_start3A_118 = tpu.memref_slice %arg8[%add3A_116, %dma_start3A_117] : memref<41x128xi32, #tpu.memory_space<vmem>> -> memref<1x128xi32, #tpu.memory_space<vmem>>
      %dma_start3A_119 = tpu.memref_squeeze %dma_start3A_118 : memref<1x128xi32, #tpu.memory_space<vmem>> -> memref<128xi32, #tpu.memory_space<vmem>>
      %dma_start3A_120 = arith.constant 0 : i32
      %dma_start3A_121 = arith.constant 0 : i32
      %dma_start3A_122 = tpu.memref_slice %arg4[%dma_start3A_120, %dma_start3A_121] : memref<10240x128xf32, #tpu.memory_space<hbm>> -> memref<10240x128xf32, #tpu.memory_space<hbm>>
      tpu.enqueue_indirect_dma source(%dma_start3A_122 : memref<10240x128xf32, #tpu.memory_space<hbm>>) target(%arg10 : memref<128x128xf32, #tpu.memory_space<vmem>>) offsets(%dma_start3A_119 : memref<128xi32, #tpu.memory_space<vmem>>) semaphore(%arg12 : memref<!tpu.dma_semaphore, #tpu.memory_space<semaphore_mem>>)
      %dma_wait3A_123 = arith.constant 0 : i32
      %dma_wait3A_124 = arith.constant 0 : i32
      %dma_wait3A_125 = tpu.memref_slice %arg4[%dma_wait3A_123, %dma_wait3A_124] : memref<10240x128xf32, #tpu.memory_space<hbm>> -> memref<128x128xf32, #tpu.memory_space<hbm>>
      %dma_wait3A_126 = arith.constant 0 : i32
      %dma_wait3A_127 = arith.constant 0 : i32
      %dma_wait3A_128 = tpu.memref_slice %arg4[%dma_wait3A_126, %dma_wait3A_127] : memref<10240x128xf32, #tpu.memory_space<hbm>> -> memref<128x128xf32, #tpu.memory_space<hbm>>
      tpu.wait_dma2 semaphore(%arg11 : memref<!tpu.dma_semaphore, #tpu.memory_space<semaphore_mem>>) src(%dma_wait3A_128 : memref<128x128xf32, #tpu.memory_space<hbm>>) dst(%arg9 : memref<128x128xf32, #tpu.memory_space<vmem>>)
      %mul3A_129 = arith.constant 2 : i32
      %mul3A_130 = arith.muli %mul3A_129, %add3A_112 : i32
      "tpu.region"() ({
        %run_scoped3A_152 = tpu.sem_alloc : memref<!tpu.dma_semaphore, #tpu.memory_space<semaphore_mem>>
        %dma_start3A_153 = arith.constant 0 : i32
        %dma_start3A_154 = tpu.memref_slice %arg7[%mul3A_130, %dma_start3A_153] : memref<41x128xi32, #tpu.memory_space<vmem>> -> memref<1x128xi32, #tpu.memory_space<vmem>>
        %dma_start3A_155 = tpu.memref_squeeze %dma_start3A_154 : memref<1x128xi32, #tpu.memory_space<vmem>> -> memref<128xi32, #tpu.memory_space<vmem>>
        %dma_start3A_156 = arith.constant 0 : i32
        %dma_start3A_157 = arith.constant 0 : i32
        %dma_start3A_158 = tpu.memref_slice %arg6[%dma_start3A_156, %dma_start3A_157] : memref<10240x128xf32, #tpu.memory_space<vmem_shared>> -> memref<10240x128xf32, #tpu.memory_space<vmem_shared>>
        tpu.enqueue_indirect_dma source(%arg9 : memref<128x128xf32, #tpu.memory_space<vmem>>) target(%dma_start3A_158 : memref<10240x128xf32, #tpu.memory_space<vmem_shared>>) offsets(%dma_start3A_155 : memref<128xi32, #tpu.memory_space<vmem>>) semaphore(%run_scoped3A_152 : memref<!tpu.dma_semaphore, #tpu.memory_space<semaphore_mem>>) {add = true}
        %dma_wait3A_159 = arith.constant 0 : i32
        %dma_wait3A_160 = tpu.memref_slice %arg7[%mul3A_130, %dma_wait3A_159] : memref<41x128xi32, #tpu.memory_space<vmem>> -> memref<1x128xi32, #tpu.memory_space<vmem>>
        %dma_wait3A_161 = tpu.memref_squeeze %dma_wait3A_160 : memref<1x128xi32, #tpu.memory_space<vmem>> -> memref<128xi32, #tpu.memory_space<vmem>>
        %dma_wait3A_162 = arith.constant 0 : i32
        %dma_wait3A_163 = arith.constant 0 : i32
        %dma_wait3A_164 = tpu.memref_slice %arg6[%dma_wait3A_162, %dma_wait3A_163] : memref<10240x128xf32, #tpu.memory_space<vmem_shared>> -> memref<10240x128xf32, #tpu.memory_space<vmem_shared>>
        tpu.wait_indirect_dma semaphore(%run_scoped3A_152 : memref<!tpu.dma_semaphore, #tpu.memory_space<semaphore_mem>>) src(%arg9 : memref<128x128xf32, #tpu.memory_space<vmem>>) dst(%dma_wait3A_164 : memref<10240x128xf32, #tpu.memory_space<vmem_shared>>)
        tpu.yield
      }) : () -> ()
      %mul3A_131 = arith.constant 2 : i32
      %mul3A_132 = arith.muli %mul3A_131, %add3A_112 : i32
      %add3A_133 = arith.constant 2 : i32
      %add3A_134 = arith.addi %mul3A_132, %add3A_133 : i32
      %dma_start3A_135 = arith.constant 0 : i32
      %dma_start3A_136 = tpu.memref_slice %arg8[%add3A_134, %dma_start3A_135] : memref<41x128xi32, #tpu.memory_space<vmem>> -> memref<1x128xi32, #tpu.memory_space<vmem>>
      %dma_start3A_137 = tpu.memref_squeeze %dma_start3A_136 : memref<1x128xi32, #tpu.memory_space<vmem>> -> memref<128xi32, #tpu.memory_space<vmem>>
      %dma_start3A_138 = arith.constant 0 : i32
      %dma_start3A_139 = arith.constant 0 : i32
      %dma_start3A_140 = tpu.memref_slice %arg4[%dma_start3A_138, %dma_start3A_139] : memref<10240x128xf32, #tpu.memory_space<hbm>> -> memref<10240x128xf32, #tpu.memory_space<hbm>>
      tpu.enqueue_indirect_dma source(%dma_start3A_140 : memref<10240x128xf32, #tpu.memory_space<hbm>>) target(%arg9 : memref<128x128xf32, #tpu.memory_space<vmem>>) offsets(%dma_start3A_137 : memref<128xi32, #tpu.memory_space<vmem>>) semaphore(%arg11 : memref<!tpu.dma_semaphore, #tpu.memory_space<semaphore_mem>>)
      %dma_wait3A_141 = arith.constant 0 : i32
      %dma_wait3A_142 = arith.constant 0 : i32
      %dma_wait3A_143 = tpu.memref_slice %arg4[%dma_wait3A_141, %dma_wait3A_142] : memref<10240x128xf32, #tpu.memory_space<hbm>> -> memref<128x128xf32, #tpu.memory_space<hbm>>
      %dma_wait3A_144 = arith.constant 0 : i32
      %dma_wait3A_145 = arith.constant 0 : i32
      %dma_wait3A_146 = tpu.memref_slice %arg4[%dma_wait3A_144, %dma_wait3A_145] : memref<10240x128xf32, #tpu.memory_space<hbm>> -> memref<128x128xf32, #tpu.memory_space<hbm>>
      tpu.wait_dma2 semaphore(%arg12 : memref<!tpu.dma_semaphore, #tpu.memory_space<semaphore_mem>>) src(%dma_wait3A_146 : memref<128x128xf32, #tpu.memory_space<hbm>>) dst(%arg10 : memref<128x128xf32, #tpu.memory_space<vmem>>)
      %mul3A_147 = arith.constant 2 : i32
      %mul3A_148 = arith.muli %mul3A_147, %add3A_112 : i32
      %add3A_149 = arith.constant 1 : i32
      %add3A_150 = arith.addi %mul3A_148, %add3A_149 : i32
      "tpu.region"() ({
        %run_scoped3A_152 = tpu.sem_alloc : memref<!tpu.dma_semaphore, #tpu.memory_space<semaphore_mem>>
        %dma_start3A_153 = arith.constant 0 : i32
        %dma_start3A_154 = tpu.memref_slice %arg7[%add3A_150, %dma_start3A_153] : memref<41x128xi32, #tpu.memory_space<vmem>> -> memref<1x128xi32, #tpu.memory_space<vmem>>
        %dma_start3A_155 = tpu.memref_squeeze %dma_start3A_154 : memref<1x128xi32, #tpu.memory_space<vmem>> -> memref<128xi32, #tpu.memory_space<vmem>>
        %dma_start3A_156 = arith.constant 0 : i32
        %dma_start3A_157 = arith.constant 0 : i32
        %dma_start3A_158 = tpu.memref_slice %arg6[%dma_start3A_156, %dma_start3A_157] : memref<10240x128xf32, #tpu.memory_space<vmem_shared>> -> memref<10240x128xf32, #tpu.memory_space<vmem_shared>>
        tpu.enqueue_indirect_dma source(%arg10 : memref<128x128xf32, #tpu.memory_space<vmem>>) target(%dma_start3A_158 : memref<10240x128xf32, #tpu.memory_space<vmem_shared>>) offsets(%dma_start3A_155 : memref<128xi32, #tpu.memory_space<vmem>>) semaphore(%run_scoped3A_152 : memref<!tpu.dma_semaphore, #tpu.memory_space<semaphore_mem>>) {add = true}
        %dma_wait3A_159 = arith.constant 0 : i32
        %dma_wait3A_160 = tpu.memref_slice %arg7[%add3A_150, %dma_wait3A_159] : memref<41x128xi32, #tpu.memory_space<vmem>> -> memref<1x128xi32, #tpu.memory_space<vmem>>
        %dma_wait3A_161 = tpu.memref_squeeze %dma_wait3A_160 : memref<1x128xi32, #tpu.memory_space<vmem>> -> memref<128xi32, #tpu.memory_space<vmem>>
        %dma_wait3A_162 = arith.constant 0 : i32
        %dma_wait3A_163 = arith.constant 0 : i32
        %dma_wait3A_164 = tpu.memref_slice %arg6[%dma_wait3A_162, %dma_wait3A_163] : memref<10240x128xf32, #tpu.memory_space<vmem_shared>> -> memref<10240x128xf32, #tpu.memory_space<vmem_shared>>
        tpu.wait_indirect_dma semaphore(%run_scoped3A_152 : memref<!tpu.dma_semaphore, #tpu.memory_space<semaphore_mem>>) src(%arg10 : memref<128x128xf32, #tpu.memory_space<vmem>>) dst(%dma_wait3A_164 : memref<10240x128xf32, #tpu.memory_space<vmem_shared>>)
        tpu.yield
      }) : () -> ()
      %scan3A_151 = arith.constant 0 : i32
      scf.yield %scan3A_151 : i32
    }
    %scan3A_49 = arith.constant 10 : i32
    %dma_wait3A_50 = arith.constant 0 : i32
    %dma_wait3A_51 = arith.constant 0 : i32
    %dma_wait3A_52 = tpu.memref_slice %arg4[%dma_wait3A_50, %dma_wait3A_51] : memref<10240x128xf32, #tpu.memory_space<hbm>> -> memref<128x128xf32, #tpu.memory_space<hbm>>
    %dma_wait3A_53 = arith.constant 0 : i32
    %dma_wait3A_54 = arith.constant 0 : i32
    %dma_wait3A_55 = tpu.memref_slice %arg4[%dma_wait3A_53, %dma_wait3A_54] : memref<10240x128xf32, #tpu.memory_space<hbm>> -> memref<128x128xf32, #tpu.memory_space<hbm>>
    tpu.wait_dma2 semaphore(%arg11 : memref<!tpu.dma_semaphore, #tpu.memory_space<semaphore_mem>>) src(%dma_wait3A_55 : memref<128x128xf32, #tpu.memory_space<hbm>>) dst(%arg9 : memref<128x128xf32, #tpu.memory_space<vmem>>)
    %run_scoped3A_56 = arith.constant 40 : i32
    "tpu.region"() ({
      %run_scoped3A_65 = tpu.sem_alloc : memref<!tpu.dma_semaphore, #tpu.memory_space<semaphore_mem>>
      %dma_start3A_66 = arith.constant 0 : i32
      %dma_start3A_67 = tpu.memref_slice %arg7[%run_scoped3A_56, %dma_start3A_66] : memref<41x128xi32, #tpu.memory_space<vmem>> -> memref<1x128xi32, #tpu.memory_space<vmem>>
      %dma_start3A_68 = tpu.memref_squeeze %dma_start3A_67 : memref<1x128xi32, #tpu.memory_space<vmem>> -> memref<128xi32, #tpu.memory_space<vmem>>
      %dma_start3A_69 = arith.constant 0 : i32
      %dma_start3A_70 = arith.constant 0 : i32
      %dma_start3A_71 = tpu.memref_slice %arg6[%dma_start3A_69, %dma_start3A_70] : memref<10240x128xf32, #tpu.memory_space<vmem_shared>> -> memref<10240x128xf32, #tpu.memory_space<vmem_shared>>
      tpu.enqueue_indirect_dma source(%arg9 : memref<128x128xf32, #tpu.memory_space<vmem>>) target(%dma_start3A_71 : memref<10240x128xf32, #tpu.memory_space<vmem_shared>>) offsets(%dma_start3A_68 : memref<128xi32, #tpu.memory_space<vmem>>) semaphore(%run_scoped3A_65 : memref<!tpu.dma_semaphore, #tpu.memory_space<semaphore_mem>>) {add = true}
      %dma_wait3A_72 = arith.constant 0 : i32
      %dma_wait3A_73 = tpu.memref_slice %arg7[%run_scoped3A_56, %dma_wait3A_72] : memref<41x128xi32, #tpu.memory_space<vmem>> -> memref<1x128xi32, #tpu.memory_space<vmem>>
      %dma_wait3A_74 = tpu.memref_squeeze %dma_wait3A_73 : memref<1x128xi32, #tpu.memory_space<vmem>> -> memref<128xi32, #tpu.memory_space<vmem>>
      %dma_wait3A_75 = arith.constant 0 : i32
      %dma_wait3A_76 = arith.constant 0 : i32
      %dma_wait3A_77 = tpu.memref_slice %arg6[%dma_wait3A_75, %dma_wait3A_76] : memref<10240x128xf32, #tpu.memory_space<vmem_shared>> -> memref<10240x128xf32, #tpu.memory_space<vmem_shared>>
      tpu.wait_indirect_dma semaphore(%run_scoped3A_65 : memref<!tpu.dma_semaphore, #tpu.memory_space<semaphore_mem>>) src(%arg9 : memref<128x128xf32, #tpu.memory_space<vmem>>) dst(%dma_wait3A_77 : memref<10240x128xf32, #tpu.memory_space<vmem_shared>>)
      tpu.yield
    }) : () -> ()
    %barrier3A_57 = arith.constant 0 : index
    tpu.barrier barrier_id(%barrier3A_57)
    %mul3A_58 = arith.constant 640 : i32
    %mul3A_59 = arith.muli %arg1, %mul3A_58 : i32
    %mul3A_60 = arith.constant 10240 : i32
    %mul3A_61 = arith.muli %arg0, %mul3A_60 : i32
    %mul3A_62 = arith.constant 640 : i32
    %mul3A_63 = arith.muli %arg1, %mul3A_62 : i32
    %add3A_64 = arith.addi %mul3A_61, %mul3A_63 : i32
    "tpu.region"() ({
      %run_scoped3A_65 = tpu.sem_alloc : memref<!tpu.dma_semaphore, #tpu.memory_space<semaphore_mem>>
      %dma_start3A_66 = arith.constant 0 : i32
      %dma_start3A_67 = tpu.memref_slice %arg5[%add3A_64, %dma_start3A_66] : memref<20480x128xf32, #tpu.memory_space<hbm>> -> memref<640x128xf32, #tpu.memory_space<hbm>>
      %dma_start3A_68 = arith.constant 0 : i32
      %dma_start3A_69 = tpu.memref_slice %arg6[%mul3A_59, %dma_start3A_68] : memref<10240x128xf32, #tpu.memory_space<vmem_shared>> -> memref<640x128xf32, #tpu.memory_space<vmem_shared>>
      tpu.enqueue_dma source(%dma_start3A_69 : memref<640x128xf32, #tpu.memory_space<vmem_shared>>) target(%dma_start3A_67 : memref<640x128xf32, #tpu.memory_space<hbm>>) target_semaphore(%run_scoped3A_65 : memref<!tpu.dma_semaphore, #tpu.memory_space<semaphore_mem>>)
      %dma_wait3A_70 = arith.constant 0 : i32
      %dma_wait3A_71 = tpu.memref_slice %arg5[%add3A_64, %dma_wait3A_70] : memref<20480x128xf32, #tpu.memory_space<hbm>> -> memref<640x128xf32, #tpu.memory_space<hbm>>
      %dma_wait3A_72 = arith.constant 0 : i32
      %dma_wait3A_73 = tpu.memref_slice %arg6[%mul3A_59, %dma_wait3A_72] : memref<10240x128xf32, #tpu.memory_space<vmem_shared>> -> memref<640x128xf32, #tpu.memory_space<vmem_shared>>
      tpu.wait_dma2 semaphore(%run_scoped3A_65 : memref<!tpu.dma_semaphore, #tpu.memory_space<semaphore_mem>>) src(%dma_wait3A_73 : memref<640x128xf32, #tpu.memory_space<vmem_shared>>) dst(%dma_wait3A_71 : memref<640x128xf32, #tpu.memory_space<hbm>>)
      tpu.yield
    }) : () -> ()
    return
  }
}

module attributes {stable_mosaic.version = 14 : i64} {
  func.func @body(%arg0: i32, %arg1: memref<1x1280x128xf32, #tpu.memory_space<vmem>>, %arg2: memref<1x1280x128xf32, #tpu.memory_space<vmem>>, %arg3: memref<1280x1xf32, #tpu.memory_space<vmem>>, %arg4: memref<1280x128xf32, #tpu.memory_space<vmem>>, %arg5: memref<1280x128xf32, #tpu.memory_space<vmem>>) attributes {dimension_semantics = [#tpu.dimension_semantics<arbitrary>], iteration_bounds = array<i64: 8>, scalar_prefetch = 0 : i64, scratch_operands = 0 : i64, tpu.core_type = #tpu.core_type<tc>, window_params = [{transform_indices = @transform_0, window_bounds = array<i64: 1, 1280, 128>}, {transform_indices = @transform_1, window_bounds = array<i64: 1, 1280, 128>}, {transform_indices = @transform_2, window_bounds = array<i64: 1280, 1>}, {transform_indices = @transform_3, window_bounds = array<i64: 1280, 128>}, {transform_indices = @transform_4, window_bounds = array<i64: 1280, 128>}]} {
    %get3A = arith.constant 0 : index
    %get3A_0 = arith.constant 0 : index
    %get3A_1 = vector.load %arg3[%get3A, %get3A_0] : memref<1280x1xf32, #tpu.memory_space<vmem>>, vector<1280x1xf32>
    %get3A_2 = arith.constant 0 : index
    %get3A_3 = arith.constant 0 : index
    %get3A_4 = arith.constant 0 : index
    %get3A_5 = vector.load %arg1[%get3A_2, %get3A_3, %get3A_4] : memref<1x1280x128xf32, #tpu.memory_space<vmem>>, vector<1x1280x128xf32>
    %get3A_6 = vector.shape_cast %get3A_5 : vector<1x1280x128xf32> to vector<1280x128xf32>
    %get3A_7 = arith.constant 0 : index
    %get3A_8 = arith.constant 0 : index
    %get3A_9 = arith.constant 0 : index
    %get3A_10 = vector.load %arg2[%get3A_7, %get3A_8, %get3A_9] : memref<1x1280x128xf32, #tpu.memory_space<vmem>>, vector<1x1280x128xf32>
    %get3A_11 = vector.shape_cast %get3A_10 : vector<1x1280x128xf32> to vector<1280x128xf32>
    %add3A = arith.addf %get3A_6, %get3A_11 : vector<1280x128xf32>
    %mul3A = vector.broadcast %get3A_1 : vector<1280x1xf32> to vector<1280x128xf32>
    %mul3A_12 = arith.mulf %add3A, %mul3A : vector<1280x128xf32>
    %swap3A = arith.constant 0 : index
    %swap3A_13 = arith.constant 0 : index
    %swap3A_14 = vector.load %arg4[%swap3A, %swap3A_13] : memref<1280x128xf32, #tpu.memory_space<vmem>>, vector<1280x128xf32>
    tpu.vector_store %arg4[%swap3A, %swap3A_13], %mul3A_12 {strides = array<i32>} : memref<1280x128xf32, #tpu.memory_space<vmem>>, vector<1280x128xf32>,
    %mul3A_15 = vector.broadcast %get3A_1 : vector<1280x1xf32> to vector<1280x128xf32>
    %mul3A_16 = arith.mulf %mul3A_12, %mul3A_15 : vector<1280x128xf32>
    %swap3A_17 = arith.constant 0 : index
    %swap3A_18 = arith.constant 0 : index
    %swap3A_19 = vector.load %arg5[%swap3A_17, %swap3A_18] : memref<1280x128xf32, #tpu.memory_space<vmem>>, vector<1280x128xf32>
    tpu.vector_store %arg5[%swap3A_17, %swap3A_18], %mul3A_16 {strides = array<i32>} : memref<1280x128xf32, #tpu.memory_space<vmem>>, vector<1280x128xf32>,
    return
  }
  func.func @transform_0(%arg0: i32) -> (i32, i32, i32) {
    %c0_i32 = arith.constant 0 : i32
    %c0_i32_0 = arith.constant 0 : i32
    %c0_i32_1 = arith.constant 0 : i32
    return %c0_i32, %arg0, %c0_i32_0 : i32, i32, i32
  }
  func.func @transform_1(%arg0: i32) -> (i32, i32, i32) {
    %c1_i32 = arith.constant 1 : i32
    %c0_i32 = arith.constant 0 : i32
    %c0_i32_0 = arith.constant 0 : i32
    return %c1_i32, %arg0, %c0_i32 : i32, i32, i32
  }
  func.func @transform_2(%arg0: i32) -> (i32, i32) {
    %c0_i32 = arith.constant 0 : i32
    %c0_i32_0 = arith.constant 0 : i32
    return %arg0, %c0_i32 : i32, i32
  }
  func.func @transform_3(%arg0: i32) -> (i32, i32) {
    %c0_i32 = arith.constant 0 : i32
    %c0_i32_0 = arith.constant 0 : i32
    return %arg0, %c0_i32 : i32, i32
  }
  func.func @transform_4(%arg0: i32) -> (i32, i32) {
    %c0_i32 = arith.constant 0 : i32
    %c0_i32_0 = arith.constant 0 : i32
    return %arg0, %c0_i32 : i32, i32
  }
}

module attributes {stable_mosaic.version = 14 : i64} {
  func.func @body(%arg0: i32, %arg1: memref<2000x128xf32, #tpu.memory_space<vmem>>, %arg2: memref<2000x128xf32, #tpu.memory_space<vmem>>, %arg3: memref<1x2000x128xf32, #tpu.memory_space<vmem>>, %arg4: memref<1x2000x128xf32, #tpu.memory_space<vmem>>, %arg5: memref<2000x1xf32, #tpu.memory_space<vmem>>, %arg6: memref<8x128xf32, #tpu.memory_space<vmem>>, %arg7: memref<2000x128xf32, #tpu.memory_space<vmem>>) attributes {dimension_semantics = [#tpu.dimension_semantics<arbitrary>], iteration_bounds = array<i64: 5>, scalar_prefetch = 0 : i64, scratch_operands = 0 : i64, tpu.core_type = #tpu.core_type<tc>, window_params = [{transform_indices = @transform_0, window_bounds = array<i64: 2000, 128>}, {transform_indices = @transform_1, window_bounds = array<i64: 2000, 128>}, {transform_indices = @transform_2, window_bounds = array<i64: 1, 2000, 128>}, {transform_indices = @transform_3, window_bounds = array<i64: 1, 2000, 128>}, {transform_indices = @transform_4, window_bounds = array<i64: 2000, 1>}, {pipeline_mode = #tpu.pipeline_mode<synchronous>, transform_indices = @transform_5, window_bounds = array<i64: 8, 128>}, {transform_indices = @transform_6, window_bounds = array<i64: 2000, 128>}]} {
    %get3A = arith.constant 0 : index
    %get3A_0 = arith.constant 0 : index
    %get3A_1 = vector.load %arg6[%get3A, %get3A_0] : memref<8x128xf32, #tpu.memory_space<vmem>>, vector<8x128xf32>
    %reduce_max3A = vector.shape_cast %get3A_1 : vector<8x128xf32> to vector<1x8x128xf32>
    %reduce_max3A_2 = arith.constant dense<0xFF800000> : vector<1xf32>
    %reduce_max3A_3 = vector.multi_reduction <maximumf>, %reduce_max3A, %reduce_max3A_2 [1, 2] : vector<1x8x128xf32> to vector<1xf32>
    %reduce_max3A_4 = vector.shape_cast %reduce_max3A_3 : vector<1xf32> to vector<1x1x1xf32>
    %reduce_max3A_5 = vector.extract %reduce_max3A_4[0, 0, 0] : f32 from vector<1x1x1xf32>
    %sub3A = vector.broadcast %reduce_max3A_5 : f32 to vector<8x128xf32>
    %sub3A_6 = arith.subf %get3A_1, %sub3A : vector<8x128xf32>
    %exp3A = math.exp %sub3A_6 : vector<8x128xf32>
    %reduce_sum3A = vector.shape_cast %exp3A : vector<8x128xf32> to vector<1x8x128xf32>
    %reduce_sum3A_7 = arith.constant dense<0.000000e+00> : vector<1xf32>
    %reduce_sum3A_8 = vector.multi_reduction <add>, %reduce_sum3A, %reduce_sum3A_7 [1, 2] : vector<1x8x128xf32> to vector<1xf32>
    %reduce_sum3A_9 = vector.shape_cast %reduce_sum3A_8 : vector<1xf32> to vector<1x1x1xf32>
    %reduce_sum3A_10 = vector.extract %reduce_sum3A_9[0, 0, 0] : f32 from vector<1x1x1xf32>
    %div3A = vector.broadcast %reduce_sum3A_10 : f32 to vector<8x128xf32>
    %div3A_11 = arith.divf %exp3A, %div3A : vector<8x128xf32>
    %iota3A = tpu.iota {dimensions = array<i32: 0>} : vector<8x128xi32>
    %iota3A_12 = tpu.iota {dimensions = array<i32: 1>} : vector<8x128xi32>
    %broadcast_in_dim3A = arith.constant 0.000000e+00 : f32
    %broadcast_in_dim3A_13 = vector.broadcast %broadcast_in_dim3A : f32 to vector<8x128xf32>
    %eq3A = arith.constant 0 : i32
    %eq3A_14 = vector.broadcast %eq3A : i32 to vector<8x128xi32>
    %eq3A_15 = arith.cmpi eq, %iota3A, %eq3A_14 : vector<8x128xi32>
    %eq3A_16 = arith.constant 0 : i32
    %eq3A_17 = vector.broadcast %eq3A_16 : i32 to vector<8x128xi32>
    %eq3A_18 = arith.cmpi eq, %iota3A_12, %eq3A_17 : vector<8x128xi32>
    %and3A = arith.andi %eq3A_15, %eq3A_18 : vector<8x128xi1>
    %select_n3A = arith.select %and3A, %div3A_11, %broadcast_in_dim3A_13 : vector<8x128xi1>, vector<8x128xf32>
    %reduce_sum3A_19 = vector.shape_cast %select_n3A : vector<8x128xf32> to vector<1x8x128xf32>
    %reduce_sum3A_20 = arith.constant dense<0.000000e+00> : vector<1xf32>
    %reduce_sum3A_21 = vector.multi_reduction <add>, %reduce_sum3A_19, %reduce_sum3A_20 [1, 2] : vector<1x8x128xf32> to vector<1xf32>
    %reduce_sum3A_22 = vector.shape_cast %reduce_sum3A_21 : vector<1xf32> to vector<1x1x1xf32>
    %reduce_sum3A_23 = vector.extract %reduce_sum3A_22[0, 0, 0] : f32 from vector<1x1x1xf32>
    %eq3A_24 = arith.constant 0 : i32
    %eq3A_25 = vector.broadcast %eq3A_24 : i32 to vector<8x128xi32>
    %eq3A_26 = arith.cmpi eq, %iota3A, %eq3A_25 : vector<8x128xi32>
    %eq3A_27 = arith.constant 1 : i32
    %eq3A_28 = vector.broadcast %eq3A_27 : i32 to vector<8x128xi32>
    %eq3A_29 = arith.cmpi eq, %iota3A_12, %eq3A_28 : vector<8x128xi32>
    %and3A_30 = arith.andi %eq3A_26, %eq3A_29 : vector<8x128xi1>
    %select_n3A_31 = arith.select %and3A_30, %div3A_11, %broadcast_in_dim3A_13 : vector<8x128xi1>, vector<8x128xf32>
    %reduce_sum3A_32 = vector.shape_cast %select_n3A_31 : vector<8x128xf32> to vector<1x8x128xf32>
    %reduce_sum3A_33 = arith.constant dense<0.000000e+00> : vector<1xf32>
    %reduce_sum3A_34 = vector.multi_reduction <add>, %reduce_sum3A_32, %reduce_sum3A_33 [1, 2] : vector<1x8x128xf32> to vector<1xf32>
    %reduce_sum3A_35 = vector.shape_cast %reduce_sum3A_34 : vector<1xf32> to vector<1x1x1xf32>
    %reduce_sum3A_36 = vector.extract %reduce_sum3A_35[0, 0, 0] : f32 from vector<1x1x1xf32>
    %eq3A_37 = arith.constant 0 : i32
    %eq3A_38 = vector.broadcast %eq3A_37 : i32 to vector<8x128xi32>
    %eq3A_39 = arith.cmpi eq, %iota3A, %eq3A_38 : vector<8x128xi32>
    %eq3A_40 = arith.constant 2 : i32
    %eq3A_41 = vector.broadcast %eq3A_40 : i32 to vector<8x128xi32>
    %eq3A_42 = arith.cmpi eq, %iota3A_12, %eq3A_41 : vector<8x128xi32>
    %and3A_43 = arith.andi %eq3A_39, %eq3A_42 : vector<8x128xi1>
    %select_n3A_44 = arith.select %and3A_43, %div3A_11, %broadcast_in_dim3A_13 : vector<8x128xi1>, vector<8x128xf32>
    %reduce_sum3A_45 = vector.shape_cast %select_n3A_44 : vector<8x128xf32> to vector<1x8x128xf32>
    %reduce_sum3A_46 = arith.constant dense<0.000000e+00> : vector<1xf32>
    %reduce_sum3A_47 = vector.multi_reduction <add>, %reduce_sum3A_45, %reduce_sum3A_46 [1, 2] : vector<1x8x128xf32> to vector<1xf32>
    %reduce_sum3A_48 = vector.shape_cast %reduce_sum3A_47 : vector<1xf32> to vector<1x1x1xf32>
    %reduce_sum3A_49 = vector.extract %reduce_sum3A_48[0, 0, 0] : f32 from vector<1x1x1xf32>
    %get3A_50 = arith.constant 0 : index
    %get3A_51 = arith.constant 0 : index
    %get3A_52 = vector.load %arg1[%get3A_50, %get3A_51] : memref<2000x128xf32, #tpu.memory_space<vmem>>, vector<2000x128xf32>
    %mul3A = vector.broadcast %reduce_sum3A_23 : f32 to vector<2000x128xf32>
    %mul3A_53 = arith.mulf %mul3A, %get3A_52 : vector<2000x128xf32>
    %get3A_54 = arith.constant 0 : index
    %get3A_55 = arith.constant 0 : index
    %get3A_56 = vector.load %arg2[%get3A_54, %get3A_55] : memref<2000x128xf32, #tpu.memory_space<vmem>>, vector<2000x128xf32>
    %mul3A_57 = vector.broadcast %reduce_sum3A_36 : f32 to vector<2000x128xf32>
    %mul3A_58 = arith.mulf %mul3A_57, %get3A_56 : vector<2000x128xf32>
    %add3A = arith.addf %mul3A_53, %mul3A_58 : vector<2000x128xf32>
    %get3A_59 = arith.constant 0 : index
    %get3A_60 = arith.constant 0 : index
    %get3A_61 = arith.constant 0 : index
    %get3A_62 = vector.load %arg3[%get3A_59, %get3A_60, %get3A_61] : memref<1x2000x128xf32, #tpu.memory_space<vmem>>, vector<1x2000x128xf32>
    %get3A_63 = vector.shape_cast %get3A_62 : vector<1x2000x128xf32> to vector<2000x128xf32>
    %get3A_64 = arith.constant 0 : index
    %get3A_65 = arith.constant 0 : index
    %get3A_66 = arith.constant 0 : index
    %get3A_67 = vector.load %arg4[%get3A_64, %get3A_65, %get3A_66] : memref<1x2000x128xf32, #tpu.memory_space<vmem>>, vector<1x2000x128xf32>
    %get3A_68 = vector.shape_cast %get3A_67 : vector<1x2000x128xf32> to vector<2000x128xf32>
    %add3A_69 = arith.addf %get3A_63, %get3A_68 : vector<2000x128xf32>
    %mul3A_70 = vector.broadcast %reduce_sum3A_49 : f32 to vector<2000x128xf32>
    %mul3A_71 = arith.mulf %mul3A_70, %add3A_69 : vector<2000x128xf32>
    %get3A_72 = arith.constant 0 : index
    %get3A_73 = arith.constant 0 : index
    %get3A_74 = vector.load %arg5[%get3A_72, %get3A_73] : memref<2000x1xf32, #tpu.memory_space<vmem>>, vector<2000x1xf32>
    %mul3A_75 = vector.broadcast %get3A_74 : vector<2000x1xf32> to vector<2000x128xf32>
    %mul3A_76 = arith.mulf %mul3A_71, %mul3A_75 : vector<2000x128xf32>
    %add3A_77 = arith.addf %add3A, %mul3A_76 : vector<2000x128xf32>
    %swap3A = arith.constant 0 : index
    %swap3A_78 = arith.constant 0 : index
    %swap3A_79 = vector.load %arg7[%swap3A, %swap3A_78] : memref<2000x128xf32, #tpu.memory_space<vmem>>, vector<2000x128xf32>
    tpu.vector_store %arg7[%swap3A, %swap3A_78], %add3A_77 {strides = array<i32>} : memref<2000x128xf32, #tpu.memory_space<vmem>>, vector<2000x128xf32>,
    return
  }
  func.func @transform_0(%arg0: i32) -> (i32, i32) {
    %c0_i32 = arith.constant 0 : i32
    %c0_i32_0 = arith.constant 0 : i32
    return %arg0, %c0_i32 : i32, i32
  }
  func.func @transform_1(%arg0: i32) -> (i32, i32) {
    %c0_i32 = arith.constant 0 : i32
    %c0_i32_0 = arith.constant 0 : i32
    return %arg0, %c0_i32 : i32, i32
  }
  func.func @transform_2(%arg0: i32) -> (i32, i32, i32) {
    %c0_i32 = arith.constant 0 : i32
    %c0_i32_0 = arith.constant 0 : i32
    %c0_i32_1 = arith.constant 0 : i32
    return %c0_i32, %arg0, %c0_i32_0 : i32, i32, i32
  }
  func.func @transform_3(%arg0: i32) -> (i32, i32, i32) {
    %c1_i32 = arith.constant 1 : i32
    %c0_i32 = arith.constant 0 : i32
    %c0_i32_0 = arith.constant 0 : i32
    return %c1_i32, %arg0, %c0_i32 : i32, i32, i32
  }
  func.func @transform_4(%arg0: i32) -> (i32, i32) {
    %c0_i32 = arith.constant 0 : i32
    %c0_i32_0 = arith.constant 0 : i32
    return %arg0, %c0_i32 : i32, i32
  }
  func.func @transform_5(%arg0: i32) -> (i32, i32) {
    %c0_i32 = arith.constant 0 : i32
    %c0_i32_0 = arith.constant 0 : i32
    %c0_i32_1 = arith.constant 0 : i32
    return %c0_i32, %c0_i32_0 : i32, i32
  }
  func.func @transform_6(%arg0: i32) -> (i32, i32) {
    %c0_i32 = arith.constant 0 : i32
    %c0_i32_0 = arith.constant 0 : i32
    return %arg0, %c0_i32 : i32, i32
  }
}

</mosaic_0001>

<sc_bundles>
// kernel: kernel.10.cloned.1.call-start
scs
__scs_entry_jumppad:
0x0: {  	(pc) =	sbr.rel $0x88, $3  }
0x1: {  	(tag) =	ssettag $0x0;
	lr =	simm.s32 $0x1  }
0x2: {  	[smem:$0x3F9E] =	sst lr;
	_ =	strace $0xD0000000  }
0x3: {  	_ = 	snop  }
0x4: {  	_ = 	snop  }
0x5: {  	_ = 	snop  }
0x6: {  	_ = 	snop  }
0x7: {  	_ = 	snop  }
__scs_overlays_trampoline_lowered:
0x8: {  	[smem:$0x3FAD] =	sst s0  }
0x9: {  	[smem:$0x3FAE] =	sst s1  }
0xa: {  	[smem:$0x3FAF] =	sst s2  }
0xb: {  	[smem:$0x3FB0] =	sst s3  }
0xc: {  	[smem:$0x3FB1] =	sst s4  }
0xd: {  	[smem:$0x3FB2] =	sst s5  }
0xe: {  	[smem:$0x3FB3] =	sst s6  }
0xf: {  	[smem:$0x3FB4] =	sst s7  }
0x10: {  	[smem:$0x3FB5] =	sst s8  }
0x11: {  	[smem:$0x3FB6] =	sst s9;
	s0 =	simm.s32 @!p0 $0x0  }
0x12: {  	s1 =	sld [smem:$0x3F9C];
	s0 =	simm.s32 @p0 $0x1  }
0x13: {  	[smem:$0x3FB7] =	sst s0;
	s0 =	simm.s32 @!p1 $0x0  }
0x14: {  	s2 =	sld [smem:$0x3F9B];
	s0 =	simm.s32 @p1 $0x1  }
0x15: {  	[smem:$0x3FB8] =	sst s0;
	s0 =	simm.s32 @!p2 $0x0  }
0x16: {  	s3 =	sld [smem:$0x3FDB];
	s0 =	simm.s32 @p2 $0x1  }
0x17: {  	s4 =	simm.s32 $0x1BF5;
	[smem:$0x3FBA] =	sst s0  }
0x18: {  	s0 =	sld [smem:$0x3F9D];
	_ =	swait.ge [sflag:s4], $0x0  }
0x19: {  	s7 =	sld [smem:$0x3F9E]  }
0x1a: {  	s8 =	sadd.s32 $0xFFFFE003, lr  }
0x1b: {  	s9 =	sadd.s32 $0xFFFFFEF7, lr;
	s5 =	simm.s32 $0xFFFFFFFF;
	p2 =	slt.u32 s8, $0xFFFFF086  }
0x1c: {  	p1 =	slt.u32 s9, $0xF7A;
	s5 =	simm.s32 @!p2 $0x0  }
0x1d: {  	s5 =	simm.s32 @p1 $0x1;
	p0 =	seq.s32 s7, s2  }
0x1e: {  	s7 =	smul.u32 @!p0 $0xF7A, s2;
	p2 =	seq.s32 @!p0 s5, $0x0  }
0x1f: {  	s9 =	smul.u32 $0xF7A, s1;
	s8 =	simm.s32 @!p0 $0x1BF5;
	p2 =	por !p2, p0  }
0x20: {  	[sflag:s8] =	ssyncset.s32 @!p0 $0xFFFFF086;
	s6 =	sadd.s32 @!p0 s3, s7;
	s7 =	simm.s32 @!p0 $0x108  }
0x21: {  	s3 =	sadd.s32 s3, s9;
	s6 =	sadd.s32 @!p0 $0x88, s6;
	s7 =	simm.s32 @p2 $0x1082  }
0x22: {  	[simem:s7], [sflag:s8] =	dma.local @!p0 [hbm:s6], $0xF7A  }
0x23: {  	s9 =	sor.u32 $0xD0000000, s2;
	s6 =	simm.s32 $0x108;
	_ =	swait.ge @!p0 [sflag:s8], $0x0  }
0x24: {  	s3 =	sadd.s32 $0x88, s3;
	s6 =	simm.s32 @!p1 $0x1082;
	[sflag:s4] =	ssyncset.s32 $0xFFFFF086  }
0x25: {  	[simem:s6], [sflag:s4] =	dma.local [hbm:s3], $0xF7A  }
0x26: {  	[smem:$0x3F9E] =	sst s1;
	(tag) =	ssettag s2;
	_ =	strace s9  }
0x27: {  	s1 =	sld [smem:$0x3FAE]  }
0x28: {  	s2 =	sld [smem:$0x3FAF]  }
0x29: {  	s4 =	sld [smem:$0x3FB1]  }
0x2a: {  	p0 =	seq.s32 s5, $0x0;
	s5 =	sld [smem:$0x3FB2]  }
0x2b: {  	s6 =	sld [smem:$0x3FB3]  }
0x2c: {  	s7 =	sld [smem:$0x3FB4]  }
0x2d: {  	s3 =	simm.s32 $0x108;
	s8 =	sld [smem:$0x3FB5]  }
0x2e: {  	s3 =	simm.s32 @!p0 $0x1082;
	s9 =	sld [smem:$0x3FB6]  }
0x2f: {  	lr =	sadd.s32 s0, s3;
	s0 =	sld [smem:$0x3FAD]  }
0x30: {  	s3 =	sld [smem:$0x3FB0]  }
0x31: {  	[smem:$0x3FB9] =	sst s10  }
0x32: {  	s10 =	sld [smem:$0x3FB7];
	_ =	sdelay $0x3  }
0x33: {  	p0 =	seq.s32 s10, $0x1;
	s10 =	sld [smem:$0x3FB9];
	_ =	sdelay $0x3  }
0x34: {  	[smem:$0x3FB9] =	sst s10  }
0x35: {  	s10 =	sld [smem:$0x3FB8];
	_ =	sdelay $0x3  }
0x36: {  	p1 =	seq.s32 s10, $0x1;
	s10 =	sld [smem:$0x3FB9];
	_ =	sdelay $0x3  }
0x37: {  	[smem:$0x3FB9] =	sst s10  }
0x38: {  	s10 =	sld [smem:$0x3FBA]  }
0x39: {  	_ = 	snop;
	(pc) =	sbr.ind lr, $3  }
0x3a: {  	_ = 	snop  }
0x3b: {  	_ = 	snop  }
0x3c: {  	p2 =	seq.s32 s10, $0x1;
	s10 =	sld [smem:$0x3FB9]  }
0x3d: {  	_ =	shalt  }
0x3e: {  	_ =	shalt  }
0x3f: {  	_ =	shalt  }
0x40: {  	_ =	shalt  }
0x41: {  	_ =	shalt  }
0x42: {  	_ =	shalt  }
0x43: {  	_ =	shalt  }
0x44: {  	_ =	shalt  }
0x45: {  	_ =	shalt  }
0x46: {  	_ =	shalt  }
0x47: {  	_ =	shalt  }
0x48: {  	_ =	shalt  }
0x49: {  	_ =	shalt  }
0x4a: {  	_ =	shalt  }
0x4b: {  	_ =	shalt  }
0x4c: {  	_ =	shalt  }
0x4d: {  	_ =	shalt  }
0x4e: {  	_ =	shalt  }
0x4f: {  	_ =	shalt  }
0x50: {  	_ =	shalt  }
0x51: {  	_ =	shalt  }
0x52: {  	_ =	shalt  }
0x53: {  	_ =	shalt  }
0x54: {  	_ =	shalt  }
0x55: {  	_ =	shalt  }
0x56: {  	_ =	shalt  }
0x57: {  	_ =	shalt  }
0x58: {  	_ =	shalt  }
0x59: {  	_ =	shalt  }
0x5a: {  	_ =	shalt  }
0x5b: {  	_ =	shalt  }
0x5c: {  	_ =	shalt  }
0x5d: {  	_ =	shalt  }
0x5e: {  	_ =	shalt  }
0x5f: {  	_ =	shalt  }
0x60: {  	_ =	shalt  }
0x61: {  	_ =	shalt  }
0x62: {  	_ =	shalt  }
0x63: {  	_ =	shalt  }
0x64: {  	_ =	shalt  }
0x65: {  	_ =	shalt  }
0x66: {  	_ =	shalt  }
0x67: {  	_ =	shalt  }
0x68: {  	_ =	shalt  }
0x69: {  	_ =	shalt  }
0x6a: {  	_ =	shalt  }
0x6b: {  	_ =	shalt  }
0x6c: {  	_ =	shalt  }
0x6d: {  	_ =	shalt  }
0x6e: {  	_ =	shalt  }
0x6f: {  	_ =	shalt  }
0x70: {  	_ =	shalt  }
0x71: {  	_ =	shalt  }
0x72: {  	_ =	shalt  }
0x73: {  	_ =	shalt  }
0x74: {  	_ =	shalt  }
0x75: {  	_ =	shalt  }
0x76: {  	_ =	shalt  }
0x77: {  	_ =	shalt  }
0x78: {  	_ =	shalt  }
0x79: {  	_ =	shalt  }
0x7a: {  	_ =	shalt  }
0x7b: {  	_ =	shalt  }
0x7c: {  	_ =	shalt  }
0x7d: {  	_ =	shalt  }
0x7e: {  	_ =	shalt  }
0x7f: {  	_ =	shalt  }
0x80: {  	_ =	shalt  }
0x81: {  	_ =	shalt  }
0x82: {  	_ =	shalt  }
0x83: {  	_ =	shalt  }
0x84: {  	_ =	shalt  }
0x85: {  	_ =	shalt  }
0x86: {  	_ =	shalt  }
0x87: {  	_ =	shalt  }
.Lfunc_end0:
.L_simem_size_0:
called_computation.1_lowered:
.L_overlay_start_0:
0x88: {  	s2 =	sld [smem:$0x3FD9]  }
0x89: {  	s3 =	sld [smem:$0x3FFE];
	_ =	sdelay $0x1  }
0x8a: {  	s1 =	srdreg.scid  }
0x8b: {  	s0 =	sand.u32 $0x1, s1  }
0x8c: {  	s17 =	sshll.u32 s0, $0xA;
	s2 =	sadd.s32 s3, s2  }
0x8d: {  	s2 =	sadd.s32 s2, s17  }
0x8e: {  	[smem:$0x3FC5] =	sst s2  }
0x8f: {  	_ = 	snop  }
0x90: {  	s2 =	sld [smem:$0x3FD0];
	(tm) =	ssettm $0x1  }
0x91: {  	s18 =	sld [smem:$0x3FFB];
	_ =	sdelay $0x3  }
0x92: {  	_ =	strace s18  }
0x93: {  	s3 =	sld [smem:$0x3FFC];
	_ =	sdelay $0x3  }
0x94: {  	_ =	strace s3  }
0x95: {  	s3 =	sld [smem:$0x3FFD];
	_ =	sdelay $0x3  }
0x96: {  	_ =	strace s3  }
0x97: {  	_ =	strace $0x8FFFFFFF  }
0x98: {  	s19 =	sld [smem:$0x3FDB];
	_ =	sdelay $0x1  }
0x99: {  	s4 =	simm.s32 $_scs_section_size  }
0x9a: {  	s5 =	simm.s32 $_size__tile_overlayer_lowered;
	s6 =	simm.s32 $_tile_overlayer_lowered  }
0x9b: {  	s22 =	simm.s32 $0x1BFF;
	s21 =	sshll.u32 s6, $0x1;
	s3 =	sadd.s32 s4, s19  }
0x9c: {  	s7 =	simm.s32 $0x0;
	s20 =	sshll.u32 s5, $0x1;
	s5 =	sadd.s32 s21, s3  }
0x9d: {  	[timem:s7], [sflag:s22] =	dma.local [hbm:s5], s20  }
0x9e: {  	_ =	swait.ge [sflag:s22], s20  }
0x9f: {  	s4 =	ssub.s32 $0x0, s20;
	[sflag:s22] =	ssyncset.done $0x0  }
0xa0: {  	[sflag:s22] =	ssyncadd.s32 s4;
	_ =	sdelay $0x1  }
0xa1: {  	s23 =	simm.s32 $0x1B8B  }
0xa2: {  	_ =	swait.ge [sflag:s23], $0x1  }
0xa3: {  	[sflag:s23] =	ssyncset.done $0x0  }
0xa4: {  	s25 =	simm.s32 $0x1B8E;
	s24 =	sld [smem:$0x3FFE];
	[sflag:s23] =	ssyncadd.s32 $0xFFFFFFFF  }
0xa5: {  	s26 =	simm.s32 $execute0_lowered;
	[smem:$0x3FD2] =	sst s25  }
0xa6: {  	s5 =	sshll.u32 s26, $0x1;
	_ =	strace $0x80000049;
	[dreg:$0x1] =	wrdreg $0xFFFFFFFF  }
0xa7: {  	s28 =	simm.s32 $_size_execute0_lowered;
	s3 =	sadd.s32 s3, s5;
	[dreg:$0x0] =	wrdreg $0x0  }
0xa8: {  	s5 =	sshll.u32 s28, $0x1;
	[dreg:$0x2] =	wrdreg s3  }
0xa9: {  	[dreg:$0x3] =	wrdreg s5  }
0xaa: {  	[dreg:$0x4] =	wrdreg $0xC0  }
0xab: {  	_ =	task [dreg:s7], $0x5FFFF  }
0xac: {  	[dreg:$0x1] =	wrdreg $0xFFFFFFFF  }
0xad: {  	[dreg:$0x0] =	wrdreg $0x60  }
0xae: {  	[dreg:$0x2] =	wrdreg s2  }
0xaf: {  	[dreg:$0x3] =	wrdreg s24  }
0xb0: {  	[dreg:$0x4] =	wrdreg $0x0  }
0xb1: {  	[dreg:$0x5] =	wrdreg $0x9  }
0xb2: {  	_ =	task.clear_ibuf [dreg:s7], $0x6FFFF;
	_ =	strace $0x90000049  }
0xb3: {  	s29 =	simm.s32 $0x9;
	_ =	strace $0x8000004B  }
0xb4: {  	_ =	swait.ge [sflag:s29], $0x1  }
0xb5: {  	[sflag:s29] =	ssyncadd.s32 $0xFFFFFFFF  }
0xb6: {  	_ =	strace $0x9000004B  }
0xb7: {  	_ =	sfence  }
0xb8: {  	s30 =	sld [smem:$0x0];
	_ =	sdelay $0x2  }
0xb9: {  	s31 =	sshll.u32 s1, $0xD;
	s1 =	sshrl.u32 s1, $0x2  }
0xba: {  	s3 =	sand.u32 $0x4000, s31;
	s1 =	sadd.s32 s1, s30  }
0xbb: {  	s0 =	sor.u32 s3, s0;
	s1 =	sshll.u32 s1, $0x11  }
0xbc: {  	s0 =	sor.u32 s1, s0  }
0xbd: {  	s0 =	sadd.s32 $0x8F2B, s0  }
0xbe: {  	[sflag:s0] =	ssyncadd.remote.s32 $0x1  }
0xbf: {  	_ =	sfence.sel $0xFFFF  }
0xc0: {  	[dreg:$0x0] =	wrdreg $0xFFFFFFFF;
	(pc) =	sbr.abs _section_cstart, $3  }
0xc1: {  	[dreg:$0x1] =	wrdreg $0xFFFFFFFF  }
0xc2: {  	_ =	task.clear_ibuf [dreg:s7], $0x2FFFF;
	_ =	strace $0x9FFFFFFF  }
0xc3: {  	(tm) =	ssettm $0x7FFFFFFF  }
tec
execute0_lowered:
.L_overlay_start_1:
0x0: {  	(tag) =	ssettag $0x1  }
0x1: {  	s8 =	rddreg [dreg:$0x0]  }
0x2: {  	s5 =	rddreg [dreg:$0x1]  }
0x3: {  	s1 =	rddreg [dreg:$0x2]  }
0x4: {  	s0 =	rddreg [dreg:$0x3]  }
0x5: {  	s3 =	simm.s32 $0x0;
	s2 =	srdreg.scid;
	s16 =	simm.s32 $0x17000  }
0x6: {  	s17 =	simm.s32 $0x3;
	s18 =	simm.s32 $0x14000;
	s19 =	simm.s32 $0x15800  }
0x7: {  	s20 =	simm.s32 $0x80;
	s21 =	simm.s32 $0x1B000;
	s22 =	simm.s32 $0x1  }
0x8: {  	s23 =	simm.s32 $0x2;
	[smem:$0x7FF] =	sst s3;
	s4 =	sand.u32 $0x1, s2  }
0x9: {  	s24 =	simm.s32 $0x15400;
	s2 =	stileid.u32;
	s6 =	smul.u32 $0x28000, s4  }
0xa: {  	s10 =	sadd.s32 $0x1C00, s5;
	_ =	strace $0x8000004A;
	s7 =	smul.u32 $0x2800, s2  }
0xb: {  	s9 =	sshll.u32 s2, $0x1;
	s11 =	smul.u32 $0x50000, s2;
	s28 =	ssub.s32 $0x2, s4  }
0xc: {  	s9 =	sor.u32 s4, s9;
	s4 =	sadd.s32 $0x36200, s5;
	s29 =	sshrl.u32 s28, $0x1  }
0xd: {  	s6 =	sadd.s32 s7, s6;
	s9 =	smul.u32 $0x3000, s9;
	s30 =	sshrl.u32 s11, $0x2  }
0xe: {  	s13 =	ssub.s32 s28, s29;
	s12 =	sadd.s32 s6, s5;
	s5 =	sadd.s32 s30, s1  }
0xf: {  	s11 =	smax.u32 s13, $0x1;
	s31 =	sshrl.u32 s9, $0x3;
	s13 =	sadd.s32 $0x8000, s5  }
0x10: {  	s14 =	sadd.s32 $0xC000, s5;
	s15 =	sadd.s32 $0x10000, s5;
	s9 =	sadd.s32 $0x300, s31  }
0x11: {  	s6 =	sadd.s32 s8, s31;
	s7 =	sadd.s32 s10, s31;
	s8 =	sadd.s32 s8, s9  }
0x12: {  	v0 =	vimm.f32 $0.0e+00;
	s9 =	sadd.s32 s10, s9;
	s10 =	sadd.s32 $0x5E200, s12;
	s12 =	sadd.s32 $0x4000, s5  }
.LBB2_1:
0x13: {  	s25 =	simm.s32 $0x0;
	s26 =	simm.s32 $0x200  }
.LBB2_2:
0x14: {  	p0 =	sne.s32 s26, $0xFE00;
	[tilespmem:s25+$0x17070] =	vst v0  }
0x15: {  	[tilespmem:s25+$0x17000] =	vst v0  }
0x16: {  	[tilespmem:s25+$0x17010] =	vst v0  }
.Ltmp0:
0x17: {  	[tilespmem:s25+$0x17020] =	vst v0;
	(pc) =	sbr.rel @p0 .LBB2_2-.Ltmp0, $4  }
0x18: {  	[tilespmem:s25+$0x17030] =	vst v0  }
0x19: {  	[tilespmem:s25+$0x17040] =	vst v0  }
0x1a: {  	[tilespmem:s25+$0x17050] =	vst v0  }
0x1b: {  	[tilespmem:s25+$0x17060] =	vst v0;
	s25 =	sshra.s32 s26, $0x2;
	s26 =	sadd.s32 $0x200, s26  }
0x1c: {  	[tilespmem:s25+$0x17070] =	vst v0  }
0x1d: {  	[tilespmem:s25+$0x17000] =	vst v0  }
0x1e: {  	[tilespmem:s25+$0x17010] =	vst v0  }
0x1f: {  	[tilespmem:s25+$0x17020] =	vst v0  }
0x20: {  	[tilespmem:s25+$0x17030] =	vst v0  }
0x21: {  	[tilespmem:s25+$0x17040] =	vst v0  }
0x22: {  	[tilespmem:s25+$0x17050] =	vst v0  }
0x23: {  	[tilespmem:s25+$0x17060] =	vst v0  }
0x24: {  	[spmem:s5] =	stream.linear.scatter [tilespmem:s16], [sflag:$0x3], $0x4000, $0x38;
	[tilespmem:$0x1F000] =	vst v63  }
0x25: {  	_ =	swait.ge [sflag:s17], $0x4000  }
0x26: {  	[sflag:s17] =	ssyncset.done $0x0  }
0x27: {  	[sflag:s17] =	ssyncadd.s32 $0xFFFFC000  }
0x28: {  	[spmem:s12] =	stream.linear.scatter [tilespmem:s16], [sflag:$0x3], $0x4000, $0x38;
	[tilespmem:$0x1F000] =	vst v63  }
0x29: {  	_ =	swait.ge [sflag:s17], $0x4000  }
0x2a: {  	[sflag:s17] =	ssyncset.done $0x0  }
0x2b: {  	[sflag:s17] =	ssyncadd.s32 $0xFFFFC000  }
0x2c: {  	[spmem:s13] =	stream.linear.scatter [tilespmem:s16], [sflag:$0x3], $0x4000, $0x38;
	[tilespmem:$0x1F000] =	vst v63  }
0x2d: {  	_ =	swait.ge [sflag:s17], $0x4000  }
0x2e: {  	[sflag:s17] =	ssyncset.done $0x0  }
0x2f: {  	[sflag:s17] =	ssyncadd.s32 $0xFFFFC000  }
0x30: {  	[spmem:s14] =	stream.linear.scatter [tilespmem:s16], [sflag:$0x3], $0x4000, $0x38;
	[tilespmem:$0x1F000] =	vst v63  }
0x31: {  	_ =	swait.ge [sflag:s17], $0x4000  }
0x32: {  	[sflag:s17] =	ssyncset.done $0x0  }
0x33: {  	[sflag:s17] =	ssyncadd.s32 $0xFFFFC000  }
0x34: {  	[spmem:s15] =	stream.linear.scatter [tilespmem:s16], [sflag:$0x3], $0x4000, $0x38;
	[tilespmem:$0x1F000] =	vst v63  }
0x35: {  	_ =	swait.ge [sflag:s17], $0x4000  }
0x36: {  	[sflag:s17] =	ssyncset.done $0x0  }
0x37: {  	[sflag:s17] =	ssyncadd.s32 $0xFFFFC000  }
0x38: {  	s31 =	simm.s32 $0x0;
	[bflag:$0x0] =	sbarrier.arrive $0xFFFF  }
0x39: {  	[tilespmem:s18], [sflag:$0x3] =	stream.linear.gather [hbm4b:s6+s31], $0x1480, $0x38;
	[tilespmem:$0x1F000] =	vst v63  }
0x3a: {  	_ =	swait.ge [sflag:s17], $0x1480  }
0x3b: {  	[sflag:s17] =	ssyncset.done $0x0  }
0x3c: {  	[sflag:s17] =	ssyncadd.s32 $0xFFFFEB80  }
0x3d: {  	[tilespmem:s19], [sflag:$0x3] =	stream.linear.gather [hbm4b:s7+s31], $0x1480, $0x38;
	[tilespmem:$0x1F000] =	vst v63  }
0x3e: {  	_ =	swait.ge [sflag:s17], $0x1480  }
0x3f: {  	[sflag:s17] =	ssyncset.done $0x0  }
0x40: {  	[sflag:s17] =	ssyncadd.s32 $0xFFFFEB80  }
0x41: {  	[tilespmem:s16], [sflag:$0x1] =	stream.indirect.gather [hbm4b:s4+s20], $0x80, s19, s20, $0xb8;
	[tilespmem:$0x1F000] =	vst v63  }
0x42: {  	s26 =	simm.s32 $0x15880  }
0x43: {  	[tilespmem:s21], [sflag:$0x2] =	stream.indirect.gather [hbm4b:s4+s20], $0x80, s26, s20, $0xb8;
	[tilespmem:$0x1F000] =	vst v63  }
0x44: {  	_ =	swait.ge [sflag:s22], $0x4000  }
0x45: {  	[sflag:s22] =	ssyncset.done $0x0  }
0x46: {  	s28 =	simm.s32 $0x14000;
	[sflag:s22] =	ssyncadd.s32 $0xFFFFC000  }
0x47: {  	[spmem:s1] =	stream.indirect.scatter.add.f32 [tilespmem:s16], [sflag:$0x3], $0x80, s28, s20, $0xb8;
	[tilespmem:$0x1F000] =	vst v63  }
0x48: {  	_ =	swait.ge [sflag:s17], $0x4000  }
0x49: {  	[sflag:s17] =	ssyncset.done $0x0  }
0x4a: {  	s30 =	simm.s32 $0x15900;
	[sflag:s17] =	ssyncadd.s32 $0xFFFFC000  }
0x4b: {  	[tilespmem:s16], [sflag:$0x1] =	stream.indirect.gather [hbm4b:s4+s20], $0x80, s30, s20, $0xb8;
	[tilespmem:$0x1F000] =	vst v63  }
0x4c: {  	_ =	swait.ge [sflag:s23], $0x4000  }
0x4d: {  	[sflag:s23] =	ssyncset.done $0x0  }
0x4e: {  	s31 =	simm.s32 $0x14080;
	[sflag:s23] =	ssyncadd.s32 $0xFFFFC000  }
0x4f: {  	[spmem:s1] =	stream.indirect.scatter.add.f32 [tilespmem:s21], [sflag:$0x3], $0x80, s31, s20, $0xb8;
	[tilespmem:$0x1F000] =	vst v63  }
0x50: {  	_ =	swait.ge [sflag:s17], $0x4000  }
0x51: {  	[sflag:s17] =	ssyncset.done $0x0  }
0x52: {  	s26 =	simm.s32 $0x15980;
	[sflag:s17] =	ssyncadd.s32 $0xFFFFC000  }
0x53: {  	[tilespmem:s21], [sflag:$0x2] =	stream.indirect.gather [hbm4b:s4+s20], $0x80, s26, s20, $0xb8;
	[tilespmem:$0x1F000] =	vst v63  }
0x54: {  	_ =	swait.ge [sflag:s22], $0x4000  }
0x55: {  	[sflag:s22] =	ssyncset.done $0x0  }
0x56: {  	s28 =	simm.s32 $0x14100;
	[sflag:s22] =	ssyncadd.s32 $0xFFFFC000  }
0x57: {  	[spmem:s1] =	stream.indirect.scatter.add.f32 [tilespmem:s16], [sflag:$0x3], $0x80, s28, s20, $0xb8;
	[tilespmem:$0x1F000] =	vst v63  }
0x58: {  	_ =	swait.ge [sflag:s17], $0x4000  }
0x59: {  	[sflag:s17] =	ssyncset.done $0x0  }
0x5a: {  	s30 =	simm.s32 $0x15A00;
	[sflag:s17] =	ssyncadd.s32 $0xFFFFC000  }
0x5b: {  	[tilespmem:s16], [sflag:$0x1] =	stream.indirect.gather [hbm4b:s4+s20], $0x80, s30, s20, $0xb8;
	[tilespmem:$0x1F000] =	vst v63  }
0x5c: {  	_ =	swait.ge [sflag:s23], $0x4000  }
0x5d: {  	[sflag:s23] =	ssyncset.done $0x0  }
0x5e: {  	s31 =	simm.s32 $0x14180;
	[sflag:s23] =	ssyncadd.s32 $0xFFFFC000  }
0x5f: {  	[spmem:s1] =	stream.indirect.scatter.add.f32 [tilespmem:s21], [sflag:$0x3], $0x80, s31, s20, $0xb8;
	[tilespmem:$0x1F000] =	vst v63  }
0x60: {  	_ =	swait.ge [sflag:s17], $0x4000  }
0x61: {  	s29 =	simm.s32 $0x1000;
	s25 =	simm.s32 $0x200;
	[sflag:s17] =	ssyncset.done $0x0  }
.LBB2_4:
0x62: {  	s30 =	sadd.s32 $0x15880, s25  }
0x63: {  	[sflag:s17] =	ssyncadd.s32 $0xFFFFC000;
	s28 =	smov.u32 s29;
	s26 =	sadd.s32 $0x800, s29  }
0x64: {  	[tilespmem:s21], [sflag:$0x2] =	stream.indirect.gather [hbm4b:s4+s20], $0x80, s30, s20, $0xb8;
	[tilespmem:$0x1F000] =	vst v63  }
0x65: {  	p0 =	sne.s32 s29, $0x4800;
	_ =	swait.ge [sflag:s22], $0x4000  }
0x66: {  	[sflag:s22] =	ssyncset.done $0x0  }
0x67: {  	s29 =	sadd.s32 $0x14000, s25;
	[sflag:s22] =	ssyncadd.s32 $0xFFFFC000  }
0x68: {  	[spmem:s1] =	stream.indirect.scatter.add.f32 [tilespmem:s16], [sflag:$0x3], $0x80, s29, s20, $0xb8;
	[tilespmem:$0x1F000] =	vst v63  }
0x69: {  	_ =	swait.ge [sflag:s17], $0x4000  }
0x6a: {  	[sflag:s17] =	ssyncset.done $0x0  }
0x6b: {  	s29 =	sadd.s32 $0x15900, s25;
	[sflag:s17] =	ssyncadd.s32 $0xFFFFC000  }
0x6c: {  	[tilespmem:s16], [sflag:$0x1] =	stream.indirect.gather [hbm4b:s4+s20], $0x80, s29, s20, $0xb8;
	[tilespmem:$0x1F000] =	vst v63  }
0x6d: {  	_ =	swait.ge [sflag:s23], $0x4000  }
0x6e: {  	[sflag:s23] =	ssyncset.done $0x0  }
0x6f: {  	s29 =	sadd.s32 $0x14080, s25;
	[sflag:s23] =	ssyncadd.s32 $0xFFFFC000  }
0x70: {  	[spmem:s1] =	stream.indirect.scatter.add.f32 [tilespmem:s21], [sflag:$0x3], $0x80, s29, s20, $0xb8;
	[tilespmem:$0x1F000] =	vst v63  }
0x71: {  	_ =	swait.ge [sflag:s17], $0x4000  }
0x72: {  	[sflag:s17] =	ssyncset.done $0x0  }
0x73: {  	s29 =	sadd.s32 $0x15980, s25;
	[sflag:s17] =	ssyncadd.s32 $0xFFFFC000  }
0x74: {  	[tilespmem:s21], [sflag:$0x2] =	stream.indirect.gather [hbm4b:s4+s20], $0x80, s29, s20, $0xb8;
	[tilespmem:$0x1F000] =	vst v63  }
0x75: {  	_ =	swait.ge [sflag:s22], $0x4000  }
0x76: {  	[sflag:s22] =	ssyncset.done $0x0  }
0x77: {  	s29 =	sadd.s32 $0x14100, s25;
	[sflag:s22] =	ssyncadd.s32 $0xFFFFC000  }
0x78: {  	[spmem:s1] =	stream.indirect.scatter.add.f32 [tilespmem:s16], [sflag:$0x3], $0x80, s29, s20, $0xb8;
	[tilespmem:$0x1F000] =	vst v63  }
0x79: {  	_ =	swait.ge [sflag:s17], $0x4000  }
0x7a: {  	[sflag:s17] =	ssyncset.done $0x0  }
0x7b: {  	s29 =	sadd.s32 $0x15A00, s25;
	[sflag:s17] =	ssyncadd.s32 $0xFFFFC000  }
0x7c: {  	[tilespmem:s16], [sflag:$0x1] =	stream.indirect.gather [hbm4b:s4+s20], $0x80, s29, s20, $0xb8;
	[tilespmem:$0x1F000] =	vst v63  }
0x7d: {  	_ =	swait.ge [sflag:s23], $0x4000  }
.Ltmp1:
0x7e: {  	[sflag:s23] =	ssyncset.done $0x0;
	(pc) =	sbr.rel @p0 .LBB2_4-.Ltmp1, $4  }
0x7f: {  	s25 =	sadd.s32 $0x14180, s25;
	[sflag:s23] =	ssyncadd.s32 $0xFFFFC000  }
0x80: {  	[spmem:s1] =	stream.indirect.scatter.add.f32 [tilespmem:s21], [sflag:$0x3], $0x80, s25, s20, $0xb8;
	[tilespmem:$0x1F000] =	vst v63  }
0x81: {  	_ =	swait.ge [sflag:s17], $0x4000  }
0x82: {  	s29 =	smov.u32 s26;
	s25 =	sshra.s32 s28, $0x2;
	[sflag:s17] =	ssyncset.done $0x0  }
0x83: {  	s26 =	sadd.s32 $0x15880, s25;
	[sflag:s17] =	ssyncadd.s32 $0xFFFFC000  }
0x84: {  	[tilespmem:s21], [sflag:$0x2] =	stream.indirect.gather [hbm4b:s4+s20], $0x80, s26, s20, $0xb8;
	[tilespmem:$0x1F000] =	vst v63  }
0x85: {  	_ =	swait.ge [sflag:s22], $0x4000  }
0x86: {  	[sflag:s22] =	ssyncset.done $0x0  }
0x87: {  	s30 =	sadd.s32 $0x14000, s25;
	[sflag:s22] =	ssyncadd.s32 $0xFFFFC000  }
0x88: {  	[spmem:s1] =	stream.indirect.scatter.add.f32 [tilespmem:s16], [sflag:$0x3], $0x80, s30, s20, $0xb8;
	[tilespmem:$0x1F000] =	vst v63  }
0x89: {  	_ =	swait.ge [sflag:s17], $0x4000  }
0x8a: {  	[sflag:s17] =	ssyncset.done $0x0  }
0x8b: {  	s31 =	sadd.s32 $0x15900, s25;
	[sflag:s17] =	ssyncadd.s32 $0xFFFFC000  }
0x8c: {  	[tilespmem:s16], [sflag:$0x1] =	stream.indirect.gather [hbm4b:s4+s20], $0x80, s31, s20, $0xb8;
	[tilespmem:$0x1F000] =	vst v63  }
0x8d: {  	_ =	swait.ge [sflag:s23], $0x4000  }
0x8e: {  	[sflag:s23] =	ssyncset.done $0x0  }
0x8f: {  	s28 =	sadd.s32 $0x14080, s25;
	[sflag:s23] =	ssyncadd.s32 $0xFFFFC000  }
0x90: {  	[spmem:s1] =	stream.indirect.scatter.add.f32 [tilespmem:s21], [sflag:$0x3], $0x80, s28, s20, $0xb8;
	[tilespmem:$0x1F000] =	vst v63  }
0x91: {  	_ =	swait.ge [sflag:s17], $0x4000  }
0x92: {  	[sflag:s17] =	ssyncset.done $0x0  }
0x93: {  	s30 =	sadd.s32 $0x15980, s25;
	[sflag:s17] =	ssyncadd.s32 $0xFFFFC000  }
0x94: {  	[tilespmem:s21], [sflag:$0x2] =	stream.indirect.gather [hbm4b:s4+s20], $0x80, s30, s20, $0xb8;
	[tilespmem:$0x1F000] =	vst v63  }
0x95: {  	_ =	swait.ge [sflag:s22], $0x4000  }
0x96: {  	[sflag:s22] =	ssyncset.done $0x0  }
0x97: {  	s31 =	sadd.s32 $0x14100, s25;
	[sflag:s22] =	ssyncadd.s32 $0xFFFFC000  }
0x98: {  	[spmem:s1] =	stream.indirect.scatter.add.f32 [tilespmem:s16], [sflag:$0x3], $0x80, s31, s20, $0xb8;
	[tilespmem:$0x1F000] =	vst v63  }
0x99: {  	_ =	swait.ge [sflag:s17], $0x4000  }
0x9a: {  	[sflag:s17] =	ssyncset.done $0x0  }
0x9b: {  	s28 =	sadd.s32 $0x15A00, s25;
	[sflag:s17] =	ssyncadd.s32 $0xFFFFC000  }
0x9c: {  	[tilespmem:s16], [sflag:$0x1] =	stream.indirect.gather [hbm4b:s4+s20], $0x80, s28, s20, $0xb8;
	[tilespmem:$0x1F000] =	vst v63  }
0x9d: {  	_ =	swait.ge [sflag:s23], $0x4000  }
0x9e: {  	[sflag:s23] =	ssyncset.done $0x0  }
0x9f: {  	s30 =	sadd.s32 $0x14180, s25;
	[sflag:s23] =	ssyncadd.s32 $0xFFFFC000  }
0xa0: {  	[spmem:s1] =	stream.indirect.scatter.add.f32 [tilespmem:s21], [sflag:$0x3], $0x80, s30, s20, $0xb8;
	[tilespmem:$0x1F000] =	vst v63  }
0xa1: {  	_ =	swait.ge [sflag:s17], $0x4000  }
0xa2: {  	[sflag:s17] =	ssyncset.done $0x0  }
0xa3: {  	[sflag:s17] =	ssyncadd.s32 $0xFFFFC000  }
0xa4: {  	_ =	swait.ge [sflag:s22], $0x4000  }
0xa5: {  	[sflag:s22] =	ssyncset.done $0x0  }
0xa6: {  	[sflag:s22] =	ssyncadd.s32 $0xFFFFC000  }
0xa7: {  	[spmem:s1] =	stream.indirect.scatter.add.f32 [tilespmem:s16], [sflag:$0x3], $0x80, s24, s20, $0xb8;
	[tilespmem:$0x1F000] =	vst v63  }
0xa8: {  	_ =	swait.ge [sflag:s17], $0x4000  }
0xa9: {  	[sflag:s17] =	ssyncset.done $0x0  }
0xaa: {  	s31 =	simm.s32 $0x0;
	[sflag:s17] =	ssyncadd.s32 $0xFFFFC000  }
0xab: {  	[tilespmem:s18], [sflag:$0x3] =	stream.linear.gather [hbm4b:s8+s31], $0x1480, $0x38;
	[tilespmem:$0x1F000] =	vst v63  }
0xac: {  	_ =	swait.ge [sflag:s17], $0x1480  }
0xad: {  	[sflag:s17] =	ssyncset.done $0x0  }
0xae: {  	[sflag:s17] =	ssyncadd.s32 $0xFFFFEB80  }
0xaf: {  	[tilespmem:s19], [sflag:$0x3] =	stream.linear.gather [hbm4b:s9+s31], $0x1480, $0x38;
	[tilespmem:$0x1F000] =	vst v63  }
0xb0: {  	_ =	swait.ge [sflag:s17], $0x1480  }
0xb1: {  	[sflag:s17] =	ssyncset.done $0x0  }
0xb2: {  	[sflag:s17] =	ssyncadd.s32 $0xFFFFEB80  }
0xb3: {  	[tilespmem:s16], [sflag:$0x1] =	stream.indirect.gather [hbm4b:s4+s20], $0x80, s19, s20, $0xb8;
	[tilespmem:$0x1F000] =	vst v63  }
0xb4: {  	s26 =	simm.s32 $0x15880  }
0xb5: {  	[tilespmem:s21], [sflag:$0x2] =	stream.indirect.gather [hbm4b:s4+s20], $0x80, s26, s20, $0xb8;
	[tilespmem:$0x1F000] =	vst v63  }
0xb6: {  	_ =	swait.ge [sflag:s22], $0x4000  }
0xb7: {  	[sflag:s22] =	ssyncset.done $0x0  }
0xb8: {  	s28 =	simm.s32 $0x14000;
	[sflag:s22] =	ssyncadd.s32 $0xFFFFC000  }
0xb9: {  	[spmem:s1] =	stream.indirect.scatter.add.f32 [tilespmem:s16], [sflag:$0x3], $0x80, s28, s20, $0xb8;
	[tilespmem:$0x1F000] =	vst v63  }
0xba: {  	_ =	swait.ge [sflag:s17], $0x4000  }
0xbb: {  	[sflag:s17] =	ssyncset.done $0x0  }
0xbc: {  	s30 =	simm.s32 $0x15900;
	[sflag:s17] =	ssyncadd.s32 $0xFFFFC000  }
0xbd: {  	[tilespmem:s16], [sflag:$0x1] =	stream.indirect.gather [hbm4b:s4+s20], $0x80, s30, s20, $0xb8;
	[tilespmem:$0x1F000] =	vst v63  }
0xbe: {  	_ =	swait.ge [sflag:s23], $0x4000  }
0xbf: {  	[sflag:s23] =	ssyncset.done $0x0  }
0xc0: {  	s31 =	simm.s32 $0x14080;
	[sflag:s23] =	ssyncadd.s32 $0xFFFFC000  }
0xc1: {  	[spmem:s1] =	stream.indirect.scatter.add.f32 [tilespmem:s21], [sflag:$0x3], $0x80, s31, s20, $0xb8;
	[tilespmem:$0x1F000] =	vst v63  }
0xc2: {  	_ =	swait.ge [sflag:s17], $0x4000  }
0xc3: {  	[sflag:s17] =	ssyncset.done $0x0  }
0xc4: {  	s26 =	simm.s32 $0x15980;
	[sflag:s17] =	ssyncadd.s32 $0xFFFFC000  }
0xc5: {  	[tilespmem:s21], [sflag:$0x2] =	stream.indirect.gather [hbm4b:s4+s20], $0x80, s26, s20, $0xb8;
	[tilespmem:$0x1F000] =	vst v63  }
0xc6: {  	_ =	swait.ge [sflag:s22], $0x4000  }
0xc7: {  	[sflag:s22] =	ssyncset.done $0x0  }
0xc8: {  	s28 =	simm.s32 $0x14100;
	[sflag:s22] =	ssyncadd.s32 $0xFFFFC000  }
0xc9: {  	[spmem:s1] =	stream.indirect.scatter.add.f32 [tilespmem:s16], [sflag:$0x3], $0x80, s28, s20, $0xb8;
	[tilespmem:$0x1F000] =	vst v63  }
0xca: {  	_ =	swait.ge [sflag:s17], $0x4000  }
0xcb: {  	[sflag:s17] =	ssyncset.done $0x0  }
0xcc: {  	s30 =	simm.s32 $0x15A00;
	[sflag:s17] =	ssyncadd.s32 $0xFFFFC000  }
0xcd: {  	[tilespmem:s16], [sflag:$0x1] =	stream.indirect.gather [hbm4b:s4+s20], $0x80, s30, s20, $0xb8;
	[tilespmem:$0x1F000] =	vst v63  }
0xce: {  	_ =	swait.ge [sflag:s23], $0x4000  }
0xcf: {  	[sflag:s23] =	ssyncset.done $0x0  }
0xd0: {  	s31 =	simm.s32 $0x14180;
	[sflag:s23] =	ssyncadd.s32 $0xFFFFC000  }
0xd1: {  	[spmem:s1] =	stream.indirect.scatter.add.f32 [tilespmem:s21], [sflag:$0x3], $0x80, s31, s20, $0xb8;
	[tilespmem:$0x1F000] =	vst v63  }
0xd2: {  	_ =	swait.ge [sflag:s17], $0x4000  }
0xd3: {  	s29 =	simm.s32 $0x1000;
	s25 =	simm.s32 $0x200;
	[sflag:s17] =	ssyncset.done $0x0  }
.LBB2_6:
0xd4: {  	s30 =	sadd.s32 $0x15880, s25  }
0xd5: {  	[sflag:s17] =	ssyncadd.s32 $0xFFFFC000;
	s28 =	smov.u32 s29;
	s26 =	sadd.s32 $0x800, s29  }
0xd6: {  	[tilespmem:s21], [sflag:$0x2] =	stream.indirect.gather [hbm4b:s4+s20], $0x80, s30, s20, $0xb8;
	[tilespmem:$0x1F000] =	vst v63  }
0xd7: {  	p0 =	sne.s32 s29, $0x4800;
	_ =	swait.ge [sflag:s22], $0x4000  }
0xd8: {  	[sflag:s22] =	ssyncset.done $0x0  }
0xd9: {  	s29 =	sadd.s32 $0x14000, s25;
	[sflag:s22] =	ssyncadd.s32 $0xFFFFC000  }
0xda: {  	[spmem:s1] =	stream.indirect.scatter.add.f32 [tilespmem:s16], [sflag:$0x3], $0x80, s29, s20, $0xb8;
	[tilespmem:$0x1F000] =	vst v63  }
0xdb: {  	_ =	swait.ge [sflag:s17], $0x4000  }
0xdc: {  	[sflag:s17] =	ssyncset.done $0x0  }
0xdd: {  	s29 =	sadd.s32 $0x15900, s25;
	[sflag:s17] =	ssyncadd.s32 $0xFFFFC000  }
0xde: {  	[tilespmem:s16], [sflag:$0x1] =	stream.indirect.gather [hbm4b:s4+s20], $0x80, s29, s20, $0xb8;
	[tilespmem:$0x1F000] =	vst v63  }
0xdf: {  	_ =	swait.ge [sflag:s23], $0x4000  }
0xe0: {  	[sflag:s23] =	ssyncset.done $0x0  }
0xe1: {  	s29 =	sadd.s32 $0x14080, s25;
	[sflag:s23] =	ssyncadd.s32 $0xFFFFC000  }
0xe2: {  	[spmem:s1] =	stream.indirect.scatter.add.f32 [tilespmem:s21], [sflag:$0x3], $0x80, s29, s20, $0xb8;
	[tilespmem:$0x1F000] =	vst v63  }
0xe3: {  	_ =	swait.ge [sflag:s17], $0x4000  }
0xe4: {  	[sflag:s17] =	ssyncset.done $0x0  }
0xe5: {  	s29 =	sadd.s32 $0x15980, s25;
	[sflag:s17] =	ssyncadd.s32 $0xFFFFC000  }
0xe6: {  	[tilespmem:s21], [sflag:$0x2] =	stream.indirect.gather [hbm4b:s4+s20], $0x80, s29, s20, $0xb8;
	[tilespmem:$0x1F000] =	vst v63  }
0xe7: {  	_ =	swait.ge [sflag:s22], $0x4000  }
0xe8: {  	[sflag:s22] =	ssyncset.done $0x0  }
0xe9: {  	s29 =	sadd.s32 $0x14100, s25;
	[sflag:s22] =	ssyncadd.s32 $0xFFFFC000  }
0xea: {  	[spmem:s1] =	stream.indirect.scatter.add.f32 [tilespmem:s16], [sflag:$0x3], $0x80, s29, s20, $0xb8;
	[tilespmem:$0x1F000] =	vst v63  }
0xeb: {  	_ =	swait.ge [sflag:s17], $0x4000  }
0xec: {  	[sflag:s17] =	ssyncset.done $0x0  }
0xed: {  	s29 =	sadd.s32 $0x15A00, s25;
	[sflag:s17] =	ssyncadd.s32 $0xFFFFC000  }
0xee: {  	[tilespmem:s16], [sflag:$0x1] =	stream.indirect.gather [hbm4b:s4+s20], $0x80, s29, s20, $0xb8;
	[tilespmem:$0x1F000] =	vst v63  }
0xef: {  	_ =	swait.ge [sflag:s23], $0x4000  }
.Ltmp2:
0xf0: {  	[sflag:s23] =	ssyncset.done $0x0;
	(pc) =	sbr.rel @p0 .LBB2_6-.Ltmp2, $4  }
0xf1: {  	s25 =	sadd.s32 $0x14180, s25;
	[sflag:s23] =	ssyncadd.s32 $0xFFFFC000  }
0xf2: {  	[spmem:s1] =	stream.indirect.scatter.add.f32 [tilespmem:s21], [sflag:$0x3], $0x80, s25, s20, $0xb8;
	[tilespmem:$0x1F000] =	vst v63  }
0xf3: {  	_ =	swait.ge [sflag:s17], $0x4000  }
0xf4: {  	s29 =	smov.u32 s26;
	s25 =	sshra.s32 s28, $0x2;
	[sflag:s17] =	ssyncset.done $0x0  }
0xf5: {  	s26 =	sadd.s32 $0x15880, s25;
	[sflag:s17] =	ssyncadd.s32 $0xFFFFC000  }
0xf6: {  	[tilespmem:s21], [sflag:$0x2] =	stream.indirect.gather [hbm4b:s4+s20], $0x80, s26, s20, $0xb8;
	[tilespmem:$0x1F000] =	vst v63  }
0xf7: {  	_ =	swait.ge [sflag:s22], $0x4000  }
0xf8: {  	[sflag:s22] =	ssyncset.done $0x0  }
0xf9: {  	s31 =	sadd.s32 $0x14000, s25;
	[sflag:s22] =	ssyncadd.s32 $0xFFFFC000  }
0xfa: {  	[spmem:s1] =	stream.indirect.scatter.add.f32 [tilespmem:s16], [sflag:$0x3], $0x80, s31, s20, $0xb8;
	[tilespmem:$0x1F000] =	vst v63  }
0xfb: {  	_ =	swait.ge [sflag:s17], $0x4000  }
0xfc: {  	[sflag:s17] =	ssyncset.done $0x0  }
0xfd: {  	s28 =	sadd.s32 $0x15900, s25;
	[sflag:s17] =	ssyncadd.s32 $0xFFFFC000  }
0xfe: {  	[tilespmem:s16], [sflag:$0x1] =	stream.indirect.gather [hbm4b:s4+s20], $0x80, s28, s20, $0xb8;
	[tilespmem:$0x1F000] =	vst v63  }
0xff: {  	_ =	swait.ge [sflag:s23], $0x4000  }
0x100: {  	[sflag:s23] =	ssyncset.done $0x0  }
0x101: {  	s29 =	sadd.s32 $0x14080, s25;
	[sflag:s23] =	ssyncadd.s32 $0xFFFFC000  }
0x102: {  	[spmem:s1] =	stream.indirect.scatter.add.f32 [tilespmem:s21], [sflag:$0x3], $0x80, s29, s20, $0xb8;
	[tilespmem:$0x1F000] =	vst v63  }
0x103: {  	_ =	swait.ge [sflag:s17], $0x4000  }
0x104: {  	[sflag:s17] =	ssyncset.done $0x0  }
0x105: {  	s30 =	sadd.s32 $0x15980, s25;
	[sflag:s17] =	ssyncadd.s32 $0xFFFFC000  }
0x106: {  	[tilespmem:s21], [sflag:$0x2] =	stream.indirect.gather [hbm4b:s4+s20], $0x80, s30, s20, $0xb8;
	[tilespmem:$0x1F000] =	vst v63  }
0x107: {  	_ =	swait.ge [sflag:s22], $0x4000  }
0x108: {  	[sflag:s22] =	ssyncset.done $0x0  }
0x109: {  	s31 =	sadd.s32 $0x14100, s25;
	[sflag:s22] =	ssyncadd.s32 $0xFFFFC000  }
0x10a: {  	[spmem:s1] =	stream.indirect.scatter.add.f32 [tilespmem:s16], [sflag:$0x3], $0x80, s31, s20, $0xb8;
	[tilespmem:$0x1F000] =	vst v63  }
0x10b: {  	_ =	swait.ge [sflag:s17], $0x4000  }
0x10c: {  	[sflag:s17] =	ssyncset.done $0x0  }
0x10d: {  	s28 =	sadd.s32 $0x15A00, s25;
	[sflag:s17] =	ssyncadd.s32 $0xFFFFC000  }
0x10e: {  	[tilespmem:s16], [sflag:$0x1] =	stream.indirect.gather [hbm4b:s4+s20], $0x80, s28, s20, $0xb8;
	[tilespmem:$0x1F000] =	vst v63  }
0x10f: {  	_ =	swait.ge [sflag:s23], $0x4000  }
0x110: {  	[sflag:s23] =	ssyncset.done $0x0  }
0x111: {  	s29 =	sadd.s32 $0x14180, s25;
	[sflag:s23] =	ssyncadd.s32 $0xFFFFC000  }
0x112: {  	[spmem:s1] =	stream.indirect.scatter.add.f32 [tilespmem:s21], [sflag:$0x3], $0x80, s29, s20, $0xb8;
	[tilespmem:$0x1F000] =	vst v63  }
0x113: {  	_ =	swait.ge [sflag:s17], $0x4000  }
0x114: {  	[sflag:s17] =	ssyncset.done $0x0  }
0x115: {  	[sflag:s17] =	ssyncadd.s32 $0xFFFFC000  }
0x116: {  	_ =	swait.ge [sflag:s22], $0x4000  }
0x117: {  	[sflag:s22] =	ssyncset.done $0x0  }
0x118: {  	[sflag:s22] =	ssyncadd.s32 $0xFFFFC000  }
0x119: {  	[spmem:s1] =	stream.indirect.scatter.add.f32 [tilespmem:s16], [sflag:$0x3], $0x80, s24, s20, $0xb8;
	[tilespmem:$0x1F000] =	vst v63  }
0x11a: {  	_ =	swait.ge [sflag:s17], $0x4000  }
0x11b: {  	s3 =	sadd.s32 $0x1, s3;
	s30 =	sshll.u32 s2, $0x6;
	[sflag:s17] =	ssyncset.done $0x0  }
0x11c: {  	p0 =	sne.s32 s3, s11;
	s25 =	sor.u32 $0x1C03, s30;
	[sflag:s17] =	ssyncadd.s32 $0xFFFFC000  }
.Ltmp3:
0x11d: {  	s31 =	sshrl.u32 s5, $0x3;
	[bflag:$0x0] =	sbarrier.arrive $0xFFFF;
	(pc) =	sbr.rel @p0 .LBB2_1-.Ltmp3, $4  }
0x11e: {  	[hbm:s10], [sflag:s25] =	dma.local [spmem:s31], $0x2800  }
0x11f: {  	_ =	swait.ge [sflag:s17], $0x2800  }
0x120: {  	[sflag:s17] =	ssyncset.done $0x0  }
0x121: {  	[sflag:s17] =	ssyncadd.s32 $0xFFFFD800  }
0x122: {  	_ =	sfence.sel $0x180000  }
0x123: {  	[bflag:$0x0] =	sbarrier.arrive $0xFFFF  }
0x124: {  	p0 =	sne.s32 s2, $0x0;
	_ =	strace $0x9000004A  }
0x125: {  	s0 =	sadd.s32 @!p0 $0x100000, s0;
	[bflag:$0x2] =	sbarrier.arrive $0xFFFF  }
0x126: {  	[sflag:s0] =	ssyncadd.tile.s32 @!p0 $0x1;
	_ =	shalt  }
.Lfunc_end2:
_tile_overlayer_lowered:
.L_overlay_start_2:
0x127: {  	(tag) =	ssettag $0x2  }
0x128: {  	s0 =	rddreg [dreg:$0x0];
	s2 =	stileid.u32  }
0x129: {  	s1 =	rddreg [dreg:$0x1];
	p0 =	sne.s32 s2, $0x0  }
0x12a: {  	s3 =	rddreg [dreg:$0x2];
	[bflag:$0x3] =	sbarrier.arrive $0xFFFF;
	s2 =	simm.s32 @!p0 $0x1C03  }
0x12b: {  	[timem:s3], [sflag:s2] =	dma.local @!p0 [hbm:s0], s1  }
0x12c: {  	s0 =	simm.s32 @!p0 $0x3  }
0x12d: {  	_ =	swait.ge @!p0 [sflag:s0], s1  }
0x12e: {  	s1 =	ssub.s32 @!p0 $0x0, s1;
	[sflag:s0] =	ssyncset.done @!p0 $0x0  }
0x12f: {  	[sflag:s0] =	ssyncadd.s32 @!p0 s1  }
0x130: {  	[bflag:$0x3] =	sbarrier.arrive $0xFFFF  }
0x131: {  	_ =	shalt  }

// kernel: kernel.13.cloned.1.call-start
scs
__scs_entry_jumppad:
0x0: {  	(pc) =	sbr.rel $0x88, $3  }
0x1: {  	(tag) =	ssettag $0x0;
	lr =	simm.s32 $0x1  }
0x2: {  	[smem:$0x3F9E] =	sst lr;
	_ =	strace $0xD0000000  }
0x3: {  	_ = 	snop  }
0x4: {  	_ = 	snop  }
0x5: {  	_ = 	snop  }
0x6: {  	_ = 	snop  }
0x7: {  	_ = 	snop  }
__scs_overlays_trampoline_lowered:
0x8: {  	[smem:$0x3FAD] =	sst s0  }
0x9: {  	[smem:$0x3FAE] =	sst s1  }
0xa: {  	[smem:$0x3FAF] =	sst s2  }
0xb: {  	[smem:$0x3FB0] =	sst s3  }
0xc: {  	[smem:$0x3FB1] =	sst s4  }
0xd: {  	[smem:$0x3FB2] =	sst s5  }
0xe: {  	[smem:$0x3FB3] =	sst s6  }
0xf: {  	[smem:$0x3FB4] =	sst s7  }
0x10: {  	[smem:$0x3FB5] =	sst s8  }
0x11: {  	[smem:$0x3FB6] =	sst s9;
	s0 =	simm.s32 @!p0 $0x0  }
0x12: {  	s1 =	sld [smem:$0x3F9C];
	s0 =	simm.s32 @p0 $0x1  }
0x13: {  	[smem:$0x3FB7] =	sst s0;
	s0 =	simm.s32 @!p1 $0x0  }
0x14: {  	s2 =	sld [smem:$0x3F9B];
	s0 =	simm.s32 @p1 $0x1  }
0x15: {  	[smem:$0x3FB8] =	sst s0;
	s0 =	simm.s32 @!p2 $0x0  }
0x16: {  	s3 =	sld [smem:$0x3FDB];
	s0 =	simm.s32 @p2 $0x1  }
0x17: {  	s4 =	simm.s32 $0x1BF5;
	[smem:$0x3FBA] =	sst s0  }
0x18: {  	s0 =	sld [smem:$0x3F9D];
	_ =	swait.ge [sflag:s4], $0x0  }
0x19: {  	s7 =	sld [smem:$0x3F9E]  }
0x1a: {  	s8 =	sadd.s32 $0xFFFFE003, lr  }
0x1b: {  	s9 =	sadd.s32 $0xFFFFFEF7, lr;
	s5 =	simm.s32 $0xFFFFFFFF;
	p2 =	slt.u32 s8, $0xFFFFF086  }
0x1c: {  	p1 =	slt.u32 s9, $0xF7A;
	s5 =	simm.s32 @!p2 $0x0  }
0x1d: {  	s5 =	simm.s32 @p1 $0x1;
	p0 =	seq.s32 s7, s2  }
0x1e: {  	s7 =	smul.u32 @!p0 $0xF7A, s2;
	p2 =	seq.s32 @!p0 s5, $0x0  }
0x1f: {  	s9 =	smul.u32 $0xF7A, s1;
	s8 =	simm.s32 @!p0 $0x1BF5;
	p2 =	por !p2, p0  }
0x20: {  	[sflag:s8] =	ssyncset.s32 @!p0 $0xFFFFF086;
	s6 =	sadd.s32 @!p0 s3, s7;
	s7 =	simm.s32 @!p0 $0x108  }
0x21: {  	s3 =	sadd.s32 s3, s9;
	s6 =	sadd.s32 @!p0 $0x88, s6;
	s7 =	simm.s32 @p2 $0x1082  }
0x22: {  	[simem:s7], [sflag:s8] =	dma.local @!p0 [hbm:s6], $0xF7A  }
0x23: {  	s9 =	sor.u32 $0xD0000000, s2;
	s6 =	simm.s32 $0x108;
	_ =	swait.ge @!p0 [sflag:s8], $0x0  }
0x24: {  	s3 =	sadd.s32 $0x88, s3;
	s6 =	simm.s32 @!p1 $0x1082;
	[sflag:s4] =	ssyncset.s32 $0xFFFFF086  }
0x25: {  	[simem:s6], [sflag:s4] =	dma.local [hbm:s3], $0xF7A  }
0x26: {  	[smem:$0x3F9E] =	sst s1;
	(tag) =	ssettag s2;
	_ =	strace s9  }
0x27: {  	s1 =	sld [smem:$0x3FAE]  }
0x28: {  	s2 =	sld [smem:$0x3FAF]  }
0x29: {  	s4 =	sld [smem:$0x3FB1]  }
0x2a: {  	p0 =	seq.s32 s5, $0x0;
	s5 =	sld [smem:$0x3FB2]  }
0x2b: {  	s6 =	sld [smem:$0x3FB3]  }
0x2c: {  	s7 =	sld [smem:$0x3FB4]  }
0x2d: {  	s3 =	simm.s32 $0x108;
	s8 =	sld [smem:$0x3FB5]  }
0x2e: {  	s3 =	simm.s32 @!p0 $0x1082;
	s9 =	sld [smem:$0x3FB6]  }
0x2f: {  	lr =	sadd.s32 s0, s3;
	s0 =	sld [smem:$0x3FAD]  }
0x30: {  	s3 =	sld [smem:$0x3FB0]  }
0x31: {  	[smem:$0x3FB9] =	sst s10  }
0x32: {  	s10 =	sld [smem:$0x3FB7];
	_ =	sdelay $0x3  }
0x33: {  	p0 =	seq.s32 s10, $0x1;
	s10 =	sld [smem:$0x3FB9];
	_ =	sdelay $0x3  }
0x34: {  	[smem:$0x3FB9] =	sst s10  }
0x35: {  	s10 =	sld [smem:$0x3FB8];
	_ =	sdelay $0x3  }
0x36: {  	p1 =	seq.s32 s10, $0x1;
	s10 =	sld [smem:$0x3FB9];
	_ =	sdelay $0x3  }
0x37: {  	[smem:$0x3FB9] =	sst s10  }
0x38: {  	s10 =	sld [smem:$0x3FBA]  }
0x39: {  	_ = 	snop;
	(pc) =	sbr.ind lr, $3  }
0x3a: {  	_ = 	snop  }
0x3b: {  	_ = 	snop  }
0x3c: {  	p2 =	seq.s32 s10, $0x1;
	s10 =	sld [smem:$0x3FB9]  }
0x3d: {  	_ =	shalt  }
0x3e: {  	_ =	shalt  }
0x3f: {  	_ =	shalt  }
0x40: {  	_ =	shalt  }
0x41: {  	_ =	shalt  }
0x42: {  	_ =	shalt  }
0x43: {  	_ =	shalt  }
0x44: {  	_ =	shalt  }
0x45: {  	_ =	shalt  }
0x46: {  	_ =	shalt  }
0x47: {  	_ =	shalt  }
0x48: {  	_ =	shalt  }
0x49: {  	_ =	shalt  }
0x4a: {  	_ =	shalt  }
0x4b: {  	_ =	shalt  }
0x4c: {  	_ =	shalt  }
0x4d: {  	_ =	shalt  }
0x4e: {  	_ =	shalt  }
0x4f: {  	_ =	shalt  }
0x50: {  	_ =	shalt  }
0x51: {  	_ =	shalt  }
0x52: {  	_ =	shalt  }
0x53: {  	_ =	shalt  }
0x54: {  	_ =	shalt  }
0x55: {  	_ =	shalt  }
0x56: {  	_ =	shalt  }
0x57: {  	_ =	shalt  }
0x58: {  	_ =	shalt  }
0x59: {  	_ =	shalt  }
0x5a: {  	_ =	shalt  }
0x5b: {  	_ =	shalt  }
0x5c: {  	_ =	shalt  }
0x5d: {  	_ =	shalt  }
0x5e: {  	_ =	shalt  }
0x5f: {  	_ =	shalt  }
0x60: {  	_ =	shalt  }
0x61: {  	_ =	shalt  }
0x62: {  	_ =	shalt  }
0x63: {  	_ =	shalt  }
0x64: {  	_ =	shalt  }
0x65: {  	_ =	shalt  }
0x66: {  	_ =	shalt  }
0x67: {  	_ =	shalt  }
0x68: {  	_ =	shalt  }
0x69: {  	_ =	shalt  }
0x6a: {  	_ =	shalt  }
0x6b: {  	_ =	shalt  }
0x6c: {  	_ =	shalt  }
0x6d: {  	_ =	shalt  }
0x6e: {  	_ =	shalt  }
0x6f: {  	_ =	shalt  }
0x70: {  	_ =	shalt  }
0x71: {  	_ =	shalt  }
0x72: {  	_ =	shalt  }
0x73: {  	_ =	shalt  }
0x74: {  	_ =	shalt  }
0x75: {  	_ =	shalt  }
0x76: {  	_ =	shalt  }
0x77: {  	_ =	shalt  }
0x78: {  	_ =	shalt  }
0x79: {  	_ =	shalt  }
0x7a: {  	_ =	shalt  }
0x7b: {  	_ =	shalt  }
0x7c: {  	_ =	shalt  }
0x7d: {  	_ =	shalt  }
0x7e: {  	_ =	shalt  }
0x7f: {  	_ =	shalt  }
0x80: {  	_ =	shalt  }
0x81: {  	_ =	shalt  }
0x82: {  	_ =	shalt  }
0x83: {  	_ =	shalt  }
0x84: {  	_ =	shalt  }
0x85: {  	_ =	shalt  }
0x86: {  	_ =	shalt  }
0x87: {  	_ =	shalt  }
.Lfunc_end0:
.L_simem_size_0:
called_computation.2_lowered:
.L_overlay_start_0:
0x88: {  	s2 =	sld [smem:$0x3FD9]  }
0x89: {  	s3 =	sld [smem:$0x3FFE];
	_ =	sdelay $0x1  }
0x8a: {  	s1 =	srdreg.scid  }
0x8b: {  	s0 =	sand.u32 $0x1, s1  }
0x8c: {  	s17 =	sshll.u32 s0, $0xA;
	s2 =	sadd.s32 s3, s2  }
0x8d: {  	s2 =	sadd.s32 s2, s17  }
0x8e: {  	[smem:$0x3FC5] =	sst s2  }
0x8f: {  	_ = 	snop  }
0x90: {  	s2 =	sld [smem:$0x3FD0];
	(tm) =	ssettm $0x1  }
0x91: {  	s18 =	sld [smem:$0x3FFB];
	_ =	sdelay $0x3  }
0x92: {  	_ =	strace s18  }
0x93: {  	s3 =	sld [smem:$0x3FFC];
	_ =	sdelay $0x3  }
0x94: {  	_ =	strace s3  }
0x95: {  	s3 =	sld [smem:$0x3FFD];
	_ =	sdelay $0x3  }
0x96: {  	_ =	strace s3  }
0x97: {  	_ =	strace $0x8FFFFFFF  }
0x98: {  	s19 =	sld [smem:$0x3FDB];
	_ =	sdelay $0x1  }
0x99: {  	s4 =	simm.s32 $_scs_section_size  }
0x9a: {  	s5 =	simm.s32 $_size__tile_overlayer_lowered;
	s6 =	simm.s32 $_tile_overlayer_lowered  }
0x9b: {  	s22 =	simm.s32 $0x1BFF;
	s21 =	sshll.u32 s6, $0x1;
	s3 =	sadd.s32 s4, s19  }
0x9c: {  	s7 =	simm.s32 $0x0;
	s20 =	sshll.u32 s5, $0x1;
	s5 =	sadd.s32 s21, s3  }
0x9d: {  	[timem:s7], [sflag:s22] =	dma.local [hbm:s5], s20  }
0x9e: {  	_ =	swait.ge [sflag:s22], s20  }
0x9f: {  	s4 =	ssub.s32 $0x0, s20;
	[sflag:s22] =	ssyncset.done $0x0  }
0xa0: {  	[sflag:s22] =	ssyncadd.s32 s4;
	_ =	sdelay $0x1  }
0xa1: {  	s23 =	simm.s32 $0x1B8B  }
0xa2: {  	_ =	swait.ge [sflag:s23], $0x1  }
0xa3: {  	[sflag:s23] =	ssyncset.done $0x0  }
0xa4: {  	s25 =	simm.s32 $0x1B8E;
	s24 =	sld [smem:$0x3FFE];
	[sflag:s23] =	ssyncadd.s32 $0xFFFFFFFF  }
0xa5: {  	s26 =	simm.s32 $execute0_lowered;
	[smem:$0x3FD2] =	sst s25  }
0xa6: {  	s5 =	sshll.u32 s26, $0x1;
	_ =	strace $0x8000004C;
	[dreg:$0x1] =	wrdreg $0xFFFFFFFF  }
0xa7: {  	s28 =	simm.s32 $_size_execute0_lowered;
	s3 =	sadd.s32 s3, s5;
	[dreg:$0x0] =	wrdreg $0x0  }
0xa8: {  	s5 =	sshll.u32 s28, $0x1;
	[dreg:$0x2] =	wrdreg s3  }
0xa9: {  	[dreg:$0x3] =	wrdreg s5  }
0xaa: {  	[dreg:$0x4] =	wrdreg $0xC0  }
0xab: {  	_ =	task [dreg:s7], $0x5FFFF  }
0xac: {  	[dreg:$0x1] =	wrdreg $0xFFFFFFFF  }
0xad: {  	[dreg:$0x0] =	wrdreg $0x60  }
0xae: {  	[dreg:$0x2] =	wrdreg s2  }
0xaf: {  	[dreg:$0x3] =	wrdreg s24  }
0xb0: {  	[dreg:$0x4] =	wrdreg $0x0  }
0xb1: {  	[dreg:$0x5] =	wrdreg $0x9  }
0xb2: {  	_ =	task.clear_ibuf [dreg:s7], $0x6FFFF;
	_ =	strace $0x9000004C  }
0xb3: {  	s29 =	simm.s32 $0x9;
	_ =	strace $0x8000004E  }
0xb4: {  	_ =	swait.ge [sflag:s29], $0x1  }
0xb5: {  	[sflag:s29] =	ssyncadd.s32 $0xFFFFFFFF  }
0xb6: {  	_ =	strace $0x9000004E  }
0xb7: {  	_ =	sfence  }
0xb8: {  	s30 =	sld [smem:$0x0];
	_ =	sdelay $0x2  }
0xb9: {  	s31 =	sshll.u32 s1, $0xD;
	s1 =	sshrl.u32 s1, $0x2  }
0xba: {  	s3 =	sand.u32 $0x4000, s31;
	s1 =	sadd.s32 s1, s30  }
0xbb: {  	s0 =	sor.u32 s3, s0;
	s1 =	sshll.u32 s1, $0x11  }
0xbc: {  	s0 =	sor.u32 s1, s0  }
0xbd: {  	s0 =	sadd.s32 $0x8F2B, s0  }
0xbe: {  	[sflag:s0] =	ssyncadd.remote.s32 $0x1  }
0xbf: {  	_ =	sfence.sel $0xFFFF  }
0xc0: {  	[dreg:$0x0] =	wrdreg $0xFFFFFFFF;
	(pc) =	sbr.abs _section_cstart, $3  }
0xc1: {  	[dreg:$0x1] =	wrdreg $0xFFFFFFFF  }
0xc2: {  	_ =	task.clear_ibuf [dreg:s7], $0x2FFFF;
	_ =	strace $0x9FFFFFFF  }
0xc3: {  	(tm) =	ssettm $0x7FFFFFFF  }
tec
execute0_lowered:
.L_overlay_start_1:
0x0: {  	(tag) =	ssettag $0x1  }
0x1: {  	s8 =	rddreg [dreg:$0x0]  }
0x2: {  	s5 =	rddreg [dreg:$0x1]  }
0x3: {  	s1 =	rddreg [dreg:$0x2]  }
0x4: {  	s0 =	rddreg [dreg:$0x3]  }
0x5: {  	s3 =	simm.s32 $0x0;
	s2 =	srdreg.scid;
	s16 =	simm.s32 $0x17000  }
0x6: {  	s17 =	simm.s32 $0x3;
	s18 =	simm.s32 $0x14000;
	s19 =	simm.s32 $0x15800  }
0x7: {  	s20 =	simm.s32 $0x80;
	s21 =	simm.s32 $0x1B000;
	s22 =	simm.s32 $0x1  }
0x8: {  	s23 =	simm.s32 $0x2;
	[smem:$0x7FF] =	sst s3;
	s4 =	sand.u32 $0x1, s2  }
0x9: {  	s24 =	simm.s32 $0x15400;
	s2 =	stileid.u32;
	s6 =	smul.u32 $0x28000, s4  }
0xa: {  	s10 =	sadd.s32 $0x1C00, s5;
	_ =	strace $0x8000004D;
	s7 =	smul.u32 $0x2800, s2  }
0xb: {  	s9 =	sshll.u32 s2, $0x1;
	s11 =	smul.u32 $0x50000, s2;
	s28 =	ssub.s32 $0x2, s4  }
0xc: {  	s9 =	sor.u32 s4, s9;
	s4 =	sadd.s32 $0xDC00, s5;
	s29 =	sshrl.u32 s28, $0x1  }
0xd: {  	s6 =	sadd.s32 s7, s6;
	s9 =	smul.u32 $0x3000, s9;
	s30 =	sshrl.u32 s11, $0x2  }
0xe: {  	s13 =	ssub.s32 s28, s29;
	s12 =	sadd.s32 s6, s5;
	s5 =	sadd.s32 s30, s1  }
0xf: {  	s11 =	smax.u32 s13, $0x1;
	s31 =	sshrl.u32 s9, $0x3;
	s13 =	sadd.s32 $0x8000, s5  }
0x10: {  	s14 =	sadd.s32 $0xC000, s5;
	s15 =	sadd.s32 $0x10000, s5;
	s9 =	sadd.s32 $0x300, s31  }
0x11: {  	s6 =	sadd.s32 s8, s31;
	s7 =	sadd.s32 s10, s31;
	s8 =	sadd.s32 s8, s9  }
0x12: {  	v0 =	vimm.f32 $0.0e+00;
	s9 =	sadd.s32 s10, s9;
	s10 =	sadd.s32 $0x35C00, s12;
	s12 =	sadd.s32 $0x4000, s5  }
.LBB2_1:
0x13: {  	s25 =	simm.s32 $0x0;
	s26 =	simm.s32 $0x200  }
.LBB2_2:
0x14: {  	p0 =	sne.s32 s26, $0xFE00;
	[tilespmem:s25+$0x17070] =	vst v0  }
0x15: {  	[tilespmem:s25+$0x17000] =	vst v0  }
0x16: {  	[tilespmem:s25+$0x17010] =	vst v0  }
.Ltmp0:
0x17: {  	[tilespmem:s25+$0x17020] =	vst v0;
	(pc) =	sbr.rel @p0 .LBB2_2-.Ltmp0, $4  }
0x18: {  	[tilespmem:s25+$0x17030] =	vst v0  }
0x19: {  	[tilespmem:s25+$0x17040] =	vst v0  }
0x1a: {  	[tilespmem:s25+$0x17050] =	vst v0  }
0x1b: {  	[tilespmem:s25+$0x17060] =	vst v0;
	s25 =	sshra.s32 s26, $0x2;
	s26 =	sadd.s32 $0x200, s26  }
0x1c: {  	[tilespmem:s25+$0x17070] =	vst v0  }
0x1d: {  	[tilespmem:s25+$0x17000] =	vst v0  }
0x1e: {  	[tilespmem:s25+$0x17010] =	vst v0  }
0x1f: {  	[tilespmem:s25+$0x17020] =	vst v0  }
0x20: {  	[tilespmem:s25+$0x17030] =	vst v0  }
0x21: {  	[tilespmem:s25+$0x17040] =	vst v0  }
0x22: {  	[tilespmem:s25+$0x17050] =	vst v0  }
0x23: {  	[tilespmem:s25+$0x17060] =	vst v0  }
0x24: {  	[spmem:s5] =	stream.linear.scatter [tilespmem:s16], [sflag:$0x3], $0x4000, $0x38;
	[tilespmem:$0x1F000] =	vst v63  }
0x25: {  	_ =	swait.ge [sflag:s17], $0x4000  }
0x26: {  	[sflag:s17] =	ssyncset.done $0x0  }
0x27: {  	[sflag:s17] =	ssyncadd.s32 $0xFFFFC000  }
0x28: {  	[spmem:s12] =	stream.linear.scatter [tilespmem:s16], [sflag:$0x3], $0x4000, $0x38;
	[tilespmem:$0x1F000] =	vst v63  }
0x29: {  	_ =	swait.ge [sflag:s17], $0x4000  }
0x2a: {  	[sflag:s17] =	ssyncset.done $0x0  }
0x2b: {  	[sflag:s17] =	ssyncadd.s32 $0xFFFFC000  }
0x2c: {  	[spmem:s13] =	stream.linear.scatter [tilespmem:s16], [sflag:$0x3], $0x4000, $0x38;
	[tilespmem:$0x1F000] =	vst v63  }
0x2d: {  	_ =	swait.ge [sflag:s17], $0x4000  }
0x2e: {  	[sflag:s17] =	ssyncset.done $0x0  }
0x2f: {  	[sflag:s17] =	ssyncadd.s32 $0xFFFFC000  }
0x30: {  	[spmem:s14] =	stream.linear.scatter [tilespmem:s16], [sflag:$0x3], $0x4000, $0x38;
	[tilespmem:$0x1F000] =	vst v63  }
0x31: {  	_ =	swait.ge [sflag:s17], $0x4000  }
0x32: {  	[sflag:s17] =	ssyncset.done $0x0  }
0x33: {  	[sflag:s17] =	ssyncadd.s32 $0xFFFFC000  }
0x34: {  	[spmem:s15] =	stream.linear.scatter [tilespmem:s16], [sflag:$0x3], $0x4000, $0x38;
	[tilespmem:$0x1F000] =	vst v63  }
0x35: {  	_ =	swait.ge [sflag:s17], $0x4000  }
0x36: {  	[sflag:s17] =	ssyncset.done $0x0  }
0x37: {  	[sflag:s17] =	ssyncadd.s32 $0xFFFFC000  }
0x38: {  	s31 =	simm.s32 $0x0;
	[bflag:$0x0] =	sbarrier.arrive $0xFFFF  }
0x39: {  	[tilespmem:s18], [sflag:$0x3] =	stream.linear.gather [hbm4b:s6+s31], $0x1480, $0x38;
	[tilespmem:$0x1F000] =	vst v63  }
0x3a: {  	_ =	swait.ge [sflag:s17], $0x1480  }
0x3b: {  	[sflag:s17] =	ssyncset.done $0x0  }
0x3c: {  	[sflag:s17] =	ssyncadd.s32 $0xFFFFEB80  }
0x3d: {  	[tilespmem:s19], [sflag:$0x3] =	stream.linear.gather [hbm4b:s7+s31], $0x1480, $0x38;
	[tilespmem:$0x1F000] =	vst v63  }
0x3e: {  	_ =	swait.ge [sflag:s17], $0x1480  }
0x3f: {  	[sflag:s17] =	ssyncset.done $0x0  }
0x40: {  	[sflag:s17] =	ssyncadd.s32 $0xFFFFEB80  }
0x41: {  	[tilespmem:s16], [sflag:$0x1] =	stream.indirect.gather [hbm4b:s4+s20], $0x80, s19, s20, $0xb8;
	[tilespmem:$0x1F000] =	vst v63  }
0x42: {  	s26 =	simm.s32 $0x15880  }
0x43: {  	[tilespmem:s21], [sflag:$0x2] =	stream.indirect.gather [hbm4b:s4+s20], $0x80, s26, s20, $0xb8;
	[tilespmem:$0x1F000] =	vst v63  }
0x44: {  	_ =	swait.ge [sflag:s22], $0x4000  }
0x45: {  	[sflag:s22] =	ssyncset.done $0x0  }
0x46: {  	s28 =	simm.s32 $0x14000;
	[sflag:s22] =	ssyncadd.s32 $0xFFFFC000  }
0x47: {  	[spmem:s1] =	stream.indirect.scatter.add.f32 [tilespmem:s16], [sflag:$0x3], $0x80, s28, s20, $0xb8;
	[tilespmem:$0x1F000] =	vst v63  }
0x48: {  	_ =	swait.ge [sflag:s17], $0x4000  }
0x49: {  	[sflag:s17] =	ssyncset.done $0x0  }
0x4a: {  	s30 =	simm.s32 $0x15900;
	[sflag:s17] =	ssyncadd.s32 $0xFFFFC000  }
0x4b: {  	[tilespmem:s16], [sflag:$0x1] =	stream.indirect.gather [hbm4b:s4+s20], $0x80, s30, s20, $0xb8;
	[tilespmem:$0x1F000] =	vst v63  }
0x4c: {  	_ =	swait.ge [sflag:s23], $0x4000  }
0x4d: {  	[sflag:s23] =	ssyncset.done $0x0  }
0x4e: {  	s31 =	simm.s32 $0x14080;
	[sflag:s23] =	ssyncadd.s32 $0xFFFFC000  }
0x4f: {  	[spmem:s1] =	stream.indirect.scatter.add.f32 [tilespmem:s21], [sflag:$0x3], $0x80, s31, s20, $0xb8;
	[tilespmem:$0x1F000] =	vst v63  }
0x50: {  	_ =	swait.ge [sflag:s17], $0x4000  }
0x51: {  	[sflag:s17] =	ssyncset.done $0x0  }
0x52: {  	s26 =	simm.s32 $0x15980;
	[sflag:s17] =	ssyncadd.s32 $0xFFFFC000  }
0x53: {  	[tilespmem:s21], [sflag:$0x2] =	stream.indirect.gather [hbm4b:s4+s20], $0x80, s26, s20, $0xb8;
	[tilespmem:$0x1F000] =	vst v63  }
0x54: {  	_ =	swait.ge [sflag:s22], $0x4000  }
0x55: {  	[sflag:s22] =	ssyncset.done $0x0  }
0x56: {  	s28 =	simm.s32 $0x14100;
	[sflag:s22] =	ssyncadd.s32 $0xFFFFC000  }
0x57: {  	[spmem:s1] =	stream.indirect.scatter.add.f32 [tilespmem:s16], [sflag:$0x3], $0x80, s28, s20, $0xb8;
	[tilespmem:$0x1F000] =	vst v63  }
0x58: {  	_ =	swait.ge [sflag:s17], $0x4000  }
0x59: {  	[sflag:s17] =	ssyncset.done $0x0  }
0x5a: {  	s30 =	simm.s32 $0x15A00;
	[sflag:s17] =	ssyncadd.s32 $0xFFFFC000  }
0x5b: {  	[tilespmem:s16], [sflag:$0x1] =	stream.indirect.gather [hbm4b:s4+s20], $0x80, s30, s20, $0xb8;
	[tilespmem:$0x1F000] =	vst v63  }
0x5c: {  	_ =	swait.ge [sflag:s23], $0x4000  }
0x5d: {  	[sflag:s23] =	ssyncset.done $0x0  }
0x5e: {  	s31 =	simm.s32 $0x14180;
	[sflag:s23] =	ssyncadd.s32 $0xFFFFC000  }
0x5f: {  	[spmem:s1] =	stream.indirect.scatter.add.f32 [tilespmem:s21], [sflag:$0x3], $0x80, s31, s20, $0xb8;
	[tilespmem:$0x1F000] =	vst v63  }
0x60: {  	_ =	swait.ge [sflag:s17], $0x4000  }
0x61: {  	s29 =	simm.s32 $0x1000;
	s25 =	simm.s32 $0x200;
	[sflag:s17] =	ssyncset.done $0x0  }
.LBB2_4:
0x62: {  	s30 =	sadd.s32 $0x15880, s25  }
0x63: {  	[sflag:s17] =	ssyncadd.s32 $0xFFFFC000;
	s28 =	smov.u32 s29;
	s26 =	sadd.s32 $0x800, s29  }
0x64: {  	[tilespmem:s21], [sflag:$0x2] =	stream.indirect.gather [hbm4b:s4+s20], $0x80, s30, s20, $0xb8;
	[tilespmem:$0x1F000] =	vst v63  }
0x65: {  	p0 =	sne.s32 s29, $0x4800;
	_ =	swait.ge [sflag:s22], $0x4000  }
0x66: {  	[sflag:s22] =	ssyncset.done $0x0  }
0x67: {  	s29 =	sadd.s32 $0x14000, s25;
	[sflag:s22] =	ssyncadd.s32 $0xFFFFC000  }
0x68: {  	[spmem:s1] =	stream.indirect.scatter.add.f32 [tilespmem:s16], [sflag:$0x3], $0x80, s29, s20, $0xb8;
	[tilespmem:$0x1F000] =	vst v63  }
0x69: {  	_ =	swait.ge [sflag:s17], $0x4000  }
0x6a: {  	[sflag:s17] =	ssyncset.done $0x0  }
0x6b: {  	s29 =	sadd.s32 $0x15900, s25;
	[sflag:s17] =	ssyncadd.s32 $0xFFFFC000  }
0x6c: {  	[tilespmem:s16], [sflag:$0x1] =	stream.indirect.gather [hbm4b:s4+s20], $0x80, s29, s20, $0xb8;
	[tilespmem:$0x1F000] =	vst v63  }
0x6d: {  	_ =	swait.ge [sflag:s23], $0x4000  }
0x6e: {  	[sflag:s23] =	ssyncset.done $0x0  }
0x6f: {  	s29 =	sadd.s32 $0x14080, s25;
	[sflag:s23] =	ssyncadd.s32 $0xFFFFC000  }
0x70: {  	[spmem:s1] =	stream.indirect.scatter.add.f32 [tilespmem:s21], [sflag:$0x3], $0x80, s29, s20, $0xb8;
	[tilespmem:$0x1F000] =	vst v63  }
0x71: {  	_ =	swait.ge [sflag:s17], $0x4000  }
0x72: {  	[sflag:s17] =	ssyncset.done $0x0  }
0x73: {  	s29 =	sadd.s32 $0x15980, s25;
	[sflag:s17] =	ssyncadd.s32 $0xFFFFC000  }
0x74: {  	[tilespmem:s21], [sflag:$0x2] =	stream.indirect.gather [hbm4b:s4+s20], $0x80, s29, s20, $0xb8;
	[tilespmem:$0x1F000] =	vst v63  }
0x75: {  	_ =	swait.ge [sflag:s22], $0x4000  }
0x76: {  	[sflag:s22] =	ssyncset.done $0x0  }
0x77: {  	s29 =	sadd.s32 $0x14100, s25;
	[sflag:s22] =	ssyncadd.s32 $0xFFFFC000  }
0x78: {  	[spmem:s1] =	stream.indirect.scatter.add.f32 [tilespmem:s16], [sflag:$0x3], $0x80, s29, s20, $0xb8;
	[tilespmem:$0x1F000] =	vst v63  }
0x79: {  	_ =	swait.ge [sflag:s17], $0x4000  }
0x7a: {  	[sflag:s17] =	ssyncset.done $0x0  }
0x7b: {  	s29 =	sadd.s32 $0x15A00, s25;
	[sflag:s17] =	ssyncadd.s32 $0xFFFFC000  }
0x7c: {  	[tilespmem:s16], [sflag:$0x1] =	stream.indirect.gather [hbm4b:s4+s20], $0x80, s29, s20, $0xb8;
	[tilespmem:$0x1F000] =	vst v63  }
0x7d: {  	_ =	swait.ge [sflag:s23], $0x4000  }
.Ltmp1:
0x7e: {  	[sflag:s23] =	ssyncset.done $0x0;
	(pc) =	sbr.rel @p0 .LBB2_4-.Ltmp1, $4  }
0x7f: {  	s25 =	sadd.s32 $0x14180, s25;
	[sflag:s23] =	ssyncadd.s32 $0xFFFFC000  }
0x80: {  	[spmem:s1] =	stream.indirect.scatter.add.f32 [tilespmem:s21], [sflag:$0x3], $0x80, s25, s20, $0xb8;
	[tilespmem:$0x1F000] =	vst v63  }
0x81: {  	_ =	swait.ge [sflag:s17], $0x4000  }
0x82: {  	s29 =	smov.u32 s26;
	s25 =	sshra.s32 s28, $0x2;
	[sflag:s17] =	ssyncset.done $0x0  }
0x83: {  	s26 =	sadd.s32 $0x15880, s25;
	[sflag:s17] =	ssyncadd.s32 $0xFFFFC000  }
0x84: {  	[tilespmem:s21], [sflag:$0x2] =	stream.indirect.gather [hbm4b:s4+s20], $0x80, s26, s20, $0xb8;
	[tilespmem:$0x1F000] =	vst v63  }
0x85: {  	_ =	swait.ge [sflag:s22], $0x4000  }
0x86: {  	[sflag:s22] =	ssyncset.done $0x0  }
0x87: {  	s30 =	sadd.s32 $0x14000, s25;
	[sflag:s22] =	ssyncadd.s32 $0xFFFFC000  }
0x88: {  	[spmem:s1] =	stream.indirect.scatter.add.f32 [tilespmem:s16], [sflag:$0x3], $0x80, s30, s20, $0xb8;
	[tilespmem:$0x1F000] =	vst v63  }
0x89: {  	_ =	swait.ge [sflag:s17], $0x4000  }
0x8a: {  	[sflag:s17] =	ssyncset.done $0x0  }
0x8b: {  	s31 =	sadd.s32 $0x15900, s25;
	[sflag:s17] =	ssyncadd.s32 $0xFFFFC000  }
0x8c: {  	[tilespmem:s16], [sflag:$0x1] =	stream.indirect.gather [hbm4b:s4+s20], $0x80, s31, s20, $0xb8;
	[tilespmem:$0x1F000] =	vst v63  }
0x8d: {  	_ =	swait.ge [sflag:s23], $0x4000  }
0x8e: {  	[sflag:s23] =	ssyncset.done $0x0  }
0x8f: {  	s28 =	sadd.s32 $0x14080, s25;
	[sflag:s23] =	ssyncadd.s32 $0xFFFFC000  }
0x90: {  	[spmem:s1] =	stream.indirect.scatter.add.f32 [tilespmem:s21], [sflag:$0x3], $0x80, s28, s20, $0xb8;
	[tilespmem:$0x1F000] =	vst v63  }
0x91: {  	_ =	swait.ge [sflag:s17], $0x4000  }
0x92: {  	[sflag:s17] =	ssyncset.done $0x0  }
0x93: {  	s30 =	sadd.s32 $0x15980, s25;
	[sflag:s17] =	ssyncadd.s32 $0xFFFFC000  }
0x94: {  	[tilespmem:s21], [sflag:$0x2] =	stream.indirect.gather [hbm4b:s4+s20], $0x80, s30, s20, $0xb8;
	[tilespmem:$0x1F000] =	vst v63  }
0x95: {  	_ =	swait.ge [sflag:s22], $0x4000  }
0x96: {  	[sflag:s22] =	ssyncset.done $0x0  }
0x97: {  	s31 =	sadd.s32 $0x14100, s25;
	[sflag:s22] =	ssyncadd.s32 $0xFFFFC000  }
0x98: {  	[spmem:s1] =	stream.indirect.scatter.add.f32 [tilespmem:s16], [sflag:$0x3], $0x80, s31, s20, $0xb8;
	[tilespmem:$0x1F000] =	vst v63  }
0x99: {  	_ =	swait.ge [sflag:s17], $0x4000  }
0x9a: {  	[sflag:s17] =	ssyncset.done $0x0  }
0x9b: {  	s28 =	sadd.s32 $0x15A00, s25;
	[sflag:s17] =	ssyncadd.s32 $0xFFFFC000  }
0x9c: {  	[tilespmem:s16], [sflag:$0x1] =	stream.indirect.gather [hbm4b:s4+s20], $0x80, s28, s20, $0xb8;
	[tilespmem:$0x1F000] =	vst v63  }
0x9d: {  	_ =	swait.ge [sflag:s23], $0x4000  }
0x9e: {  	[sflag:s23] =	ssyncset.done $0x0  }
0x9f: {  	s30 =	sadd.s32 $0x14180, s25;
	[sflag:s23] =	ssyncadd.s32 $0xFFFFC000  }
0xa0: {  	[spmem:s1] =	stream.indirect.scatter.add.f32 [tilespmem:s21], [sflag:$0x3], $0x80, s30, s20, $0xb8;
	[tilespmem:$0x1F000] =	vst v63  }
0xa1: {  	_ =	swait.ge [sflag:s17], $0x4000  }
0xa2: {  	[sflag:s17] =	ssyncset.done $0x0  }
0xa3: {  	[sflag:s17] =	ssyncadd.s32 $0xFFFFC000  }
0xa4: {  	_ =	swait.ge [sflag:s22], $0x4000  }
0xa5: {  	[sflag:s22] =	ssyncset.done $0x0  }
0xa6: {  	[sflag:s22] =	ssyncadd.s32 $0xFFFFC000  }
0xa7: {  	[spmem:s1] =	stream.indirect.scatter.add.f32 [tilespmem:s16], [sflag:$0x3], $0x80, s24, s20, $0xb8;
	[tilespmem:$0x1F000] =	vst v63  }
0xa8: {  	_ =	swait.ge [sflag:s17], $0x4000  }
0xa9: {  	[sflag:s17] =	ssyncset.done $0x0  }
0xaa: {  	s31 =	simm.s32 $0x0;
	[sflag:s17] =	ssyncadd.s32 $0xFFFFC000  }
0xab: {  	[tilespmem:s18], [sflag:$0x3] =	stream.linear.gather [hbm4b:s8+s31], $0x1480, $0x38;
	[tilespmem:$0x1F000] =	vst v63  }
0xac: {  	_ =	swait.ge [sflag:s17], $0x1480  }
0xad: {  	[sflag:s17] =	ssyncset.done $0x0  }
0xae: {  	[sflag:s17] =	ssyncadd.s32 $0xFFFFEB80  }
0xaf: {  	[tilespmem:s19], [sflag:$0x3] =	stream.linear.gather [hbm4b:s9+s31], $0x1480, $0x38;
	[tilespmem:$0x1F000] =	vst v63  }
0xb0: {  	_ =	swait.ge [sflag:s17], $0x1480  }
0xb1: {  	[sflag:s17] =	ssyncset.done $0x0  }
0xb2: {  	[sflag:s17] =	ssyncadd.s32 $0xFFFFEB80  }
0xb3: {  	[tilespmem:s16], [sflag:$0x1] =	stream.indirect.gather [hbm4b:s4+s20], $0x80, s19, s20, $0xb8;
	[tilespmem:$0x1F000] =	vst v63  }
0xb4: {  	s26 =	simm.s32 $0x15880  }
0xb5: {  	[tilespmem:s21], [sflag:$0x2] =	stream.indirect.gather [hbm4b:s4+s20], $0x80, s26, s20, $0xb8;
	[tilespmem:$0x1F000] =	vst v63  }
0xb6: {  	_ =	swait.ge [sflag:s22], $0x4000  }
0xb7: {  	[sflag:s22] =	ssyncset.done $0x0  }
0xb8: {  	s28 =	simm.s32 $0x14000;
	[sflag:s22] =	ssyncadd.s32 $0xFFFFC000  }
0xb9: {  	[spmem:s1] =	stream.indirect.scatter.add.f32 [tilespmem:s16], [sflag:$0x3], $0x80, s28, s20, $0xb8;
	[tilespmem:$0x1F000] =	vst v63  }
0xba: {  	_ =	swait.ge [sflag:s17], $0x4000  }
0xbb: {  	[sflag:s17] =	ssyncset.done $0x0  }
0xbc: {  	s30 =	simm.s32 $0x15900;
	[sflag:s17] =	ssyncadd.s32 $0xFFFFC000  }
0xbd: {  	[tilespmem:s16], [sflag:$0x1] =	stream.indirect.gather [hbm4b:s4+s20], $0x80, s30, s20, $0xb8;
	[tilespmem:$0x1F000] =	vst v63  }
0xbe: {  	_ =	swait.ge [sflag:s23], $0x4000  }
0xbf: {  	[sflag:s23] =	ssyncset.done $0x0  }
0xc0: {  	s31 =	simm.s32 $0x14080;
	[sflag:s23] =	ssyncadd.s32 $0xFFFFC000  }
0xc1: {  	[spmem:s1] =	stream.indirect.scatter.add.f32 [tilespmem:s21], [sflag:$0x3], $0x80, s31, s20, $0xb8;
	[tilespmem:$0x1F000] =	vst v63  }
0xc2: {  	_ =	swait.ge [sflag:s17], $0x4000  }
0xc3: {  	[sflag:s17] =	ssyncset.done $0x0  }
0xc4: {  	s26 =	simm.s32 $0x15980;
	[sflag:s17] =	ssyncadd.s32 $0xFFFFC000  }
0xc5: {  	[tilespmem:s21], [sflag:$0x2] =	stream.indirect.gather [hbm4b:s4+s20], $0x80, s26, s20, $0xb8;
	[tilespmem:$0x1F000] =	vst v63  }
0xc6: {  	_ =	swait.ge [sflag:s22], $0x4000  }
0xc7: {  	[sflag:s22] =	ssyncset.done $0x0  }
0xc8: {  	s28 =	simm.s32 $0x14100;
	[sflag:s22] =	ssyncadd.s32 $0xFFFFC000  }
0xc9: {  	[spmem:s1] =	stream.indirect.scatter.add.f32 [tilespmem:s16], [sflag:$0x3], $0x80, s28, s20, $0xb8;
	[tilespmem:$0x1F000] =	vst v63  }
0xca: {  	_ =	swait.ge [sflag:s17], $0x4000  }
0xcb: {  	[sflag:s17] =	ssyncset.done $0x0  }
0xcc: {  	s30 =	simm.s32 $0x15A00;
	[sflag:s17] =	ssyncadd.s32 $0xFFFFC000  }
0xcd: {  	[tilespmem:s16], [sflag:$0x1] =	stream.indirect.gather [hbm4b:s4+s20], $0x80, s30, s20, $0xb8;
	[tilespmem:$0x1F000] =	vst v63  }
0xce: {  	_ =	swait.ge [sflag:s23], $0x4000  }
0xcf: {  	[sflag:s23] =	ssyncset.done $0x0  }
0xd0: {  	s31 =	simm.s32 $0x14180;
	[sflag:s23] =	ssyncadd.s32 $0xFFFFC000  }
0xd1: {  	[spmem:s1] =	stream.indirect.scatter.add.f32 [tilespmem:s21], [sflag:$0x3], $0x80, s31, s20, $0xb8;
	[tilespmem:$0x1F000] =	vst v63  }
0xd2: {  	_ =	swait.ge [sflag:s17], $0x4000  }
0xd3: {  	s29 =	simm.s32 $0x1000;
	s25 =	simm.s32 $0x200;
	[sflag:s17] =	ssyncset.done $0x0  }
.LBB2_6:
0xd4: {  	s30 =	sadd.s32 $0x15880, s25  }
0xd5: {  	[sflag:s17] =	ssyncadd.s32 $0xFFFFC000;
	s28 =	smov.u32 s29;
	s26 =	sadd.s32 $0x800, s29  }
0xd6: {  	[tilespmem:s21], [sflag:$0x2] =	stream.indirect.gather [hbm4b:s4+s20], $0x80, s30, s20, $0xb8;
	[tilespmem:$0x1F000] =	vst v63  }
0xd7: {  	p0 =	sne.s32 s29, $0x4800;
	_ =	swait.ge [sflag:s22], $0x4000  }
0xd8: {  	[sflag:s22] =	ssyncset.done $0x0  }
0xd9: {  	s29 =	sadd.s32 $0x14000, s25;
	[sflag:s22] =	ssyncadd.s32 $0xFFFFC000  }
0xda: {  	[spmem:s1] =	stream.indirect.scatter.add.f32 [tilespmem:s16], [sflag:$0x3], $0x80, s29, s20, $0xb8;
	[tilespmem:$0x1F000] =	vst v63  }
0xdb: {  	_ =	swait.ge [sflag:s17], $0x4000  }
0xdc: {  	[sflag:s17] =	ssyncset.done $0x0  }
0xdd: {  	s29 =	sadd.s32 $0x15900, s25;
	[sflag:s17] =	ssyncadd.s32 $0xFFFFC000  }
0xde: {  	[tilespmem:s16], [sflag:$0x1] =	stream.indirect.gather [hbm4b:s4+s20], $0x80, s29, s20, $0xb8;
	[tilespmem:$0x1F000] =	vst v63  }
0xdf: {  	_ =	swait.ge [sflag:s23], $0x4000  }
0xe0: {  	[sflag:s23] =	ssyncset.done $0x0  }
0xe1: {  	s29 =	sadd.s32 $0x14080, s25;
	[sflag:s23] =	ssyncadd.s32 $0xFFFFC000  }
0xe2: {  	[spmem:s1] =	stream.indirect.scatter.add.f32 [tilespmem:s21], [sflag:$0x3], $0x80, s29, s20, $0xb8;
	[tilespmem:$0x1F000] =	vst v63  }
0xe3: {  	_ =	swait.ge [sflag:s17], $0x4000  }
0xe4: {  	[sflag:s17] =	ssyncset.done $0x0  }
0xe5: {  	s29 =	sadd.s32 $0x15980, s25;
	[sflag:s17] =	ssyncadd.s32 $0xFFFFC000  }
0xe6: {  	[tilespmem:s21], [sflag:$0x2] =	stream.indirect.gather [hbm4b:s4+s20], $0x80, s29, s20, $0xb8;
	[tilespmem:$0x1F000] =	vst v63  }
0xe7: {  	_ =	swait.ge [sflag:s22], $0x4000  }
0xe8: {  	[sflag:s22] =	ssyncset.done $0x0  }
0xe9: {  	s29 =	sadd.s32 $0x14100, s25;
	[sflag:s22] =	ssyncadd.s32 $0xFFFFC000  }
0xea: {  	[spmem:s1] =	stream.indirect.scatter.add.f32 [tilespmem:s16], [sflag:$0x3], $0x80, s29, s20, $0xb8;
	[tilespmem:$0x1F000] =	vst v63  }
0xeb: {  	_ =	swait.ge [sflag:s17], $0x4000  }
0xec: {  	[sflag:s17] =	ssyncset.done $0x0  }
0xed: {  	s29 =	sadd.s32 $0x15A00, s25;
	[sflag:s17] =	ssyncadd.s32 $0xFFFFC000  }
0xee: {  	[tilespmem:s16], [sflag:$0x1] =	stream.indirect.gather [hbm4b:s4+s20], $0x80, s29, s20, $0xb8;
	[tilespmem:$0x1F000] =	vst v63  }
0xef: {  	_ =	swait.ge [sflag:s23], $0x4000  }
.Ltmp2:
0xf0: {  	[sflag:s23] =	ssyncset.done $0x0;
	(pc) =	sbr.rel @p0 .LBB2_6-.Ltmp2, $4  }
0xf1: {  	s25 =	sadd.s32 $0x14180, s25;
	[sflag:s23] =	ssyncadd.s32 $0xFFFFC000  }
0xf2: {  	[spmem:s1] =	stream.indirect.scatter.add.f32 [tilespmem:s21], [sflag:$0x3], $0x80, s25, s20, $0xb8;
	[tilespmem:$0x1F000] =	vst v63  }
0xf3: {  	_ =	swait.ge [sflag:s17], $0x4000  }
0xf4: {  	s29 =	smov.u32 s26;
	s25 =	sshra.s32 s28, $0x2;
	[sflag:s17] =	ssyncset.done $0x0  }
0xf5: {  	s26 =	sadd.s32 $0x15880, s25;
	[sflag:s17] =	ssyncadd.s32 $0xFFFFC000  }
0xf6: {  	[tilespmem:s21], [sflag:$0x2] =	stream.indirect.gather [hbm4b:s4+s20], $0x80, s26, s20, $0xb8;
	[tilespmem:$0x1F000] =	vst v63  }
0xf7: {  	_ =	swait.ge [sflag:s22], $0x4000  }
0xf8: {  	[sflag:s22] =	ssyncset.done $0x0  }
0xf9: {  	s31 =	sadd.s32 $0x14000, s25;
	[sflag:s22] =	ssyncadd.s32 $0xFFFFC000  }
0xfa: {  	[spmem:s1] =	stream.indirect.scatter.add.f32 [tilespmem:s16], [sflag:$0x3], $0x80, s31, s20, $0xb8;
	[tilespmem:$0x1F000] =	vst v63  }
0xfb: {  	_ =	swait.ge [sflag:s17], $0x4000  }
0xfc: {  	[sflag:s17] =	ssyncset.done $0x0  }
0xfd: {  	s28 =	sadd.s32 $0x15900, s25;
	[sflag:s17] =	ssyncadd.s32 $0xFFFFC000  }
0xfe: {  	[tilespmem:s16], [sflag:$0x1] =	stream.indirect.gather [hbm4b:s4+s20], $0x80, s28, s20, $0xb8;
	[tilespmem:$0x1F000] =	vst v63  }
0xff: {  	_ =	swait.ge [sflag:s23], $0x4000  }
0x100: {  	[sflag:s23] =	ssyncset.done $0x0  }
0x101: {  	s29 =	sadd.s32 $0x14080, s25;
	[sflag:s23] =	ssyncadd.s32 $0xFFFFC000  }
0x102: {  	[spmem:s1] =	stream.indirect.scatter.add.f32 [tilespmem:s21], [sflag:$0x3], $0x80, s29, s20, $0xb8;
	[tilespmem:$0x1F000] =	vst v63  }
0x103: {  	_ =	swait.ge [sflag:s17], $0x4000  }
0x104: {  	[sflag:s17] =	ssyncset.done $0x0  }
0x105: {  	s30 =	sadd.s32 $0x15980, s25;
	[sflag:s17] =	ssyncadd.s32 $0xFFFFC000  }
0x106: {  	[tilespmem:s21], [sflag:$0x2] =	stream.indirect.gather [hbm4b:s4+s20], $0x80, s30, s20, $0xb8;
	[tilespmem:$0x1F000] =	vst v63  }
0x107: {  	_ =	swait.ge [sflag:s22], $0x4000  }
0x108: {  	[sflag:s22] =	ssyncset.done $0x0  }
0x109: {  	s31 =	sadd.s32 $0x14100, s25;
	[sflag:s22] =	ssyncadd.s32 $0xFFFFC000  }
0x10a: {  	[spmem:s1] =	stream.indirect.scatter.add.f32 [tilespmem:s16], [sflag:$0x3], $0x80, s31, s20, $0xb8;
	[tilespmem:$0x1F000] =	vst v63  }
0x10b: {  	_ =	swait.ge [sflag:s17], $0x4000  }
0x10c: {  	[sflag:s17] =	ssyncset.done $0x0  }
0x10d: {  	s28 =	sadd.s32 $0x15A00, s25;
	[sflag:s17] =	ssyncadd.s32 $0xFFFFC000  }
0x10e: {  	[tilespmem:s16], [sflag:$0x1] =	stream.indirect.gather [hbm4b:s4+s20], $0x80, s28, s20, $0xb8;
	[tilespmem:$0x1F000] =	vst v63  }
0x10f: {  	_ =	swait.ge [sflag:s23], $0x4000  }
0x110: {  	[sflag:s23] =	ssyncset.done $0x0  }
0x111: {  	s29 =	sadd.s32 $0x14180, s25;
	[sflag:s23] =	ssyncadd.s32 $0xFFFFC000  }
0x112: {  	[spmem:s1] =	stream.indirect.scatter.add.f32 [tilespmem:s21], [sflag:$0x3], $0x80, s29, s20, $0xb8;
	[tilespmem:$0x1F000] =	vst v63  }
0x113: {  	_ =	swait.ge [sflag:s17], $0x4000  }
0x114: {  	[sflag:s17] =	ssyncset.done $0x0  }
0x115: {  	[sflag:s17] =	ssyncadd.s32 $0xFFFFC000  }
0x116: {  	_ =	swait.ge [sflag:s22], $0x4000  }
0x117: {  	[sflag:s22] =	ssyncset.done $0x0  }
0x118: {  	[sflag:s22] =	ssyncadd.s32 $0xFFFFC000  }
0x119: {  	[spmem:s1] =	stream.indirect.scatter.add.f32 [tilespmem:s16], [sflag:$0x3], $0x80, s24, s20, $0xb8;
	[tilespmem:$0x1F000] =	vst v63  }
0x11a: {  	_ =	swait.ge [sflag:s17], $0x4000  }
0x11b: {  	s3 =	sadd.s32 $0x1, s3;
	s30 =	sshll.u32 s2, $0x6;
	[sflag:s17] =	ssyncset.done $0x0  }
0x11c: {  	p0 =	sne.s32 s3, s11;
	s25 =	sor.u32 $0x1C03, s30;
	[sflag:s17] =	ssyncadd.s32 $0xFFFFC000  }
.Ltmp3:
0x11d: {  	s31 =	sshrl.u32 s5, $0x3;
	[bflag:$0x0] =	sbarrier.arrive $0xFFFF;
	(pc) =	sbr.rel @p0 .LBB2_1-.Ltmp3, $4  }
0x11e: {  	[hbm:s10], [sflag:s25] =	dma.local [spmem:s31], $0x2800  }
0x11f: {  	_ =	swait.ge [sflag:s17], $0x2800  }
0x120: {  	[sflag:s17] =	ssyncset.done $0x0  }
0x121: {  	[sflag:s17] =	ssyncadd.s32 $0xFFFFD800  }
0x122: {  	_ =	sfence.sel $0x180000  }
0x123: {  	[bflag:$0x0] =	sbarrier.arrive $0xFFFF  }
0x124: {  	p0 =	sne.s32 s2, $0x0;
	_ =	strace $0x9000004D  }
0x125: {  	s0 =	sadd.s32 @!p0 $0x100000, s0;
	[bflag:$0x2] =	sbarrier.arrive $0xFFFF  }
0x126: {  	[sflag:s0] =	ssyncadd.tile.s32 @!p0 $0x1;
	_ =	shalt  }
.Lfunc_end2:
_tile_overlayer_lowered:
.L_overlay_start_2:
0x127: {  	(tag) =	ssettag $0x2  }
0x128: {  	s0 =	rddreg [dreg:$0x0];
	s2 =	stileid.u32  }
0x129: {  	s1 =	rddreg [dreg:$0x1];
	p0 =	sne.s32 s2, $0x0  }
0x12a: {  	s3 =	rddreg [dreg:$0x2];
	[bflag:$0x3] =	sbarrier.arrive $0xFFFF;
	s2 =	simm.s32 @!p0 $0x1C03  }
0x12b: {  	[timem:s3], [sflag:s2] =	dma.local @!p0 [hbm:s0], s1  }
0x12c: {  	s0 =	simm.s32 @!p0 $0x3  }
0x12d: {  	_ =	swait.ge @!p0 [sflag:s0], s1  }
0x12e: {  	s1 =	ssub.s32 @!p0 $0x0, s1;
	[sflag:s0] =	ssyncset.done @!p0 $0x0  }
0x12f: {  	[sflag:s0] =	ssyncadd.s32 @!p0 s1  }
0x130: {  	[bflag:$0x3] =	sbarrier.arrive $0xFFFF  }
0x131: {  	_ =	shalt  }

// kernel: kernel.7.cloned.1.call-start
scs
__scs_entry_jumppad:
0x0: {  	(pc) =	sbr.rel $0x88, $3  }
0x1: {  	(tag) =	ssettag $0x0;
	lr =	simm.s32 $0x1  }
0x2: {  	[smem:$0x3F9E] =	sst lr;
	_ =	strace $0xD0000000  }
0x3: {  	_ = 	snop  }
0x4: {  	_ = 	snop  }
0x5: {  	_ = 	snop  }
0x6: {  	_ = 	snop  }
0x7: {  	_ = 	snop  }
__scs_overlays_trampoline_lowered:
0x8: {  	[smem:$0x3FAD] =	sst s0  }
0x9: {  	[smem:$0x3FAE] =	sst s1  }
0xa: {  	[smem:$0x3FAF] =	sst s2  }
0xb: {  	[smem:$0x3FB0] =	sst s3  }
0xc: {  	[smem:$0x3FB1] =	sst s4  }
0xd: {  	[smem:$0x3FB2] =	sst s5  }
0xe: {  	[smem:$0x3FB3] =	sst s6  }
0xf: {  	[smem:$0x3FB4] =	sst s7  }
0x10: {  	[smem:$0x3FB5] =	sst s8  }
0x11: {  	[smem:$0x3FB6] =	sst s9;
	s0 =	simm.s32 @!p0 $0x0  }
0x12: {  	s1 =	sld [smem:$0x3F9C];
	s0 =	simm.s32 @p0 $0x1  }
0x13: {  	[smem:$0x3FB7] =	sst s0;
	s0 =	simm.s32 @!p1 $0x0  }
0x14: {  	s2 =	sld [smem:$0x3F9B];
	s0 =	simm.s32 @p1 $0x1  }
0x15: {  	[smem:$0x3FB8] =	sst s0;
	s0 =	simm.s32 @!p2 $0x0  }
0x16: {  	s3 =	sld [smem:$0x3FDB];
	s0 =	simm.s32 @p2 $0x1  }
0x17: {  	s4 =	simm.s32 $0x1BF5;
	[smem:$0x3FBA] =	sst s0  }
0x18: {  	s0 =	sld [smem:$0x3F9D];
	_ =	swait.ge [sflag:s4], $0x0  }
0x19: {  	s7 =	sld [smem:$0x3F9E]  }
0x1a: {  	s8 =	sadd.s32 $0xFFFFE003, lr  }
0x1b: {  	s9 =	sadd.s32 $0xFFFFFEF7, lr;
	s5 =	simm.s32 $0xFFFFFFFF;
	p2 =	slt.u32 s8, $0xFFFFF086  }
0x1c: {  	p1 =	slt.u32 s9, $0xF7A;
	s5 =	simm.s32 @!p2 $0x0  }
0x1d: {  	s5 =	simm.s32 @p1 $0x1;
	p0 =	seq.s32 s7, s2  }
0x1e: {  	s7 =	smul.u32 @!p0 $0xF7A, s2;
	p2 =	seq.s32 @!p0 s5, $0x0  }
0x1f: {  	s9 =	smul.u32 $0xF7A, s1;
	s8 =	simm.s32 @!p0 $0x1BF5;
	p2 =	por !p2, p0  }
0x20: {  	[sflag:s8] =	ssyncset.s32 @!p0 $0xFFFFF086;
	s6 =	sadd.s32 @!p0 s3, s7;
	s7 =	simm.s32 @!p0 $0x108  }
0x21: {  	s3 =	sadd.s32 s3, s9;
	s6 =	sadd.s32 @!p0 $0x88, s6;
	s7 =	simm.s32 @p2 $0x1082  }
0x22: {  	[simem:s7], [sflag:s8] =	dma.local @!p0 [hbm:s6], $0xF7A  }
0x23: {  	s9 =	sor.u32 $0xD0000000, s2;
	s6 =	simm.s32 $0x108;
	_ =	swait.ge @!p0 [sflag:s8], $0x0  }
0x24: {  	s3 =	sadd.s32 $0x88, s3;
	s6 =	simm.s32 @!p1 $0x1082;
	[sflag:s4] =	ssyncset.s32 $0xFFFFF086  }
0x25: {  	[simem:s6], [sflag:s4] =	dma.local [hbm:s3], $0xF7A  }
0x26: {  	[smem:$0x3F9E] =	sst s1;
	(tag) =	ssettag s2;
	_ =	strace s9  }
0x27: {  	s1 =	sld [smem:$0x3FAE]  }
0x28: {  	s2 =	sld [smem:$0x3FAF]  }
0x29: {  	s4 =	sld [smem:$0x3FB1]  }
0x2a: {  	p0 =	seq.s32 s5, $0x0;
	s5 =	sld [smem:$0x3FB2]  }
0x2b: {  	s6 =	sld [smem:$0x3FB3]  }
0x2c: {  	s7 =	sld [smem:$0x3FB4]  }
0x2d: {  	s3 =	simm.s32 $0x108;
	s8 =	sld [smem:$0x3FB5]  }
0x2e: {  	s3 =	simm.s32 @!p0 $0x1082;
	s9 =	sld [smem:$0x3FB6]  }
0x2f: {  	lr =	sadd.s32 s0, s3;
	s0 =	sld [smem:$0x3FAD]  }
0x30: {  	s3 =	sld [smem:$0x3FB0]  }
0x31: {  	[smem:$0x3FB9] =	sst s10  }
0x32: {  	s10 =	sld [smem:$0x3FB7];
	_ =	sdelay $0x3  }
0x33: {  	p0 =	seq.s32 s10, $0x1;
	s10 =	sld [smem:$0x3FB9];
	_ =	sdelay $0x3  }
0x34: {  	[smem:$0x3FB9] =	sst s10  }
0x35: {  	s10 =	sld [smem:$0x3FB8];
	_ =	sdelay $0x3  }
0x36: {  	p1 =	seq.s32 s10, $0x1;
	s10 =	sld [smem:$0x3FB9];
	_ =	sdelay $0x3  }
0x37: {  	[smem:$0x3FB9] =	sst s10  }
0x38: {  	s10 =	sld [smem:$0x3FBA]  }
0x39: {  	_ = 	snop;
	(pc) =	sbr.ind lr, $3  }
0x3a: {  	_ = 	snop  }
0x3b: {  	_ = 	snop  }
0x3c: {  	p2 =	seq.s32 s10, $0x1;
	s10 =	sld [smem:$0x3FB9]  }
0x3d: {  	_ =	shalt  }
0x3e: {  	_ =	shalt  }
0x3f: {  	_ =	shalt  }
0x40: {  	_ =	shalt  }
0x41: {  	_ =	shalt  }
0x42: {  	_ =	shalt  }
0x43: {  	_ =	shalt  }
0x44: {  	_ =	shalt  }
0x45: {  	_ =	shalt  }
0x46: {  	_ =	shalt  }
0x47: {  	_ =	shalt  }
0x48: {  	_ =	shalt  }
0x49: {  	_ =	shalt  }
0x4a: {  	_ =	shalt  }
0x4b: {  	_ =	shalt  }
0x4c: {  	_ =	shalt  }
0x4d: {  	_ =	shalt  }
0x4e: {  	_ =	shalt  }
0x4f: {  	_ =	shalt  }
0x50: {  	_ =	shalt  }
0x51: {  	_ =	shalt  }
0x52: {  	_ =	shalt  }
0x53: {  	_ =	shalt  }
0x54: {  	_ =	shalt  }
0x55: {  	_ =	shalt  }
0x56: {  	_ =	shalt  }
0x57: {  	_ =	shalt  }
0x58: {  	_ =	shalt  }
0x59: {  	_ =	shalt  }
0x5a: {  	_ =	shalt  }
0x5b: {  	_ =	shalt  }
0x5c: {  	_ =	shalt  }
0x5d: {  	_ =	shalt  }
0x5e: {  	_ =	shalt  }
0x5f: {  	_ =	shalt  }
0x60: {  	_ =	shalt  }
0x61: {  	_ =	shalt  }
0x62: {  	_ =	shalt  }
0x63: {  	_ =	shalt  }
0x64: {  	_ =	shalt  }
0x65: {  	_ =	shalt  }
0x66: {  	_ =	shalt  }
0x67: {  	_ =	shalt  }
0x68: {  	_ =	shalt  }
0x69: {  	_ =	shalt  }
0x6a: {  	_ =	shalt  }
0x6b: {  	_ =	shalt  }
0x6c: {  	_ =	shalt  }
0x6d: {  	_ =	shalt  }
0x6e: {  	_ =	shalt  }
0x6f: {  	_ =	shalt  }
0x70: {  	_ =	shalt  }
0x71: {  	_ =	shalt  }
0x72: {  	_ =	shalt  }
0x73: {  	_ =	shalt  }
0x74: {  	_ =	shalt  }
0x75: {  	_ =	shalt  }
0x76: {  	_ =	shalt  }
0x77: {  	_ =	shalt  }
0x78: {  	_ =	shalt  }
0x79: {  	_ =	shalt  }
0x7a: {  	_ =	shalt  }
0x7b: {  	_ =	shalt  }
0x7c: {  	_ =	shalt  }
0x7d: {  	_ =	shalt  }
0x7e: {  	_ =	shalt  }
0x7f: {  	_ =	shalt  }
0x80: {  	_ =	shalt  }
0x81: {  	_ =	shalt  }
0x82: {  	_ =	shalt  }
0x83: {  	_ =	shalt  }
0x84: {  	_ =	shalt  }
0x85: {  	_ =	shalt  }
0x86: {  	_ =	shalt  }
0x87: {  	_ =	shalt  }
.Lfunc_end0:
.L_simem_size_0:
called_computation_lowered:
.L_overlay_start_0:
0x88: {  	s2 =	sld [smem:$0x3FD9]  }
0x89: {  	s3 =	sld [smem:$0x3FFE];
	_ =	sdelay $0x1  }
0x8a: {  	s1 =	srdreg.scid  }
0x8b: {  	s0 =	sand.u32 $0x1, s1  }
0x8c: {  	s16 =	sshll.u32 s0, $0xA;
	s2 =	sadd.s32 s3, s2  }
0x8d: {  	s2 =	sadd.s32 s2, s16  }
0x8e: {  	[smem:$0x3FC5] =	sst s2  }
0x8f: {  	_ = 	snop  }
0x90: {  	(tm) =	ssettm $0x1  }
0x91: {  	s17 =	sld [smem:$0x3FFB];
	_ =	sdelay $0x3  }
0x92: {  	_ =	strace s17  }
0x93: {  	s2 =	sld [smem:$0x3FFC];
	_ =	sdelay $0x3  }
0x94: {  	_ =	strace s2  }
0x95: {  	s2 =	sld [smem:$0x3FFD];
	_ =	sdelay $0x3  }
0x96: {  	_ =	strace s2  }
0x97: {  	_ =	strace $0x8FFFFFFF  }
0x98: {  	s18 =	sld [smem:$0x3FDB];
	_ =	sdelay $0x1  }
0x99: {  	s19 =	simm.s32 $_scs_section_size  }
0x9a: {  	s4 =	simm.s32 $_size__tile_overlayer_lowered;
	s5 =	simm.s32 $_tile_overlayer_lowered  }
0x9b: {  	s22 =	simm.s32 $0x1BFF;
	s21 =	sshll.u32 s5, $0x1;
	s2 =	sadd.s32 s19, s18  }
0x9c: {  	s6 =	simm.s32 $0x0;
	s20 =	sshll.u32 s4, $0x1;
	s4 =	sadd.s32 s21, s2  }
0x9d: {  	[timem:s6], [sflag:s22] =	dma.local [hbm:s4], s20  }
0x9e: {  	_ =	swait.ge [sflag:s22], s20  }
0x9f: {  	s3 =	ssub.s32 $0x0, s20;
	[sflag:s22] =	ssyncset.done $0x0  }
0xa0: {  	[sflag:s22] =	ssyncadd.s32 s3;
	_ =	sdelay $0x1  }
0xa1: {  	s23 =	simm.s32 $0x1B8B  }
0xa2: {  	_ =	swait.ge [sflag:s23], $0x1  }
0xa3: {  	[sflag:s23] =	ssyncset.done $0x0  }
0xa4: {  	s25 =	simm.s32 $0x1B8E;
	s24 =	sld [smem:$0x3FFE];
	[sflag:s23] =	ssyncadd.s32 $0xFFFFFFFF  }
0xa5: {  	s26 =	simm.s32 $execute0_lowered;
	[smem:$0x3FD2] =	sst s25  }
0xa6: {  	s4 =	sshll.u32 s26, $0x1;
	_ =	strace $0x80000046;
	[dreg:$0x1] =	wrdreg $0xFFFFFFFF  }
0xa7: {  	s28 =	simm.s32 $_size_execute0_lowered;
	s2 =	sadd.s32 s2, s4;
	[dreg:$0x0] =	wrdreg $0x0  }
0xa8: {  	s4 =	sshll.u32 s28, $0x1;
	[dreg:$0x2] =	wrdreg s2  }
0xa9: {  	[dreg:$0x3] =	wrdreg s4  }
0xaa: {  	[dreg:$0x4] =	wrdreg $0xC0  }
0xab: {  	_ =	task [dreg:s6], $0x5FFFF  }
0xac: {  	[dreg:$0x1] =	wrdreg $0xFFFFFFFF  }
0xad: {  	[dreg:$0x0] =	wrdreg $0x60  }
0xae: {  	[dreg:$0x2] =	wrdreg s24  }
0xaf: {  	[dreg:$0x3] =	wrdreg $0x0  }
0xb0: {  	[dreg:$0x4] =	wrdreg $0x9  }
0xb1: {  	_ =	task.clear_ibuf [dreg:s6], $0x5FFFF;
	_ =	strace $0x90000046  }
0xb2: {  	s29 =	simm.s32 $0x9;
	_ =	strace $0x80000048  }
0xb3: {  	_ =	swait.ge [sflag:s29], $0x1  }
0xb4: {  	[sflag:s29] =	ssyncadd.s32 $0xFFFFFFFF  }
0xb5: {  	_ =	strace $0x90000048  }
0xb6: {  	_ =	sfence  }
0xb7: {  	s30 =	sld [smem:$0x0];
	_ =	sdelay $0x2  }
0xb8: {  	s31 =	sshll.u32 s1, $0xD;
	s1 =	sshrl.u32 s1, $0x2  }
0xb9: {  	s3 =	sand.u32 $0x4000, s31;
	s1 =	sadd.s32 s1, s30  }
0xba: {  	s0 =	sor.u32 s3, s0;
	s1 =	sshll.u32 s1, $0x11  }
0xbb: {  	s0 =	sor.u32 s1, s0  }
0xbc: {  	s0 =	sadd.s32 $0x8F2B, s0  }
0xbd: {  	[sflag:s0] =	ssyncadd.remote.s32 $0x1  }
0xbe: {  	_ =	sfence.sel $0xFFFF  }
0xbf: {  	[dreg:$0x0] =	wrdreg $0xFFFFFFFF;
	(pc) =	sbr.abs _section_cstart, $3  }
0xc0: {  	[dreg:$0x1] =	wrdreg $0xFFFFFFFF  }
0xc1: {  	_ =	task.clear_ibuf [dreg:s6], $0x2FFFF;
	_ =	strace $0x9FFFFFFF  }
0xc2: {  	(tm) =	ssettm $0x7FFFFFFF  }
0xc3: {  	_ =	shalt  }
tec
execute0_lowered:
.L_overlay_start_1:
0x0: {  	(tag) =	ssettag $0x1  }
0x1: {  	s0 =	rddreg [dreg:$0x0];
	s1 =	srdreg.scid  }
0x2: {  	s10 =	stileid.u32;
	s2 =	rddreg [dreg:$0x1];
	s3 =	simm.s32 $0x0  }
0x3: {  	s13 =	simm.s32 $0x3;
	s14 =	simm.s32 $0x280;
	s16 =	simm.s32 $0x1A80  }
0x4: {  	s17 =	simm.s32 $0x3280;
	s20 =	simm.s32 $0x6700;
	s21 =	simm.s32 $0x80  }
0x5: {  	s22 =	simm.s32 $0x6280;
	s12 =	simm.s32 $0x4600;
	s19 =	simm.s32 $0x4680  }
0x6: {  	s23 =	simm.s32 $0x1;
	s24 =	simm.s32 $0x6580;
	s25 =	simm.s32 $0x2  }
0x7: {  	s26 =	simm.s32 $0x0;
	s1 =	sand.u32 $0x1, s1;
	s7 =	smul.u32 $0xA00, s10  }
0x8: {  	s4 =	sshll.u32 s10, $0x1;
	[smem:$0x7FF] =	sst s3;
	s28 =	smul.u32 $0x6000, s10  }
0x9: {  	s6 =	sadd.s32 $0x1C00, s0;
	s10 =	smul.u32 $0xC00, s10;
	s4 =	sor.u32 s1, s4  }
0xa: {  	_ =	strace $0x80000047;
	s1 =	ssub.s32 $0x2, s1;
	s8 =	smul.u32 $0x140, s4  }
0xb: {  	s4 =	smul.u32 $0x1400, s4;
	s29 =	sshrl.u32 s1, $0x1;
	s30 =	sshrl.u32 s7, $0x2  }
0xc: {  	s31 =	sshrl.u32 s28, $0x3;
	s1 =	ssub.s32 s1, s29;
	s5 =	sshrl.u32 s8, $0x3  }
0xd: {  	s8 =	sadd.s32 s8, s2;
	s11 =	smax.u32 s1, $0x1;
	s1 =	simm.s32 $0x4500  }
0xe: {  	s9 =	sadd.s32 s5, s0;
	s5 =	sadd.s32 s6, s10;
	s6 =	sadd.s32 s6, s31  }
0xf: {  	s0 =	sadd.s32 s4, s0;
	s4 =	sadd.s32 s30, s2;
	s6 =	sadd.s32 $0x600, s6  }
0x10: {  	s7 =	sadd.s32 $0xDC00, s0;
	s9 =	sadd.s32 $0x35C00, s9;
	s10 =	sadd.s32 $0x36200, s0  }
0x11: {  	v0 =	vimm.f32 $0.0e+00;
	v1 =	vimm.f32 $1.000000000e+00;
	s15 =	sadd.s32 $0x300, s5;
	s0 =	simm.s32 $0x4580;
	s18 =	sadd.s32 $0x300, s6  }
.LBB2_1:
0x12: {  	[tilespmem:$0x6300] =	vst v0  }
0x13: {  	[tilespmem:$0x6310] =	vst v0  }
0x14: {  	[tilespmem:$0x6320] =	vst v0  }
0x15: {  	[tilespmem:$0x6330] =	vst v0  }
0x16: {  	[tilespmem:$0x6340] =	vst v0  }
0x17: {  	[tilespmem:$0x6350] =	vst v0  }
0x18: {  	[tilespmem:$0x6360] =	vst v0  }
0x19: {  	[tilespmem:$0x6370] =	vst v0  }
0x1a: {  	[tilespmem:$0x6380] =	vst v0  }
0x1b: {  	[tilespmem:$0x6390] =	vst v0  }
0x1c: {  	[tilespmem:$0x63A0] =	vst v0  }
0x1d: {  	[tilespmem:$0x63B0] =	vst v0  }
0x1e: {  	[tilespmem:$0x63C0] =	vst v0  }
0x1f: {  	[tilespmem:$0x63D0] =	vst v0  }
0x20: {  	[tilespmem:$0x63E0] =	vst v0  }
0x21: {  	[tilespmem:$0x63F0] =	vst v0  }
0x22: {  	[tilespmem:$0x6400] =	vst v0  }
0x23: {  	[tilespmem:$0x6410] =	vst v0  }
0x24: {  	[tilespmem:$0x6420] =	vst v0  }
0x25: {  	[tilespmem:$0x6430] =	vst v0  }
0x26: {  	[tilespmem:$0x6440] =	vst v0  }
0x27: {  	[tilespmem:$0x6450] =	vst v0  }
0x28: {  	[tilespmem:$0x6460] =	vst v0  }
0x29: {  	[tilespmem:$0x6470] =	vst v0  }
0x2a: {  	[tilespmem:$0x6480] =	vst v0  }
0x2b: {  	[tilespmem:$0x6490] =	vst v0  }
0x2c: {  	[tilespmem:$0x64A0] =	vst v0  }
0x2d: {  	[tilespmem:$0x64B0] =	vst v0  }
0x2e: {  	[tilespmem:$0x64C0] =	vst v0  }
0x2f: {  	[tilespmem:$0x64D0] =	vst v0  }
0x30: {  	[tilespmem:$0x64E0] =	vst v0  }
0x31: {  	[tilespmem:$0x64F0] =	vst v0  }
0x32: {  	[tilespmem:$0x6500] =	vst v0  }
0x33: {  	[tilespmem:$0x6510] =	vst v0  }
0x34: {  	[tilespmem:$0x6520] =	vst v0  }
0x35: {  	[tilespmem:$0x6530] =	vst v0  }
0x36: {  	[tilespmem:$0x6540] =	vst v0  }
0x37: {  	[tilespmem:$0x6550] =	vst v0  }
0x38: {  	[tilespmem:$0x6560] =	vst v0  }
0x39: {  	[tilespmem:$0x6570] =	vst v0  }
0x3a: {  	[tilespmem:$0x6280] =	vst v1  }
0x3b: {  	[tilespmem:$0x6290] =	vst v1  }
0x3c: {  	[tilespmem:$0x62A0] =	vst v1  }
0x3d: {  	[tilespmem:$0x62B0] =	vst v1  }
0x3e: {  	[tilespmem:$0x62C0] =	vst v1  }
0x3f: {  	[tilespmem:$0x62D0] =	vst v1  }
0x40: {  	[tilespmem:$0x62E0] =	vst v1  }
0x41: {  	[tilespmem:$0x62F0] =	vst v1;
	s28 =	simm.s32 $0x6300  }
0x42: {  	[spmem:s4] =	stream.linear.scatter [tilespmem:s28], [sflag:$0x3], $0x280, $0x38;
	[tilespmem:$0x10700] =	vst v63  }
0x43: {  	_ =	swait.ge [sflag:s13], $0x280  }
0x44: {  	[sflag:s13] =	ssyncset.done $0x0  }
0x45: {  	[sflag:s13] =	ssyncadd.s32 $0xFFFFFD80  }
0x46: {  	[tilespmem:s14], [sflag:$0x3] =	stream.linear.gather [hbm4b:s5+s3], $0x1480, $0x38;
	[tilespmem:$0x10700] =	vst v63  }
0x47: {  	_ = 	snop  }
0x48: {  	[tilespmem:s16], [sflag:$0x3] =	stream.linear.gather [hbm4b:s15+s3], $0x1480, $0x38;
	[tilespmem:$0x10700] =	vst v63  }
0x49: {  	_ =	swait.ge [sflag:s13], $0x2900  }
0x4a: {  	[sflag:s13] =	ssyncset.done $0x0  }
0x4b: {  	[sflag:s13] =	ssyncadd.s32 $0xFFFFD700  }
0x4c: {  	[tilespmem:s17], [sflag:$0x3] =	stream.linear.gather [hbm4b:s6+s3], $0x1480, $0x38;
	[tilespmem:$0x10700] =	vst v63  }
0x4d: {  	s28 =	simm.s32 $0x4A80  }
0x4e: {  	[tilespmem:s28], [sflag:$0x3] =	stream.linear.gather [hbm4b:s18+s3], $0x1480, $0x38;
	[tilespmem:$0x10700] =	vst v63  }
0x4f: {  	_ =	swait.ge [sflag:s13], $0x2900  }
0x50: {  	[sflag:s13] =	ssyncset.done $0x0  }
0x51: {  	[sflag:s13] =	ssyncadd.s32 $0xFFFFD700  }
0x52: {  	[bflag:$0x0] =	sbarrier.arrive $0xFFFF  }
0x53: {  	[tilespmem:s20], [sflag:$0x2] =	stream.linear.gather [hbm4b:s7+s3], $0xA000, $0x38;
	[tilespmem:$0x10700] =	vst v63  }
0x54: {  	_ = 	snop  }
0x55: {  	[spmem:s2] =	stream.indirect.scatter.add.f32 [tilespmem:s22], [sflag:$0x1], $0x1, s14, s21, $0xb8;
	[tilespmem:$0x10700] =	vst v63  }
0x56: {  	s28 =	simm.s32 $0x300  }
0x57: {  	[spmem:s2] =	stream.indirect.scatter.add.f32 [tilespmem:s22], [sflag:$0x1], $0x1, s28, s21, $0xb8;
	[tilespmem:$0x10700] =	vst v63  }
0x58: {  	s28 =	simm.s32 $0x380  }
0x59: {  	[spmem:s2] =	stream.indirect.scatter.add.f32 [tilespmem:s22], [sflag:$0x1], $0x1, s28, s21, $0xb8;
	[tilespmem:$0x10700] =	vst v63  }
0x5a: {  	s28 =	simm.s32 $0x400  }
0x5b: {  	[spmem:s2] =	stream.indirect.scatter.add.f32 [tilespmem:s22], [sflag:$0x1], $0x1, s28, s21, $0xb8;
	[tilespmem:$0x10700] =	vst v63  }
0x5c: {  	s28 =	simm.s32 $0x480  }
0x5d: {  	[spmem:s2] =	stream.indirect.scatter.add.f32 [tilespmem:s22], [sflag:$0x1], $0x1, s28, s21, $0xb8;
	[tilespmem:$0x10700] =	vst v63  }
0x5e: {  	s28 =	simm.s32 $0x500  }
0x5f: {  	[spmem:s2] =	stream.indirect.scatter.add.f32 [tilespmem:s22], [sflag:$0x1], $0x1, s28, s21, $0xb8;
	[tilespmem:$0x10700] =	vst v63  }
0x60: {  	s28 =	simm.s32 $0x580  }
0x61: {  	[spmem:s2] =	stream.indirect.scatter.add.f32 [tilespmem:s22], [sflag:$0x1], $0x1, s28, s21, $0xb8;
	[tilespmem:$0x10700] =	vst v63  }
0x62: {  	s28 =	simm.s32 $0x600  }
0x63: {  	[spmem:s2] =	stream.indirect.scatter.add.f32 [tilespmem:s22], [sflag:$0x1], $0x1, s28, s21, $0xb8;
	[tilespmem:$0x10700] =	vst v63  }
0x64: {  	s28 =	simm.s32 $0x680  }
0x65: {  	[spmem:s2] =	stream.indirect.scatter.add.f32 [tilespmem:s22], [sflag:$0x1], $0x1, s28, s21, $0xb8;
	[tilespmem:$0x10700] =	vst v63  }
0x66: {  	s28 =	simm.s32 $0x700  }
0x67: {  	[spmem:s2] =	stream.indirect.scatter.add.f32 [tilespmem:s22], [sflag:$0x1], $0x1, s28, s21, $0xb8;
	[tilespmem:$0x10700] =	vst v63  }
0x68: {  	s28 =	simm.s32 $0x780  }
0x69: {  	[spmem:s2] =	stream.indirect.scatter.add.f32 [tilespmem:s22], [sflag:$0x1], $0x1, s28, s21, $0xb8;
	[tilespmem:$0x10700] =	vst v63  }
0x6a: {  	s28 =	simm.s32 $0x800  }
0x6b: {  	[spmem:s2] =	stream.indirect.scatter.add.f32 [tilespmem:s22], [sflag:$0x1], $0x1, s28, s21, $0xb8;
	[tilespmem:$0x10700] =	vst v63  }
0x6c: {  	s28 =	simm.s32 $0x880  }
0x6d: {  	[spmem:s2] =	stream.indirect.scatter.add.f32 [tilespmem:s22], [sflag:$0x1], $0x1, s28, s21, $0xb8;
	[tilespmem:$0x10700] =	vst v63  }
0x6e: {  	s28 =	simm.s32 $0x900  }
0x6f: {  	[spmem:s2] =	stream.indirect.scatter.add.f32 [tilespmem:s22], [sflag:$0x1], $0x1, s28, s21, $0xb8;
	[tilespmem:$0x10700] =	vst v63  }
0x70: {  	s28 =	simm.s32 $0x980  }
0x71: {  	[spmem:s2] =	stream.indirect.scatter.add.f32 [tilespmem:s22], [sflag:$0x1], $0x1, s28, s21, $0xb8;
	[tilespmem:$0x10700] =	vst v63  }
0x72: {  	s28 =	simm.s32 $0xA00  }
0x73: {  	[spmem:s2] =	stream.indirect.scatter.add.f32 [tilespmem:s22], [sflag:$0x1], $0x1, s28, s21, $0xb8;
	[tilespmem:$0x10700] =	vst v63  }
0x74: {  	s28 =	simm.s32 $0xA80  }
0x75: {  	[spmem:s2] =	stream.indirect.scatter.add.f32 [tilespmem:s22], [sflag:$0x1], $0x1, s28, s21, $0xb8;
	[tilespmem:$0x10700] =	vst v63  }
0x76: {  	s28 =	simm.s32 $0xB00  }
0x77: {  	[spmem:s2] =	stream.indirect.scatter.add.f32 [tilespmem:s22], [sflag:$0x1], $0x1, s28, s21, $0xb8;
	[tilespmem:$0x10700] =	vst v63  }
0x78: {  	s28 =	simm.s32 $0xB80  }
0x79: {  	[spmem:s2] =	stream.indirect.scatter.add.f32 [tilespmem:s22], [sflag:$0x1], $0x1, s28, s21, $0xb8;
	[tilespmem:$0x10700] =	vst v63  }
0x7a: {  	s28 =	simm.s32 $0xC00  }
0x7b: {  	[spmem:s2] =	stream.indirect.scatter.add.f32 [tilespmem:s22], [sflag:$0x1], $0x1, s28, s21, $0xb8;
	[tilespmem:$0x10700] =	vst v63  }
0x7c: {  	s28 =	simm.s32 $0xC80  }
0x7d: {  	[spmem:s2] =	stream.indirect.scatter.add.f32 [tilespmem:s22], [sflag:$0x1], $0x1, s28, s21, $0xb8;
	[tilespmem:$0x10700] =	vst v63  }
0x7e: {  	s28 =	simm.s32 $0xD00  }
0x7f: {  	[spmem:s2] =	stream.indirect.scatter.add.f32 [tilespmem:s22], [sflag:$0x1], $0x1, s28, s21, $0xb8;
	[tilespmem:$0x10700] =	vst v63  }
0x80: {  	s28 =	simm.s32 $0xD80  }
0x81: {  	[spmem:s2] =	stream.indirect.scatter.add.f32 [tilespmem:s22], [sflag:$0x1], $0x1, s28, s21, $0xb8;
	[tilespmem:$0x10700] =	vst v63  }
0x82: {  	s28 =	simm.s32 $0xE00  }
0x83: {  	[spmem:s2] =	stream.indirect.scatter.add.f32 [tilespmem:s22], [sflag:$0x1], $0x1, s28, s21, $0xb8;
	[tilespmem:$0x10700] =	vst v63  }
0x84: {  	s28 =	simm.s32 $0xE80  }
0x85: {  	[spmem:s2] =	stream.indirect.scatter.add.f32 [tilespmem:s22], [sflag:$0x1], $0x1, s28, s21, $0xb8;
	[tilespmem:$0x10700] =	vst v63  }
0x86: {  	s28 =	simm.s32 $0xF00  }
0x87: {  	[spmem:s2] =	stream.indirect.scatter.add.f32 [tilespmem:s22], [sflag:$0x1], $0x1, s28, s21, $0xb8;
	[tilespmem:$0x10700] =	vst v63  }
0x88: {  	s28 =	simm.s32 $0xF80  }
0x89: {  	[spmem:s2] =	stream.indirect.scatter.add.f32 [tilespmem:s22], [sflag:$0x1], $0x1, s28, s21, $0xb8;
	[tilespmem:$0x10700] =	vst v63  }
0x8a: {  	s28 =	simm.s32 $0x1000  }
0x8b: {  	[spmem:s2] =	stream.indirect.scatter.add.f32 [tilespmem:s22], [sflag:$0x1], $0x1, s28, s21, $0xb8;
	[tilespmem:$0x10700] =	vst v63  }
0x8c: {  	s28 =	simm.s32 $0x1080  }
0x8d: {  	[spmem:s2] =	stream.indirect.scatter.add.f32 [tilespmem:s22], [sflag:$0x1], $0x1, s28, s21, $0xb8;
	[tilespmem:$0x10700] =	vst v63  }
0x8e: {  	s28 =	simm.s32 $0x1100  }
0x8f: {  	[spmem:s2] =	stream.indirect.scatter.add.f32 [tilespmem:s22], [sflag:$0x1], $0x1, s28, s21, $0xb8;
	[tilespmem:$0x10700] =	vst v63  }
0x90: {  	s28 =	simm.s32 $0x1180  }
0x91: {  	[spmem:s2] =	stream.indirect.scatter.add.f32 [tilespmem:s22], [sflag:$0x1], $0x1, s28, s21, $0xb8;
	[tilespmem:$0x10700] =	vst v63  }
0x92: {  	s28 =	simm.s32 $0x1200  }
0x93: {  	[spmem:s2] =	stream.indirect.scatter.add.f32 [tilespmem:s22], [sflag:$0x1], $0x1, s28, s21, $0xb8;
	[tilespmem:$0x10700] =	vst v63  }
0x94: {  	s28 =	simm.s32 $0x1280  }
0x95: {  	[spmem:s2] =	stream.indirect.scatter.add.f32 [tilespmem:s22], [sflag:$0x1], $0x1, s28, s21, $0xb8;
	[tilespmem:$0x10700] =	vst v63  }
0x96: {  	s28 =	simm.s32 $0x1300  }
0x97: {  	[spmem:s2] =	stream.indirect.scatter.add.f32 [tilespmem:s22], [sflag:$0x1], $0x1, s28, s21, $0xb8;
	[tilespmem:$0x10700] =	vst v63  }
0x98: {  	s28 =	simm.s32 $0x1380  }
0x99: {  	[spmem:s2] =	stream.indirect.scatter.add.f32 [tilespmem:s22], [sflag:$0x1], $0x1, s28, s21, $0xb8;
	[tilespmem:$0x10700] =	vst v63  }
0x9a: {  	s28 =	simm.s32 $0x1400  }
0x9b: {  	[spmem:s2] =	stream.indirect.scatter.add.f32 [tilespmem:s22], [sflag:$0x1], $0x1, s28, s21, $0xb8;
	[tilespmem:$0x10700] =	vst v63  }
0x9c: {  	s28 =	simm.s32 $0x1480  }
0x9d: {  	[spmem:s2] =	stream.indirect.scatter.add.f32 [tilespmem:s22], [sflag:$0x1], $0x1, s28, s21, $0xb8;
	[tilespmem:$0x10700] =	vst v63  }
0x9e: {  	s28 =	simm.s32 $0x1500  }
0x9f: {  	[spmem:s2] =	stream.indirect.scatter.add.f32 [tilespmem:s22], [sflag:$0x1], $0x1, s28, s21, $0xb8;
	[tilespmem:$0x10700] =	vst v63  }
0xa0: {  	s28 =	simm.s32 $0x1580  }
0xa1: {  	[spmem:s2] =	stream.indirect.scatter.add.f32 [tilespmem:s22], [sflag:$0x1], $0x1, s28, s21, $0xb8;
	[tilespmem:$0x10700] =	vst v63  }
0xa2: {  	s28 =	simm.s32 $0x1600  }
0xa3: {  	[spmem:s2] =	stream.indirect.scatter.add.f32 [tilespmem:s22], [sflag:$0x1], $0x1, s28, s21, $0xb8;
	[tilespmem:$0x10700] =	vst v63  }
0xa4: {  	s28 =	simm.s32 $0x1680  }
0xa5: {  	[spmem:s2] =	stream.indirect.scatter.add.f32 [tilespmem:s22], [sflag:$0x1], $0x1, s28, s21, $0xb8;
	[tilespmem:$0x10700] =	vst v63  }
0xa6: {  	_ = 	snop  }
0xa7: {  	[spmem:s2] =	stream.indirect.scatter.add.f32 [tilespmem:s22], [sflag:$0x1], $0x1, s16, s21, $0xb8;
	[tilespmem:$0x10700] =	vst v63  }
0xa8: {  	s28 =	simm.s32 $0x1B00  }
0xa9: {  	[spmem:s2] =	stream.indirect.scatter.add.f32 [tilespmem:s22], [sflag:$0x1], $0x1, s28, s21, $0xb8;
	[tilespmem:$0x10700] =	vst v63  }
0xaa: {  	s28 =	simm.s32 $0x1B80  }
0xab: {  	[spmem:s2] =	stream.indirect.scatter.add.f32 [tilespmem:s22], [sflag:$0x1], $0x1, s28, s21, $0xb8;
	[tilespmem:$0x10700] =	vst v63  }
0xac: {  	s28 =	simm.s32 $0x1C00  }
0xad: {  	[spmem:s2] =	stream.indirect.scatter.add.f32 [tilespmem:s22], [sflag:$0x1], $0x1, s28, s21, $0xb8;
	[tilespmem:$0x10700] =	vst v63  }
0xae: {  	s28 =	simm.s32 $0x1C80  }
0xaf: {  	[spmem:s2] =	stream.indirect.scatter.add.f32 [tilespmem:s22], [sflag:$0x1], $0x1, s28, s21, $0xb8;
	[tilespmem:$0x10700] =	vst v63  }
0xb0: {  	s28 =	simm.s32 $0x1D00  }
0xb1: {  	[spmem:s2] =	stream.indirect.scatter.add.f32 [tilespmem:s22], [sflag:$0x1], $0x1, s28, s21, $0xb8;
	[tilespmem:$0x10700] =	vst v63  }
0xb2: {  	s28 =	simm.s32 $0x1D80  }
0xb3: {  	[spmem:s2] =	stream.indirect.scatter.add.f32 [tilespmem:s22], [sflag:$0x1], $0x1, s28, s21, $0xb8;
	[tilespmem:$0x10700] =	vst v63  }
0xb4: {  	s28 =	simm.s32 $0x1E00  }
0xb5: {  	[spmem:s2] =	stream.indirect.scatter.add.f32 [tilespmem:s22], [sflag:$0x1], $0x1, s28, s21, $0xb8;
	[tilespmem:$0x10700] =	vst v63  }
0xb6: {  	s28 =	simm.s32 $0x1E80  }
0xb7: {  	[spmem:s2] =	stream.indirect.scatter.add.f32 [tilespmem:s22], [sflag:$0x1], $0x1, s28, s21, $0xb8;
	[tilespmem:$0x10700] =	vst v63  }
0xb8: {  	s28 =	simm.s32 $0x1F00  }
0xb9: {  	[spmem:s2] =	stream.indirect.scatter.add.f32 [tilespmem:s22], [sflag:$0x1], $0x1, s28, s21, $0xb8;
	[tilespmem:$0x10700] =	vst v63  }
0xba: {  	s28 =	simm.s32 $0x1F80  }
0xbb: {  	[spmem:s2] =	stream.indirect.scatter.add.f32 [tilespmem:s22], [sflag:$0x1], $0x1, s28, s21, $0xb8;
	[tilespmem:$0x10700] =	vst v63  }
0xbc: {  	s28 =	simm.s32 $0x2000  }
0xbd: {  	[spmem:s2] =	stream.indirect.scatter.add.f32 [tilespmem:s22], [sflag:$0x1], $0x1, s28, s21, $0xb8;
	[tilespmem:$0x10700] =	vst v63  }
0xbe: {  	s28 =	simm.s32 $0x2080  }
0xbf: {  	[spmem:s2] =	stream.indirect.scatter.add.f32 [tilespmem:s22], [sflag:$0x1], $0x1, s28, s21, $0xb8;
	[tilespmem:$0x10700] =	vst v63  }
0xc0: {  	s28 =	simm.s32 $0x2100  }
0xc1: {  	[spmem:s2] =	stream.indirect.scatter.add.f32 [tilespmem:s22], [sflag:$0x1], $0x1, s28, s21, $0xb8;
	[tilespmem:$0x10700] =	vst v63  }
0xc2: {  	s28 =	simm.s32 $0x2180  }
0xc3: {  	[spmem:s2] =	stream.indirect.scatter.add.f32 [tilespmem:s22], [sflag:$0x1], $0x1, s28, s21, $0xb8;
	[tilespmem:$0x10700] =	vst v63  }
0xc4: {  	s28 =	simm.s32 $0x2200  }
0xc5: {  	[spmem:s2] =	stream.indirect.scatter.add.f32 [tilespmem:s22], [sflag:$0x1], $0x1, s28, s21, $0xb8;
	[tilespmem:$0x10700] =	vst v63  }
0xc6: {  	s28 =	simm.s32 $0x2280  }
0xc7: {  	[spmem:s2] =	stream.indirect.scatter.add.f32 [tilespmem:s22], [sflag:$0x1], $0x1, s28, s21, $0xb8;
	[tilespmem:$0x10700] =	vst v63  }
0xc8: {  	s28 =	simm.s32 $0x2300  }
0xc9: {  	[spmem:s2] =	stream.indirect.scatter.add.f32 [tilespmem:s22], [sflag:$0x1], $0x1, s28, s21, $0xb8;
	[tilespmem:$0x10700] =	vst v63  }
0xca: {  	s28 =	simm.s32 $0x2380  }
0xcb: {  	[spmem:s2] =	stream.indirect.scatter.add.f32 [tilespmem:s22], [sflag:$0x1], $0x1, s28, s21, $0xb8;
	[tilespmem:$0x10700] =	vst v63  }
0xcc: {  	s28 =	simm.s32 $0x2400  }
0xcd: {  	[spmem:s2] =	stream.indirect.scatter.add.f32 [tilespmem:s22], [sflag:$0x1], $0x1, s28, s21, $0xb8;
	[tilespmem:$0x10700] =	vst v63  }
0xce: {  	s28 =	simm.s32 $0x2480  }
0xcf: {  	[spmem:s2] =	stream.indirect.scatter.add.f32 [tilespmem:s22], [sflag:$0x1], $0x1, s28, s21, $0xb8;
	[tilespmem:$0x10700] =	vst v63  }
0xd0: {  	s28 =	simm.s32 $0x2500  }
0xd1: {  	[spmem:s2] =	stream.indirect.scatter.add.f32 [tilespmem:s22], [sflag:$0x1], $0x1, s28, s21, $0xb8;
	[tilespmem:$0x10700] =	vst v63  }
0xd2: {  	s28 =	simm.s32 $0x2580  }
0xd3: {  	[spmem:s2] =	stream.indirect.scatter.add.f32 [tilespmem:s22], [sflag:$0x1], $0x1, s28, s21, $0xb8;
	[tilespmem:$0x10700] =	vst v63  }
0xd4: {  	s28 =	simm.s32 $0x2600  }
0xd5: {  	[spmem:s2] =	stream.indirect.scatter.add.f32 [tilespmem:s22], [sflag:$0x1], $0x1, s28, s21, $0xb8;
	[tilespmem:$0x10700] =	vst v63  }
0xd6: {  	s28 =	simm.s32 $0x2680  }
0xd7: {  	[spmem:s2] =	stream.indirect.scatter.add.f32 [tilespmem:s22], [sflag:$0x1], $0x1, s28, s21, $0xb8;
	[tilespmem:$0x10700] =	vst v63  }
0xd8: {  	s28 =	simm.s32 $0x2700  }
0xd9: {  	[spmem:s2] =	stream.indirect.scatter.add.f32 [tilespmem:s22], [sflag:$0x1], $0x1, s28, s21, $0xb8;
	[tilespmem:$0x10700] =	vst v63  }
0xda: {  	s28 =	simm.s32 $0x2780  }
0xdb: {  	[spmem:s2] =	stream.indirect.scatter.add.f32 [tilespmem:s22], [sflag:$0x1], $0x1, s28, s21, $0xb8;
	[tilespmem:$0x10700] =	vst v63  }
0xdc: {  	s28 =	simm.s32 $0x2800  }
0xdd: {  	[spmem:s2] =	stream.indirect.scatter.add.f32 [tilespmem:s22], [sflag:$0x1], $0x1, s28, s21, $0xb8;
	[tilespmem:$0x10700] =	vst v63  }
0xde: {  	s28 =	simm.s32 $0x2880  }
0xdf: {  	[spmem:s2] =	stream.indirect.scatter.add.f32 [tilespmem:s22], [sflag:$0x1], $0x1, s28, s21, $0xb8;
	[tilespmem:$0x10700] =	vst v63  }
0xe0: {  	s28 =	simm.s32 $0x2900  }
0xe1: {  	[spmem:s2] =	stream.indirect.scatter.add.f32 [tilespmem:s22], [sflag:$0x1], $0x1, s28, s21, $0xb8;
	[tilespmem:$0x10700] =	vst v63  }
0xe2: {  	s28 =	simm.s32 $0x2980  }
0xe3: {  	[spmem:s2] =	stream.indirect.scatter.add.f32 [tilespmem:s22], [sflag:$0x1], $0x1, s28, s21, $0xb8;
	[tilespmem:$0x10700] =	vst v63  }
0xe4: {  	s28 =	simm.s32 $0x2A00  }
0xe5: {  	[spmem:s2] =	stream.indirect.scatter.add.f32 [tilespmem:s22], [sflag:$0x1], $0x1, s28, s21, $0xb8;
	[tilespmem:$0x10700] =	vst v63  }
0xe6: {  	s28 =	simm.s32 $0x2A80  }
0xe7: {  	[spmem:s2] =	stream.indirect.scatter.add.f32 [tilespmem:s22], [sflag:$0x1], $0x1, s28, s21, $0xb8;
	[tilespmem:$0x10700] =	vst v63  }
0xe8: {  	s28 =	simm.s32 $0x2B00  }
0xe9: {  	[spmem:s2] =	stream.indirect.scatter.add.f32 [tilespmem:s22], [sflag:$0x1], $0x1, s28, s21, $0xb8;
	[tilespmem:$0x10700] =	vst v63  }
0xea: {  	s28 =	simm.s32 $0x2B80  }
0xeb: {  	[spmem:s2] =	stream.indirect.scatter.add.f32 [tilespmem:s22], [sflag:$0x1], $0x1, s28, s21, $0xb8;
	[tilespmem:$0x10700] =	vst v63  }
0xec: {  	s28 =	simm.s32 $0x2C00  }
0xed: {  	[spmem:s2] =	stream.indirect.scatter.add.f32 [tilespmem:s22], [sflag:$0x1], $0x1, s28, s21, $0xb8;
	[tilespmem:$0x10700] =	vst v63  }
0xee: {  	s28 =	simm.s32 $0x2C80  }
0xef: {  	[spmem:s2] =	stream.indirect.scatter.add.f32 [tilespmem:s22], [sflag:$0x1], $0x1, s28, s21, $0xb8;
	[tilespmem:$0x10700] =	vst v63  }
0xf0: {  	s28 =	simm.s32 $0x2D00  }
0xf1: {  	[spmem:s2] =	stream.indirect.scatter.add.f32 [tilespmem:s22], [sflag:$0x1], $0x1, s28, s21, $0xb8;
	[tilespmem:$0x10700] =	vst v63  }
0xf2: {  	s28 =	simm.s32 $0x2D80  }
0xf3: {  	[spmem:s2] =	stream.indirect.scatter.add.f32 [tilespmem:s22], [sflag:$0x1], $0x1, s28, s21, $0xb8;
	[tilespmem:$0x10700] =	vst v63  }
0xf4: {  	s28 =	simm.s32 $0x2E00  }
0xf5: {  	[spmem:s2] =	stream.indirect.scatter.add.f32 [tilespmem:s22], [sflag:$0x1], $0x1, s28, s21, $0xb8;
	[tilespmem:$0x10700] =	vst v63  }
0xf6: {  	s28 =	simm.s32 $0x2E80  }
0xf7: {  	[spmem:s2] =	stream.indirect.scatter.add.f32 [tilespmem:s22], [sflag:$0x1], $0x1, s28, s21, $0xb8;
	[tilespmem:$0x10700] =	vst v63  }
0xf8: {  	_ = 	snop  }
0xf9: {  	[spmem:s2] =	stream.indirect.scatter.add.f32 [tilespmem:s22], [sflag:$0x1], $0x1, s17, s21, $0xb8;
	[tilespmem:$0x10700] =	vst v63  }
0xfa: {  	s28 =	simm.s32 $0x3300  }
0xfb: {  	[spmem:s2] =	stream.indirect.scatter.add.f32 [tilespmem:s22], [sflag:$0x1], $0x1, s28, s21, $0xb8;
	[tilespmem:$0x10700] =	vst v63  }
0xfc: {  	s28 =	simm.s32 $0x3380  }
0xfd: {  	[spmem:s2] =	stream.indirect.scatter.add.f32 [tilespmem:s22], [sflag:$0x1], $0x1, s28, s21, $0xb8;
	[tilespmem:$0x10700] =	vst v63  }
0xfe: {  	s28 =	simm.s32 $0x3400  }
0xff: {  	[spmem:s2] =	stream.indirect.scatter.add.f32 [tilespmem:s22], [sflag:$0x1], $0x1, s28, s21, $0xb8;
	[tilespmem:$0x10700] =	vst v63  }
0x100: {  	s28 =	simm.s32 $0x3480  }
0x101: {  	[spmem:s2] =	stream.indirect.scatter.add.f32 [tilespmem:s22], [sflag:$0x1], $0x1, s28, s21, $0xb8;
	[tilespmem:$0x10700] =	vst v63  }
0x102: {  	s28 =	simm.s32 $0x3500  }
0x103: {  	[spmem:s2] =	stream.indirect.scatter.add.f32 [tilespmem:s22], [sflag:$0x1], $0x1, s28, s21, $0xb8;
	[tilespmem:$0x10700] =	vst v63  }
0x104: {  	s28 =	simm.s32 $0x3580  }
0x105: {  	[spmem:s2] =	stream.indirect.scatter.add.f32 [tilespmem:s22], [sflag:$0x1], $0x1, s28, s21, $0xb8;
	[tilespmem:$0x10700] =	vst v63  }
0x106: {  	s28 =	simm.s32 $0x3600  }
0x107: {  	[spmem:s2] =	stream.indirect.scatter.add.f32 [tilespmem:s22], [sflag:$0x1], $0x1, s28, s21, $0xb8;
	[tilespmem:$0x10700] =	vst v63  }
0x108: {  	s28 =	simm.s32 $0x3680  }
0x109: {  	[spmem:s2] =	stream.indirect.scatter.add.f32 [tilespmem:s22], [sflag:$0x1], $0x1, s28, s21, $0xb8;
	[tilespmem:$0x10700] =	vst v63  }
0x10a: {  	s28 =	simm.s32 $0x3700  }
0x10b: {  	[spmem:s2] =	stream.indirect.scatter.add.f32 [tilespmem:s22], [sflag:$0x1], $0x1, s28, s21, $0xb8;
	[tilespmem:$0x10700] =	vst v63  }
0x10c: {  	s28 =	simm.s32 $0x3780  }
0x10d: {  	[spmem:s2] =	stream.indirect.scatter.add.f32 [tilespmem:s22], [sflag:$0x1], $0x1, s28, s21, $0xb8;
	[tilespmem:$0x10700] =	vst v63  }
0x10e: {  	s28 =	simm.s32 $0x3800  }
0x10f: {  	[spmem:s2] =	stream.indirect.scatter.add.f32 [tilespmem:s22], [sflag:$0x1], $0x1, s28, s21, $0xb8;
	[tilespmem:$0x10700] =	vst v63  }
0x110: {  	s28 =	simm.s32 $0x3880  }
0x111: {  	[spmem:s2] =	stream.indirect.scatter.add.f32 [tilespmem:s22], [sflag:$0x1], $0x1, s28, s21, $0xb8;
	[tilespmem:$0x10700] =	vst v63  }
0x112: {  	s28 =	simm.s32 $0x3900  }
0x113: {  	[spmem:s2] =	stream.indirect.scatter.add.f32 [tilespmem:s22], [sflag:$0x1], $0x1, s28, s21, $0xb8;
	[tilespmem:$0x10700] =	vst v63  }
0x114: {  	s28 =	simm.s32 $0x3980  }
0x115: {  	[spmem:s2] =	stream.indirect.scatter.add.f32 [tilespmem:s22], [sflag:$0x1], $0x1, s28, s21, $0xb8;
	[tilespmem:$0x10700] =	vst v63  }
0x116: {  	s28 =	simm.s32 $0x3A00  }
0x117: {  	[spmem:s2] =	stream.indirect.scatter.add.f32 [tilespmem:s22], [sflag:$0x1], $0x1, s28, s21, $0xb8;
	[tilespmem:$0x10700] =	vst v63  }
0x118: {  	s28 =	simm.s32 $0x3A80  }
0x119: {  	[spmem:s2] =	stream.indirect.scatter.add.f32 [tilespmem:s22], [sflag:$0x1], $0x1, s28, s21, $0xb8;
	[tilespmem:$0x10700] =	vst v63  }
0x11a: {  	s28 =	simm.s32 $0x3B00  }
0x11b: {  	[spmem:s2] =	stream.indirect.scatter.add.f32 [tilespmem:s22], [sflag:$0x1], $0x1, s28, s21, $0xb8;
	[tilespmem:$0x10700] =	vst v63  }
0x11c: {  	s28 =	simm.s32 $0x3B80  }
0x11d: {  	[spmem:s2] =	stream.indirect.scatter.add.f32 [tilespmem:s22], [sflag:$0x1], $0x1, s28, s21, $0xb8;
	[tilespmem:$0x10700] =	vst v63  }
0x11e: {  	s28 =	simm.s32 $0x3C00  }
0x11f: {  	[spmem:s2] =	stream.indirect.scatter.add.f32 [tilespmem:s22], [sflag:$0x1], $0x1, s28, s21, $0xb8;
	[tilespmem:$0x10700] =	vst v63  }
0x120: {  	s28 =	simm.s32 $0x3C80  }
0x121: {  	[spmem:s2] =	stream.indirect.scatter.add.f32 [tilespmem:s22], [sflag:$0x1], $0x1, s28, s21, $0xb8;
	[tilespmem:$0x10700] =	vst v63  }
0x122: {  	s28 =	simm.s32 $0x3D00  }
0x123: {  	[spmem:s2] =	stream.indirect.scatter.add.f32 [tilespmem:s22], [sflag:$0x1], $0x1, s28, s21, $0xb8;
	[tilespmem:$0x10700] =	vst v63  }
0x124: {  	s28 =	simm.s32 $0x3D80  }
0x125: {  	[spmem:s2] =	stream.indirect.scatter.add.f32 [tilespmem:s22], [sflag:$0x1], $0x1, s28, s21, $0xb8;
	[tilespmem:$0x10700] =	vst v63  }
0x126: {  	s28 =	simm.s32 $0x3E00  }
0x127: {  	[spmem:s2] =	stream.indirect.scatter.add.f32 [tilespmem:s22], [sflag:$0x1], $0x1, s28, s21, $0xb8;
	[tilespmem:$0x10700] =	vst v63  }
0x128: {  	s28 =	simm.s32 $0x3E80  }
0x129: {  	[spmem:s2] =	stream.indirect.scatter.add.f32 [tilespmem:s22], [sflag:$0x1], $0x1, s28, s21, $0xb8;
	[tilespmem:$0x10700] =	vst v63  }
0x12a: {  	s28 =	simm.s32 $0x3F00  }
0x12b: {  	[spmem:s2] =	stream.indirect.scatter.add.f32 [tilespmem:s22], [sflag:$0x1], $0x1, s28, s21, $0xb8;
	[tilespmem:$0x10700] =	vst v63  }
0x12c: {  	s28 =	simm.s32 $0x3F80  }
0x12d: {  	[spmem:s2] =	stream.indirect.scatter.add.f32 [tilespmem:s22], [sflag:$0x1], $0x1, s28, s21, $0xb8;
	[tilespmem:$0x10700] =	vst v63  }
0x12e: {  	s28 =	simm.s32 $0x4000  }
0x12f: {  	[spmem:s2] =	stream.indirect.scatter.add.f32 [tilespmem:s22], [sflag:$0x1], $0x1, s28, s21, $0xb8;
	[tilespmem:$0x10700] =	vst v63  }
0x130: {  	s28 =	simm.s32 $0x4080  }
0x131: {  	[spmem:s2] =	stream.indirect.scatter.add.f32 [tilespmem:s22], [sflag:$0x1], $0x1, s28, s21, $0xb8;
	[tilespmem:$0x10700] =	vst v63  }
0x132: {  	s28 =	simm.s32 $0x4100  }
0x133: {  	[spmem:s2] =	stream.indirect.scatter.add.f32 [tilespmem:s22], [sflag:$0x1], $0x1, s28, s21, $0xb8;
	[tilespmem:$0x10700] =	vst v63  }
0x134: {  	s28 =	simm.s32 $0x4180  }
0x135: {  	[spmem:s2] =	stream.indirect.scatter.add.f32 [tilespmem:s22], [sflag:$0x1], $0x1, s28, s21, $0xb8;
	[tilespmem:$0x10700] =	vst v63  }
0x136: {  	s28 =	simm.s32 $0x4200  }
0x137: {  	[spmem:s2] =	stream.indirect.scatter.add.f32 [tilespmem:s22], [sflag:$0x1], $0x1, s28, s21, $0xb8;
	[tilespmem:$0x10700] =	vst v63  }
0x138: {  	s28 =	simm.s32 $0x4280  }
0x139: {  	[spmem:s2] =	stream.indirect.scatter.add.f32 [tilespmem:s22], [sflag:$0x1], $0x1, s28, s21, $0xb8;
	[tilespmem:$0x10700] =	vst v63  }
0x13a: {  	s28 =	simm.s32 $0x4300  }
0x13b: {  	[spmem:s2] =	stream.indirect.scatter.add.f32 [tilespmem:s22], [sflag:$0x1], $0x1, s28, s21, $0xb8;
	[tilespmem:$0x10700] =	vst v63  }
0x13c: {  	s28 =	simm.s32 $0x4380  }
0x13d: {  	[spmem:s2] =	stream.indirect.scatter.add.f32 [tilespmem:s22], [sflag:$0x1], $0x1, s28, s21, $0xb8;
	[tilespmem:$0x10700] =	vst v63  }
0x13e: {  	s28 =	simm.s32 $0x4400  }
0x13f: {  	[spmem:s2] =	stream.indirect.scatter.add.f32 [tilespmem:s22], [sflag:$0x1], $0x1, s28, s21, $0xb8;
	[tilespmem:$0x10700] =	vst v63  }
0x140: {  	s28 =	simm.s32 $0x4480  }
0x141: {  	[spmem:s2] =	stream.indirect.scatter.add.f32 [tilespmem:s22], [sflag:$0x1], $0x1, s28, s21, $0xb8;
	[tilespmem:$0x10700] =	vst v63  }
0x142: {  	_ = 	snop  }
0x143: {  	[spmem:s2] =	stream.indirect.scatter.add.f32 [tilespmem:s22], [sflag:$0x1], $0x1, s1, s21, $0xb8;
	[tilespmem:$0x10700] =	vst v63  }
0x144: {  	_ = 	snop  }
0x145: {  	[spmem:s2] =	stream.indirect.scatter.add.f32 [tilespmem:s22], [sflag:$0x1], $0x1, s0, s21, $0xb8;
	[tilespmem:$0x10700] =	vst v63  }
0x146: {  	_ = 	snop  }
0x147: {  	[spmem:s2] =	stream.indirect.scatter.add.f32 [tilespmem:s22], [sflag:$0x1], $0x1, s12, s21, $0xb8;
	[tilespmem:$0x10700] =	vst v63  }
0x148: {  	s29 =	simm.s32 $0x4A80;
	s28 =	simm.s32 $0x200  }
0x149: {  	[spmem:s2] =	stream.indirect.scatter.add.f32 [tilespmem:s22], [sflag:$0x1], $0x1, s19, s21, $0xb8;
	[tilespmem:$0x10700] =	vst v63  }
.LBB2_2:
0x14a: {  	[spmem:s2] =	stream.indirect.scatter.add.f32 [tilespmem:s22], [sflag:$0x1], $0x1, s29, s21, $0xb8;
	[tilespmem:$0x10700] =	vst v63  }
0x14b: {  	s29 =	smov.u32 s28;
	p0 =	sne.s32 s28, $0x5000  }
.Ltmp0:
0x14c: {  	s28 =	sadd.s32 $0x200, s28;
	(pc) =	sbr.rel @p0 .LBB2_2-.Ltmp0, $3  }
0x14d: {  	_ =	sdelay $0x1  }
0x14e: {  	s29 =	sshra.s32 s29, $0x2  }
0x14f: {  	s29 =	sadd.s32 $0x4A80, s29  }
0x150: {  	[spmem:s2] =	stream.indirect.scatter.add.f32 [tilespmem:s22], [sflag:$0x1], $0x1, s29, s21, $0xb8;
	[tilespmem:$0x10700] =	vst v63  }
0x151: {  	_ =	swait.ge [sflag:s23], $0x2900  }
0x152: {  	[sflag:s23] =	ssyncset.done $0x0  }
0x153: {  	[sflag:s23] =	ssyncadd.s32 $0xFFFFD700  }
0x154: {  	_ =	swait.ge [sflag:s23], $0x2900  }
0x155: {  	[sflag:s23] =	ssyncset.done $0x0  }
0x156: {  	[sflag:s23] =	ssyncadd.s32 $0xFFFFD700  }
0x157: {  	[bflag:$0x0] =	sbarrier.arrive $0xFFFF  }
0x158: {  	[tilespmem:s24], [sflag:$0x3] =	stream.linear.gather [spmem:s8], $0x140, $0x38;
	[tilespmem:$0x10700] =	vst v63  }
0x159: {  	_ =	swait.ge [sflag:s13], $0x140  }
0x15a: {  	[sflag:s13] =	ssyncset.done $0x0  }
0x15b: {  	s28 =	simm.s32 $0x0;
	s29 =	simm.s32 $0x40;
	[sflag:s13] =	ssyncadd.s32 $0xFFFFFEC0  }
.LBB2_4:
0x15c: {  	p0 =	sne.s32 s29, $0x4C0;
	v2 =	vld [tilespmem:s28+$0x6580];
	_ =	sdelay $0x4  }
0x15d: {  	v2 =	vmax.f32 v2, $1.000000000e+00  }
0x15e: {  	v3 =	vshra.s32 v2, $0x1;
	v2 =	vmul.f32 $5.000000000e-01, v2  }
0x15f: {  	v3 =	vsub.s32 $0x5F3759DF, v3  }
0x160: {  	v4 =	vmul.f32 v3, v2;
	_ =	sdelay $0x1  }
0x161: {  	v4 =	vmul.f32 v3, v4;
	_ =	sdelay $0x1  }
0x162: {  	v4 =	vsub.f32 $1.500000000e+00, v4;
	_ =	sdelay $0x1  }
0x163: {  	v3 =	vmul.f32 v3, v4;
	_ =	sdelay $0x1  }
0x164: {  	v4 =	vmul.f32 v3, v2;
	_ =	sdelay $0x1  }
0x165: {  	v4 =	vmul.f32 v4, v3;
	_ =	sdelay $0x1  }
0x166: {  	v4 =	vsub.f32 $1.500000000e+00, v4;
	_ =	sdelay $0x1  }
0x167: {  	v3 =	vmul.f32 v4, v3;
	_ =	sdelay $0x1  }
0x168: {  	v4 =	vmul.f32 v3, v2;
	_ =	sdelay $0x1  }
0x169: {  	v4 =	vmul.f32 v4, v3;
	_ =	sdelay $0x1  }
0x16a: {  	v4 =	vsub.f32 $1.500000000e+00, v4;
	_ =	sdelay $0x1  }
0x16b: {  	v3 =	vmul.f32 v4, v3;
	_ =	sdelay $0x1  }
0x16c: {  	v2 =	vmul.f32 v3, v2;
	_ =	sdelay $0x1  }
0x16d: {  	v2 =	vmul.f32 v2, v3;
	_ =	sdelay $0x1  }
.Ltmp1:
0x16e: {  	v2 =	vsub.f32 $1.500000000e+00, v2;
	(pc) =	sbr.rel @p0 .LBB2_4-.Ltmp1, $3  }
0x16f: {  	_ = 	snop  }
0x170: {  	v2 =	vmul.f32 v2, v3;
	_ =	sdelay $0x1  }
0x171: {  	[tilespmem:s28+$0x6580] =	vst v2;
	s28 =	sshra.s32 s29, $0x2;
	s29 =	sadd.s32 $0x40, s29  }
0x172: {  	v2 =	vld [tilespmem:s28+$0x6580];
	_ =	sdelay $0x4  }
0x173: {  	v2 =	vmax.f32 v2, $1.000000000e+00  }
0x174: {  	v3 =	vshra.s32 v2, $0x1;
	v2 =	vmul.f32 $5.000000000e-01, v2  }
0x175: {  	v3 =	vsub.s32 $0x5F3759DF, v3  }
0x176: {  	v4 =	vmul.f32 v3, v2;
	_ =	sdelay $0x1  }
0x177: {  	v4 =	vmul.f32 v3, v4;
	_ =	sdelay $0x1  }
0x178: {  	v4 =	vsub.f32 $1.500000000e+00, v4;
	_ =	sdelay $0x1  }
0x179: {  	v3 =	vmul.f32 v3, v4;
	_ =	sdelay $0x1  }
0x17a: {  	v4 =	vmul.f32 v3, v2;
	_ =	sdelay $0x1  }
0x17b: {  	v4 =	vmul.f32 v4, v3;
	_ =	sdelay $0x1  }
0x17c: {  	v4 =	vsub.f32 $1.500000000e+00, v4;
	_ =	sdelay $0x1  }
0x17d: {  	v3 =	vmul.f32 v4, v3;
	_ =	sdelay $0x1  }
0x17e: {  	v4 =	vmul.f32 v3, v2;
	_ =	sdelay $0x1  }
0x17f: {  	v4 =	vmul.f32 v4, v3;
	_ =	sdelay $0x1  }
0x180: {  	v4 =	vsub.f32 $1.500000000e+00, v4;
	_ =	sdelay $0x1  }
0x181: {  	v3 =	vmul.f32 v4, v3;
	_ =	sdelay $0x1  }
0x182: {  	v2 =	vmul.f32 v3, v2;
	_ =	sdelay $0x1  }
0x183: {  	v2 =	vmul.f32 v2, v3;
	_ =	sdelay $0x1  }
0x184: {  	v2 =	vsub.f32 $1.500000000e+00, v2;
	_ =	sdelay $0x1  }
0x185: {  	v2 =	vmul.f32 v2, v3;
	_ =	sdelay $0x1  }
0x186: {  	[tilespmem:s28+$0x6580] =	vst v2;
	s28 =	simm.s32 $0x0  }
0x187: {  	[hbm4b:s9+s28] =	stream.linear.scatter [tilespmem:s24], [sflag:$0x3], $0x140, $0x38;
	[tilespmem:$0x10700] =	vst v63  }
0x188: {  	_ =	swait.ge [sflag:s13], $0x140  }
0x189: {  	[sflag:s13] =	ssyncset.done $0x0  }
0x18a: {  	[sflag:s13] =	ssyncadd.s32 $0xFFFFFEC0  }
0x18b: {  	_ =	swait.ge [sflag:s25], $0xA000  }
0x18c: {  	v2 =	vmov s28;
	[sflag:s25] =	ssyncset.done $0x0  }
0x18d: {  	s28 =	simm.s32 $0x6740;
	[sflag:s25] =	ssyncadd.s32 $0xFFFF6000  }
0x18e: {  	v6 =	vld [tilespmem:s28+$0x30]  }
0x18f: {  	v9 =	vld [tilespmem:s28+$0x10]  }
0x190: {  	v7 =	vld [tilespmem:s28+$0xFFFFFFC0]  }
0x191: {  	v3 =	vld.idx.msk [tilespmem:v2+s24+$0x0], $0xffff  }
0x192: {  	v11 =	vld [tilespmem:s28+$0xFFFFFFE0]  }
0x193: {  	v2 =	vld [tilespmem:s28+$0xFFFFFFF0]  }
0x194: {  	v4 =	vld [tilespmem:s28+$0x20]  }
0x195: {  	v5 =	vld [tilespmem:s28+$0xFFFFFFD0]  }
0x196: {  	v10 =	vmul.f32 v6, v3;
	v6 =	vld [tilespmem:s28+$0x0]  }
0x197: {  	v8 =	vmul.f32 v7, v3  }
0x198: {  	s29 =	simm.s32 $0x1;
	s30 =	simm.s32 $0x6740;
	v7 =	vmul.f32 v11, v3;
	v9 =	vmul.f32 v9, v3  }
.LBB2_6:
0x199: {  	p0 =	sne.s32 s29, $0x13F  }
0x19a: {  	v5 =	vmul.f32 v5, v3;
	v4 =	vmul.f32 v4, v3;
	[tilespmem:s28+$0x30] =	vst v10;
	s30 =	sadd.s32 $0x80, s30;
	s31 =	smov.u32 s29;
	s29 =	sadd.s32 $0x1, s29  }
0x19b: {  	[tilespmem:s28+$0xFFFFFFC0] =	vst v8;
	v8 =	vmul.f32 v2, v3;
	v3 =	vmul.f32 v6, v3  }
0x19c: {  	[tilespmem:s28+$0x10] =	vst v9  }
0x19d: {  	v6 =	vmov s31;
	[tilespmem:s28+$0xFFFFFFE0] =	vst v7  }
0x19e: {  	v2 =	vld [tilespmem:s30+$0xFFFFFFF0];
	[tilespmem:s28+$0xFFFFFFF0] =	vst v8  }
0x19f: {  	v7 =	vld [tilespmem:s30+$0x30];
	[tilespmem:s28+$0x0] =	vst v3  }
0x1a0: {  	v9 =	vld [tilespmem:s30+$0x10];
	[tilespmem:s28+$0x20] =	vst v4  }
0x1a1: {  	v8 =	vld [tilespmem:s30+$0xFFFFFFC0];
	[tilespmem:s28+$0xFFFFFFD0] =	vst v5;
	s28 =	smov.u32 s30  }
0x1a2: {  	v3 =	vld.idx.msk [tilespmem:v6+s24+$0x0], $0xffff  }
0x1a3: {  	v11 =	vld [tilespmem:s30+$0xFFFFFFE0]  }
0x1a4: {  	v4 =	vld [tilespmem:s30+$0x20]  }
.Ltmp2:
0x1a5: {  	v5 =	vld [tilespmem:s30+$0xFFFFFFD0];
	(pc) =	sbr.rel @p0 .LBB2_6-.Ltmp2, $3  }
0x1a6: {  	v6 =	vld [tilespmem:s30+$0x0];
	_ =	sdelay $0x1  }
0x1a7: {  	v8 =	vmul.f32 v8, v3;
	v10 =	vmul.f32 v7, v3  }
0x1a8: {  	v9 =	vmul.f32 v9, v3;
	v7 =	vmul.f32 v11, v3  }
0x1a9: {  	[tilespmem:s28+$0x30] =	vst v10  }
0x1aa: {  	[tilespmem:s28+$0xFFFFFFC0] =	vst v8  }
0x1ab: {  	v2 =	vmul.f32 v2, v3;
	[tilespmem:s28+$0x10] =	vst v9  }
0x1ac: {  	v4 =	vmul.f32 v4, v3;
	[tilespmem:s28+$0xFFFFFFE0] =	vst v7  }
0x1ad: {  	v6 =	vmul.f32 v6, v3;
	[tilespmem:s28+$0xFFFFFFF0] =	vst v2  }
0x1ae: {  	s26 =	sadd.s32 $0x1, s26;
	v2 =	vmul.f32 v5, v3;
	[tilespmem:s28+$0x20] =	vst v4  }
0x1af: {  	p0 =	sne.s32 s26, s11;
	[tilespmem:s28+$0x0] =	vst v6  }
.Ltmp3:
0x1b0: {  	[tilespmem:s28+$0xFFFFFFD0] =	vst v2;
	(pc) =	sbr.rel @p0 .LBB2_1-.Ltmp3, $4  }
0x1b1: {  	[hbm4b:s10+s3] =	stream.linear.scatter [tilespmem:s20], [sflag:$0x3], $0xA000, $0x38;
	[tilespmem:$0x10700] =	vst v63  }
0x1b2: {  	_ =	swait.ge [sflag:s13], $0xA000  }
0x1b3: {  	[sflag:s13] =	ssyncset.done $0x0  }
0x1b4: {  	[sflag:s13] =	ssyncadd.s32 $0xFFFF6000  }
0x1b5: {  	_ =	sfence.sel $0x180000  }
0x1b6: {  	[bflag:$0x0] =	sbarrier.arrive $0xFFFF  }
0x1b7: {  	_ =	strace $0x90000047  }
0x1b8: {  	s0 =	stileid.u32;
	[bflag:$0x2] =	sbarrier.arrive $0xFFFF  }
0x1b9: {  	p0 =	sne.s32 s0, $0x0;
	s0 =	rddreg [dreg:$0x2]  }
0x1ba: {  	s0 =	sadd.s32 @!p0 $0x100000, s0  }
0x1bb: {  	[sflag:s0] =	ssyncadd.tile.s32 @!p0 $0x1;
	_ =	shalt  }
.Lfunc_end2:
_tile_overlayer_lowered:
.L_overlay_start_2:
0x1bc: {  	(tag) =	ssettag $0x2  }
0x1bd: {  	s0 =	rddreg [dreg:$0x0];
	s2 =	stileid.u32  }
0x1be: {  	s1 =	rddreg [dreg:$0x1];
	p0 =	sne.s32 s2, $0x0  }
0x1bf: {  	s3 =	rddreg [dreg:$0x2];
	[bflag:$0x3] =	sbarrier.arrive $0xFFFF;
	s2 =	simm.s32 @!p0 $0x1C03  }
0x1c0: {  	[timem:s3], [sflag:s2] =	dma.local @!p0 [hbm:s0], s1  }
0x1c1: {  	s0 =	simm.s32 @!p0 $0x3  }
0x1c2: {  	_ =	swait.ge @!p0 [sflag:s0], s1  }
0x1c3: {  	s1 =	ssub.s32 @!p0 $0x0, s1;
	[sflag:s0] =	ssyncset.done @!p0 $0x0  }
0x1c4: {  	[sflag:s0] =	ssyncadd.s32 @!p0 s1  }
0x1c5: {  	[bflag:$0x3] =	sbarrier.arrive $0xFFFF  }
0x1c6: {  	_ =	shalt  }

</sc_bundles>
